<compile_context>
chip_gen: v7x
topology: tpu7x:2x2x1
jax: 0.10.2.dev20260603
libtpu: 0.0.44.dev20260713+nightly
codegen_flags: <defaults>
</compile_context>

<pallas_src>
import functools
from functools import partial

import jax
import jax.numpy as jnp
from jax import lax
from jax.experimental import pallas as pl
from jax.experimental.pallas import tpu as pltpu
from jax.experimental.pallas import tpu_sc as plsc

NC = 2
NS = 16
NW = NC * NS
K = 128



def _sc_degree(dst_r, np_rows):
  C = dst_r.shape[1]
  rows_pt = np_rows // NS
  mesh = plsc.VectorSubcoreMesh(core_axis_name="c", subcore_axis_name="s")

  @functools.partial(
      pl.kernel,
      out_type=jax.ShapeDtypeStruct((NC, np_rows), jnp.float32),
      mesh=mesh,
      scratch_types=[
          pltpu.VMEM_SHARED((np_rows,), jnp.float32),
          pltpu.VMEM((C, K), jnp.int32),
          pltpu.VMEM((K,), jnp.float32),
          pltpu.VMEM((rows_pt,), jnp.float32),
      ],
  )
  def deg_kernel(dst_hbm, out_hbm, deg_sh, idx_v, ones_v, zero_v):
    c = lax.axis_index("c")
    s = lax.axis_index("s")
    wid = c * NS + s
    for i in range(K // 16):
      ones_v[pl.ds(i * 16, 16)] = jnp.ones((16,), jnp.float32)
    for i in range(rows_pt // 16):
      zero_v[pl.ds(i * 16, 16)] = jnp.zeros((16,), jnp.float32)
    pltpu.sync_copy(zero_v, deg_sh.at[pl.ds(s * rows_pt, rows_pt)])
    pltpu.sync_copy(dst_hbm.at[wid], idx_v)
    plsc.subcore_barrier()

    def body(j, carry):
      pltpu.sync_copy(ones_v, deg_sh.at[idx_v.at[j]], add=True)
      return carry

    lax.fori_loop(0, C, body, 0, unroll=False)
    plsc.subcore_barrier()
    pltpu.sync_copy(deg_sh.at[pl.ds(s * rows_pt, rows_pt)],
                    out_hbm.at[c, pl.ds(s * rows_pt, rows_pt)])

  return deg_kernel(dst_r)


def _sc_scatter(hp, src_r, dst_r, zeros2d, np_rows, d):
  C = src_r.shape[1]
  rows_pt = np_rows // NS
  mesh = plsc.VectorSubcoreMesh(core_axis_name="c", subcore_axis_name="s")

  @functools.partial(
      pl.kernel,
      out_type=jax.ShapeDtypeStruct((NC, np_rows, d), jnp.float32),
      mesh=mesh,
      scratch_types=[
          pltpu.VMEM_SHARED((np_rows, d), jnp.float32),
          pltpu.VMEM((C, K), jnp.int32),
          pltpu.VMEM((4, K), jnp.int32),
          pltpu.VMEM((2, K, d), jnp.float32),
          pltpu.SemaphoreType.DMA,
          pltpu.SemaphoreType.DMA,
          pltpu.SemaphoreType.DMA,
          pltpu.SemaphoreType.DMA,
          pltpu.SemaphoreType.DMA,
          [pltpu.SemaphoreType.DMA] * 4,
      ],
  )
  def scat_kernel(hp_hbm, src_hbm, dst_hbm, zero_hbm, out_hbm,
                  acc_sh, src_v, didx_v, rows_v, g0, g1, s0, s1, isem, dsems):
    c = lax.axis_index("c")
    s = lax.axis_index("s")
    wid = c * NS + s
    row_slice = pl.ds(s * rows_pt, rows_pt)

    @pl.when(c == 0)
    def _():
      pltpu.async_copy(hp_hbm.at[row_slice], acc_sh.at[row_slice], isem)

    @pl.when(c != 0)
    def _():
      pltpu.async_copy(zero_hbm.at[row_slice], acc_sh.at[row_slice], isem)

    pltpu.sync_copy(src_hbm.at[wid], src_v)

    gsems = (g0, g1)
    ssems = (s0, s1)

    def wait_gather(p):
      pltpu.make_async_copy(
          hp_hbm.at[src_v.at[0]], rows_v.at[p], gsems[p]).wait()

    def wait_scatter(p):
      pltpu.make_async_copy(
          rows_v.at[0], acc_sh.at[didx_v.at[0]], ssems[p]).wait()

    def wait_didx(q):
      pltpu.make_async_copy(
          dst_hbm.at[wid, 0], didx_v.at[q], dsems[q]).wait()

    for q in range(3):
      pltpu.async_copy(dst_hbm.at[wid, q], didx_v.at[q], dsems[q])
    pltpu.async_copy(hp_hbm.at[src_v.at[0]], rows_v.at[0], g0)
    pltpu.make_async_copy(
        hp_hbm.at[row_slice], acc_sh.at[row_slice], isem).wait()
    plsc.subcore_barrier()

    @pl.loop(0, C, step=4)
    def _(j):
      for u in range(4):
        jj = j + u
        p = u % 2
        if u == 0:
          @pl.when(j > 0)
          def _():
            wait_scatter(1)
        else:
          wait_scatter(1 - p)
        nxt = jj + 1
        if u < 3:
          pltpu.async_copy(hp_hbm.at[src_v.at[nxt]], rows_v.at[1 - p],
                           gsems[1 - p])
        else:
          @pl.when(nxt < C)
          def _():
            pltpu.async_copy(hp_hbm.at[src_v.at[nxt]], rows_v.at[1 - p],
                             gsems[1 - p])
        nid = jj + 3

        @pl.when(nid < C)
        def _():
          pltpu.async_copy(dst_hbm.at[wid, nid], didx_v.at[(u + 3) % 4],
                           dsems[(u + 3) % 4])

        wait_gather(p)
        wait_didx(u)
        pltpu.async_copy(rows_v.at[p], acc_sh.at[didx_v.at[u]], ssems[p],
                         add=True)

    wait_scatter((C - 1) % 2)
    plsc.subcore_barrier()
    pltpu.sync_copy(acc_sh.at[row_slice], out_hbm.at[c, row_slice])

  return scat_kernel(hp, src_r, dst_r, zeros2d)



def _block_dinv(deg_ref, n):
  deg = deg_ref[0] + deg_ref[1] + 1.0
  rid = (pl.program_id(0) * 128
         + lax.broadcasted_iota(jnp.int32, (128, 1), 0))
  return jnp.where(rid < n, lax.rsqrt(deg), 0.0)


def _deg_spec():
  return pl.BlockSpec((NC, 128, 1), lambda i: (0, i, 0))


def _tc_mm_scale(x, w, deg3, n, np_rows, d):
  def body(x_ref, w_ref, deg_ref, out_ref):
    out_ref[...] = jnp.dot(
        x_ref[...], w_ref[...], preferred_element_type=jnp.float32
    ) * _block_dinv(deg_ref, n)

  return pl.pallas_call(
      body,
      grid=(np_rows // 128,),
      in_specs=[
          pl.BlockSpec((128, d), lambda i: (i, 0)),
          pl.BlockSpec((d, d), lambda i: (0, 0)),
          _deg_spec(),
      ],
      out_specs=pl.BlockSpec((128, d), lambda i: (i, 0)),
      out_shape=jax.ShapeDtypeStruct((np_rows, d), jnp.float32),
  )(x, w, deg3)


def _tc_fused_next(acc, deg3, b, w_next, n, np_rows, d):
  def body(acc_ref, deg_ref, b_ref, w_ref, out_ref):
    dinv = _block_dinv(deg_ref, n)
    v = dinv * (acc_ref[0] + acc_ref[1]) + b_ref[...]
    v = jnp.maximum(v, 0.0)
    out_ref[...] = jnp.dot(
        v, w_ref[...], preferred_element_type=jnp.float32
    ) * dinv

  return pl.pallas_call(
      body,
      grid=(np_rows // 128,),
      in_specs=[
          pl.BlockSpec((NC, 128, d), lambda i: (0, i, 0)),
          _deg_spec(),
          pl.BlockSpec((1, d), lambda i: (0, 0)),
          pl.BlockSpec((d, d), lambda i: (0, 0)),
      ],
      out_specs=pl.BlockSpec((128, d), lambda i: (i, 0)),
      out_shape=jax.ShapeDtypeStruct((np_rows, d), jnp.float32),
  )(acc, deg3, b.reshape(1, d), w_next)


def _tc_final(acc, deg3, b, n, d):
  def body(acc_ref, deg_ref, b_ref, out_ref):
    v = _block_dinv(deg_ref, n) * (acc_ref[0] + acc_ref[1]) + b_ref[...]
    ss = jnp.sum(v * v, axis=-1, keepdims=True)
    out_ref[...] = v * lax.rsqrt(jnp.maximum(ss, 1e-24))

  grid = (n + 127) // 128
  return pl.pallas_call(
      body,
      grid=(grid,),
      in_specs=[
          pl.BlockSpec((NC, 128, d), lambda i: (0, i, 0)),
          _deg_spec(),
          pl.BlockSpec((1, d), lambda i: (0, 0)),
      ],
      out_specs=pl.BlockSpec((128, d), lambda i: (i, 0)),
      out_shape=jax.ShapeDtypeStruct((n, d), jnp.float32),
  )(acc, deg3, b.reshape(1, d))



@jax.jit
def kernel(x, edge_index, W1, b1, W2, b2, W3, b3):
  n, d = x.shape
  e = edge_index.shape[1]
  dummy = n
  np_rows = ((n + 1 + NS * 128 - 1) // (NS * 128)) * (NS * 128)

  src = edge_index[0].astype(jnp.int32)
  dst = edge_index[1].astype(jnp.int32)
  C = (e + NW * K - 1) // (NW * K)
  C = ((C + 3) // 4) * 4
  e2 = NW * C * K
  pad = e2 - e
  fill = dummy + (jnp.arange(pad, dtype=jnp.int32) % (np_rows - n))
  src_r = jnp.concatenate([src, fill]).reshape(NW, C, K)
  dst_r = jnp.concatenate([dst, fill]).reshape(NW, C, K)

  x_pad = jnp.zeros((np_rows, d), jnp.float32).at[:n].set(x)
  zeros2d = jnp.zeros((np_rows, d), jnp.float32)

  deg3 = _sc_degree(dst_r, np_rows).reshape(NC, np_rows, 1)

  hp1 = _tc_mm_scale(x_pad, W1, deg3, n, np_rows, d)
  acc1 = _sc_scatter(hp1, src_r, dst_r, zeros2d, np_rows, d)
  hp2 = _tc_fused_next(acc1, deg3, b1, W2, n, np_rows, d)
  acc2 = _sc_scatter(hp2, src_r, dst_r, zeros2d, np_rows, d)
  hp3 = _tc_fused_next(acc2, deg3, b2, W3, n, np_rows, d)
  acc3 = _sc_scatter(hp3, src_r, dst_r, zeros2d, np_rows, d)
  return _tc_final(acc3, deg3, b3, n, d)

# --- scband reference (transcript-rebuilt; emitter-appended) ---
"""Pipeline reference for scband-gcn-71614284693720 (READ-ONLY COPY).

The authoritative reference and input builder live on the scoring server;
editing this copy changes nothing except your own understanding.
"""

import jax, jax.numpy as jnp
import numpy as np

N = 10000
E = 320000
D = 128


def setup_inputs(seed: int = 0) -> dict:
    key = jax.random.key(seed)
    ks = jax.random.split(key, 8)
    x = jax.random.normal(ks[0], (N, D), dtype=jnp.float32)
    edge_index = jax.random.randint(ks[1], (2, E), 0, N)
    s = 1.0 / np.sqrt(D)
    W1 = jax.random.normal(ks[2], (D, D), dtype=jnp.float32) * s
    b1 = jnp.zeros((D,), dtype=jnp.float32)
    W2 = jax.random.normal(ks[3], (D, D), dtype=jnp.float32) * s
    b2 = jnp.zeros((D,), dtype=jnp.float32)
    W3 = jax.random.normal(ks[4], (D, D), dtype=jnp.float32) * s
    b3 = jnp.zeros((D,), dtype=jnp.float32)
    return {"x": x, "edge_index": edge_index, "W1": W1, "b1": b1, "W2": W2, "b2": b2, "W3": W3, "b3": b3}


def _gcn_conv(x, src, dst, dinv, W, b):
    h = x @ W
    norm = (dinv[src] * dinv[dst])[:, None]
    out = jnp.zeros_like(h).at[dst].add(h[src] * norm)
    return out + b


def reference(x, edge_index, W1, b1, W2, b2, W3, b3):
    n = x.shape[0]
    loop = jnp.arange(n, dtype=edge_index.dtype)
    src = jnp.concatenate([edge_index[0], loop])
    dst = jnp.concatenate([edge_index[1], loop])
    deg = jnp.zeros((n,), dtype=x.dtype).at[dst].add(1.0)
    dinv = jnp.where(deg > 0, jax.lax.rsqrt(jnp.maximum(deg, 1e-12)), 0.0)
    # layer 1 (+ relu; dropout is identity in eval mode)
    h = _gcn_conv(x, src, dst, dinv, W1, b1)
    h = jax.nn.relu(h)
    # layer 2
    h = _gcn_conv(h, src, dst, dinv, W2, b2)
    h = jax.nn.relu(h)
    # layer 3 (no activation)
    h = _gcn_conv(h, src, dst, dinv, W3, b3)
    # F.normalize(p=2, dim=-1)
    nrm = jnp.maximum(jnp.linalg.norm(h, axis=-1, keepdims=True), 1e-12)
    return h / nrm

if __name__ == "__main__":
    import jax
    _d = setup_inputs()
    print(jax.jit(kernel)(*tuple(_d.values())))

</pallas_src>

<mosaic_0001>
#map = affine_map<(d0, d1) -> (0, 0)>
#map1 = affine_map<(d0, d1) -> (0, 0, 0)>
module attributes {stable_mosaic.version = 14 : i64} {
  func.func @scat_kernel(%arg0: i32, %arg1: i32, %arg2: memref<10240x128xf32, #tpu.memory_space<hbm>>, %arg3: memref<32x80x128xi32, #tpu.memory_space<hbm>>, %arg4: memref<32x80x128xi32, #tpu.memory_space<hbm>>, %arg5: memref<10240x128xf32, #tpu.memory_space<hbm>>, %arg6: memref<2x10240x128xf32, #tpu.memory_space<hbm>>, %arg7: memref<10240x128xf32, #tpu.memory_space<vmem_shared>>, %arg8: memref<80x128xi32, #tpu.memory_space<vmem>>, %arg9: memref<4x128xi32, #tpu.memory_space<vmem>>, %arg10: memref<2x128x128xf32, #tpu.memory_space<vmem>>, %arg11: memref<!tpu.dma_semaphore, #tpu.memory_space<semaphore_mem>>, %arg12: memref<!tpu.dma_semaphore, #tpu.memory_space<semaphore_mem>>, %arg13: memref<!tpu.dma_semaphore, #tpu.memory_space<semaphore_mem>>, %arg14: memref<!tpu.dma_semaphore, #tpu.memory_space<semaphore_mem>>, %arg15: memref<!tpu.dma_semaphore, #tpu.memory_space<semaphore_mem>>, %arg16: memref<!tpu.dma_semaphore, #tpu.memory_space<semaphore_mem>>, %arg17: memref<!tpu.dma_semaphore, #tpu.memory_space<semaphore_mem>>, %arg18: memref<!tpu.dma_semaphore, #tpu.memory_space<semaphore_mem>>, %arg19: memref<!tpu.dma_semaphore, #tpu.memory_space<semaphore_mem>>) attributes {dimension_semantics = [#tpu.dimension_semantics<core_parallel>, #tpu.dimension_semantics<subcore_parallel>], iteration_bounds = array<i64: 2, 16>, scalar_prefetch = 0 : i64, scratch_operands = 13 : i64, tpu.core_type = #tpu.core_type<sc_vector_subcore>, window_params = [{transform_indices = #map}, {transform_indices = #map1}, {transform_indices = #map1}, {transform_indices = #map}, {transform_indices = #map1}]} {
    %mul3A = arith.constant 16 : i32
    %mul3A_0 = arith.muli %arg0, %mul3A : i32
    %add3A = arith.addi %mul3A_0, %arg1 : i32
    %mul3A_1 = arith.constant 640 : i32
    %mul3A_2 = arith.muli %arg1, %mul3A_1 : i32
    %eq3A = arith.constant 0 : i32
    %eq3A_3 = arith.cmpi eq, %arg0, %eq3A : i32
    %convert_element_type3A = arith.extui %eq3A_3 : i1 to i32
    %cond3A = arith.constant 0 : i32
    %cond3A_4 = arith.cmpi ne, %convert_element_type3A, %cond3A : i32
    scf.if %cond3A_4 {
      %dma_start3A_82 = arith.constant 0 : i32
      %dma_start3A_83 = tpu.memref_slice %arg7[%mul3A_2, %dma_start3A_82] : memref<10240x128xf32, #tpu.memory_space<vmem_shared>> -> memref<640x128xf32, #tpu.memory_space<vmem_shared>>
      %dma_start3A_84 = arith.constant 0 : i32
      %dma_start3A_85 = tpu.memref_slice %arg2[%mul3A_2, %dma_start3A_84] : memref<10240x128xf32, #tpu.memory_space<hbm>> -> memref<640x128xf32, #tpu.memory_space<hbm>>
      tpu.enqueue_dma source(%dma_start3A_85 : memref<640x128xf32, #tpu.memory_space<hbm>>) target(%dma_start3A_83 : memref<640x128xf32, #tpu.memory_space<vmem_shared>>) target_semaphore(%arg15 : memref<!tpu.dma_semaphore, #tpu.memory_space<semaphore_mem>>)
    } else {
    }
    %ne3A = arith.constant 0 : i32
    %ne3A_5 = arith.cmpi ne, %arg0, %ne3A : i32
    %convert_element_type3A_6 = arith.extui %ne3A_5 : i1 to i32
    %cond3A_7 = arith.constant 0 : i32
    %cond3A_8 = arith.cmpi ne, %convert_element_type3A_6, %cond3A_7 : i32
    scf.if %cond3A_8 {
      %dma_start3A_82 = arith.constant 0 : i32
      %dma_start3A_83 = tpu.memref_slice %arg7[%mul3A_2, %dma_start3A_82] : memref<10240x128xf32, #tpu.memory_space<vmem_shared>> -> memref<640x128xf32, #tpu.memory_space<vmem_shared>>
      %dma_start3A_84 = arith.constant 0 : i32
      %dma_start3A_85 = tpu.memref_slice %arg5[%mul3A_2, %dma_start3A_84] : memref<10240x128xf32, #tpu.memory_space<hbm>> -> memref<640x128xf32, #tpu.memory_space<hbm>>
      tpu.enqueue_dma source(%dma_start3A_85 : memref<640x128xf32, #tpu.memory_space<hbm>>) target(%dma_start3A_83 : memref<640x128xf32, #tpu.memory_space<vmem_shared>>) target_semaphore(%arg15 : memref<!tpu.dma_semaphore, #tpu.memory_space<semaphore_mem>>)
    } else {
    }
    "tpu.region"() ({
      %run_scoped3A = tpu.sem_alloc : memref<!tpu.dma_semaphore, #tpu.memory_space<semaphore_mem>>
      %dma_start3A_82 = arith.constant 0 : i32
      %dma_start3A_83 = arith.constant 0 : i32
      %dma_start3A_84 = tpu.memref_slice %arg3[%add3A, %dma_start3A_82, %dma_start3A_83] : memref<32x80x128xi32, #tpu.memory_space<hbm>> -> memref<1x80x128xi32, #tpu.memory_space<hbm>>
      %dma_start3A_85 = tpu.memref_squeeze %dma_start3A_84 : memref<1x80x128xi32, #tpu.memory_space<hbm>> -> memref<80x128xi32, #tpu.memory_space<hbm>>
      %dma_start3A_86 = arith.constant 0 : i32
      %dma_start3A_87 = arith.constant 0 : i32
      %dma_start3A_88 = tpu.memref_slice %arg3[%add3A, %dma_start3A_86, %dma_start3A_87] : memref<32x80x128xi32, #tpu.memory_space<hbm>> -> memref<1x80x128xi32, #tpu.memory_space<hbm>>
      %dma_start3A_89 = tpu.memref_squeeze %dma_start3A_88 : memref<1x80x128xi32, #tpu.memory_space<hbm>> -> memref<80x128xi32, #tpu.memory_space<hbm>>
      tpu.enqueue_dma source(%dma_start3A_89 : memref<80x128xi32, #tpu.memory_space<hbm>>) target(%arg8 : memref<80x128xi32, #tpu.memory_space<vmem>>) target_semaphore(%run_scoped3A : memref<!tpu.dma_semaphore, #tpu.memory_space<semaphore_mem>>)
      %dma_wait3A_90 = arith.constant 0 : i32
      %dma_wait3A_91 = arith.constant 0 : i32
      %dma_wait3A_92 = tpu.memref_slice %arg3[%add3A, %dma_wait3A_90, %dma_wait3A_91] : memref<32x80x128xi32, #tpu.memory_space<hbm>> -> memref<1x80x128xi32, #tpu.memory_space<hbm>>
      %dma_wait3A_93 = tpu.memref_squeeze %dma_wait3A_92 : memref<1x80x128xi32, #tpu.memory_space<hbm>> -> memref<80x128xi32, #tpu.memory_space<hbm>>
      %dma_wait3A_94 = arith.constant 0 : i32
      %dma_wait3A_95 = arith.constant 0 : i32
      %dma_wait3A_96 = tpu.memref_slice %arg3[%add3A, %dma_wait3A_94, %dma_wait3A_95] : memref<32x80x128xi32, #tpu.memory_space<hbm>> -> memref<1x80x128xi32, #tpu.memory_space<hbm>>
      %dma_wait3A_97 = tpu.memref_squeeze %dma_wait3A_96 : memref<1x80x128xi32, #tpu.memory_space<hbm>> -> memref<80x128xi32, #tpu.memory_space<hbm>>
      tpu.wait_dma2 semaphore(%run_scoped3A : memref<!tpu.dma_semaphore, #tpu.memory_space<semaphore_mem>>) src(%dma_wait3A_97 : memref<80x128xi32, #tpu.memory_space<hbm>>) dst(%arg8 : memref<80x128xi32, #tpu.memory_space<vmem>>)
      tpu.yield
    }) : () -> ()
    %dma_start3A = arith.constant 0 : i32
    %dma_start3A_9 = arith.constant 0 : i32
    %dma_start3A_10 = arith.constant 0 : i32
    %dma_start3A_11 = tpu.memref_slice %arg9[%dma_start3A_9, %dma_start3A_10] : memref<4x128xi32, #tpu.memory_space<vmem>> -> memref<1x128xi32, #tpu.memory_space<vmem>>
    %dma_start3A_12 = tpu.memref_squeeze %dma_start3A_11 : memref<1x128xi32, #tpu.memory_space<vmem>> -> memref<128xi32, #tpu.memory_space<vmem>>
    %dma_start3A_13 = arith.constant 0 : i32
    %dma_start3A_14 = tpu.memref_slice %arg4[%add3A, %dma_start3A, %dma_start3A_13] : memref<32x80x128xi32, #tpu.memory_space<hbm>> -> memref<1x1x128xi32, #tpu.memory_space<hbm>>
    %dma_start3A_15 = tpu.memref_squeeze %dma_start3A_14 : memref<1x1x128xi32, #tpu.memory_space<hbm>> -> memref<128xi32, #tpu.memory_space<hbm>>
    %dma_start3A_16 = arith.constant 0 : i32
    %dma_start3A_17 = tpu.memref_slice %arg9[%dma_start3A_9, %dma_start3A_16] : memref<4x128xi32, #tpu.memory_space<vmem>> -> memref<1x128xi32, #tpu.memory_space<vmem>>
    %dma_start3A_18 = tpu.memref_squeeze %dma_start3A_17 : memref<1x128xi32, #tpu.memory_space<vmem>> -> memref<128xi32, #tpu.memory_space<vmem>>
    %dma_start3A_19 = arith.constant 0 : i32
    %dma_start3A_20 = tpu.memref_slice %arg4[%add3A, %dma_start3A, %dma_start3A_19] : memref<32x80x128xi32, #tpu.memory_space<hbm>> -> memref<1x1x128xi32, #tpu.memory_space<hbm>>
    %dma_start3A_21 = tpu.memref_squeeze %dma_start3A_20 : memref<1x1x128xi32, #tpu.memory_space<hbm>> -> memref<128xi32, #tpu.memory_space<hbm>>
    tpu.enqueue_dma source(%dma_start3A_21 : memref<128xi32, #tpu.memory_space<hbm>>) target(%dma_start3A_18 : memref<128xi32, #tpu.memory_space<vmem>>) target_semaphore(%arg16 : memref<!tpu.dma_semaphore, #tpu.memory_space<semaphore_mem>>)
    %dma_start3A_22 = arith.constant 1 : i32
    %dma_start3A_23 = arith.constant 1 : i32
    %dma_start3A_24 = arith.constant 0 : i32
    %dma_start3A_25 = tpu.memref_slice %arg9[%dma_start3A_23, %dma_start3A_24] : memref<4x128xi32, #tpu.memory_space<vmem>> -> memref<1x128xi32, #tpu.memory_space<vmem>>
    %dma_start3A_26 = tpu.memref_squeeze %dma_start3A_25 : memref<1x128xi32, #tpu.memory_space<vmem>> -> memref<128xi32, #tpu.memory_space<vmem>>
    %dma_start3A_27 = arith.constant 0 : i32
    %dma_start3A_28 = tpu.memref_slice %arg4[%add3A, %dma_start3A_22, %dma_start3A_27] : memref<32x80x128xi32, #tpu.memory_space<hbm>> -> memref<1x1x128xi32, #tpu.memory_space<hbm>>
    %dma_start3A_29 = tpu.memref_squeeze %dma_start3A_28 : memref<1x1x128xi32, #tpu.memory_space<hbm>> -> memref<128xi32, #tpu.memory_space<hbm>>
    %dma_start3A_30 = arith.constant 0 : i32
    %dma_start3A_31 = tpu.memref_slice %arg9[%dma_start3A_23, %dma_start3A_30] : memref<4x128xi32, #tpu.memory_space<vmem>> -> memref<1x128xi32, #tpu.memory_space<vmem>>
    %dma_start3A_32 = tpu.memref_squeeze %dma_start3A_31 : memref<1x128xi32, #tpu.memory_space<vmem>> -> memref<128xi32, #tpu.memory_space<vmem>>
    %dma_start3A_33 = arith.constant 0 : i32
    %dma_start3A_34 = tpu.memref_slice %arg4[%add3A, %dma_start3A_22, %dma_start3A_33] : memref<32x80x128xi32, #tpu.memory_space<hbm>> -> memref<1x1x128xi32, #tpu.memory_space<hbm>>
    %dma_start3A_35 = tpu.memref_squeeze %dma_start3A_34 : memref<1x1x128xi32, #tpu.memory_space<hbm>> -> memref<128xi32, #tpu.memory_space<hbm>>
    tpu.enqueue_dma source(%dma_start3A_35 : memref<128xi32, #tpu.memory_space<hbm>>) target(%dma_start3A_32 : memref<128xi32, #tpu.memory_space<vmem>>) target_semaphore(%arg17 : memref<!tpu.dma_semaphore, #tpu.memory_space<semaphore_mem>>)
    %dma_start3A_36 = arith.constant 2 : i32
    %dma_start3A_37 = arith.constant 2 : i32
    %dma_start3A_38 = arith.constant 0 : i32
    %dma_start3A_39 = tpu.memref_slice %arg9[%dma_start3A_37, %dma_start3A_38] : memref<4x128xi32, #tpu.memory_space<vmem>> -> memref<1x128xi32, #tpu.memory_space<vmem>>
    %dma_start3A_40 = tpu.memref_squeeze %dma_start3A_39 : memref<1x128xi32, #tpu.memory_space<vmem>> -> memref<128xi32, #tpu.memory_space<vmem>>
    %dma_start3A_41 = arith.constant 0 : i32
    %dma_start3A_42 = tpu.memref_slice %arg4[%add3A, %dma_start3A_36, %dma_start3A_41] : memref<32x80x128xi32, #tpu.memory_space<hbm>> -> memref<1x1x128xi32, #tpu.memory_space<hbm>>
    %dma_start3A_43 = tpu.memref_squeeze %dma_start3A_42 : memref<1x1x128xi32, #tpu.memory_space<hbm>> -> memref<128xi32, #tpu.memory_space<hbm>>
    %dma_start3A_44 = arith.constant 0 : i32
    %dma_start3A_45 = tpu.memref_slice %arg9[%dma_start3A_37, %dma_start3A_44] : memref<4x128xi32, #tpu.memory_space<vmem>> -> memref<1x128xi32, #tpu.memory_space<vmem>>
    %dma_start3A_46 = tpu.memref_squeeze %dma_start3A_45 : memref<1x128xi32, #tpu.memory_space<vmem>> -> memref<128xi32, #tpu.memory_space<vmem>>
    %dma_start3A_47 = arith.constant 0 : i32
    %dma_start3A_48 = tpu.memref_slice %arg4[%add3A, %dma_start3A_36, %dma_start3A_47] : memref<32x80x128xi32, #tpu.memory_space<hbm>> -> memref<1x1x128xi32, #tpu.memory_space<hbm>>
    %dma_start3A_49 = tpu.memref_squeeze %dma_start3A_48 : memref<1x1x128xi32, #tpu.memory_space<hbm>> -> memref<128xi32, #tpu.memory_space<hbm>>
    tpu.enqueue_dma source(%dma_start3A_49 : memref<128xi32, #tpu.memory_space<hbm>>) target(%dma_start3A_46 : memref<128xi32, #tpu.memory_space<vmem>>) target_semaphore(%arg18 : memref<!tpu.dma_semaphore, #tpu.memory_space<semaphore_mem>>)
    %dma_start3A_50 = arith.constant 0 : i32
    %dma_start3A_51 = arith.constant 0 : i32
    %dma_start3A_52 = arith.constant 0 : i32
    %dma_start3A_53 = arith.constant 0 : i32
    %dma_start3A_54 = tpu.memref_slice %arg10[%dma_start3A_51, %dma_start3A_52, %dma_start3A_53] : memref<2x128x128xf32, #tpu.memory_space<vmem>> -> memref<1x128x128xf32, #tpu.memory_space<vmem>>
    %dma_start3A_55 = tpu.memref_squeeze %dma_start3A_54 : memref<1x128x128xf32, #tpu.memory_space<vmem>> -> memref<128x128xf32, #tpu.memory_space<vmem>>
    %dma_start3A_56 = arith.constant 0 : i32
    %dma_start3A_57 = tpu.memref_slice %arg8[%dma_start3A_50, %dma_start3A_56] : memref<80x128xi32, #tpu.memory_space<vmem>> -> memref<1x128xi32, #tpu.memory_space<vmem>>
    %dma_start3A_58 = tpu.memref_squeeze %dma_start3A_57 : memref<1x128xi32, #tpu.memory_space<vmem>> -> memref<128xi32, #tpu.memory_space<vmem>>
    %dma_start3A_59 = arith.constant 0 : i32
    %dma_start3A_60 = arith.constant 0 : i32
    %dma_start3A_61 = tpu.memref_slice %arg2[%dma_start3A_59, %dma_start3A_60] : memref<10240x128xf32, #tpu.memory_space<hbm>> -> memref<10240x128xf32, #tpu.memory_space<hbm>>
    tpu.enqueue_indirect_dma source(%dma_start3A_61 : memref<10240x128xf32, #tpu.memory_space<hbm>>) target(%dma_start3A_55 : memref<128x128xf32, #tpu.memory_space<vmem>>) offsets(%dma_start3A_58 : memref<128xi32, #tpu.memory_space<vmem>>) semaphore(%arg11 : memref<!tpu.dma_semaphore, #tpu.memory_space<semaphore_mem>>)
    %dma_wait3A = arith.constant 0 : i32
    %dma_wait3A_62 = tpu.memref_slice %arg7[%mul3A_2, %dma_wait3A] : memref<10240x128xf32, #tpu.memory_space<vmem_shared>> -> memref<640x128xf32, #tpu.memory_space<vmem_shared>>
    %dma_wait3A_63 = arith.constant 0 : i32
    %dma_wait3A_64 = tpu.memref_slice %arg2[%mul3A_2, %dma_wait3A_63] : memref<10240x128xf32, #tpu.memory_space<hbm>> -> memref<640x128xf32, #tpu.memory_space<hbm>>
    tpu.wait_dma2 semaphore(%arg15 : memref<!tpu.dma_semaphore, #tpu.memory_space<semaphore_mem>>) src(%dma_wait3A_64 : memref<640x128xf32, #tpu.memory_space<hbm>>) dst(%dma_wait3A_62 : memref<640x128xf32, #tpu.memory_space<vmem_shared>>)
    %barrier3A = arith.constant 0 : index
    tpu.barrier barrier_id(%barrier3A)
    %scan3A = arith.constant 0 : i32
    %scan3A_65 = arith.constant 20 : i32
    %scan3A_66 = arith.addi %scan3A, %scan3A_65 : i32
    %scan3A_67 = arith.constant 1 : i32
    scf.for %scan3A_82 = %scan3A to %scan3A_66 step %scan3A_67  : i32 {
      %mul3A_83 = arith.constant 4 : i32
      %mul3A_84 = arith.muli %scan3A_82, %mul3A_83 : i32
      %add3A_85 = arith.constant 0 : i32
      %add3A_86 = arith.addi %add3A_85, %mul3A_84 : i32
      %add3A_87 = arith.constant 0 : i32
      %add3A_88 = arith.addi %add3A_86, %add3A_87 : i32
      %gt3A = arith.constant 0 : i32
      %gt3A_89 = arith.cmpi sgt, %add3A_86, %gt3A : i32
      %convert_element_type3A_90 = arith.extui %gt3A_89 : i1 to i32
      %cond3A_91 = arith.constant 0 : i32
      %cond3A_92 = arith.cmpi ne, %convert_element_type3A_90, %cond3A_91 : i32
      scf.if %cond3A_92 {
        %dma_wait3A_360 = arith.constant 0 : i32
        %dma_wait3A_361 = arith.constant 0 : i32
        %dma_wait3A_362 = arith.constant 0 : i32
        %dma_wait3A_363 = arith.constant 0 : i32
        %dma_wait3A_364 = tpu.memref_slice %arg10[%dma_wait3A_360, %dma_wait3A_362, %dma_wait3A_363] : memref<2x128x128xf32, #tpu.memory_space<vmem>> -> memref<1x128x128xf32, #tpu.memory_space<vmem>>
        %dma_wait3A_365 = tpu.memref_squeeze %dma_wait3A_364 : memref<1x128x128xf32, #tpu.memory_space<vmem>> -> memref<128x128xf32, #tpu.memory_space<vmem>>
        %dma_wait3A_366 = arith.constant 0 : i32
        %dma_wait3A_367 = tpu.memref_slice %arg9[%dma_wait3A_361, %dma_wait3A_366] : memref<4x128xi32, #tpu.memory_space<vmem>> -> memref<1x128xi32, #tpu.memory_space<vmem>>
        %dma_wait3A_368 = tpu.memref_squeeze %dma_wait3A_367 : memref<1x128xi32, #tpu.memory_space<vmem>> -> memref<128xi32, #tpu.memory_space<vmem>>
        %dma_wait3A_369 = arith.constant 0 : i32
        %dma_wait3A_370 = arith.constant 0 : i32
        %dma_wait3A_371 = tpu.memref_slice %arg7[%dma_wait3A_369, %dma_wait3A_370] : memref<10240x128xf32, #tpu.memory_space<vmem_shared>> -> memref<10240x128xf32, #tpu.memory_space<vmem_shared>>
        tpu.wait_indirect_dma semaphore(%arg14 : memref<!tpu.dma_semaphore, #tpu.memory_space<semaphore_mem>>) src(%dma_wait3A_365 : memref<128x128xf32, #tpu.memory_space<vmem>>) dst(%dma_wait3A_371 : memref<10240x128xf32, #tpu.memory_space<vmem_shared>>)
      } else {
      }
      %add3A_93 = arith.constant 1 : i32
      %add3A_94 = arith.addi %add3A_88, %add3A_93 : i32
      %dma_start3A_95 = arith.constant 1 : i32
      %dma_start3A_96 = arith.constant 0 : i32
      %dma_start3A_97 = arith.constant 0 : i32
      %dma_start3A_98 = tpu.memref_slice %arg10[%dma_start3A_95, %dma_start3A_96, %dma_start3A_97] : memref<2x128x128xf32, #tpu.memory_space<vmem>> -> memref<1x128x128xf32, #tpu.memory_space<vmem>>
      %dma_start3A_99 = tpu.memref_squeeze %dma_start3A_98 : memref<1x128x128xf32, #tpu.memory_space<vmem>> -> memref<128x128xf32, #tpu.memory_space<vmem>>
      %dma_start3A_100 = arith.constant 0 : i32
      %dma_start3A_101 = tpu.memref_slice %arg8[%add3A_94, %dma_start3A_100] : memref<80x128xi32, #tpu.memory_space<vmem>> -> memref<1x128xi32, #tpu.memory_space<vmem>>
      %dma_start3A_102 = tpu.memref_squeeze %dma_start3A_101 : memref<1x128xi32, #tpu.memory_space<vmem>> -> memref<128xi32, #tpu.memory_space<vmem>>
      %dma_start3A_103 = arith.constant 0 : i32
      %dma_start3A_104 = arith.constant 0 : i32
      %dma_start3A_105 = tpu.memref_slice %arg2[%dma_start3A_103, %dma_start3A_104] : memref<10240x128xf32, #tpu.memory_space<hbm>> -> memref<10240x128xf32, #tpu.memory_space<hbm>>
      tpu.enqueue_indirect_dma source(%dma_start3A_105 : memref<10240x128xf32, #tpu.memory_space<hbm>>) target(%dma_start3A_99 : memref<128x128xf32, #tpu.memory_space<vmem>>) offsets(%dma_start3A_102 : memref<128xi32, #tpu.memory_space<vmem>>) semaphore(%arg12 : memref<!tpu.dma_semaphore, #tpu.memory_space<semaphore_mem>>)
      %add3A_106 = arith.constant 3 : i32
      %add3A_107 = arith.addi %add3A_88, %add3A_106 : i32
      %lt3A = arith.constant 80 : i32
      %lt3A_108 = arith.cmpi slt, %add3A_107, %lt3A : i32
      %convert_element_type3A_109 = arith.extui %lt3A_108 : i1 to i32
      %cond3A_110 = arith.constant 0 : i32
      %cond3A_111 = arith.cmpi ne, %convert_element_type3A_109, %cond3A_110 : i32
      scf.if %cond3A_111 {
        %dma_start3A_360 = arith.constant 3 : i32
        %dma_start3A_361 = arith.constant 0 : i32
        %dma_start3A_362 = tpu.memref_slice %arg9[%dma_start3A_360, %dma_start3A_361] : memref<4x128xi32, #tpu.memory_space<vmem>> -> memref<1x128xi32, #tpu.memory_space<vmem>>
        %dma_start3A_363 = tpu.memref_squeeze %dma_start3A_362 : memref<1x128xi32, #tpu.memory_space<vmem>> -> memref<128xi32, #tpu.memory_space<vmem>>
        %dma_start3A_364 = arith.constant 0 : i32
        %dma_start3A_365 = tpu.memref_slice %arg4[%add3A, %add3A_107, %dma_start3A_364] : memref<32x80x128xi32, #tpu.memory_space<hbm>> -> memref<1x1x128xi32, #tpu.memory_space<hbm>>
        %dma_start3A_366 = tpu.memref_squeeze %dma_start3A_365 : memref<1x1x128xi32, #tpu.memory_space<hbm>> -> memref<128xi32, #tpu.memory_space<hbm>>
        %dma_start3A_367 = arith.constant 0 : i32
        %dma_start3A_368 = tpu.memref_slice %arg9[%dma_start3A_360, %dma_start3A_367] : memref<4x128xi32, #tpu.memory_space<vmem>> -> memref<1x128xi32, #tpu.memory_space<vmem>>
        %dma_start3A_369 = tpu.memref_squeeze %dma_start3A_368 : memref<1x128xi32, #tpu.memory_space<vmem>> -> memref<128xi32, #tpu.memory_space<vmem>>
        %dma_start3A_370 = arith.constant 0 : i32
        %dma_start3A_371 = tpu.memref_slice %arg4[%add3A, %add3A_107, %dma_start3A_370] : memref<32x80x128xi32, #tpu.memory_space<hbm>> -> memref<1x1x128xi32, #tpu.memory_space<hbm>>
        %dma_start3A_372 = tpu.memref_squeeze %dma_start3A_371 : memref<1x1x128xi32, #tpu.memory_space<hbm>> -> memref<128xi32, #tpu.memory_space<hbm>>
        tpu.enqueue_dma source(%dma_start3A_372 : memref<128xi32, #tpu.memory_space<hbm>>) target(%dma_start3A_369 : memref<128xi32, #tpu.memory_space<vmem>>) target_semaphore(%arg19 : memref<!tpu.dma_semaphore, #tpu.memory_space<semaphore_mem>>)
      } else {
      }
      %dma_wait3A_112 = arith.constant 0 : i32
      %dma_wait3A_113 = arith.constant 0 : i32
      %dma_wait3A_114 = arith.constant 0 : i32
      %dma_wait3A_115 = arith.constant 0 : i32
      %dma_wait3A_116 = tpu.memref_slice %arg10[%dma_wait3A_113, %dma_wait3A_114, %dma_wait3A_115] : memref<2x128x128xf32, #tpu.memory_space<vmem>> -> memref<1x128x128xf32, #tpu.memory_space<vmem>>
      %dma_wait3A_117 = tpu.memref_squeeze %dma_wait3A_116 : memref<1x128x128xf32, #tpu.memory_space<vmem>> -> memref<128x128xf32, #tpu.memory_space<vmem>>
      %dma_wait3A_118 = arith.constant 0 : i32
      %dma_wait3A_119 = tpu.memref_slice %arg8[%dma_wait3A_112, %dma_wait3A_118] : memref<80x128xi32, #tpu.memory_space<vmem>> -> memref<1x128xi32, #tpu.memory_space<vmem>>
      %dma_wait3A_120 = tpu.memref_squeeze %dma_wait3A_119 : memref<1x128xi32, #tpu.memory_space<vmem>> -> memref<128xi32, #tpu.memory_space<vmem>>
      %dma_wait3A_121 = arith.constant 0 : i32
      %dma_wait3A_122 = arith.constant 0 : i32
      %dma_wait3A_123 = tpu.memref_slice %arg2[%dma_wait3A_121, %dma_wait3A_122] : memref<10240x128xf32, #tpu.memory_space<hbm>> -> memref<10240x128xf32, #tpu.memory_space<hbm>>
      tpu.wait_indirect_dma semaphore(%arg11 : memref<!tpu.dma_semaphore, #tpu.memory_space<semaphore_mem>>) src(%dma_wait3A_123 : memref<10240x128xf32, #tpu.memory_space<hbm>>) dst(%dma_wait3A_117 : memref<128x128xf32, #tpu.memory_space<vmem>>)
      %dma_wait3A_124 = arith.constant 0 : i32
      %dma_wait3A_125 = arith.constant 0 : i32
      %dma_wait3A_126 = arith.constant 0 : i32
      %dma_wait3A_127 = tpu.memref_slice %arg9[%dma_wait3A_125, %dma_wait3A_126] : memref<4x128xi32, #tpu.memory_space<vmem>> -> memref<1x128xi32, #tpu.memory_space<vmem>>
      %dma_wait3A_128 = tpu.memref_squeeze %dma_wait3A_127 : memref<1x128xi32, #tpu.memory_space<vmem>> -> memref<128xi32, #tpu.memory_space<vmem>>
      %dma_wait3A_129 = arith.constant 0 : i32
      %dma_wait3A_130 = tpu.memref_slice %arg4[%add3A, %dma_wait3A_124, %dma_wait3A_129] : memref<32x80x128xi32, #tpu.memory_space<hbm>> -> memref<1x1x128xi32, #tpu.memory_space<hbm>>
      %dma_wait3A_131 = tpu.memref_squeeze %dma_wait3A_130 : memref<1x1x128xi32, #tpu.memory_space<hbm>> -> memref<128xi32, #tpu.memory_space<hbm>>
      %dma_wait3A_132 = arith.constant 0 : i32
      %dma_wait3A_133 = tpu.memref_slice %arg9[%dma_wait3A_125, %dma_wait3A_132] : memref<4x128xi32, #tpu.memory_space<vmem>> -> memref<1x128xi32, #tpu.memory_space<vmem>>
      %dma_wait3A_134 = tpu.memref_squeeze %dma_wait3A_133 : memref<1x128xi32, #tpu.memory_space<vmem>> -> memref<128xi32, #tpu.memory_space<vmem>>
      %dma_wait3A_135 = arith.constant 0 : i32
      %dma_wait3A_136 = tpu.memref_slice %arg4[%add3A, %dma_wait3A_124, %dma_wait3A_135] : memref<32x80x128xi32, #tpu.memory_space<hbm>> -> memref<1x1x128xi32, #tpu.memory_space<hbm>>
      %dma_wait3A_137 = tpu.memref_squeeze %dma_wait3A_136 : memref<1x1x128xi32, #tpu.memory_space<hbm>> -> memref<128xi32, #tpu.memory_space<hbm>>
      tpu.wait_dma2 semaphore(%arg16 : memref<!tpu.dma_semaphore, #tpu.memory_space<semaphore_mem>>) src(%dma_wait3A_137 : memref<128xi32, #tpu.memory_space<hbm>>) dst(%dma_wait3A_134 : memref<128xi32, #tpu.memory_space<vmem>>)
      %dma_start3A_138 = arith.constant 0 : i32
      %dma_start3A_139 = arith.constant 0 : i32
      %dma_start3A_140 = arith.constant 0 : i32
      %dma_start3A_141 = arith.constant 0 : i32
      %dma_start3A_142 = tpu.memref_slice %arg10[%dma_start3A_138, %dma_start3A_140, %dma_start3A_141] : memref<2x128x128xf32, #tpu.memory_space<vmem>> -> memref<1x128x128xf32, #tpu.memory_space<vmem>>
      %dma_start3A_143 = tpu.memref_squeeze %dma_start3A_142 : memref<1x128x128xf32, #tpu.memory_space<vmem>> -> memref<128x128xf32, #tpu.memory_space<vmem>>
      %dma_start3A_144 = arith.constant 0 : i32
      %dma_start3A_145 = tpu.memref_slice %arg9[%dma_start3A_139, %dma_start3A_144] : memref<4x128xi32, #tpu.memory_space<vmem>> -> memref<1x128xi32, #tpu.memory_space<vmem>>
      %dma_start3A_146 = tpu.memref_squeeze %dma_start3A_145 : memref<1x128xi32, #tpu.memory_space<vmem>> -> memref<128xi32, #tpu.memory_space<vmem>>
      %dma_start3A_147 = arith.constant 0 : i32
      %dma_start3A_148 = arith.constant 0 : i32
      %dma_start3A_149 = tpu.memref_slice %arg7[%dma_start3A_147, %dma_start3A_148] : memref<10240x128xf32, #tpu.memory_space<vmem_shared>> -> memref<10240x128xf32, #tpu.memory_space<vmem_shared>>
      tpu.enqueue_indirect_dma source(%dma_start3A_143 : memref<128x128xf32, #tpu.memory_space<vmem>>) target(%dma_start3A_149 : memref<10240x128xf32, #tpu.memory_space<vmem_shared>>) offsets(%dma_start3A_146 : memref<128xi32, #tpu.memory_space<vmem>>) semaphore(%arg13 : memref<!tpu.dma_semaphore, #tpu.memory_space<semaphore_mem>>) {add = true}
      %add3A_150 = arith.constant 1 : i32
      %add3A_151 = arith.addi %add3A_86, %add3A_150 : i32
      %dma_wait3A_152 = arith.constant 0 : i32
      %dma_wait3A_153 = arith.constant 0 : i32
      %dma_wait3A_154 = arith.constant 0 : i32
      %dma_wait3A_155 = arith.constant 0 : i32
      %dma_wait3A_156 = tpu.memref_slice %arg10[%dma_wait3A_152, %dma_wait3A_154, %dma_wait3A_155] : memref<2x128x128xf32, #tpu.memory_space<vmem>> -> memref<1x128x128xf32, #tpu.memory_space<vmem>>
      %dma_wait3A_157 = tpu.memref_squeeze %dma_wait3A_156 : memref<1x128x128xf32, #tpu.memory_space<vmem>> -> memref<128x128xf32, #tpu.memory_space<vmem>>
      %dma_wait3A_158 = arith.constant 0 : i32
      %dma_wait3A_159 = tpu.memref_slice %arg9[%dma_wait3A_153, %dma_wait3A_158] : memref<4x128xi32, #tpu.memory_space<vmem>> -> memref<1x128xi32, #tpu.memory_space<vmem>>
      %dma_wait3A_160 = tpu.memref_squeeze %dma_wait3A_159 : memref<1x128xi32, #tpu.memory_space<vmem>> -> memref<128xi32, #tpu.memory_space<vmem>>
      %dma_wait3A_161 = arith.constant 0 : i32
      %dma_wait3A_162 = arith.constant 0 : i32
      %dma_wait3A_163 = tpu.memref_slice %arg7[%dma_wait3A_161, %dma_wait3A_162] : memref<10240x128xf32, #tpu.memory_space<vmem_shared>> -> memref<10240x128xf32, #tpu.memory_space<vmem_shared>>
      tpu.wait_indirect_dma semaphore(%arg13 : memref<!tpu.dma_semaphore, #tpu.memory_space<semaphore_mem>>) src(%dma_wait3A_157 : memref<128x128xf32, #tpu.memory_space<vmem>>) dst(%dma_wait3A_163 : memref<10240x128xf32, #tpu.memory_space<vmem_shared>>)
      %add3A_164 = arith.constant 1 : i32
      %add3A_165 = arith.addi %add3A_151, %add3A_164 : i32
      %dma_start3A_166 = arith.constant 0 : i32
      %dma_start3A_167 = arith.constant 0 : i32
      %dma_start3A_168 = arith.constant 0 : i32
      %dma_start3A_169 = tpu.memref_slice %arg10[%dma_start3A_166, %dma_start3A_167, %dma_start3A_168] : memref<2x128x128xf32, #tpu.memory_space<vmem>> -> memref<1x128x128xf32, #tpu.memory_space<vmem>>
      %dma_start3A_170 = tpu.memref_squeeze %dma_start3A_169 : memref<1x128x128xf32, #tpu.memory_space<vmem>> -> memref<128x128xf32, #tpu.memory_space<vmem>>
      %dma_start3A_171 = arith.constant 0 : i32
      %dma_start3A_172 = tpu.memref_slice %arg8[%add3A_165, %dma_start3A_171] : memref<80x128xi32, #tpu.memory_space<vmem>> -> memref<1x128xi32, #tpu.memory_space<vmem>>
      %dma_start3A_173 = tpu.memref_squeeze %dma_start3A_172 : memref<1x128xi32, #tpu.memory_space<vmem>> -> memref<128xi32, #tpu.memory_space<vmem>>
      %dma_start3A_174 = arith.constant 0 : i32
      %dma_start3A_175 = arith.constant 0 : i32
      %dma_start3A_176 = tpu.memref_slice %arg2[%dma_start3A_174, %dma_start3A_175] : memref<10240x128xf32, #tpu.memory_space<hbm>> -> memref<10240x128xf32, #tpu.memory_space<hbm>>
      tpu.enqueue_indirect_dma source(%dma_start3A_176 : memref<10240x128xf32, #tpu.memory_space<hbm>>) target(%dma_start3A_170 : memref<128x128xf32, #tpu.memory_space<vmem>>) offsets(%dma_start3A_173 : memref<128xi32, #tpu.memory_space<vmem>>) semaphore(%arg11 : memref<!tpu.dma_semaphore, #tpu.memory_space<semaphore_mem>>)
      %add3A_177 = arith.constant 3 : i32
      %add3A_178 = arith.addi %add3A_151, %add3A_177 : i32
      %lt3A_179 = arith.constant 80 : i32
      %lt3A_180 = arith.cmpi slt, %add3A_178, %lt3A_179 : i32
      %convert_element_type3A_181 = arith.extui %lt3A_180 : i1 to i32
      %cond3A_182 = arith.constant 0 : i32
      %cond3A_183 = arith.cmpi ne, %convert_element_type3A_181, %cond3A_182 : i32
      scf.if %cond3A_183 {
        %dma_start3A_360 = arith.constant 0 : i32
        %dma_start3A_361 = arith.constant 0 : i32
        %dma_start3A_362 = tpu.memref_slice %arg9[%dma_start3A_360, %dma_start3A_361] : memref<4x128xi32, #tpu.memory_space<vmem>> -> memref<1x128xi32, #tpu.memory_space<vmem>>
        %dma_start3A_363 = tpu.memref_squeeze %dma_start3A_362 : memref<1x128xi32, #tpu.memory_space<vmem>> -> memref<128xi32, #tpu.memory_space<vmem>>
        %dma_start3A_364 = arith.constant 0 : i32
        %dma_start3A_365 = tpu.memref_slice %arg4[%add3A, %add3A_178, %dma_start3A_364] : memref<32x80x128xi32, #tpu.memory_space<hbm>> -> memref<1x1x128xi32, #tpu.memory_space<hbm>>
        %dma_start3A_366 = tpu.memref_squeeze %dma_start3A_365 : memref<1x1x128xi32, #tpu.memory_space<hbm>> -> memref<128xi32, #tpu.memory_space<hbm>>
        %dma_start3A_367 = arith.constant 0 : i32
        %dma_start3A_368 = tpu.memref_slice %arg9[%dma_start3A_360, %dma_start3A_367] : memref<4x128xi32, #tpu.memory_space<vmem>> -> memref<1x128xi32, #tpu.memory_space<vmem>>
        %dma_start3A_369 = tpu.memref_squeeze %dma_start3A_368 : memref<1x128xi32, #tpu.memory_space<vmem>> -> memref<128xi32, #tpu.memory_space<vmem>>
        %dma_start3A_370 = arith.constant 0 : i32
        %dma_start3A_371 = tpu.memref_slice %arg4[%add3A, %add3A_178, %dma_start3A_370] : memref<32x80x128xi32, #tpu.memory_space<hbm>> -> memref<1x1x128xi32, #tpu.memory_space<hbm>>
        %dma_start3A_372 = tpu.memref_squeeze %dma_start3A_371 : memref<1x1x128xi32, #tpu.memory_space<hbm>> -> memref<128xi32, #tpu.memory_space<hbm>>
        tpu.enqueue_dma source(%dma_start3A_372 : memref<128xi32, #tpu.memory_space<hbm>>) target(%dma_start3A_369 : memref<128xi32, #tpu.memory_space<vmem>>) target_semaphore(%arg16 : memref<!tpu.dma_semaphore, #tpu.memory_space<semaphore_mem>>)
      } else {
      }
      %dma_wait3A_184 = arith.constant 0 : i32
      %dma_wait3A_185 = arith.constant 1 : i32
      %dma_wait3A_186 = arith.constant 0 : i32
      %dma_wait3A_187 = arith.constant 0 : i32
      %dma_wait3A_188 = tpu.memref_slice %arg10[%dma_wait3A_185, %dma_wait3A_186, %dma_wait3A_187] : memref<2x128x128xf32, #tpu.memory_space<vmem>> -> memref<1x128x128xf32, #tpu.memory_space<vmem>>
      %dma_wait3A_189 = tpu.memref_squeeze %dma_wait3A_188 : memref<1x128x128xf32, #tpu.memory_space<vmem>> -> memref<128x128xf32, #tpu.memory_space<vmem>>
      %dma_wait3A_190 = arith.constant 0 : i32
      %dma_wait3A_191 = tpu.memref_slice %arg8[%dma_wait3A_184, %dma_wait3A_190] : memref<80x128xi32, #tpu.memory_space<vmem>> -> memref<1x128xi32, #tpu.memory_space<vmem>>
      %dma_wait3A_192 = tpu.memref_squeeze %dma_wait3A_191 : memref<1x128xi32, #tpu.memory_space<vmem>> -> memref<128xi32, #tpu.memory_space<vmem>>
      %dma_wait3A_193 = arith.constant 0 : i32
      %dma_wait3A_194 = arith.constant 0 : i32
      %dma_wait3A_195 = tpu.memref_slice %arg2[%dma_wait3A_193, %dma_wait3A_194] : memref<10240x128xf32, #tpu.memory_space<hbm>> -> memref<10240x128xf32, #tpu.memory_space<hbm>>
      tpu.wait_indirect_dma semaphore(%arg12 : memref<!tpu.dma_semaphore, #tpu.memory_space<semaphore_mem>>) src(%dma_wait3A_195 : memref<10240x128xf32, #tpu.memory_space<hbm>>) dst(%dma_wait3A_189 : memref<128x128xf32, #tpu.memory_space<vmem>>)
      %dma_wait3A_196 = arith.constant 0 : i32
      %dma_wait3A_197 = arith.constant 1 : i32
      %dma_wait3A_198 = arith.constant 0 : i32
      %dma_wait3A_199 = tpu.memref_slice %arg9[%dma_wait3A_197, %dma_wait3A_198] : memref<4x128xi32, #tpu.memory_space<vmem>> -> memref<1x128xi32, #tpu.memory_space<vmem>>
      %dma_wait3A_200 = tpu.memref_squeeze %dma_wait3A_199 : memref<1x128xi32, #tpu.memory_space<vmem>> -> memref<128xi32, #tpu.memory_space<vmem>>
      %dma_wait3A_201 = arith.constant 0 : i32
      %dma_wait3A_202 = tpu.memref_slice %arg4[%add3A, %dma_wait3A_196, %dma_wait3A_201] : memref<32x80x128xi32, #tpu.memory_space<hbm>> -> memref<1x1x128xi32, #tpu.memory_space<hbm>>
      %dma_wait3A_203 = tpu.memref_squeeze %dma_wait3A_202 : memref<1x1x128xi32, #tpu.memory_space<hbm>> -> memref<128xi32, #tpu.memory_space<hbm>>
      %dma_wait3A_204 = arith.constant 0 : i32
      %dma_wait3A_205 = tpu.memref_slice %arg9[%dma_wait3A_197, %dma_wait3A_204] : memref<4x128xi32, #tpu.memory_space<vmem>> -> memref<1x128xi32, #tpu.memory_space<vmem>>
      %dma_wait3A_206 = tpu.memref_squeeze %dma_wait3A_205 : memref<1x128xi32, #tpu.memory_space<vmem>> -> memref<128xi32, #tpu.memory_space<vmem>>
      %dma_wait3A_207 = arith.constant 0 : i32
      %dma_wait3A_208 = tpu.memref_slice %arg4[%add3A, %dma_wait3A_196, %dma_wait3A_207] : memref<32x80x128xi32, #tpu.memory_space<hbm>> -> memref<1x1x128xi32, #tpu.memory_space<hbm>>
      %dma_wait3A_209 = tpu.memref_squeeze %dma_wait3A_208 : memref<1x1x128xi32, #tpu.memory_space<hbm>> -> memref<128xi32, #tpu.memory_space<hbm>>
      tpu.wait_dma2 semaphore(%arg17 : memref<!tpu.dma_semaphore, #tpu.memory_space<semaphore_mem>>) src(%dma_wait3A_209 : memref<128xi32, #tpu.memory_space<hbm>>) dst(%dma_wait3A_206 : memref<128xi32, #tpu.memory_space<vmem>>)
      %dma_start3A_210 = arith.constant 1 : i32
      %dma_start3A_211 = arith.constant 1 : i32
      %dma_start3A_212 = arith.constant 0 : i32
      %dma_start3A_213 = arith.constant 0 : i32
      %dma_start3A_214 = tpu.memref_slice %arg10[%dma_start3A_210, %dma_start3A_212, %dma_start3A_213] : memref<2x128x128xf32, #tpu.memory_space<vmem>> -> memref<1x128x128xf32, #tpu.memory_space<vmem>>
      %dma_start3A_215 = tpu.memref_squeeze %dma_start3A_214 : memref<1x128x128xf32, #tpu.memory_space<vmem>> -> memref<128x128xf32, #tpu.memory_space<vmem>>
      %dma_start3A_216 = arith.constant 0 : i32
      %dma_start3A_217 = tpu.memref_slice %arg9[%dma_start3A_211, %dma_start3A_216] : memref<4x128xi32, #tpu.memory_space<vmem>> -> memref<1x128xi32, #tpu.memory_space<vmem>>
      %dma_start3A_218 = tpu.memref_squeeze %dma_start3A_217 : memref<1x128xi32, #tpu.memory_space<vmem>> -> memref<128xi32, #tpu.memory_space<vmem>>
      %dma_start3A_219 = arith.constant 0 : i32
      %dma_start3A_220 = arith.constant 0 : i32
      %dma_start3A_221 = tpu.memref_slice %arg7[%dma_start3A_219, %dma_start3A_220] : memref<10240x128xf32, #tpu.memory_space<vmem_shared>> -> memref<10240x128xf32, #tpu.memory_space<vmem_shared>>
      tpu.enqueue_indirect_dma source(%dma_start3A_215 : memref<128x128xf32, #tpu.memory_space<vmem>>) target(%dma_start3A_221 : memref<10240x128xf32, #tpu.memory_space<vmem_shared>>) offsets(%dma_start3A_218 : memref<128xi32, #tpu.memory_space<vmem>>) semaphore(%arg14 : memref<!tpu.dma_semaphore, #tpu.memory_space<semaphore_mem>>) {add = true}
      %add3A_222 = arith.constant 2 : i32
      %add3A_223 = arith.addi %add3A_86, %add3A_222 : i32
      %dma_wait3A_224 = arith.constant 0 : i32
      %dma_wait3A_225 = arith.constant 0 : i32
      %dma_wait3A_226 = arith.constant 0 : i32
      %dma_wait3A_227 = arith.constant 0 : i32
      %dma_wait3A_228 = tpu.memref_slice %arg10[%dma_wait3A_224, %dma_wait3A_226, %dma_wait3A_227] : memref<2x128x128xf32, #tpu.memory_space<vmem>> -> memref<1x128x128xf32, #tpu.memory_space<vmem>>
      %dma_wait3A_229 = tpu.memref_squeeze %dma_wait3A_228 : memref<1x128x128xf32, #tpu.memory_space<vmem>> -> memref<128x128xf32, #tpu.memory_space<vmem>>
      %dma_wait3A_230 = arith.constant 0 : i32
      %dma_wait3A_231 = tpu.memref_slice %arg9[%dma_wait3A_225, %dma_wait3A_230] : memref<4x128xi32, #tpu.memory_space<vmem>> -> memref<1x128xi32, #tpu.memory_space<vmem>>
      %dma_wait3A_232 = tpu.memref_squeeze %dma_wait3A_231 : memref<1x128xi32, #tpu.memory_space<vmem>> -> memref<128xi32, #tpu.memory_space<vmem>>
      %dma_wait3A_233 = arith.constant 0 : i32
      %dma_wait3A_234 = arith.constant 0 : i32
      %dma_wait3A_235 = tpu.memref_slice %arg7[%dma_wait3A_233, %dma_wait3A_234] : memref<10240x128xf32, #tpu.memory_space<vmem_shared>> -> memref<10240x128xf32, #tpu.memory_space<vmem_shared>>
      tpu.wait_indirect_dma semaphore(%arg14 : memref<!tpu.dma_semaphore, #tpu.memory_space<semaphore_mem>>) src(%dma_wait3A_229 : memref<128x128xf32, #tpu.memory_space<vmem>>) dst(%dma_wait3A_235 : memref<10240x128xf32, #tpu.memory_space<vmem_shared>>)
      %add3A_236 = arith.constant 1 : i32
      %add3A_237 = arith.addi %add3A_223, %add3A_236 : i32
      %dma_start3A_238 = arith.constant 1 : i32
      %dma_start3A_239 = arith.constant 0 : i32
      %dma_start3A_240 = arith.constant 0 : i32
      %dma_start3A_241 = tpu.memref_slice %arg10[%dma_start3A_238, %dma_start3A_239, %dma_start3A_240] : memref<2x128x128xf32, #tpu.memory_space<vmem>> -> memref<1x128x128xf32, #tpu.memory_space<vmem>>
      %dma_start3A_242 = tpu.memref_squeeze %dma_start3A_241 : memref<1x128x128xf32, #tpu.memory_space<vmem>> -> memref<128x128xf32, #tpu.memory_space<vmem>>
      %dma_start3A_243 = arith.constant 0 : i32
      %dma_start3A_244 = tpu.memref_slice %arg8[%add3A_237, %dma_start3A_243] : memref<80x128xi32, #tpu.memory_space<vmem>> -> memref<1x128xi32, #tpu.memory_space<vmem>>
      %dma_start3A_245 = tpu.memref_squeeze %dma_start3A_244 : memref<1x128xi32, #tpu.memory_space<vmem>> -> memref<128xi32, #tpu.memory_space<vmem>>
      %dma_start3A_246 = arith.constant 0 : i32
      %dma_start3A_247 = arith.constant 0 : i32
      %dma_start3A_248 = tpu.memref_slice %arg2[%dma_start3A_246, %dma_start3A_247] : memref<10240x128xf32, #tpu.memory_space<hbm>> -> memref<10240x128xf32, #tpu.memory_space<hbm>>
      tpu.enqueue_indirect_dma source(%dma_start3A_248 : memref<10240x128xf32, #tpu.memory_space<hbm>>) target(%dma_start3A_242 : memref<128x128xf32, #tpu.memory_space<vmem>>) offsets(%dma_start3A_245 : memref<128xi32, #tpu.memory_space<vmem>>) semaphore(%arg12 : memref<!tpu.dma_semaphore, #tpu.memory_space<semaphore_mem>>)
      %add3A_249 = arith.constant 3 : i32
      %add3A_250 = arith.addi %add3A_223, %add3A_249 : i32
      %lt3A_251 = arith.constant 80 : i32
      %lt3A_252 = arith.cmpi slt, %add3A_250, %lt3A_251 : i32
      %convert_element_type3A_253 = arith.extui %lt3A_252 : i1 to i32
      %cond3A_254 = arith.constant 0 : i32
      %cond3A_255 = arith.cmpi ne, %convert_element_type3A_253, %cond3A_254 : i32
      scf.if %cond3A_255 {
        %dma_start3A_360 = arith.constant 1 : i32
        %dma_start3A_361 = arith.constant 0 : i32
        %dma_start3A_362 = tpu.memref_slice %arg9[%dma_start3A_360, %dma_start3A_361] : memref<4x128xi32, #tpu.memory_space<vmem>> -> memref<1x128xi32, #tpu.memory_space<vmem>>
        %dma_start3A_363 = tpu.memref_squeeze %dma_start3A_362 : memref<1x128xi32, #tpu.memory_space<vmem>> -> memref<128xi32, #tpu.memory_space<vmem>>
        %dma_start3A_364 = arith.constant 0 : i32
        %dma_start3A_365 = tpu.memref_slice %arg4[%add3A, %add3A_250, %dma_start3A_364] : memref<32x80x128xi32, #tpu.memory_space<hbm>> -> memref<1x1x128xi32, #tpu.memory_space<hbm>>
        %dma_start3A_366 = tpu.memref_squeeze %dma_start3A_365 : memref<1x1x128xi32, #tpu.memory_space<hbm>> -> memref<128xi32, #tpu.memory_space<hbm>>
        %dma_start3A_367 = arith.constant 0 : i32
        %dma_start3A_368 = tpu.memref_slice %arg9[%dma_start3A_360, %dma_start3A_367] : memref<4x128xi32, #tpu.memory_space<vmem>> -> memref<1x128xi32, #tpu.memory_space<vmem>>
        %dma_start3A_369 = tpu.memref_squeeze %dma_start3A_368 : memref<1x128xi32, #tpu.memory_space<vmem>> -> memref<128xi32, #tpu.memory_space<vmem>>
        %dma_start3A_370 = arith.constant 0 : i32
        %dma_start3A_371 = tpu.memref_slice %arg4[%add3A, %add3A_250, %dma_start3A_370] : memref<32x80x128xi32, #tpu.memory_space<hbm>> -> memref<1x1x128xi32, #tpu.memory_space<hbm>>
        %dma_start3A_372 = tpu.memref_squeeze %dma_start3A_371 : memref<1x1x128xi32, #tpu.memory_space<hbm>> -> memref<128xi32, #tpu.memory_space<hbm>>
        tpu.enqueue_dma source(%dma_start3A_372 : memref<128xi32, #tpu.memory_space<hbm>>) target(%dma_start3A_369 : memref<128xi32, #tpu.memory_space<vmem>>) target_semaphore(%arg17 : memref<!tpu.dma_semaphore, #tpu.memory_space<semaphore_mem>>)
      } else {
      }
      %dma_wait3A_256 = arith.constant 0 : i32
      %dma_wait3A_257 = arith.constant 0 : i32
      %dma_wait3A_258 = arith.constant 0 : i32
      %dma_wait3A_259 = arith.constant 0 : i32
      %dma_wait3A_260 = tpu.memref_slice %arg10[%dma_wait3A_257, %dma_wait3A_258, %dma_wait3A_259] : memref<2x128x128xf32, #tpu.memory_space<vmem>> -> memref<1x128x128xf32, #tpu.memory_space<vmem>>
      %dma_wait3A_261 = tpu.memref_squeeze %dma_wait3A_260 : memref<1x128x128xf32, #tpu.memory_space<vmem>> -> memref<128x128xf32, #tpu.memory_space<vmem>>
      %dma_wait3A_262 = arith.constant 0 : i32
      %dma_wait3A_263 = tpu.memref_slice %arg8[%dma_wait3A_256, %dma_wait3A_262] : memref<80x128xi32, #tpu.memory_space<vmem>> -> memref<1x128xi32, #tpu.memory_space<vmem>>
      %dma_wait3A_264 = tpu.memref_squeeze %dma_wait3A_263 : memref<1x128xi32, #tpu.memory_space<vmem>> -> memref<128xi32, #tpu.memory_space<vmem>>
      %dma_wait3A_265 = arith.constant 0 : i32
      %dma_wait3A_266 = arith.constant 0 : i32
      %dma_wait3A_267 = tpu.memref_slice %arg2[%dma_wait3A_265, %dma_wait3A_266] : memref<10240x128xf32, #tpu.memory_space<hbm>> -> memref<10240x128xf32, #tpu.memory_space<hbm>>
      tpu.wait_indirect_dma semaphore(%arg11 : memref<!tpu.dma_semaphore, #tpu.memory_space<semaphore_mem>>) src(%dma_wait3A_267 : memref<10240x128xf32, #tpu.memory_space<hbm>>) dst(%dma_wait3A_261 : memref<128x128xf32, #tpu.memory_space<vmem>>)
      %dma_wait3A_268 = arith.constant 0 : i32
      %dma_wait3A_269 = arith.constant 2 : i32
      %dma_wait3A_270 = arith.constant 0 : i32
      %dma_wait3A_271 = tpu.memref_slice %arg9[%dma_wait3A_269, %dma_wait3A_270] : memref<4x128xi32, #tpu.memory_space<vmem>> -> memref<1x128xi32, #tpu.memory_space<vmem>>
      %dma_wait3A_272 = tpu.memref_squeeze %dma_wait3A_271 : memref<1x128xi32, #tpu.memory_space<vmem>> -> memref<128xi32, #tpu.memory_space<vmem>>
      %dma_wait3A_273 = arith.constant 0 : i32
      %dma_wait3A_274 = tpu.memref_slice %arg4[%add3A, %dma_wait3A_268, %dma_wait3A_273] : memref<32x80x128xi32, #tpu.memory_space<hbm>> -> memref<1x1x128xi32, #tpu.memory_space<hbm>>
      %dma_wait3A_275 = tpu.memref_squeeze %dma_wait3A_274 : memref<1x1x128xi32, #tpu.memory_space<hbm>> -> memref<128xi32, #tpu.memory_space<hbm>>
      %dma_wait3A_276 = arith.constant 0 : i32
      %dma_wait3A_277 = tpu.memref_slice %arg9[%dma_wait3A_269, %dma_wait3A_276] : memref<4x128xi32, #tpu.memory_space<vmem>> -> memref<1x128xi32, #tpu.memory_space<vmem>>
      %dma_wait3A_278 = tpu.memref_squeeze %dma_wait3A_277 : memref<1x128xi32, #tpu.memory_space<vmem>> -> memref<128xi32, #tpu.memory_space<vmem>>
      %dma_wait3A_279 = arith.constant 0 : i32
      %dma_wait3A_280 = tpu.memref_slice %arg4[%add3A, %dma_wait3A_268, %dma_wait3A_279] : memref<32x80x128xi32, #tpu.memory_space<hbm>> -> memref<1x1x128xi32, #tpu.memory_space<hbm>>
      %dma_wait3A_281 = tpu.memref_squeeze %dma_wait3A_280 : memref<1x1x128xi32, #tpu.memory_space<hbm>> -> memref<128xi32, #tpu.memory_space<hbm>>
      tpu.wait_dma2 semaphore(%arg18 : memref<!tpu.dma_semaphore, #tpu.memory_space<semaphore_mem>>) src(%dma_wait3A_281 : memref<128xi32, #tpu.memory_space<hbm>>) dst(%dma_wait3A_278 : memref<128xi32, #tpu.memory_space<vmem>>)
      %dma_start3A_282 = arith.constant 0 : i32
      %dma_start3A_283 = arith.constant 2 : i32
      %dma_start3A_284 = arith.constant 0 : i32
      %dma_start3A_285 = arith.constant 0 : i32
      %dma_start3A_286 = tpu.memref_slice %arg10[%dma_start3A_282, %dma_start3A_284, %dma_start3A_285] : memref<2x128x128xf32, #tpu.memory_space<vmem>> -> memref<1x128x128xf32, #tpu.memory_space<vmem>>
      %dma_start3A_287 = tpu.memref_squeeze %dma_start3A_286 : memref<1x128x128xf32, #tpu.memory_space<vmem>> -> memref<128x128xf32, #tpu.memory_space<vmem>>
      %dma_start3A_288 = arith.constant 0 : i32
      %dma_start3A_289 = tpu.memref_slice %arg9[%dma_start3A_283, %dma_start3A_288] : memref<4x128xi32, #tpu.memory_space<vmem>> -> memref<1x128xi32, #tpu.memory_space<vmem>>
      %dma_start3A_290 = tpu.memref_squeeze %dma_start3A_289 : memref<1x128xi32, #tpu.memory_space<vmem>> -> memref<128xi32, #tpu.memory_space<vmem>>
      %dma_start3A_291 = arith.constant 0 : i32
      %dma_start3A_292 = arith.constant 0 : i32
      %dma_start3A_293 = tpu.memref_slice %arg7[%dma_start3A_291, %dma_start3A_292] : memref<10240x128xf32, #tpu.memory_space<vmem_shared>> -> memref<10240x128xf32, #tpu.memory_space<vmem_shared>>
      tpu.enqueue_indirect_dma source(%dma_start3A_287 : memref<128x128xf32, #tpu.memory_space<vmem>>) target(%dma_start3A_293 : memref<10240x128xf32, #tpu.memory_space<vmem_shared>>) offsets(%dma_start3A_290 : memref<128xi32, #tpu.memory_space<vmem>>) semaphore(%arg13 : memref<!tpu.dma_semaphore, #tpu.memory_space<semaphore_mem>>) {add = true}
      %add3A_294 = arith.constant 3 : i32
      %add3A_295 = arith.addi %add3A_86, %add3A_294 : i32
      %dma_wait3A_296 = arith.constant 0 : i32
      %dma_wait3A_297 = arith.constant 0 : i32
      %dma_wait3A_298 = arith.constant 0 : i32
      %dma_wait3A_299 = arith.constant 0 : i32
      %dma_wait3A_300 = tpu.memref_slice %arg10[%dma_wait3A_296, %dma_wait3A_298, %dma_wait3A_299] : memref<2x128x128xf32, #tpu.memory_space<vmem>> -> memref<1x128x128xf32, #tpu.memory_space<vmem>>
      %dma_wait3A_301 = tpu.memref_squeeze %dma_wait3A_300 : memref<1x128x128xf32, #tpu.memory_space<vmem>> -> memref<128x128xf32, #tpu.memory_space<vmem>>
      %dma_wait3A_302 = arith.constant 0 : i32
      %dma_wait3A_303 = tpu.memref_slice %arg9[%dma_wait3A_297, %dma_wait3A_302] : memref<4x128xi32, #tpu.memory_space<vmem>> -> memref<1x128xi32, #tpu.memory_space<vmem>>
      %dma_wait3A_304 = tpu.memref_squeeze %dma_wait3A_303 : memref<1x128xi32, #tpu.memory_space<vmem>> -> memref<128xi32, #tpu.memory_space<vmem>>
      %dma_wait3A_305 = arith.constant 0 : i32
      %dma_wait3A_306 = arith.constant 0 : i32
      %dma_wait3A_307 = tpu.memref_slice %arg7[%dma_wait3A_305, %dma_wait3A_306] : memref<10240x128xf32, #tpu.memory_space<vmem_shared>> -> memref<10240x128xf32, #tpu.memory_space<vmem_shared>>
      tpu.wait_indirect_dma semaphore(%arg13 : memref<!tpu.dma_semaphore, #tpu.memory_space<semaphore_mem>>) src(%dma_wait3A_301 : memref<128x128xf32, #tpu.memory_space<vmem>>) dst(%dma_wait3A_307 : memref<10240x128xf32, #tpu.memory_space<vmem_shared>>)
      %add3A_308 = arith.constant 1 : i32
      %add3A_309 = arith.addi %add3A_295, %add3A_308 : i32
      %lt3A_310 = arith.constant 80 : i32
      %lt3A_311 = arith.cmpi slt, %add3A_309, %lt3A_310 : i32
      %convert_element_type3A_312 = arith.extui %lt3A_311 : i1 to i32
      %cond3A_313 = arith.constant 0 : i32
      %cond3A_314 = arith.cmpi ne, %convert_element_type3A_312, %cond3A_313 : i32
      scf.if %cond3A_314 {
        %dma_start3A_360 = arith.constant 0 : i32
        %dma_start3A_361 = arith.constant 0 : i32
        %dma_start3A_362 = arith.constant 0 : i32
        %dma_start3A_363 = tpu.memref_slice %arg10[%dma_start3A_360, %dma_start3A_361, %dma_start3A_362] : memref<2x128x128xf32, #tpu.memory_space<vmem>> -> memref<1x128x128xf32, #tpu.memory_space<vmem>>
        %dma_start3A_364 = tpu.memref_squeeze %dma_start3A_363 : memref<1x128x128xf32, #tpu.memory_space<vmem>> -> memref<128x128xf32, #tpu.memory_space<vmem>>
        %dma_start3A_365 = arith.constant 0 : i32
        %dma_start3A_366 = tpu.memref_slice %arg8[%add3A_309, %dma_start3A_365] : memref<80x128xi32, #tpu.memory_space<vmem>> -> memref<1x128xi32, #tpu.memory_space<vmem>>
        %dma_start3A_367 = tpu.memref_squeeze %dma_start3A_366 : memref<1x128xi32, #tpu.memory_space<vmem>> -> memref<128xi32, #tpu.memory_space<vmem>>
        %dma_start3A_368 = arith.constant 0 : i32
        %dma_start3A_369 = arith.constant 0 : i32
        %dma_start3A_370 = tpu.memref_slice %arg2[%dma_start3A_368, %dma_start3A_369] : memref<10240x128xf32, #tpu.memory_space<hbm>> -> memref<10240x128xf32, #tpu.memory_space<hbm>>
        tpu.enqueue_indirect_dma source(%dma_start3A_370 : memref<10240x128xf32, #tpu.memory_space<hbm>>) target(%dma_start3A_364 : memref<128x128xf32, #tpu.memory_space<vmem>>) offsets(%dma_start3A_367 : memref<128xi32, #tpu.memory_space<vmem>>) semaphore(%arg11 : memref<!tpu.dma_semaphore, #tpu.memory_space<semaphore_mem>>)
      } else {
      }
      %add3A_315 = arith.constant 3 : i32
      %add3A_316 = arith.addi %add3A_295, %add3A_315 : i32
      %lt3A_317 = arith.constant 80 : i32
      %lt3A_318 = arith.cmpi slt, %add3A_316, %lt3A_317 : i32
      %convert_element_type3A_319 = arith.extui %lt3A_318 : i1 to i32
      %cond3A_320 = arith.constant 0 : i32
      %cond3A_321 = arith.cmpi ne, %convert_element_type3A_319, %cond3A_320 : i32
      scf.if %cond3A_321 {
        %dma_start3A_360 = arith.constant 2 : i32
        %dma_start3A_361 = arith.constant 0 : i32
        %dma_start3A_362 = tpu.memref_slice %arg9[%dma_start3A_360, %dma_start3A_361] : memref<4x128xi32, #tpu.memory_space<vmem>> -> memref<1x128xi32, #tpu.memory_space<vmem>>
        %dma_start3A_363 = tpu.memref_squeeze %dma_start3A_362 : memref<1x128xi32, #tpu.memory_space<vmem>> -> memref<128xi32, #tpu.memory_space<vmem>>
        %dma_start3A_364 = arith.constant 0 : i32
        %dma_start3A_365 = tpu.memref_slice %arg4[%add3A, %add3A_316, %dma_start3A_364] : memref<32x80x128xi32, #tpu.memory_space<hbm>> -> memref<1x1x128xi32, #tpu.memory_space<hbm>>
        %dma_start3A_366 = tpu.memref_squeeze %dma_start3A_365 : memref<1x1x128xi32, #tpu.memory_space<hbm>> -> memref<128xi32, #tpu.memory_space<hbm>>
        %dma_start3A_367 = arith.constant 0 : i32
        %dma_start3A_368 = tpu.memref_slice %arg9[%dma_start3A_360, %dma_start3A_367] : memref<4x128xi32, #tpu.memory_space<vmem>> -> memref<1x128xi32, #tpu.memory_space<vmem>>
        %dma_start3A_369 = tpu.memref_squeeze %dma_start3A_368 : memref<1x128xi32, #tpu.memory_space<vmem>> -> memref<128xi32, #tpu.memory_space<vmem>>
        %dma_start3A_370 = arith.constant 0 : i32
        %dma_start3A_371 = tpu.memref_slice %arg4[%add3A, %add3A_316, %dma_start3A_370] : memref<32x80x128xi32, #tpu.memory_space<hbm>> -> memref<1x1x128xi32, #tpu.memory_space<hbm>>
        %dma_start3A_372 = tpu.memref_squeeze %dma_start3A_371 : memref<1x1x128xi32, #tpu.memory_space<hbm>> -> memref<128xi32, #tpu.memory_space<hbm>>
        tpu.enqueue_dma source(%dma_start3A_372 : memref<128xi32, #tpu.memory_space<hbm>>) target(%dma_start3A_369 : memref<128xi32, #tpu.memory_space<vmem>>) target_semaphore(%arg18 : memref<!tpu.dma_semaphore, #tpu.memory_space<semaphore_mem>>)
      } else {
      }
      %dma_wait3A_322 = arith.constant 0 : i32
      %dma_wait3A_323 = arith.constant 1 : i32
      %dma_wait3A_324 = arith.constant 0 : i32
      %dma_wait3A_325 = arith.constant 0 : i32
      %dma_wait3A_326 = tpu.memref_slice %arg10[%dma_wait3A_323, %dma_wait3A_324, %dma_wait3A_325] : memref<2x128x128xf32, #tpu.memory_space<vmem>> -> memref<1x128x128xf32, #tpu.memory_space<vmem>>
      %dma_wait3A_327 = tpu.memref_squeeze %dma_wait3A_326 : memref<1x128x128xf32, #tpu.memory_space<vmem>> -> memref<128x128xf32, #tpu.memory_space<vmem>>
      %dma_wait3A_328 = arith.constant 0 : i32
      %dma_wait3A_329 = tpu.memref_slice %arg8[%dma_wait3A_322, %dma_wait3A_328] : memref<80x128xi32, #tpu.memory_space<vmem>> -> memref<1x128xi32, #tpu.memory_space<vmem>>
      %dma_wait3A_330 = tpu.memref_squeeze %dma_wait3A_329 : memref<1x128xi32, #tpu.memory_space<vmem>> -> memref<128xi32, #tpu.memory_space<vmem>>
      %dma_wait3A_331 = arith.constant 0 : i32
      %dma_wait3A_332 = arith.constant 0 : i32
      %dma_wait3A_333 = tpu.memref_slice %arg2[%dma_wait3A_331, %dma_wait3A_332] : memref<10240x128xf32, #tpu.memory_space<hbm>> -> memref<10240x128xf32, #tpu.memory_space<hbm>>
      tpu.wait_indirect_dma semaphore(%arg12 : memref<!tpu.dma_semaphore, #tpu.memory_space<semaphore_mem>>) src(%dma_wait3A_333 : memref<10240x128xf32, #tpu.memory_space<hbm>>) dst(%dma_wait3A_327 : memref<128x128xf32, #tpu.memory_space<vmem>>)
      %dma_wait3A_334 = arith.constant 0 : i32
      %dma_wait3A_335 = arith.constant 3 : i32
      %dma_wait3A_336 = arith.constant 0 : i32
      %dma_wait3A_337 = tpu.memref_slice %arg9[%dma_wait3A_335, %dma_wait3A_336] : memref<4x128xi32, #tpu.memory_space<vmem>> -> memref<1x128xi32, #tpu.memory_space<vmem>>
      %dma_wait3A_338 = tpu.memref_squeeze %dma_wait3A_337 : memref<1x128xi32, #tpu.memory_space<vmem>> -> memref<128xi32, #tpu.memory_space<vmem>>
      %dma_wait3A_339 = arith.constant 0 : i32
      %dma_wait3A_340 = tpu.memref_slice %arg4[%add3A, %dma_wait3A_334, %dma_wait3A_339] : memref<32x80x128xi32, #tpu.memory_space<hbm>> -> memref<1x1x128xi32, #tpu.memory_space<hbm>>
      %dma_wait3A_341 = tpu.memref_squeeze %dma_wait3A_340 : memref<1x1x128xi32, #tpu.memory_space<hbm>> -> memref<128xi32, #tpu.memory_space<hbm>>
      %dma_wait3A_342 = arith.constant 0 : i32
      %dma_wait3A_343 = tpu.memref_slice %arg9[%dma_wait3A_335, %dma_wait3A_342] : memref<4x128xi32, #tpu.memory_space<vmem>> -> memref<1x128xi32, #tpu.memory_space<vmem>>
      %dma_wait3A_344 = tpu.memref_squeeze %dma_wait3A_343 : memref<1x128xi32, #tpu.memory_space<vmem>> -> memref<128xi32, #tpu.memory_space<vmem>>
      %dma_wait3A_345 = arith.constant 0 : i32
      %dma_wait3A_346 = tpu.memref_slice %arg4[%add3A, %dma_wait3A_334, %dma_wait3A_345] : memref<32x80x128xi32, #tpu.memory_space<hbm>> -> memref<1x1x128xi32, #tpu.memory_space<hbm>>
      %dma_wait3A_347 = tpu.memref_squeeze %dma_wait3A_346 : memref<1x1x128xi32, #tpu.memory_space<hbm>> -> memref<128xi32, #tpu.memory_space<hbm>>
      tpu.wait_dma2 semaphore(%arg19 : memref<!tpu.dma_semaphore, #tpu.memory_space<semaphore_mem>>) src(%dma_wait3A_347 : memref<128xi32, #tpu.memory_space<hbm>>) dst(%dma_wait3A_344 : memref<128xi32, #tpu.memory_space<vmem>>)
      %dma_start3A_348 = arith.constant 1 : i32
      %dma_start3A_349 = arith.constant 3 : i32
      %dma_start3A_350 = arith.constant 0 : i32
      %dma_start3A_351 = arith.constant 0 : i32
      %dma_start3A_352 = tpu.memref_slice %arg10[%dma_start3A_348, %dma_start3A_350, %dma_start3A_351] : memref<2x128x128xf32, #tpu.memory_space<vmem>> -> memref<1x128x128xf32, #tpu.memory_space<vmem>>
      %dma_start3A_353 = tpu.memref_squeeze %dma_start3A_352 : memref<1x128x128xf32, #tpu.memory_space<vmem>> -> memref<128x128xf32, #tpu.memory_space<vmem>>
      %dma_start3A_354 = arith.constant 0 : i32
      %dma_start3A_355 = tpu.memref_slice %arg9[%dma_start3A_349, %dma_start3A_354] : memref<4x128xi32, #tpu.memory_space<vmem>> -> memref<1x128xi32, #tpu.memory_space<vmem>>
      %dma_start3A_356 = tpu.memref_squeeze %dma_start3A_355 : memref<1x128xi32, #tpu.memory_space<vmem>> -> memref<128xi32, #tpu.memory_space<vmem>>
      %dma_start3A_357 = arith.constant 0 : i32
      %dma_start3A_358 = arith.constant 0 : i32
      %dma_start3A_359 = tpu.memref_slice %arg7[%dma_start3A_357, %dma_start3A_358] : memref<10240x128xf32, #tpu.memory_space<vmem_shared>> -> memref<10240x128xf32, #tpu.memory_space<vmem_shared>>
      tpu.enqueue_indirect_dma source(%dma_start3A_353 : memref<128x128xf32, #tpu.memory_space<vmem>>) target(%dma_start3A_359 : memref<10240x128xf32, #tpu.memory_space<vmem_shared>>) offsets(%dma_start3A_356 : memref<128xi32, #tpu.memory_space<vmem>>) semaphore(%arg14 : memref<!tpu.dma_semaphore, #tpu.memory_space<semaphore_mem>>) {add = true}
    }
    %scan3A_68 = arith.constant 20 : i32
    %dma_wait3A_69 = arith.constant 0 : i32
    %dma_wait3A_70 = arith.constant 0 : i32
    %dma_wait3A_71 = arith.constant 0 : i32
    %dma_wait3A_72 = arith.constant 0 : i32
    %dma_wait3A_73 = tpu.memref_slice %arg10[%dma_wait3A_69, %dma_wait3A_71, %dma_wait3A_72] : memref<2x128x128xf32, #tpu.memory_space<vmem>> -> memref<1x128x128xf32, #tpu.memory_space<vmem>>
    %dma_wait3A_74 = tpu.memref_squeeze %dma_wait3A_73 : memref<1x128x128xf32, #tpu.memory_space<vmem>> -> memref<128x128xf32, #tpu.memory_space<vmem>>
    %dma_wait3A_75 = arith.constant 0 : i32
    %dma_wait3A_76 = tpu.memref_slice %arg9[%dma_wait3A_70, %dma_wait3A_75] : memref<4x128xi32, #tpu.memory_space<vmem>> -> memref<1x128xi32, #tpu.memory_space<vmem>>
    %dma_wait3A_77 = tpu.memref_squeeze %dma_wait3A_76 : memref<1x128xi32, #tpu.memory_space<vmem>> -> memref<128xi32, #tpu.memory_space<vmem>>
    %dma_wait3A_78 = arith.constant 0 : i32
    %dma_wait3A_79 = arith.constant 0 : i32
    %dma_wait3A_80 = tpu.memref_slice %arg7[%dma_wait3A_78, %dma_wait3A_79] : memref<10240x128xf32, #tpu.memory_space<vmem_shared>> -> memref<10240x128xf32, #tpu.memory_space<vmem_shared>>
    tpu.wait_indirect_dma semaphore(%arg14 : memref<!tpu.dma_semaphore, #tpu.memory_space<semaphore_mem>>) src(%dma_wait3A_74 : memref<128x128xf32, #tpu.memory_space<vmem>>) dst(%dma_wait3A_80 : memref<10240x128xf32, #tpu.memory_space<vmem_shared>>)
    %barrier3A_81 = arith.constant 0 : index
    tpu.barrier barrier_id(%barrier3A_81)
    "tpu.region"() ({
      %run_scoped3A = tpu.sem_alloc : memref<!tpu.dma_semaphore, #tpu.memory_space<semaphore_mem>>
      %dma_start3A_82 = arith.constant 0 : i32
      %dma_start3A_83 = tpu.memref_slice %arg6[%arg0, %mul3A_2, %dma_start3A_82] : memref<2x10240x128xf32, #tpu.memory_space<hbm>> -> memref<1x640x128xf32, #tpu.memory_space<hbm>>
      %dma_start3A_84 = tpu.memref_squeeze %dma_start3A_83 : memref<1x640x128xf32, #tpu.memory_space<hbm>> -> memref<640x128xf32, #tpu.memory_space<hbm>>
      %dma_start3A_85 = arith.constant 0 : i32
      %dma_start3A_86 = tpu.memref_slice %arg7[%mul3A_2, %dma_start3A_85] : memref<10240x128xf32, #tpu.memory_space<vmem_shared>> -> memref<640x128xf32, #tpu.memory_space<vmem_shared>>
      tpu.enqueue_dma source(%dma_start3A_86 : memref<640x128xf32, #tpu.memory_space<vmem_shared>>) target(%dma_start3A_84 : memref<640x128xf32, #tpu.memory_space<hbm>>) target_semaphore(%run_scoped3A : memref<!tpu.dma_semaphore, #tpu.memory_space<semaphore_mem>>)
      %dma_wait3A_87 = arith.constant 0 : i32
      %dma_wait3A_88 = tpu.memref_slice %arg6[%arg0, %mul3A_2, %dma_wait3A_87] : memref<2x10240x128xf32, #tpu.memory_space<hbm>> -> memref<1x640x128xf32, #tpu.memory_space<hbm>>
      %dma_wait3A_89 = tpu.memref_squeeze %dma_wait3A_88 : memref<1x640x128xf32, #tpu.memory_space<hbm>> -> memref<640x128xf32, #tpu.memory_space<hbm>>
      %dma_wait3A_90 = arith.constant 0 : i32
      %dma_wait3A_91 = tpu.memref_slice %arg7[%mul3A_2, %dma_wait3A_90] : memref<10240x128xf32, #tpu.memory_space<vmem_shared>> -> memref<640x128xf32, #tpu.memory_space<vmem_shared>>
      tpu.wait_dma2 semaphore(%run_scoped3A : memref<!tpu.dma_semaphore, #tpu.memory_space<semaphore_mem>>) src(%dma_wait3A_91 : memref<640x128xf32, #tpu.memory_space<vmem_shared>>) dst(%dma_wait3A_89 : memref<640x128xf32, #tpu.memory_space<hbm>>)
      tpu.yield
    }) : () -> ()
    return
  }
}

#map = affine_map<(d0, d1) -> (0, 0)>
#map1 = affine_map<(d0, d1) -> (0, 0, 0)>
module attributes {stable_mosaic.version = 14 : i64} {
  func.func @scat_kernel(%arg0: i32, %arg1: i32, %arg2: memref<10240x128xf32, #tpu.memory_space<hbm>>, %arg3: memref<32x80x128xi32, #tpu.memory_space<hbm>>, %arg4: memref<32x80x128xi32, #tpu.memory_space<hbm>>, %arg5: memref<10240x128xf32, #tpu.memory_space<hbm>>, %arg6: memref<2x10240x128xf32, #tpu.memory_space<hbm>>, %arg7: memref<10240x128xf32, #tpu.memory_space<vmem_shared>>, %arg8: memref<80x128xi32, #tpu.memory_space<vmem>>, %arg9: memref<4x128xi32, #tpu.memory_space<vmem>>, %arg10: memref<2x128x128xf32, #tpu.memory_space<vmem>>, %arg11: memref<!tpu.dma_semaphore, #tpu.memory_space<semaphore_mem>>, %arg12: memref<!tpu.dma_semaphore, #tpu.memory_space<semaphore_mem>>, %arg13: memref<!tpu.dma_semaphore, #tpu.memory_space<semaphore_mem>>, %arg14: memref<!tpu.dma_semaphore, #tpu.memory_space<semaphore_mem>>, %arg15: memref<!tpu.dma_semaphore, #tpu.memory_space<semaphore_mem>>, %arg16: memref<!tpu.dma_semaphore, #tpu.memory_space<semaphore_mem>>, %arg17: memref<!tpu.dma_semaphore, #tpu.memory_space<semaphore_mem>>, %arg18: memref<!tpu.dma_semaphore, #tpu.memory_space<semaphore_mem>>, %arg19: memref<!tpu.dma_semaphore, #tpu.memory_space<semaphore_mem>>) attributes {dimension_semantics = [#tpu.dimension_semantics<core_parallel>, #tpu.dimension_semantics<subcore_parallel>], iteration_bounds = array<i64: 2, 16>, scalar_prefetch = 0 : i64, scratch_operands = 13 : i64, tpu.core_type = #tpu.core_type<sc_vector_subcore>, window_params = [{transform_indices = #map}, {transform_indices = #map1}, {transform_indices = #map1}, {transform_indices = #map}, {transform_indices = #map1}]} {
    %mul3A = arith.constant 16 : i32
    %mul3A_0 = arith.muli %arg0, %mul3A : i32
    %add3A = arith.addi %mul3A_0, %arg1 : i32
    %mul3A_1 = arith.constant 640 : i32
    %mul3A_2 = arith.muli %arg1, %mul3A_1 : i32
    %eq3A = arith.constant 0 : i32
    %eq3A_3 = arith.cmpi eq, %arg0, %eq3A : i32
    %convert_element_type3A = arith.extui %eq3A_3 : i1 to i32
    %cond3A = arith.constant 0 : i32
    %cond3A_4 = arith.cmpi ne, %convert_element_type3A, %cond3A : i32
    scf.if %cond3A_4 {
      %dma_start3A_82 = arith.constant 0 : i32
      %dma_start3A_83 = tpu.memref_slice %arg7[%mul3A_2, %dma_start3A_82] : memref<10240x128xf32, #tpu.memory_space<vmem_shared>> -> memref<640x128xf32, #tpu.memory_space<vmem_shared>>
      %dma_start3A_84 = arith.constant 0 : i32
      %dma_start3A_85 = tpu.memref_slice %arg2[%mul3A_2, %dma_start3A_84] : memref<10240x128xf32, #tpu.memory_space<hbm>> -> memref<640x128xf32, #tpu.memory_space<hbm>>
      tpu.enqueue_dma source(%dma_start3A_85 : memref<640x128xf32, #tpu.memory_space<hbm>>) target(%dma_start3A_83 : memref<640x128xf32, #tpu.memory_space<vmem_shared>>) target_semaphore(%arg15 : memref<!tpu.dma_semaphore, #tpu.memory_space<semaphore_mem>>)
    } else {
    }
    %ne3A = arith.constant 0 : i32
    %ne3A_5 = arith.cmpi ne, %arg0, %ne3A : i32
    %convert_element_type3A_6 = arith.extui %ne3A_5 : i1 to i32
    %cond3A_7 = arith.constant 0 : i32
    %cond3A_8 = arith.cmpi ne, %convert_element_type3A_6, %cond3A_7 : i32
    scf.if %cond3A_8 {
      %dma_start3A_82 = arith.constant 0 : i32
      %dma_start3A_83 = tpu.memref_slice %arg7[%mul3A_2, %dma_start3A_82] : memref<10240x128xf32, #tpu.memory_space<vmem_shared>> -> memref<640x128xf32, #tpu.memory_space<vmem_shared>>
      %dma_start3A_84 = arith.constant 0 : i32
      %dma_start3A_85 = tpu.memref_slice %arg5[%mul3A_2, %dma_start3A_84] : memref<10240x128xf32, #tpu.memory_space<hbm>> -> memref<640x128xf32, #tpu.memory_space<hbm>>
      tpu.enqueue_dma source(%dma_start3A_85 : memref<640x128xf32, #tpu.memory_space<hbm>>) target(%dma_start3A_83 : memref<640x128xf32, #tpu.memory_space<vmem_shared>>) target_semaphore(%arg15 : memref<!tpu.dma_semaphore, #tpu.memory_space<semaphore_mem>>)
    } else {
    }
    "tpu.region"() ({
      %run_scoped3A = tpu.sem_alloc : memref<!tpu.dma_semaphore, #tpu.memory_space<semaphore_mem>>
      %dma_start3A_82 = arith.constant 0 : i32
      %dma_start3A_83 = arith.constant 0 : i32
      %dma_start3A_84 = tpu.memref_slice %arg3[%add3A, %dma_start3A_82, %dma_start3A_83] : memref<32x80x128xi32, #tpu.memory_space<hbm>> -> memref<1x80x128xi32, #tpu.memory_space<hbm>>
      %dma_start3A_85 = tpu.memref_squeeze %dma_start3A_84 : memref<1x80x128xi32, #tpu.memory_space<hbm>> -> memref<80x128xi32, #tpu.memory_space<hbm>>
      %dma_start3A_86 = arith.constant 0 : i32
      %dma_start3A_87 = arith.constant 0 : i32
      %dma_start3A_88 = tpu.memref_slice %arg3[%add3A, %dma_start3A_86, %dma_start3A_87] : memref<32x80x128xi32, #tpu.memory_space<hbm>> -> memref<1x80x128xi32, #tpu.memory_space<hbm>>
      %dma_start3A_89 = tpu.memref_squeeze %dma_start3A_88 : memref<1x80x128xi32, #tpu.memory_space<hbm>> -> memref<80x128xi32, #tpu.memory_space<hbm>>
      tpu.enqueue_dma source(%dma_start3A_89 : memref<80x128xi32, #tpu.memory_space<hbm>>) target(%arg8 : memref<80x128xi32, #tpu.memory_space<vmem>>) target_semaphore(%run_scoped3A : memref<!tpu.dma_semaphore, #tpu.memory_space<semaphore_mem>>)
      %dma_wait3A_90 = arith.constant 0 : i32
      %dma_wait3A_91 = arith.constant 0 : i32
      %dma_wait3A_92 = tpu.memref_slice %arg3[%add3A, %dma_wait3A_90, %dma_wait3A_91] : memref<32x80x128xi32, #tpu.memory_space<hbm>> -> memref<1x80x128xi32, #tpu.memory_space<hbm>>
      %dma_wait3A_93 = tpu.memref_squeeze %dma_wait3A_92 : memref<1x80x128xi32, #tpu.memory_space<hbm>> -> memref<80x128xi32, #tpu.memory_space<hbm>>
      %dma_wait3A_94 = arith.constant 0 : i32
      %dma_wait3A_95 = arith.constant 0 : i32
      %dma_wait3A_96 = tpu.memref_slice %arg3[%add3A, %dma_wait3A_94, %dma_wait3A_95] : memref<32x80x128xi32, #tpu.memory_space<hbm>> -> memref<1x80x128xi32, #tpu.memory_space<hbm>>
      %dma_wait3A_97 = tpu.memref_squeeze %dma_wait3A_96 : memref<1x80x128xi32, #tpu.memory_space<hbm>> -> memref<80x128xi32, #tpu.memory_space<hbm>>
      tpu.wait_dma2 semaphore(%run_scoped3A : memref<!tpu.dma_semaphore, #tpu.memory_space<semaphore_mem>>) src(%dma_wait3A_97 : memref<80x128xi32, #tpu.memory_space<hbm>>) dst(%arg8 : memref<80x128xi32, #tpu.memory_space<vmem>>)
      tpu.yield
    }) : () -> ()
    %dma_start3A = arith.constant 0 : i32
    %dma_start3A_9 = arith.constant 0 : i32
    %dma_start3A_10 = arith.constant 0 : i32
    %dma_start3A_11 = tpu.memref_slice %arg9[%dma_start3A_9, %dma_start3A_10] : memref<4x128xi32, #tpu.memory_space<vmem>> -> memref<1x128xi32, #tpu.memory_space<vmem>>
    %dma_start3A_12 = tpu.memref_squeeze %dma_start3A_11 : memref<1x128xi32, #tpu.memory_space<vmem>> -> memref<128xi32, #tpu.memory_space<vmem>>
    %dma_start3A_13 = arith.constant 0 : i32
    %dma_start3A_14 = tpu.memref_slice %arg4[%add3A, %dma_start3A, %dma_start3A_13] : memref<32x80x128xi32, #tpu.memory_space<hbm>> -> memref<1x1x128xi32, #tpu.memory_space<hbm>>
    %dma_start3A_15 = tpu.memref_squeeze %dma_start3A_14 : memref<1x1x128xi32, #tpu.memory_space<hbm>> -> memref<128xi32, #tpu.memory_space<hbm>>
    %dma_start3A_16 = arith.constant 0 : i32
    %dma_start3A_17 = tpu.memref_slice %arg9[%dma_start3A_9, %dma_start3A_16] : memref<4x128xi32, #tpu.memory_space<vmem>> -> memref<1x128xi32, #tpu.memory_space<vmem>>
    %dma_start3A_18 = tpu.memref_squeeze %dma_start3A_17 : memref<1x128xi32, #tpu.memory_space<vmem>> -> memref<128xi32, #tpu.memory_space<vmem>>
    %dma_start3A_19 = arith.constant 0 : i32
    %dma_start3A_20 = tpu.memref_slice %arg4[%add3A, %dma_start3A, %dma_start3A_19] : memref<32x80x128xi32, #tpu.memory_space<hbm>> -> memref<1x1x128xi32, #tpu.memory_space<hbm>>
    %dma_start3A_21 = tpu.memref_squeeze %dma_start3A_20 : memref<1x1x128xi32, #tpu.memory_space<hbm>> -> memref<128xi32, #tpu.memory_space<hbm>>
    tpu.enqueue_dma source(%dma_start3A_21 : memref<128xi32, #tpu.memory_space<hbm>>) target(%dma_start3A_18 : memref<128xi32, #tpu.memory_space<vmem>>) target_semaphore(%arg16 : memref<!tpu.dma_semaphore, #tpu.memory_space<semaphore_mem>>)
    %dma_start3A_22 = arith.constant 1 : i32
    %dma_start3A_23 = arith.constant 1 : i32
    %dma_start3A_24 = arith.constant 0 : i32
    %dma_start3A_25 = tpu.memref_slice %arg9[%dma_start3A_23, %dma_start3A_24] : memref<4x128xi32, #tpu.memory_space<vmem>> -> memref<1x128xi32, #tpu.memory_space<vmem>>
    %dma_start3A_26 = tpu.memref_squeeze %dma_start3A_25 : memref<1x128xi32, #tpu.memory_space<vmem>> -> memref<128xi32, #tpu.memory_space<vmem>>
    %dma_start3A_27 = arith.constant 0 : i32
    %dma_start3A_28 = tpu.memref_slice %arg4[%add3A, %dma_start3A_22, %dma_start3A_27] : memref<32x80x128xi32, #tpu.memory_space<hbm>> -> memref<1x1x128xi32, #tpu.memory_space<hbm>>
    %dma_start3A_29 = tpu.memref_squeeze %dma_start3A_28 : memref<1x1x128xi32, #tpu.memory_space<hbm>> -> memref<128xi32, #tpu.memory_space<hbm>>
    %dma_start3A_30 = arith.constant 0 : i32
    %dma_start3A_31 = tpu.memref_slice %arg9[%dma_start3A_23, %dma_start3A_30] : memref<4x128xi32, #tpu.memory_space<vmem>> -> memref<1x128xi32, #tpu.memory_space<vmem>>
    %dma_start3A_32 = tpu.memref_squeeze %dma_start3A_31 : memref<1x128xi32, #tpu.memory_space<vmem>> -> memref<128xi32, #tpu.memory_space<vmem>>
    %dma_start3A_33 = arith.constant 0 : i32
    %dma_start3A_34 = tpu.memref_slice %arg4[%add3A, %dma_start3A_22, %dma_start3A_33] : memref<32x80x128xi32, #tpu.memory_space<hbm>> -> memref<1x1x128xi32, #tpu.memory_space<hbm>>
    %dma_start3A_35 = tpu.memref_squeeze %dma_start3A_34 : memref<1x1x128xi32, #tpu.memory_space<hbm>> -> memref<128xi32, #tpu.memory_space<hbm>>
    tpu.enqueue_dma source(%dma_start3A_35 : memref<128xi32, #tpu.memory_space<hbm>>) target(%dma_start3A_32 : memref<128xi32, #tpu.memory_space<vmem>>) target_semaphore(%arg17 : memref<!tpu.dma_semaphore, #tpu.memory_space<semaphore_mem>>)
    %dma_start3A_36 = arith.constant 2 : i32
    %dma_start3A_37 = arith.constant 2 : i32
    %dma_start3A_38 = arith.constant 0 : i32
    %dma_start3A_39 = tpu.memref_slice %arg9[%dma_start3A_37, %dma_start3A_38] : memref<4x128xi32, #tpu.memory_space<vmem>> -> memref<1x128xi32, #tpu.memory_space<vmem>>
    %dma_start3A_40 = tpu.memref_squeeze %dma_start3A_39 : memref<1x128xi32, #tpu.memory_space<vmem>> -> memref<128xi32, #tpu.memory_space<vmem>>
    %dma_start3A_41 = arith.constant 0 : i32
    %dma_start3A_42 = tpu.memref_slice %arg4[%add3A, %dma_start3A_36, %dma_start3A_41] : memref<32x80x128xi32, #tpu.memory_space<hbm>> -> memref<1x1x128xi32, #tpu.memory_space<hbm>>
    %dma_start3A_43 = tpu.memref_squeeze %dma_start3A_42 : memref<1x1x128xi32, #tpu.memory_space<hbm>> -> memref<128xi32, #tpu.memory_space<hbm>>
    %dma_start3A_44 = arith.constant 0 : i32
    %dma_start3A_45 = tpu.memref_slice %arg9[%dma_start3A_37, %dma_start3A_44] : memref<4x128xi32, #tpu.memory_space<vmem>> -> memref<1x128xi32, #tpu.memory_space<vmem>>
    %dma_start3A_46 = tpu.memref_squeeze %dma_start3A_45 : memref<1x128xi32, #tpu.memory_space<vmem>> -> memref<128xi32, #tpu.memory_space<vmem>>
    %dma_start3A_47 = arith.constant 0 : i32
    %dma_start3A_48 = tpu.memref_slice %arg4[%add3A, %dma_start3A_36, %dma_start3A_47] : memref<32x80x128xi32, #tpu.memory_space<hbm>> -> memref<1x1x128xi32, #tpu.memory_space<hbm>>
    %dma_start3A_49 = tpu.memref_squeeze %dma_start3A_48 : memref<1x1x128xi32, #tpu.memory_space<hbm>> -> memref<128xi32, #tpu.memory_space<hbm>>
    tpu.enqueue_dma source(%dma_start3A_49 : memref<128xi32, #tpu.memory_space<hbm>>) target(%dma_start3A_46 : memref<128xi32, #tpu.memory_space<vmem>>) target_semaphore(%arg18 : memref<!tpu.dma_semaphore, #tpu.memory_space<semaphore_mem>>)
    %dma_start3A_50 = arith.constant 0 : i32
    %dma_start3A_51 = arith.constant 0 : i32
    %dma_start3A_52 = arith.constant 0 : i32
    %dma_start3A_53 = arith.constant 0 : i32
    %dma_start3A_54 = tpu.memref_slice %arg10[%dma_start3A_51, %dma_start3A_52, %dma_start3A_53] : memref<2x128x128xf32, #tpu.memory_space<vmem>> -> memref<1x128x128xf32, #tpu.memory_space<vmem>>
    %dma_start3A_55 = tpu.memref_squeeze %dma_start3A_54 : memref<1x128x128xf32, #tpu.memory_space<vmem>> -> memref<128x128xf32, #tpu.memory_space<vmem>>
    %dma_start3A_56 = arith.constant 0 : i32
    %dma_start3A_57 = tpu.memref_slice %arg8[%dma_start3A_50, %dma_start3A_56] : memref<80x128xi32, #tpu.memory_space<vmem>> -> memref<1x128xi32, #tpu.memory_space<vmem>>
    %dma_start3A_58 = tpu.memref_squeeze %dma_start3A_57 : memref<1x128xi32, #tpu.memory_space<vmem>> -> memref<128xi32, #tpu.memory_space<vmem>>
    %dma_start3A_59 = arith.constant 0 : i32
    %dma_start3A_60 = arith.constant 0 : i32
    %dma_start3A_61 = tpu.memref_slice %arg2[%dma_start3A_59, %dma_start3A_60] : memref<10240x128xf32, #tpu.memory_space<hbm>> -> memref<10240x128xf32, #tpu.memory_space<hbm>>
    tpu.enqueue_indirect_dma source(%dma_start3A_61 : memref<10240x128xf32, #tpu.memory_space<hbm>>) target(%dma_start3A_55 : memref<128x128xf32, #tpu.memory_space<vmem>>) offsets(%dma_start3A_58 : memref<128xi32, #tpu.memory_space<vmem>>) semaphore(%arg11 : memref<!tpu.dma_semaphore, #tpu.memory_space<semaphore_mem>>)
    %dma_wait3A = arith.constant 0 : i32
    %dma_wait3A_62 = tpu.memref_slice %arg7[%mul3A_2, %dma_wait3A] : memref<10240x128xf32, #tpu.memory_space<vmem_shared>> -> memref<640x128xf32, #tpu.memory_space<vmem_shared>>
    %dma_wait3A_63 = arith.constant 0 : i32
    %dma_wait3A_64 = tpu.memref_slice %arg2[%mul3A_2, %dma_wait3A_63] : memref<10240x128xf32, #tpu.memory_space<hbm>> -> memref<640x128xf32, #tpu.memory_space<hbm>>
    tpu.wait_dma2 semaphore(%arg15 : memref<!tpu.dma_semaphore, #tpu.memory_space<semaphore_mem>>) src(%dma_wait3A_64 : memref<640x128xf32, #tpu.memory_space<hbm>>) dst(%dma_wait3A_62 : memref<640x128xf32, #tpu.memory_space<vmem_shared>>)
    %barrier3A = arith.constant 0 : index
    tpu.barrier barrier_id(%barrier3A)
    %scan3A = arith.constant 0 : i32
    %scan3A_65 = arith.constant 20 : i32
    %scan3A_66 = arith.addi %scan3A, %scan3A_65 : i32
    %scan3A_67 = arith.constant 1 : i32
    scf.for %scan3A_82 = %scan3A to %scan3A_66 step %scan3A_67  : i32 {
      %mul3A_83 = arith.constant 4 : i32
      %mul3A_84 = arith.muli %scan3A_82, %mul3A_83 : i32
      %add3A_85 = arith.constant 0 : i32
      %add3A_86 = arith.addi %add3A_85, %mul3A_84 : i32
      %add3A_87 = arith.constant 0 : i32
      %add3A_88 = arith.addi %add3A_86, %add3A_87 : i32
      %gt3A = arith.constant 0 : i32
      %gt3A_89 = arith.cmpi sgt, %add3A_86, %gt3A : i32
      %convert_element_type3A_90 = arith.extui %gt3A_89 : i1 to i32
      %cond3A_91 = arith.constant 0 : i32
      %cond3A_92 = arith.cmpi ne, %convert_element_type3A_90, %cond3A_91 : i32
      scf.if %cond3A_92 {
        %dma_wait3A_360 = arith.constant 0 : i32
        %dma_wait3A_361 = arith.constant 0 : i32
        %dma_wait3A_362 = arith.constant 0 : i32
        %dma_wait3A_363 = arith.constant 0 : i32
        %dma_wait3A_364 = tpu.memref_slice %arg10[%dma_wait3A_360, %dma_wait3A_362, %dma_wait3A_363] : memref<2x128x128xf32, #tpu.memory_space<vmem>> -> memref<1x128x128xf32, #tpu.memory_space<vmem>>
        %dma_wait3A_365 = tpu.memref_squeeze %dma_wait3A_364 : memref<1x128x128xf32, #tpu.memory_space<vmem>> -> memref<128x128xf32, #tpu.memory_space<vmem>>
        %dma_wait3A_366 = arith.constant 0 : i32
        %dma_wait3A_367 = tpu.memref_slice %arg9[%dma_wait3A_361, %dma_wait3A_366] : memref<4x128xi32, #tpu.memory_space<vmem>> -> memref<1x128xi32, #tpu.memory_space<vmem>>
        %dma_wait3A_368 = tpu.memref_squeeze %dma_wait3A_367 : memref<1x128xi32, #tpu.memory_space<vmem>> -> memref<128xi32, #tpu.memory_space<vmem>>
        %dma_wait3A_369 = arith.constant 0 : i32
        %dma_wait3A_370 = arith.constant 0 : i32
        %dma_wait3A_371 = tpu.memref_slice %arg7[%dma_wait3A_369, %dma_wait3A_370] : memref<10240x128xf32, #tpu.memory_space<vmem_shared>> -> memref<10240x128xf32, #tpu.memory_space<vmem_shared>>
        tpu.wait_indirect_dma semaphore(%arg14 : memref<!tpu.dma_semaphore, #tpu.memory_space<semaphore_mem>>) src(%dma_wait3A_365 : memref<128x128xf32, #tpu.memory_space<vmem>>) dst(%dma_wait3A_371 : memref<10240x128xf32, #tpu.memory_space<vmem_shared>>)
      } else {
      }
      %add3A_93 = arith.constant 1 : i32
      %add3A_94 = arith.addi %add3A_88, %add3A_93 : i32
      %dma_start3A_95 = arith.constant 1 : i32
      %dma_start3A_96 = arith.constant 0 : i32
      %dma_start3A_97 = arith.constant 0 : i32
      %dma_start3A_98 = tpu.memref_slice %arg10[%dma_start3A_95, %dma_start3A_96, %dma_start3A_97] : memref<2x128x128xf32, #tpu.memory_space<vmem>> -> memref<1x128x128xf32, #tpu.memory_space<vmem>>
      %dma_start3A_99 = tpu.memref_squeeze %dma_start3A_98 : memref<1x128x128xf32, #tpu.memory_space<vmem>> -> memref<128x128xf32, #tpu.memory_space<vmem>>
      %dma_start3A_100 = arith.constant 0 : i32
      %dma_start3A_101 = tpu.memref_slice %arg8[%add3A_94, %dma_start3A_100] : memref<80x128xi32, #tpu.memory_space<vmem>> -> memref<1x128xi32, #tpu.memory_space<vmem>>
      %dma_start3A_102 = tpu.memref_squeeze %dma_start3A_101 : memref<1x128xi32, #tpu.memory_space<vmem>> -> memref<128xi32, #tpu.memory_space<vmem>>
      %dma_start3A_103 = arith.constant 0 : i32
      %dma_start3A_104 = arith.constant 0 : i32
      %dma_start3A_105 = tpu.memref_slice %arg2[%dma_start3A_103, %dma_start3A_104] : memref<10240x128xf32, #tpu.memory_space<hbm>> -> memref<10240x128xf32, #tpu.memory_space<hbm>>
      tpu.enqueue_indirect_dma source(%dma_start3A_105 : memref<10240x128xf32, #tpu.memory_space<hbm>>) target(%dma_start3A_99 : memref<128x128xf32, #tpu.memory_space<vmem>>) offsets(%dma_start3A_102 : memref<128xi32, #tpu.memory_space<vmem>>) semaphore(%arg12 : memref<!tpu.dma_semaphore, #tpu.memory_space<semaphore_mem>>)
      %add3A_106 = arith.constant 3 : i32
      %add3A_107 = arith.addi %add3A_88, %add3A_106 : i32
      %lt3A = arith.constant 80 : i32
      %lt3A_108 = arith.cmpi slt, %add3A_107, %lt3A : i32
      %convert_element_type3A_109 = arith.extui %lt3A_108 : i1 to i32
      %cond3A_110 = arith.constant 0 : i32
      %cond3A_111 = arith.cmpi ne, %convert_element_type3A_109, %cond3A_110 : i32
      scf.if %cond3A_111 {
        %dma_start3A_360 = arith.constant 3 : i32
        %dma_start3A_361 = arith.constant 0 : i32
        %dma_start3A_362 = tpu.memref_slice %arg9[%dma_start3A_360, %dma_start3A_361] : memref<4x128xi32, #tpu.memory_space<vmem>> -> memref<1x128xi32, #tpu.memory_space<vmem>>
        %dma_start3A_363 = tpu.memref_squeeze %dma_start3A_362 : memref<1x128xi32, #tpu.memory_space<vmem>> -> memref<128xi32, #tpu.memory_space<vmem>>
        %dma_start3A_364 = arith.constant 0 : i32
        %dma_start3A_365 = tpu.memref_slice %arg4[%add3A, %add3A_107, %dma_start3A_364] : memref<32x80x128xi32, #tpu.memory_space<hbm>> -> memref<1x1x128xi32, #tpu.memory_space<hbm>>
        %dma_start3A_366 = tpu.memref_squeeze %dma_start3A_365 : memref<1x1x128xi32, #tpu.memory_space<hbm>> -> memref<128xi32, #tpu.memory_space<hbm>>
        %dma_start3A_367 = arith.constant 0 : i32
        %dma_start3A_368 = tpu.memref_slice %arg9[%dma_start3A_360, %dma_start3A_367] : memref<4x128xi32, #tpu.memory_space<vmem>> -> memref<1x128xi32, #tpu.memory_space<vmem>>
        %dma_start3A_369 = tpu.memref_squeeze %dma_start3A_368 : memref<1x128xi32, #tpu.memory_space<vmem>> -> memref<128xi32, #tpu.memory_space<vmem>>
        %dma_start3A_370 = arith.constant 0 : i32
        %dma_start3A_371 = tpu.memref_slice %arg4[%add3A, %add3A_107, %dma_start3A_370] : memref<32x80x128xi32, #tpu.memory_space<hbm>> -> memref<1x1x128xi32, #tpu.memory_space<hbm>>
        %dma_start3A_372 = tpu.memref_squeeze %dma_start3A_371 : memref<1x1x128xi32, #tpu.memory_space<hbm>> -> memref<128xi32, #tpu.memory_space<hbm>>
        tpu.enqueue_dma source(%dma_start3A_372 : memref<128xi32, #tpu.memory_space<hbm>>) target(%dma_start3A_369 : memref<128xi32, #tpu.memory_space<vmem>>) target_semaphore(%arg19 : memref<!tpu.dma_semaphore, #tpu.memory_space<semaphore_mem>>)
      } else {
      }
      %dma_wait3A_112 = arith.constant 0 : i32
      %dma_wait3A_113 = arith.constant 0 : i32
      %dma_wait3A_114 = arith.constant 0 : i32
      %dma_wait3A_115 = arith.constant 0 : i32
      %dma_wait3A_116 = tpu.memref_slice %arg10[%dma_wait3A_113, %dma_wait3A_114, %dma_wait3A_115] : memref<2x128x128xf32, #tpu.memory_space<vmem>> -> memref<1x128x128xf32, #tpu.memory_space<vmem>>
      %dma_wait3A_117 = tpu.memref_squeeze %dma_wait3A_116 : memref<1x128x128xf32, #tpu.memory_space<vmem>> -> memref<128x128xf32, #tpu.memory_space<vmem>>
      %dma_wait3A_118 = arith.constant 0 : i32
      %dma_wait3A_119 = tpu.memref_slice %arg8[%dma_wait3A_112, %dma_wait3A_118] : memref<80x128xi32, #tpu.memory_space<vmem>> -> memref<1x128xi32, #tpu.memory_space<vmem>>
      %dma_wait3A_120 = tpu.memref_squeeze %dma_wait3A_119 : memref<1x128xi32, #tpu.memory_space<vmem>> -> memref<128xi32, #tpu.memory_space<vmem>>
      %dma_wait3A_121 = arith.constant 0 : i32
      %dma_wait3A_122 = arith.constant 0 : i32
      %dma_wait3A_123 = tpu.memref_slice %arg2[%dma_wait3A_121, %dma_wait3A_122] : memref<10240x128xf32, #tpu.memory_space<hbm>> -> memref<10240x128xf32, #tpu.memory_space<hbm>>
      tpu.wait_indirect_dma semaphore(%arg11 : memref<!tpu.dma_semaphore, #tpu.memory_space<semaphore_mem>>) src(%dma_wait3A_123 : memref<10240x128xf32, #tpu.memory_space<hbm>>) dst(%dma_wait3A_117 : memref<128x128xf32, #tpu.memory_space<vmem>>)
      %dma_wait3A_124 = arith.constant 0 : i32
      %dma_wait3A_125 = arith.constant 0 : i32
      %dma_wait3A_126 = arith.constant 0 : i32
      %dma_wait3A_127 = tpu.memref_slice %arg9[%dma_wait3A_125, %dma_wait3A_126] : memref<4x128xi32, #tpu.memory_space<vmem>> -> memref<1x128xi32, #tpu.memory_space<vmem>>
      %dma_wait3A_128 = tpu.memref_squeeze %dma_wait3A_127 : memref<1x128xi32, #tpu.memory_space<vmem>> -> memref<128xi32, #tpu.memory_space<vmem>>
      %dma_wait3A_129 = arith.constant 0 : i32
      %dma_wait3A_130 = tpu.memref_slice %arg4[%add3A, %dma_wait3A_124, %dma_wait3A_129] : memref<32x80x128xi32, #tpu.memory_space<hbm>> -> memref<1x1x128xi32, #tpu.memory_space<hbm>>
      %dma_wait3A_131 = tpu.memref_squeeze %dma_wait3A_130 : memref<1x1x128xi32, #tpu.memory_space<hbm>> -> memref<128xi32, #tpu.memory_space<hbm>>
      %dma_wait3A_132 = arith.constant 0 : i32
      %dma_wait3A_133 = tpu.memref_slice %arg9[%dma_wait3A_125, %dma_wait3A_132] : memref<4x128xi32, #tpu.memory_space<vmem>> -> memref<1x128xi32, #tpu.memory_space<vmem>>
      %dma_wait3A_134 = tpu.memref_squeeze %dma_wait3A_133 : memref<1x128xi32, #tpu.memory_space<vmem>> -> memref<128xi32, #tpu.memory_space<vmem>>
      %dma_wait3A_135 = arith.constant 0 : i32
      %dma_wait3A_136 = tpu.memref_slice %arg4[%add3A, %dma_wait3A_124, %dma_wait3A_135] : memref<32x80x128xi32, #tpu.memory_space<hbm>> -> memref<1x1x128xi32, #tpu.memory_space<hbm>>
      %dma_wait3A_137 = tpu.memref_squeeze %dma_wait3A_136 : memref<1x1x128xi32, #tpu.memory_space<hbm>> -> memref<128xi32, #tpu.memory_space<hbm>>
      tpu.wait_dma2 semaphore(%arg16 : memref<!tpu.dma_semaphore, #tpu.memory_space<semaphore_mem>>) src(%dma_wait3A_137 : memref<128xi32, #tpu.memory_space<hbm>>) dst(%dma_wait3A_134 : memref<128xi32, #tpu.memory_space<vmem>>)
      %dma_start3A_138 = arith.constant 0 : i32
      %dma_start3A_139 = arith.constant 0 : i32
      %dma_start3A_140 = arith.constant 0 : i32
      %dma_start3A_141 = arith.constant 0 : i32
      %dma_start3A_142 = tpu.memref_slice %arg10[%dma_start3A_138, %dma_start3A_140, %dma_start3A_141] : memref<2x128x128xf32, #tpu.memory_space<vmem>> -> memref<1x128x128xf32, #tpu.memory_space<vmem>>
      %dma_start3A_143 = tpu.memref_squeeze %dma_start3A_142 : memref<1x128x128xf32, #tpu.memory_space<vmem>> -> memref<128x128xf32, #tpu.memory_space<vmem>>
      %dma_start3A_144 = arith.constant 0 : i32
      %dma_start3A_145 = tpu.memref_slice %arg9[%dma_start3A_139, %dma_start3A_144] : memref<4x128xi32, #tpu.memory_space<vmem>> -> memref<1x128xi32, #tpu.memory_space<vmem>>
      %dma_start3A_146 = tpu.memref_squeeze %dma_start3A_145 : memref<1x128xi32, #tpu.memory_space<vmem>> -> memref<128xi32, #tpu.memory_space<vmem>>
      %dma_start3A_147 = arith.constant 0 : i32
      %dma_start3A_148 = arith.constant 0 : i32
      %dma_start3A_149 = tpu.memref_slice %arg7[%dma_start3A_147, %dma_start3A_148] : memref<10240x128xf32, #tpu.memory_space<vmem_shared>> -> memref<10240x128xf32, #tpu.memory_space<vmem_shared>>
      tpu.enqueue_indirect_dma source(%dma_start3A_143 : memref<128x128xf32, #tpu.memory_space<vmem>>) target(%dma_start3A_149 : memref<10240x128xf32, #tpu.memory_space<vmem_shared>>) offsets(%dma_start3A_146 : memref<128xi32, #tpu.memory_space<vmem>>) semaphore(%arg13 : memref<!tpu.dma_semaphore, #tpu.memory_space<semaphore_mem>>) {add = true}
      %add3A_150 = arith.constant 1 : i32
      %add3A_151 = arith.addi %add3A_86, %add3A_150 : i32
      %dma_wait3A_152 = arith.constant 0 : i32
      %dma_wait3A_153 = arith.constant 0 : i32
      %dma_wait3A_154 = arith.constant 0 : i32
      %dma_wait3A_155 = arith.constant 0 : i32
      %dma_wait3A_156 = tpu.memref_slice %arg10[%dma_wait3A_152, %dma_wait3A_154, %dma_wait3A_155] : memref<2x128x128xf32, #tpu.memory_space<vmem>> -> memref<1x128x128xf32, #tpu.memory_space<vmem>>
      %dma_wait3A_157 = tpu.memref_squeeze %dma_wait3A_156 : memref<1x128x128xf32, #tpu.memory_space<vmem>> -> memref<128x128xf32, #tpu.memory_space<vmem>>
      %dma_wait3A_158 = arith.constant 0 : i32
      %dma_wait3A_159 = tpu.memref_slice %arg9[%dma_wait3A_153, %dma_wait3A_158] : memref<4x128xi32, #tpu.memory_space<vmem>> -> memref<1x128xi32, #tpu.memory_space<vmem>>
      %dma_wait3A_160 = tpu.memref_squeeze %dma_wait3A_159 : memref<1x128xi32, #tpu.memory_space<vmem>> -> memref<128xi32, #tpu.memory_space<vmem>>
      %dma_wait3A_161 = arith.constant 0 : i32
      %dma_wait3A_162 = arith.constant 0 : i32
      %dma_wait3A_163 = tpu.memref_slice %arg7[%dma_wait3A_161, %dma_wait3A_162] : memref<10240x128xf32, #tpu.memory_space<vmem_shared>> -> memref<10240x128xf32, #tpu.memory_space<vmem_shared>>
      tpu.wait_indirect_dma semaphore(%arg13 : memref<!tpu.dma_semaphore, #tpu.memory_space<semaphore_mem>>) src(%dma_wait3A_157 : memref<128x128xf32, #tpu.memory_space<vmem>>) dst(%dma_wait3A_163 : memref<10240x128xf32, #tpu.memory_space<vmem_shared>>)
      %add3A_164 = arith.constant 1 : i32
      %add3A_165 = arith.addi %add3A_151, %add3A_164 : i32
      %dma_start3A_166 = arith.constant 0 : i32
      %dma_start3A_167 = arith.constant 0 : i32
      %dma_start3A_168 = arith.constant 0 : i32
      %dma_start3A_169 = tpu.memref_slice %arg10[%dma_start3A_166, %dma_start3A_167, %dma_start3A_168] : memref<2x128x128xf32, #tpu.memory_space<vmem>> -> memref<1x128x128xf32, #tpu.memory_space<vmem>>
      %dma_start3A_170 = tpu.memref_squeeze %dma_start3A_169 : memref<1x128x128xf32, #tpu.memory_space<vmem>> -> memref<128x128xf32, #tpu.memory_space<vmem>>
      %dma_start3A_171 = arith.constant 0 : i32
      %dma_start3A_172 = tpu.memref_slice %arg8[%add3A_165, %dma_start3A_171] : memref<80x128xi32, #tpu.memory_space<vmem>> -> memref<1x128xi32, #tpu.memory_space<vmem>>
      %dma_start3A_173 = tpu.memref_squeeze %dma_start3A_172 : memref<1x128xi32, #tpu.memory_space<vmem>> -> memref<128xi32, #tpu.memory_space<vmem>>
      %dma_start3A_174 = arith.constant 0 : i32
      %dma_start3A_175 = arith.constant 0 : i32
      %dma_start3A_176 = tpu.memref_slice %arg2[%dma_start3A_174, %dma_start3A_175] : memref<10240x128xf32, #tpu.memory_space<hbm>> -> memref<10240x128xf32, #tpu.memory_space<hbm>>
      tpu.enqueue_indirect_dma source(%dma_start3A_176 : memref<10240x128xf32, #tpu.memory_space<hbm>>) target(%dma_start3A_170 : memref<128x128xf32, #tpu.memory_space<vmem>>) offsets(%dma_start3A_173 : memref<128xi32, #tpu.memory_space<vmem>>) semaphore(%arg11 : memref<!tpu.dma_semaphore, #tpu.memory_space<semaphore_mem>>)
      %add3A_177 = arith.constant 3 : i32
      %add3A_178 = arith.addi %add3A_151, %add3A_177 : i32
      %lt3A_179 = arith.constant 80 : i32
      %lt3A_180 = arith.cmpi slt, %add3A_178, %lt3A_179 : i32
      %convert_element_type3A_181 = arith.extui %lt3A_180 : i1 to i32
      %cond3A_182 = arith.constant 0 : i32
      %cond3A_183 = arith.cmpi ne, %convert_element_type3A_181, %cond3A_182 : i32
      scf.if %cond3A_183 {
        %dma_start3A_360 = arith.constant 0 : i32
        %dma_start3A_361 = arith.constant 0 : i32
        %dma_start3A_362 = tpu.memref_slice %arg9[%dma_start3A_360, %dma_start3A_361] : memref<4x128xi32, #tpu.memory_space<vmem>> -> memref<1x128xi32, #tpu.memory_space<vmem>>
        %dma_start3A_363 = tpu.memref_squeeze %dma_start3A_362 : memref<1x128xi32, #tpu.memory_space<vmem>> -> memref<128xi32, #tpu.memory_space<vmem>>
        %dma_start3A_364 = arith.constant 0 : i32
        %dma_start3A_365 = tpu.memref_slice %arg4[%add3A, %add3A_178, %dma_start3A_364] : memref<32x80x128xi32, #tpu.memory_space<hbm>> -> memref<1x1x128xi32, #tpu.memory_space<hbm>>
        %dma_start3A_366 = tpu.memref_squeeze %dma_start3A_365 : memref<1x1x128xi32, #tpu.memory_space<hbm>> -> memref<128xi32, #tpu.memory_space<hbm>>
        %dma_start3A_367 = arith.constant 0 : i32
        %dma_start3A_368 = tpu.memref_slice %arg9[%dma_start3A_360, %dma_start3A_367] : memref<4x128xi32, #tpu.memory_space<vmem>> -> memref<1x128xi32, #tpu.memory_space<vmem>>
        %dma_start3A_369 = tpu.memref_squeeze %dma_start3A_368 : memref<1x128xi32, #tpu.memory_space<vmem>> -> memref<128xi32, #tpu.memory_space<vmem>>
        %dma_start3A_370 = arith.constant 0 : i32
        %dma_start3A_371 = tpu.memref_slice %arg4[%add3A, %add3A_178, %dma_start3A_370] : memref<32x80x128xi32, #tpu.memory_space<hbm>> -> memref<1x1x128xi32, #tpu.memory_space<hbm>>
        %dma_start3A_372 = tpu.memref_squeeze %dma_start3A_371 : memref<1x1x128xi32, #tpu.memory_space<hbm>> -> memref<128xi32, #tpu.memory_space<hbm>>
        tpu.enqueue_dma source(%dma_start3A_372 : memref<128xi32, #tpu.memory_space<hbm>>) target(%dma_start3A_369 : memref<128xi32, #tpu.memory_space<vmem>>) target_semaphore(%arg16 : memref<!tpu.dma_semaphore, #tpu.memory_space<semaphore_mem>>)
      } else {
      }
      %dma_wait3A_184 = arith.constant 0 : i32
      %dma_wait3A_185 = arith.constant 1 : i32
      %dma_wait3A_186 = arith.constant 0 : i32
      %dma_wait3A_187 = arith.constant 0 : i32
      %dma_wait3A_188 = tpu.memref_slice %arg10[%dma_wait3A_185, %dma_wait3A_186, %dma_wait3A_187] : memref<2x128x128xf32, #tpu.memory_space<vmem>> -> memref<1x128x128xf32, #tpu.memory_space<vmem>>
      %dma_wait3A_189 = tpu.memref_squeeze %dma_wait3A_188 : memref<1x128x128xf32, #tpu.memory_space<vmem>> -> memref<128x128xf32, #tpu.memory_space<vmem>>
      %dma_wait3A_190 = arith.constant 0 : i32
      %dma_wait3A_191 = tpu.memref_slice %arg8[%dma_wait3A_184, %dma_wait3A_190] : memref<80x128xi32, #tpu.memory_space<vmem>> -> memref<1x128xi32, #tpu.memory_space<vmem>>
      %dma_wait3A_192 = tpu.memref_squeeze %dma_wait3A_191 : memref<1x128xi32, #tpu.memory_space<vmem>> -> memref<128xi32, #tpu.memory_space<vmem>>
      %dma_wait3A_193 = arith.constant 0 : i32
      %dma_wait3A_194 = arith.constant 0 : i32
      %dma_wait3A_195 = tpu.memref_slice %arg2[%dma_wait3A_193, %dma_wait3A_194] : memref<10240x128xf32, #tpu.memory_space<hbm>> -> memref<10240x128xf32, #tpu.memory_space<hbm>>
      tpu.wait_indirect_dma semaphore(%arg12 : memref<!tpu.dma_semaphore, #tpu.memory_space<semaphore_mem>>) src(%dma_wait3A_195 : memref<10240x128xf32, #tpu.memory_space<hbm>>) dst(%dma_wait3A_189 : memref<128x128xf32, #tpu.memory_space<vmem>>)
      %dma_wait3A_196 = arith.constant 0 : i32
      %dma_wait3A_197 = arith.constant 1 : i32
      %dma_wait3A_198 = arith.constant 0 : i32
      %dma_wait3A_199 = tpu.memref_slice %arg9[%dma_wait3A_197, %dma_wait3A_198] : memref<4x128xi32, #tpu.memory_space<vmem>> -> memref<1x128xi32, #tpu.memory_space<vmem>>
      %dma_wait3A_200 = tpu.memref_squeeze %dma_wait3A_199 : memref<1x128xi32, #tpu.memory_space<vmem>> -> memref<128xi32, #tpu.memory_space<vmem>>
      %dma_wait3A_201 = arith.constant 0 : i32
      %dma_wait3A_202 = tpu.memref_slice %arg4[%add3A, %dma_wait3A_196, %dma_wait3A_201] : memref<32x80x128xi32, #tpu.memory_space<hbm>> -> memref<1x1x128xi32, #tpu.memory_space<hbm>>
      %dma_wait3A_203 = tpu.memref_squeeze %dma_wait3A_202 : memref<1x1x128xi32, #tpu.memory_space<hbm>> -> memref<128xi32, #tpu.memory_space<hbm>>
      %dma_wait3A_204 = arith.constant 0 : i32
      %dma_wait3A_205 = tpu.memref_slice %arg9[%dma_wait3A_197, %dma_wait3A_204] : memref<4x128xi32, #tpu.memory_space<vmem>> -> memref<1x128xi32, #tpu.memory_space<vmem>>
      %dma_wait3A_206 = tpu.memref_squeeze %dma_wait3A_205 : memref<1x128xi32, #tpu.memory_space<vmem>> -> memref<128xi32, #tpu.memory_space<vmem>>
      %dma_wait3A_207 = arith.constant 0 : i32
      %dma_wait3A_208 = tpu.memref_slice %arg4[%add3A, %dma_wait3A_196, %dma_wait3A_207] : memref<32x80x128xi32, #tpu.memory_space<hbm>> -> memref<1x1x128xi32, #tpu.memory_space<hbm>>
      %dma_wait3A_209 = tpu.memref_squeeze %dma_wait3A_208 : memref<1x1x128xi32, #tpu.memory_space<hbm>> -> memref<128xi32, #tpu.memory_space<hbm>>
      tpu.wait_dma2 semaphore(%arg17 : memref<!tpu.dma_semaphore, #tpu.memory_space<semaphore_mem>>) src(%dma_wait3A_209 : memref<128xi32, #tpu.memory_space<hbm>>) dst(%dma_wait3A_206 : memref<128xi32, #tpu.memory_space<vmem>>)
      %dma_start3A_210 = arith.constant 1 : i32
      %dma_start3A_211 = arith.constant 1 : i32
      %dma_start3A_212 = arith.constant 0 : i32
      %dma_start3A_213 = arith.constant 0 : i32
      %dma_start3A_214 = tpu.memref_slice %arg10[%dma_start3A_210, %dma_start3A_212, %dma_start3A_213] : memref<2x128x128xf32, #tpu.memory_space<vmem>> -> memref<1x128x128xf32, #tpu.memory_space<vmem>>
      %dma_start3A_215 = tpu.memref_squeeze %dma_start3A_214 : memref<1x128x128xf32, #tpu.memory_space<vmem>> -> memref<128x128xf32, #tpu.memory_space<vmem>>
      %dma_start3A_216 = arith.constant 0 : i32
      %dma_start3A_217 = tpu.memref_slice %arg9[%dma_start3A_211, %dma_start3A_216] : memref<4x128xi32, #tpu.memory_space<vmem>> -> memref<1x128xi32, #tpu.memory_space<vmem>>
      %dma_start3A_218 = tpu.memref_squeeze %dma_start3A_217 : memref<1x128xi32, #tpu.memory_space<vmem>> -> memref<128xi32, #tpu.memory_space<vmem>>
      %dma_start3A_219 = arith.constant 0 : i32
      %dma_start3A_220 = arith.constant 0 : i32
      %dma_start3A_221 = tpu.memref_slice %arg7[%dma_start3A_219, %dma_start3A_220] : memref<10240x128xf32, #tpu.memory_space<vmem_shared>> -> memref<10240x128xf32, #tpu.memory_space<vmem_shared>>
      tpu.enqueue_indirect_dma source(%dma_start3A_215 : memref<128x128xf32, #tpu.memory_space<vmem>>) target(%dma_start3A_221 : memref<10240x128xf32, #tpu.memory_space<vmem_shared>>) offsets(%dma_start3A_218 : memref<128xi32, #tpu.memory_space<vmem>>) semaphore(%arg14 : memref<!tpu.dma_semaphore, #tpu.memory_space<semaphore_mem>>) {add = true}
      %add3A_222 = arith.constant 2 : i32
      %add3A_223 = arith.addi %add3A_86, %add3A_222 : i32
      %dma_wait3A_224 = arith.constant 0 : i32
      %dma_wait3A_225 = arith.constant 0 : i32
      %dma_wait3A_226 = arith.constant 0 : i32
      %dma_wait3A_227 = arith.constant 0 : i32
      %dma_wait3A_228 = tpu.memref_slice %arg10[%dma_wait3A_224, %dma_wait3A_226, %dma_wait3A_227] : memref<2x128x128xf32, #tpu.memory_space<vmem>> -> memref<1x128x128xf32, #tpu.memory_space<vmem>>
      %dma_wait3A_229 = tpu.memref_squeeze %dma_wait3A_228 : memref<1x128x128xf32, #tpu.memory_space<vmem>> -> memref<128x128xf32, #tpu.memory_space<vmem>>
      %dma_wait3A_230 = arith.constant 0 : i32
      %dma_wait3A_231 = tpu.memref_slice %arg9[%dma_wait3A_225, %dma_wait3A_230] : memref<4x128xi32, #tpu.memory_space<vmem>> -> memref<1x128xi32, #tpu.memory_space<vmem>>
      %dma_wait3A_232 = tpu.memref_squeeze %dma_wait3A_231 : memref<1x128xi32, #tpu.memory_space<vmem>> -> memref<128xi32, #tpu.memory_space<vmem>>
      %dma_wait3A_233 = arith.constant 0 : i32
      %dma_wait3A_234 = arith.constant 0 : i32
      %dma_wait3A_235 = tpu.memref_slice %arg7[%dma_wait3A_233, %dma_wait3A_234] : memref<10240x128xf32, #tpu.memory_space<vmem_shared>> -> memref<10240x128xf32, #tpu.memory_space<vmem_shared>>
      tpu.wait_indirect_dma semaphore(%arg14 : memref<!tpu.dma_semaphore, #tpu.memory_space<semaphore_mem>>) src(%dma_wait3A_229 : memref<128x128xf32, #tpu.memory_space<vmem>>) dst(%dma_wait3A_235 : memref<10240x128xf32, #tpu.memory_space<vmem_shared>>)
      %add3A_236 = arith.constant 1 : i32
      %add3A_237 = arith.addi %add3A_223, %add3A_236 : i32
      %dma_start3A_238 = arith.constant 1 : i32
      %dma_start3A_239 = arith.constant 0 : i32
      %dma_start3A_240 = arith.constant 0 : i32
      %dma_start3A_241 = tpu.memref_slice %arg10[%dma_start3A_238, %dma_start3A_239, %dma_start3A_240] : memref<2x128x128xf32, #tpu.memory_space<vmem>> -> memref<1x128x128xf32, #tpu.memory_space<vmem>>
      %dma_start3A_242 = tpu.memref_squeeze %dma_start3A_241 : memref<1x128x128xf32, #tpu.memory_space<vmem>> -> memref<128x128xf32, #tpu.memory_space<vmem>>
      %dma_start3A_243 = arith.constant 0 : i32
      %dma_start3A_244 = tpu.memref_slice %arg8[%add3A_237, %dma_start3A_243] : memref<80x128xi32, #tpu.memory_space<vmem>> -> memref<1x128xi32, #tpu.memory_space<vmem>>
      %dma_start3A_245 = tpu.memref_squeeze %dma_start3A_244 : memref<1x128xi32, #tpu.memory_space<vmem>> -> memref<128xi32, #tpu.memory_space<vmem>>
      %dma_start3A_246 = arith.constant 0 : i32
      %dma_start3A_247 = arith.constant 0 : i32
      %dma_start3A_248 = tpu.memref_slice %arg2[%dma_start3A_246, %dma_start3A_247] : memref<10240x128xf32, #tpu.memory_space<hbm>> -> memref<10240x128xf32, #tpu.memory_space<hbm>>
      tpu.enqueue_indirect_dma source(%dma_start3A_248 : memref<10240x128xf32, #tpu.memory_space<hbm>>) target(%dma_start3A_242 : memref<128x128xf32, #tpu.memory_space<vmem>>) offsets(%dma_start3A_245 : memref<128xi32, #tpu.memory_space<vmem>>) semaphore(%arg12 : memref<!tpu.dma_semaphore, #tpu.memory_space<semaphore_mem>>)
      %add3A_249 = arith.constant 3 : i32
      %add3A_250 = arith.addi %add3A_223, %add3A_249 : i32
      %lt3A_251 = arith.constant 80 : i32
      %lt3A_252 = arith.cmpi slt, %add3A_250, %lt3A_251 : i32
      %convert_element_type3A_253 = arith.extui %lt3A_252 : i1 to i32
      %cond3A_254 = arith.constant 0 : i32
      %cond3A_255 = arith.cmpi ne, %convert_element_type3A_253, %cond3A_254 : i32
      scf.if %cond3A_255 {
        %dma_start3A_360 = arith.constant 1 : i32
        %dma_start3A_361 = arith.constant 0 : i32
        %dma_start3A_362 = tpu.memref_slice %arg9[%dma_start3A_360, %dma_start3A_361] : memref<4x128xi32, #tpu.memory_space<vmem>> -> memref<1x128xi32, #tpu.memory_space<vmem>>
        %dma_start3A_363 = tpu.memref_squeeze %dma_start3A_362 : memref<1x128xi32, #tpu.memory_space<vmem>> -> memref<128xi32, #tpu.memory_space<vmem>>
        %dma_start3A_364 = arith.constant 0 : i32
        %dma_start3A_365 = tpu.memref_slice %arg4[%add3A, %add3A_250, %dma_start3A_364] : memref<32x80x128xi32, #tpu.memory_space<hbm>> -> memref<1x1x128xi32, #tpu.memory_space<hbm>>
        %dma_start3A_366 = tpu.memref_squeeze %dma_start3A_365 : memref<1x1x128xi32, #tpu.memory_space<hbm>> -> memref<128xi32, #tpu.memory_space<hbm>>
        %dma_start3A_367 = arith.constant 0 : i32
        %dma_start3A_368 = tpu.memref_slice %arg9[%dma_start3A_360, %dma_start3A_367] : memref<4x128xi32, #tpu.memory_space<vmem>> -> memref<1x128xi32, #tpu.memory_space<vmem>>
        %dma_start3A_369 = tpu.memref_squeeze %dma_start3A_368 : memref<1x128xi32, #tpu.memory_space<vmem>> -> memref<128xi32, #tpu.memory_space<vmem>>
        %dma_start3A_370 = arith.constant 0 : i32
        %dma_start3A_371 = tpu.memref_slice %arg4[%add3A, %add3A_250, %dma_start3A_370] : memref<32x80x128xi32, #tpu.memory_space<hbm>> -> memref<1x1x128xi32, #tpu.memory_space<hbm>>
        %dma_start3A_372 = tpu.memref_squeeze %dma_start3A_371 : memref<1x1x128xi32, #tpu.memory_space<hbm>> -> memref<128xi32, #tpu.memory_space<hbm>>
        tpu.enqueue_dma source(%dma_start3A_372 : memref<128xi32, #tpu.memory_space<hbm>>) target(%dma_start3A_369 : memref<128xi32, #tpu.memory_space<vmem>>) target_semaphore(%arg17 : memref<!tpu.dma_semaphore, #tpu.memory_space<semaphore_mem>>)
      } else {
      }
      %dma_wait3A_256 = arith.constant 0 : i32
      %dma_wait3A_257 = arith.constant 0 : i32
      %dma_wait3A_258 = arith.constant 0 : i32
      %dma_wait3A_259 = arith.constant 0 : i32
      %dma_wait3A_260 = tpu.memref_slice %arg10[%dma_wait3A_257, %dma_wait3A_258, %dma_wait3A_259] : memref<2x128x128xf32, #tpu.memory_space<vmem>> -> memref<1x128x128xf32, #tpu.memory_space<vmem>>
      %dma_wait3A_261 = tpu.memref_squeeze %dma_wait3A_260 : memref<1x128x128xf32, #tpu.memory_space<vmem>> -> memref<128x128xf32, #tpu.memory_space<vmem>>
      %dma_wait3A_262 = arith.constant 0 : i32
      %dma_wait3A_263 = tpu.memref_slice %arg8[%dma_wait3A_256, %dma_wait3A_262] : memref<80x128xi32, #tpu.memory_space<vmem>> -> memref<1x128xi32, #tpu.memory_space<vmem>>
      %dma_wait3A_264 = tpu.memref_squeeze %dma_wait3A_263 : memref<1x128xi32, #tpu.memory_space<vmem>> -> memref<128xi32, #tpu.memory_space<vmem>>
      %dma_wait3A_265 = arith.constant 0 : i32
      %dma_wait3A_266 = arith.constant 0 : i32
      %dma_wait3A_267 = tpu.memref_slice %arg2[%dma_wait3A_265, %dma_wait3A_266] : memref<10240x128xf32, #tpu.memory_space<hbm>> -> memref<10240x128xf32, #tpu.memory_space<hbm>>
      tpu.wait_indirect_dma semaphore(%arg11 : memref<!tpu.dma_semaphore, #tpu.memory_space<semaphore_mem>>) src(%dma_wait3A_267 : memref<10240x128xf32, #tpu.memory_space<hbm>>) dst(%dma_wait3A_261 : memref<128x128xf32, #tpu.memory_space<vmem>>)
      %dma_wait3A_268 = arith.constant 0 : i32
      %dma_wait3A_269 = arith.constant 2 : i32
      %dma_wait3A_270 = arith.constant 0 : i32
      %dma_wait3A_271 = tpu.memref_slice %arg9[%dma_wait3A_269, %dma_wait3A_270] : memref<4x128xi32, #tpu.memory_space<vmem>> -> memref<1x128xi32, #tpu.memory_space<vmem>>
      %dma_wait3A_272 = tpu.memref_squeeze %dma_wait3A_271 : memref<1x128xi32, #tpu.memory_space<vmem>> -> memref<128xi32, #tpu.memory_space<vmem>>
      %dma_wait3A_273 = arith.constant 0 : i32
      %dma_wait3A_274 = tpu.memref_slice %arg4[%add3A, %dma_wait3A_268, %dma_wait3A_273] : memref<32x80x128xi32, #tpu.memory_space<hbm>> -> memref<1x1x128xi32, #tpu.memory_space<hbm>>
      %dma_wait3A_275 = tpu.memref_squeeze %dma_wait3A_274 : memref<1x1x128xi32, #tpu.memory_space<hbm>> -> memref<128xi32, #tpu.memory_space<hbm>>
      %dma_wait3A_276 = arith.constant 0 : i32
      %dma_wait3A_277 = tpu.memref_slice %arg9[%dma_wait3A_269, %dma_wait3A_276] : memref<4x128xi32, #tpu.memory_space<vmem>> -> memref<1x128xi32, #tpu.memory_space<vmem>>
      %dma_wait3A_278 = tpu.memref_squeeze %dma_wait3A_277 : memref<1x128xi32, #tpu.memory_space<vmem>> -> memref<128xi32, #tpu.memory_space<vmem>>
      %dma_wait3A_279 = arith.constant 0 : i32
      %dma_wait3A_280 = tpu.memref_slice %arg4[%add3A, %dma_wait3A_268, %dma_wait3A_279] : memref<32x80x128xi32, #tpu.memory_space<hbm>> -> memref<1x1x128xi32, #tpu.memory_space<hbm>>
      %dma_wait3A_281 = tpu.memref_squeeze %dma_wait3A_280 : memref<1x1x128xi32, #tpu.memory_space<hbm>> -> memref<128xi32, #tpu.memory_space<hbm>>
      tpu.wait_dma2 semaphore(%arg18 : memref<!tpu.dma_semaphore, #tpu.memory_space<semaphore_mem>>) src(%dma_wait3A_281 : memref<128xi32, #tpu.memory_space<hbm>>) dst(%dma_wait3A_278 : memref<128xi32, #tpu.memory_space<vmem>>)
      %dma_start3A_282 = arith.constant 0 : i32
      %dma_start3A_283 = arith.constant 2 : i32
      %dma_start3A_284 = arith.constant 0 : i32
      %dma_start3A_285 = arith.constant 0 : i32
      %dma_start3A_286 = tpu.memref_slice %arg10[%dma_start3A_282, %dma_start3A_284, %dma_start3A_285] : memref<2x128x128xf32, #tpu.memory_space<vmem>> -> memref<1x128x128xf32, #tpu.memory_space<vmem>>
      %dma_start3A_287 = tpu.memref_squeeze %dma_start3A_286 : memref<1x128x128xf32, #tpu.memory_space<vmem>> -> memref<128x128xf32, #tpu.memory_space<vmem>>
      %dma_start3A_288 = arith.constant 0 : i32
      %dma_start3A_289 = tpu.memref_slice %arg9[%dma_start3A_283, %dma_start3A_288] : memref<4x128xi32, #tpu.memory_space<vmem>> -> memref<1x128xi32, #tpu.memory_space<vmem>>
      %dma_start3A_290 = tpu.memref_squeeze %dma_start3A_289 : memref<1x128xi32, #tpu.memory_space<vmem>> -> memref<128xi32, #tpu.memory_space<vmem>>
      %dma_start3A_291 = arith.constant 0 : i32
      %dma_start3A_292 = arith.constant 0 : i32
      %dma_start3A_293 = tpu.memref_slice %arg7[%dma_start3A_291, %dma_start3A_292] : memref<10240x128xf32, #tpu.memory_space<vmem_shared>> -> memref<10240x128xf32, #tpu.memory_space<vmem_shared>>
      tpu.enqueue_indirect_dma source(%dma_start3A_287 : memref<128x128xf32, #tpu.memory_space<vmem>>) target(%dma_start3A_293 : memref<10240x128xf32, #tpu.memory_space<vmem_shared>>) offsets(%dma_start3A_290 : memref<128xi32, #tpu.memory_space<vmem>>) semaphore(%arg13 : memref<!tpu.dma_semaphore, #tpu.memory_space<semaphore_mem>>) {add = true}
      %add3A_294 = arith.constant 3 : i32
      %add3A_295 = arith.addi %add3A_86, %add3A_294 : i32
      %dma_wait3A_296 = arith.constant 0 : i32
      %dma_wait3A_297 = arith.constant 0 : i32
      %dma_wait3A_298 = arith.constant 0 : i32
      %dma_wait3A_299 = arith.constant 0 : i32
      %dma_wait3A_300 = tpu.memref_slice %arg10[%dma_wait3A_296, %dma_wait3A_298, %dma_wait3A_299] : memref<2x128x128xf32, #tpu.memory_space<vmem>> -> memref<1x128x128xf32, #tpu.memory_space<vmem>>
      %dma_wait3A_301 = tpu.memref_squeeze %dma_wait3A_300 : memref<1x128x128xf32, #tpu.memory_space<vmem>> -> memref<128x128xf32, #tpu.memory_space<vmem>>
      %dma_wait3A_302 = arith.constant 0 : i32
      %dma_wait3A_303 = tpu.memref_slice %arg9[%dma_wait3A_297, %dma_wait3A_302] : memref<4x128xi32, #tpu.memory_space<vmem>> -> memref<1x128xi32, #tpu.memory_space<vmem>>
      %dma_wait3A_304 = tpu.memref_squeeze %dma_wait3A_303 : memref<1x128xi32, #tpu.memory_space<vmem>> -> memref<128xi32, #tpu.memory_space<vmem>>
      %dma_wait3A_305 = arith.constant 0 : i32
      %dma_wait3A_306 = arith.constant 0 : i32
      %dma_wait3A_307 = tpu.memref_slice %arg7[%dma_wait3A_305, %dma_wait3A_306] : memref<10240x128xf32, #tpu.memory_space<vmem_shared>> -> memref<10240x128xf32, #tpu.memory_space<vmem_shared>>
      tpu.wait_indirect_dma semaphore(%arg13 : memref<!tpu.dma_semaphore, #tpu.memory_space<semaphore_mem>>) src(%dma_wait3A_301 : memref<128x128xf32, #tpu.memory_space<vmem>>) dst(%dma_wait3A_307 : memref<10240x128xf32, #tpu.memory_space<vmem_shared>>)
      %add3A_308 = arith.constant 1 : i32
      %add3A_309 = arith.addi %add3A_295, %add3A_308 : i32
      %lt3A_310 = arith.constant 80 : i32
      %lt3A_311 = arith.cmpi slt, %add3A_309, %lt3A_310 : i32
      %convert_element_type3A_312 = arith.extui %lt3A_311 : i1 to i32
      %cond3A_313 = arith.constant 0 : i32
      %cond3A_314 = arith.cmpi ne, %convert_element_type3A_312, %cond3A_313 : i32
      scf.if %cond3A_314 {
        %dma_start3A_360 = arith.constant 0 : i32
        %dma_start3A_361 = arith.constant 0 : i32
        %dma_start3A_362 = arith.constant 0 : i32
        %dma_start3A_363 = tpu.memref_slice %arg10[%dma_start3A_360, %dma_start3A_361, %dma_start3A_362] : memref<2x128x128xf32, #tpu.memory_space<vmem>> -> memref<1x128x128xf32, #tpu.memory_space<vmem>>
        %dma_start3A_364 = tpu.memref_squeeze %dma_start3A_363 : memref<1x128x128xf32, #tpu.memory_space<vmem>> -> memref<128x128xf32, #tpu.memory_space<vmem>>
        %dma_start3A_365 = arith.constant 0 : i32
        %dma_start3A_366 = tpu.memref_slice %arg8[%add3A_309, %dma_start3A_365] : memref<80x128xi32, #tpu.memory_space<vmem>> -> memref<1x128xi32, #tpu.memory_space<vmem>>
        %dma_start3A_367 = tpu.memref_squeeze %dma_start3A_366 : memref<1x128xi32, #tpu.memory_space<vmem>> -> memref<128xi32, #tpu.memory_space<vmem>>
        %dma_start3A_368 = arith.constant 0 : i32
        %dma_start3A_369 = arith.constant 0 : i32
        %dma_start3A_370 = tpu.memref_slice %arg2[%dma_start3A_368, %dma_start3A_369] : memref<10240x128xf32, #tpu.memory_space<hbm>> -> memref<10240x128xf32, #tpu.memory_space<hbm>>
        tpu.enqueue_indirect_dma source(%dma_start3A_370 : memref<10240x128xf32, #tpu.memory_space<hbm>>) target(%dma_start3A_364 : memref<128x128xf32, #tpu.memory_space<vmem>>) offsets(%dma_start3A_367 : memref<128xi32, #tpu.memory_space<vmem>>) semaphore(%arg11 : memref<!tpu.dma_semaphore, #tpu.memory_space<semaphore_mem>>)
      } else {
      }
      %add3A_315 = arith.constant 3 : i32
      %add3A_316 = arith.addi %add3A_295, %add3A_315 : i32
      %lt3A_317 = arith.constant 80 : i32
      %lt3A_318 = arith.cmpi slt, %add3A_316, %lt3A_317 : i32
      %convert_element_type3A_319 = arith.extui %lt3A_318 : i1 to i32
      %cond3A_320 = arith.constant 0 : i32
      %cond3A_321 = arith.cmpi ne, %convert_element_type3A_319, %cond3A_320 : i32
      scf.if %cond3A_321 {
        %dma_start3A_360 = arith.constant 2 : i32
        %dma_start3A_361 = arith.constant 0 : i32
        %dma_start3A_362 = tpu.memref_slice %arg9[%dma_start3A_360, %dma_start3A_361] : memref<4x128xi32, #tpu.memory_space<vmem>> -> memref<1x128xi32, #tpu.memory_space<vmem>>
        %dma_start3A_363 = tpu.memref_squeeze %dma_start3A_362 : memref<1x128xi32, #tpu.memory_space<vmem>> -> memref<128xi32, #tpu.memory_space<vmem>>
        %dma_start3A_364 = arith.constant 0 : i32
        %dma_start3A_365 = tpu.memref_slice %arg4[%add3A, %add3A_316, %dma_start3A_364] : memref<32x80x128xi32, #tpu.memory_space<hbm>> -> memref<1x1x128xi32, #tpu.memory_space<hbm>>
        %dma_start3A_366 = tpu.memref_squeeze %dma_start3A_365 : memref<1x1x128xi32, #tpu.memory_space<hbm>> -> memref<128xi32, #tpu.memory_space<hbm>>
        %dma_start3A_367 = arith.constant 0 : i32
        %dma_start3A_368 = tpu.memref_slice %arg9[%dma_start3A_360, %dma_start3A_367] : memref<4x128xi32, #tpu.memory_space<vmem>> -> memref<1x128xi32, #tpu.memory_space<vmem>>
        %dma_start3A_369 = tpu.memref_squeeze %dma_start3A_368 : memref<1x128xi32, #tpu.memory_space<vmem>> -> memref<128xi32, #tpu.memory_space<vmem>>
        %dma_start3A_370 = arith.constant 0 : i32
        %dma_start3A_371 = tpu.memref_slice %arg4[%add3A, %add3A_316, %dma_start3A_370] : memref<32x80x128xi32, #tpu.memory_space<hbm>> -> memref<1x1x128xi32, #tpu.memory_space<hbm>>
        %dma_start3A_372 = tpu.memref_squeeze %dma_start3A_371 : memref<1x1x128xi32, #tpu.memory_space<hbm>> -> memref<128xi32, #tpu.memory_space<hbm>>
        tpu.enqueue_dma source(%dma_start3A_372 : memref<128xi32, #tpu.memory_space<hbm>>) target(%dma_start3A_369 : memref<128xi32, #tpu.memory_space<vmem>>) target_semaphore(%arg18 : memref<!tpu.dma_semaphore, #tpu.memory_space<semaphore_mem>>)
      } else {
      }
      %dma_wait3A_322 = arith.constant 0 : i32
      %dma_wait3A_323 = arith.constant 1 : i32
      %dma_wait3A_324 = arith.constant 0 : i32
      %dma_wait3A_325 = arith.constant 0 : i32
      %dma_wait3A_326 = tpu.memref_slice %arg10[%dma_wait3A_323, %dma_wait3A_324, %dma_wait3A_325] : memref<2x128x128xf32, #tpu.memory_space<vmem>> -> memref<1x128x128xf32, #tpu.memory_space<vmem>>
      %dma_wait3A_327 = tpu.memref_squeeze %dma_wait3A_326 : memref<1x128x128xf32, #tpu.memory_space<vmem>> -> memref<128x128xf32, #tpu.memory_space<vmem>>
      %dma_wait3A_328 = arith.constant 0 : i32
      %dma_wait3A_329 = tpu.memref_slice %arg8[%dma_wait3A_322, %dma_wait3A_328] : memref<80x128xi32, #tpu.memory_space<vmem>> -> memref<1x128xi32, #tpu.memory_space<vmem>>
      %dma_wait3A_330 = tpu.memref_squeeze %dma_wait3A_329 : memref<1x128xi32, #tpu.memory_space<vmem>> -> memref<128xi32, #tpu.memory_space<vmem>>
      %dma_wait3A_331 = arith.constant 0 : i32
      %dma_wait3A_332 = arith.constant 0 : i32
      %dma_wait3A_333 = tpu.memref_slice %arg2[%dma_wait3A_331, %dma_wait3A_332] : memref<10240x128xf32, #tpu.memory_space<hbm>> -> memref<10240x128xf32, #tpu.memory_space<hbm>>
      tpu.wait_indirect_dma semaphore(%arg12 : memref<!tpu.dma_semaphore, #tpu.memory_space<semaphore_mem>>) src(%dma_wait3A_333 : memref<10240x128xf32, #tpu.memory_space<hbm>>) dst(%dma_wait3A_327 : memref<128x128xf32, #tpu.memory_space<vmem>>)
      %dma_wait3A_334 = arith.constant 0 : i32
      %dma_wait3A_335 = arith.constant 3 : i32
      %dma_wait3A_336 = arith.constant 0 : i32
      %dma_wait3A_337 = tpu.memref_slice %arg9[%dma_wait3A_335, %dma_wait3A_336] : memref<4x128xi32, #tpu.memory_space<vmem>> -> memref<1x128xi32, #tpu.memory_space<vmem>>
      %dma_wait3A_338 = tpu.memref_squeeze %dma_wait3A_337 : memref<1x128xi32, #tpu.memory_space<vmem>> -> memref<128xi32, #tpu.memory_space<vmem>>
      %dma_wait3A_339 = arith.constant 0 : i32
      %dma_wait3A_340 = tpu.memref_slice %arg4[%add3A, %dma_wait3A_334, %dma_wait3A_339] : memref<32x80x128xi32, #tpu.memory_space<hbm>> -> memref<1x1x128xi32, #tpu.memory_space<hbm>>
      %dma_wait3A_341 = tpu.memref_squeeze %dma_wait3A_340 : memref<1x1x128xi32, #tpu.memory_space<hbm>> -> memref<128xi32, #tpu.memory_space<hbm>>
      %dma_wait3A_342 = arith.constant 0 : i32
      %dma_wait3A_343 = tpu.memref_slice %arg9[%dma_wait3A_335, %dma_wait3A_342] : memref<4x128xi32, #tpu.memory_space<vmem>> -> memref<1x128xi32, #tpu.memory_space<vmem>>
      %dma_wait3A_344 = tpu.memref_squeeze %dma_wait3A_343 : memref<1x128xi32, #tpu.memory_space<vmem>> -> memref<128xi32, #tpu.memory_space<vmem>>
      %dma_wait3A_345 = arith.constant 0 : i32
      %dma_wait3A_346 = tpu.memref_slice %arg4[%add3A, %dma_wait3A_334, %dma_wait3A_345] : memref<32x80x128xi32, #tpu.memory_space<hbm>> -> memref<1x1x128xi32, #tpu.memory_space<hbm>>
      %dma_wait3A_347 = tpu.memref_squeeze %dma_wait3A_346 : memref<1x1x128xi32, #tpu.memory_space<hbm>> -> memref<128xi32, #tpu.memory_space<hbm>>
      tpu.wait_dma2 semaphore(%arg19 : memref<!tpu.dma_semaphore, #tpu.memory_space<semaphore_mem>>) src(%dma_wait3A_347 : memref<128xi32, #tpu.memory_space<hbm>>) dst(%dma_wait3A_344 : memref<128xi32, #tpu.memory_space<vmem>>)
      %dma_start3A_348 = arith.constant 1 : i32
      %dma_start3A_349 = arith.constant 3 : i32
      %dma_start3A_350 = arith.constant 0 : i32
      %dma_start3A_351 = arith.constant 0 : i32
      %dma_start3A_352 = tpu.memref_slice %arg10[%dma_start3A_348, %dma_start3A_350, %dma_start3A_351] : memref<2x128x128xf32, #tpu.memory_space<vmem>> -> memref<1x128x128xf32, #tpu.memory_space<vmem>>
      %dma_start3A_353 = tpu.memref_squeeze %dma_start3A_352 : memref<1x128x128xf32, #tpu.memory_space<vmem>> -> memref<128x128xf32, #tpu.memory_space<vmem>>
      %dma_start3A_354 = arith.constant 0 : i32
      %dma_start3A_355 = tpu.memref_slice %arg9[%dma_start3A_349, %dma_start3A_354] : memref<4x128xi32, #tpu.memory_space<vmem>> -> memref<1x128xi32, #tpu.memory_space<vmem>>
      %dma_start3A_356 = tpu.memref_squeeze %dma_start3A_355 : memref<1x128xi32, #tpu.memory_space<vmem>> -> memref<128xi32, #tpu.memory_space<vmem>>
      %dma_start3A_357 = arith.constant 0 : i32
      %dma_start3A_358 = arith.constant 0 : i32
      %dma_start3A_359 = tpu.memref_slice %arg7[%dma_start3A_357, %dma_start3A_358] : memref<10240x128xf32, #tpu.memory_space<vmem_shared>> -> memref<10240x128xf32, #tpu.memory_space<vmem_shared>>
      tpu.enqueue_indirect_dma source(%dma_start3A_353 : memref<128x128xf32, #tpu.memory_space<vmem>>) target(%dma_start3A_359 : memref<10240x128xf32, #tpu.memory_space<vmem_shared>>) offsets(%dma_start3A_356 : memref<128xi32, #tpu.memory_space<vmem>>) semaphore(%arg14 : memref<!tpu.dma_semaphore, #tpu.memory_space<semaphore_mem>>) {add = true}
    }
    %scan3A_68 = arith.constant 20 : i32
    %dma_wait3A_69 = arith.constant 0 : i32
    %dma_wait3A_70 = arith.constant 0 : i32
    %dma_wait3A_71 = arith.constant 0 : i32
    %dma_wait3A_72 = arith.constant 0 : i32
    %dma_wait3A_73 = tpu.memref_slice %arg10[%dma_wait3A_69, %dma_wait3A_71, %dma_wait3A_72] : memref<2x128x128xf32, #tpu.memory_space<vmem>> -> memref<1x128x128xf32, #tpu.memory_space<vmem>>
    %dma_wait3A_74 = tpu.memref_squeeze %dma_wait3A_73 : memref<1x128x128xf32, #tpu.memory_space<vmem>> -> memref<128x128xf32, #tpu.memory_space<vmem>>
    %dma_wait3A_75 = arith.constant 0 : i32
    %dma_wait3A_76 = tpu.memref_slice %arg9[%dma_wait3A_70, %dma_wait3A_75] : memref<4x128xi32, #tpu.memory_space<vmem>> -> memref<1x128xi32, #tpu.memory_space<vmem>>
    %dma_wait3A_77 = tpu.memref_squeeze %dma_wait3A_76 : memref<1x128xi32, #tpu.memory_space<vmem>> -> memref<128xi32, #tpu.memory_space<vmem>>
    %dma_wait3A_78 = arith.constant 0 : i32
    %dma_wait3A_79 = arith.constant 0 : i32
    %dma_wait3A_80 = tpu.memref_slice %arg7[%dma_wait3A_78, %dma_wait3A_79] : memref<10240x128xf32, #tpu.memory_space<vmem_shared>> -> memref<10240x128xf32, #tpu.memory_space<vmem_shared>>
    tpu.wait_indirect_dma semaphore(%arg14 : memref<!tpu.dma_semaphore, #tpu.memory_space<semaphore_mem>>) src(%dma_wait3A_74 : memref<128x128xf32, #tpu.memory_space<vmem>>) dst(%dma_wait3A_80 : memref<10240x128xf32, #tpu.memory_space<vmem_shared>>)
    %barrier3A_81 = arith.constant 0 : index
    tpu.barrier barrier_id(%barrier3A_81)
    "tpu.region"() ({
      %run_scoped3A = tpu.sem_alloc : memref<!tpu.dma_semaphore, #tpu.memory_space<semaphore_mem>>
      %dma_start3A_82 = arith.constant 0 : i32
      %dma_start3A_83 = tpu.memref_slice %arg6[%arg0, %mul3A_2, %dma_start3A_82] : memref<2x10240x128xf32, #tpu.memory_space<hbm>> -> memref<1x640x128xf32, #tpu.memory_space<hbm>>
      %dma_start3A_84 = tpu.memref_squeeze %dma_start3A_83 : memref<1x640x128xf32, #tpu.memory_space<hbm>> -> memref<640x128xf32, #tpu.memory_space<hbm>>
      %dma_start3A_85 = arith.constant 0 : i32
      %dma_start3A_86 = tpu.memref_slice %arg7[%mul3A_2, %dma_start3A_85] : memref<10240x128xf32, #tpu.memory_space<vmem_shared>> -> memref<640x128xf32, #tpu.memory_space<vmem_shared>>
      tpu.enqueue_dma source(%dma_start3A_86 : memref<640x128xf32, #tpu.memory_space<vmem_shared>>) target(%dma_start3A_84 : memref<640x128xf32, #tpu.memory_space<hbm>>) target_semaphore(%run_scoped3A : memref<!tpu.dma_semaphore, #tpu.memory_space<semaphore_mem>>)
      %dma_wait3A_87 = arith.constant 0 : i32
      %dma_wait3A_88 = tpu.memref_slice %arg6[%arg0, %mul3A_2, %dma_wait3A_87] : memref<2x10240x128xf32, #tpu.memory_space<hbm>> -> memref<1x640x128xf32, #tpu.memory_space<hbm>>
      %dma_wait3A_89 = tpu.memref_squeeze %dma_wait3A_88 : memref<1x640x128xf32, #tpu.memory_space<hbm>> -> memref<640x128xf32, #tpu.memory_space<hbm>>
      %dma_wait3A_90 = arith.constant 0 : i32
      %dma_wait3A_91 = tpu.memref_slice %arg7[%mul3A_2, %dma_wait3A_90] : memref<10240x128xf32, #tpu.memory_space<vmem_shared>> -> memref<640x128xf32, #tpu.memory_space<vmem_shared>>
      tpu.wait_dma2 semaphore(%run_scoped3A : memref<!tpu.dma_semaphore, #tpu.memory_space<semaphore_mem>>) src(%dma_wait3A_91 : memref<640x128xf32, #tpu.memory_space<vmem_shared>>) dst(%dma_wait3A_89 : memref<640x128xf32, #tpu.memory_space<hbm>>)
      tpu.yield
    }) : () -> ()
    return
  }
}

#map = affine_map<(d0, d1) -> (0, 0, 0)>
#map1 = affine_map<(d0, d1) -> (0, 0)>
module attributes {stable_mosaic.version = 14 : i64} {
  func.func @deg_kernel(%arg0: i32, %arg1: i32, %arg2: memref<32x80x128xi32, #tpu.memory_space<hbm>>, %arg3: memref<2x10240xf32, #tpu.memory_space<hbm>>, %arg4: memref<10240xf32, #tpu.memory_space<vmem_shared>>, %arg5: memref<80x128xi32, #tpu.memory_space<vmem>>, %arg6: memref<128xf32, #tpu.memory_space<vmem>>, %arg7: memref<640xf32, #tpu.memory_space<vmem>>) attributes {dimension_semantics = [#tpu.dimension_semantics<core_parallel>, #tpu.dimension_semantics<subcore_parallel>], iteration_bounds = array<i64: 2, 16>, scalar_prefetch = 0 : i64, scratch_operands = 4 : i64, tpu.core_type = #tpu.core_type<sc_vector_subcore>, window_params = [{transform_indices = #map}, {transform_indices = #map1}]} {
    %mul3A = arith.constant 16 : i32
    %mul3A_0 = arith.muli %arg0, %mul3A : i32
    %add3A = arith.addi %mul3A_0, %arg1 : i32
    %broadcast_in_dim3A = arith.constant 1.000000e+00 : f32
    %broadcast_in_dim3A_1 = vector.broadcast %broadcast_in_dim3A : f32 to vector<16xf32>
    %swap3A = arith.constant 0 : index
    %swap3A_2 = tpu.vector_load %arg6[%swap3A] {strides = array<i32>} : memref<128xf32, #tpu.memory_space<vmem>>, vector<16xf32>,
    %swap3A_3 = vector.shape_cast %swap3A_2 : vector<16xf32> to vector<16xf32>
    %swap3A_4 = vector.shape_cast %broadcast_in_dim3A_1 : vector<16xf32> to vector<16xf32>
    tpu.vector_store %arg6[%swap3A], %swap3A_4 {strides = array<i32>} : memref<128xf32, #tpu.memory_space<vmem>>, vector<16xf32>,
    %broadcast_in_dim3A_5 = arith.constant 1.000000e+00 : f32
    %broadcast_in_dim3A_6 = vector.broadcast %broadcast_in_dim3A_5 : f32 to vector<16xf32>
    %swap3A_7 = arith.constant 16 : index
    %swap3A_8 = tpu.vector_load %arg6[%swap3A_7] {strides = array<i32>} : memref<128xf32, #tpu.memory_space<vmem>>, vector<16xf32>,
    %swap3A_9 = vector.shape_cast %swap3A_8 : vector<16xf32> to vector<16xf32>
    %swap3A_10 = vector.shape_cast %broadcast_in_dim3A_6 : vector<16xf32> to vector<16xf32>
    tpu.vector_store %arg6[%swap3A_7], %swap3A_10 {strides = array<i32>} : memref<128xf32, #tpu.memory_space<vmem>>, vector<16xf32>,
    %broadcast_in_dim3A_11 = arith.constant 1.000000e+00 : f32
    %broadcast_in_dim3A_12 = vector.broadcast %broadcast_in_dim3A_11 : f32 to vector<16xf32>
    %swap3A_13 = arith.constant 32 : index
    %swap3A_14 = tpu.vector_load %arg6[%swap3A_13] {strides = array<i32>} : memref<128xf32, #tpu.memory_space<vmem>>, vector<16xf32>,
    %swap3A_15 = vector.shape_cast %swap3A_14 : vector<16xf32> to vector<16xf32>
    %swap3A_16 = vector.shape_cast %broadcast_in_dim3A_12 : vector<16xf32> to vector<16xf32>
    tpu.vector_store %arg6[%swap3A_13], %swap3A_16 {strides = array<i32>} : memref<128xf32, #tpu.memory_space<vmem>>, vector<16xf32>,
    %broadcast_in_dim3A_17 = arith.constant 1.000000e+00 : f32
    %broadcast_in_dim3A_18 = vector.broadcast %broadcast_in_dim3A_17 : f32 to vector<16xf32>
    %swap3A_19 = arith.constant 48 : index
    %swap3A_20 = tpu.vector_load %arg6[%swap3A_19] {strides = array<i32>} : memref<128xf32, #tpu.memory_space<vmem>>, vector<16xf32>,
    %swap3A_21 = vector.shape_cast %swap3A_20 : vector<16xf32> to vector<16xf32>
    %swap3A_22 = vector.shape_cast %broadcast_in_dim3A_18 : vector<16xf32> to vector<16xf32>
    tpu.vector_store %arg6[%swap3A_19], %swap3A_22 {strides = array<i32>} : memref<128xf32, #tpu.memory_space<vmem>>, vector<16xf32>,
    %broadcast_in_dim3A_23 = arith.constant 1.000000e+00 : f32
    %broadcast_in_dim3A_24 = vector.broadcast %broadcast_in_dim3A_23 : f32 to vector<16xf32>
    %swap3A_25 = arith.constant 64 : index
    %swap3A_26 = tpu.vector_load %arg6[%swap3A_25] {strides = array<i32>} : memref<128xf32, #tpu.memory_space<vmem>>, vector<16xf32>,
    %swap3A_27 = vector.shape_cast %swap3A_26 : vector<16xf32> to vector<16xf32>
    %swap3A_28 = vector.shape_cast %broadcast_in_dim3A_24 : vector<16xf32> to vector<16xf32>
    tpu.vector_store %arg6[%swap3A_25], %swap3A_28 {strides = array<i32>} : memref<128xf32, #tpu.memory_space<vmem>>, vector<16xf32>,
    %broadcast_in_dim3A_29 = arith.constant 1.000000e+00 : f32
    %broadcast_in_dim3A_30 = vector.broadcast %broadcast_in_dim3A_29 : f32 to vector<16xf32>
    %swap3A_31 = arith.constant 80 : index
    %swap3A_32 = tpu.vector_load %arg6[%swap3A_31] {strides = array<i32>} : memref<128xf32, #tpu.memory_space<vmem>>, vector<16xf32>,
    %swap3A_33 = vector.shape_cast %swap3A_32 : vector<16xf32> to vector<16xf32>
    %swap3A_34 = vector.shape_cast %broadcast_in_dim3A_30 : vector<16xf32> to vector<16xf32>
    tpu.vector_store %arg6[%swap3A_31], %swap3A_34 {strides = array<i32>} : memref<128xf32, #tpu.memory_space<vmem>>, vector<16xf32>,
    %broadcast_in_dim3A_35 = arith.constant 1.000000e+00 : f32
    %broadcast_in_dim3A_36 = vector.broadcast %broadcast_in_dim3A_35 : f32 to vector<16xf32>
    %swap3A_37 = arith.constant 96 : index
    %swap3A_38 = tpu.vector_load %arg6[%swap3A_37] {strides = array<i32>} : memref<128xf32, #tpu.memory_space<vmem>>, vector<16xf32>,
    %swap3A_39 = vector.shape_cast %swap3A_38 : vector<16xf32> to vector<16xf32>
    %swap3A_40 = vector.shape_cast %broadcast_in_dim3A_36 : vector<16xf32> to vector<16xf32>
    tpu.vector_store %arg6[%swap3A_37], %swap3A_40 {strides = array<i32>} : memref<128xf32, #tpu.memory_space<vmem>>, vector<16xf32>,
    %broadcast_in_dim3A_41 = arith.constant 1.000000e+00 : f32
    %broadcast_in_dim3A_42 = vector.broadcast %broadcast_in_dim3A_41 : f32 to vector<16xf32>
    %swap3A_43 = arith.constant 112 : index
    %swap3A_44 = tpu.vector_load %arg6[%swap3A_43] {strides = array<i32>} : memref<128xf32, #tpu.memory_space<vmem>>, vector<16xf32>,
    %swap3A_45 = vector.shape_cast %swap3A_44 : vector<16xf32> to vector<16xf32>
    %swap3A_46 = vector.shape_cast %broadcast_in_dim3A_42 : vector<16xf32> to vector<16xf32>
    tpu.vector_store %arg6[%swap3A_43], %swap3A_46 {strides = array<i32>} : memref<128xf32, #tpu.memory_space<vmem>>, vector<16xf32>,
    %broadcast_in_dim3A_47 = arith.constant 0.000000e+00 : f32
    %broadcast_in_dim3A_48 = vector.broadcast %broadcast_in_dim3A_47 : f32 to vector<16xf32>
    %swap3A_49 = arith.constant 0 : index
    %swap3A_50 = tpu.vector_load %arg7[%swap3A_49] {strides = array<i32>} : memref<640xf32, #tpu.memory_space<vmem>>, vector<16xf32>,
    %swap3A_51 = vector.shape_cast %swap3A_50 : vector<16xf32> to vector<16xf32>
    %swap3A_52 = vector.shape_cast %broadcast_in_dim3A_48 : vector<16xf32> to vector<16xf32>
    tpu.vector_store %arg7[%swap3A_49], %swap3A_52 {strides = array<i32>} : memref<640xf32, #tpu.memory_space<vmem>>, vector<16xf32>,
    %broadcast_in_dim3A_53 = arith.constant 0.000000e+00 : f32
    %broadcast_in_dim3A_54 = vector.broadcast %broadcast_in_dim3A_53 : f32 to vector<16xf32>
    %swap3A_55 = arith.constant 16 : index
    %swap3A_56 = tpu.vector_load %arg7[%swap3A_55] {strides = array<i32>} : memref<640xf32, #tpu.memory_space<vmem>>, vector<16xf32>,
    %swap3A_57 = vector.shape_cast %swap3A_56 : vector<16xf32> to vector<16xf32>
    %swap3A_58 = vector.shape_cast %broadcast_in_dim3A_54 : vector<16xf32> to vector<16xf32>
    tpu.vector_store %arg7[%swap3A_55], %swap3A_58 {strides = array<i32>} : memref<640xf32, #tpu.memory_space<vmem>>, vector<16xf32>,
    %broadcast_in_dim3A_59 = arith.constant 0.000000e+00 : f32
    %broadcast_in_dim3A_60 = vector.broadcast %broadcast_in_dim3A_59 : f32 to vector<16xf32>
    %swap3A_61 = arith.constant 32 : index
    %swap3A_62 = tpu.vector_load %arg7[%swap3A_61] {strides = array<i32>} : memref<640xf32, #tpu.memory_space<vmem>>, vector<16xf32>,
    %swap3A_63 = vector.shape_cast %swap3A_62 : vector<16xf32> to vector<16xf32>
    %swap3A_64 = vector.shape_cast %broadcast_in_dim3A_60 : vector<16xf32> to vector<16xf32>
    tpu.vector_store %arg7[%swap3A_61], %swap3A_64 {strides = array<i32>} : memref<640xf32, #tpu.memory_space<vmem>>, vector<16xf32>,
    %broadcast_in_dim3A_65 = arith.constant 0.000000e+00 : f32
    %broadcast_in_dim3A_66 = vector.broadcast %broadcast_in_dim3A_65 : f32 to vector<16xf32>
    %swap3A_67 = arith.constant 48 : index
    %swap3A_68 = tpu.vector_load %arg7[%swap3A_67] {strides = array<i32>} : memref<640xf32, #tpu.memory_space<vmem>>, vector<16xf32>,
    %swap3A_69 = vector.shape_cast %swap3A_68 : vector<16xf32> to vector<16xf32>
    %swap3A_70 = vector.shape_cast %broadcast_in_dim3A_66 : vector<16xf32> to vector<16xf32>
    tpu.vector_store %arg7[%swap3A_67], %swap3A_70 {strides = array<i32>} : memref<640xf32, #tpu.memory_space<vmem>>, vector<16xf32>,
    %broadcast_in_dim3A_71 = arith.constant 0.000000e+00 : f32
    %broadcast_in_dim3A_72 = vector.broadcast %broadcast_in_dim3A_71 : f32 to vector<16xf32>
    %swap3A_73 = arith.constant 64 : index
    %swap3A_74 = tpu.vector_load %arg7[%swap3A_73] {strides = array<i32>} : memref<640xf32, #tpu.memory_space<vmem>>, vector<16xf32>,
    %swap3A_75 = vector.shape_cast %swap3A_74 : vector<16xf32> to vector<16xf32>
    %swap3A_76 = vector.shape_cast %broadcast_in_dim3A_72 : vector<16xf32> to vector<16xf32>
    tpu.vector_store %arg7[%swap3A_73], %swap3A_76 {strides = array<i32>} : memref<640xf32, #tpu.memory_space<vmem>>, vector<16xf32>,
    %broadcast_in_dim3A_77 = arith.constant 0.000000e+00 : f32
    %broadcast_in_dim3A_78 = vector.broadcast %broadcast_in_dim3A_77 : f32 to vector<16xf32>
    %swap3A_79 = arith.constant 80 : index
    %swap3A_80 = tpu.vector_load %arg7[%swap3A_79] {strides = array<i32>} : memref<640xf32, #tpu.memory_space<vmem>>, vector<16xf32>,
    %swap3A_81 = vector.shape_cast %swap3A_80 : vector<16xf32> to vector<16xf32>
    %swap3A_82 = vector.shape_cast %broadcast_in_dim3A_78 : vector<16xf32> to vector<16xf32>
    tpu.vector_store %arg7[%swap3A_79], %swap3A_82 {strides = array<i32>} : memref<640xf32, #tpu.memory_space<vmem>>, vector<16xf32>,
    %broadcast_in_dim3A_83 = arith.constant 0.000000e+00 : f32
    %broadcast_in_dim3A_84 = vector.broadcast %broadcast_in_dim3A_83 : f32 to vector<16xf32>
    %swap3A_85 = arith.constant 96 : index
    %swap3A_86 = tpu.vector_load %arg7[%swap3A_85] {strides = array<i32>} : memref<640xf32, #tpu.memory_space<vmem>>, vector<16xf32>,
    %swap3A_87 = vector.shape_cast %swap3A_86 : vector<16xf32> to vector<16xf32>
    %swap3A_88 = vector.shape_cast %broadcast_in_dim3A_84 : vector<16xf32> to vector<16xf32>
    tpu.vector_store %arg7[%swap3A_85], %swap3A_88 {strides = array<i32>} : memref<640xf32, #tpu.memory_space<vmem>>, vector<16xf32>,
    %broadcast_in_dim3A_89 = arith.constant 0.000000e+00 : f32
    %broadcast_in_dim3A_90 = vector.broadcast %broadcast_in_dim3A_89 : f32 to vector<16xf32>
    %swap3A_91 = arith.constant 112 : index
    %swap3A_92 = tpu.vector_load %arg7[%swap3A_91] {strides = array<i32>} : memref<640xf32, #tpu.memory_space<vmem>>, vector<16xf32>,
    %swap3A_93 = vector.shape_cast %swap3A_92 : vector<16xf32> to vector<16xf32>
    %swap3A_94 = vector.shape_cast %broadcast_in_dim3A_90 : vector<16xf32> to vector<16xf32>
    tpu.vector_store %arg7[%swap3A_91], %swap3A_94 {strides = array<i32>} : memref<640xf32, #tpu.memory_space<vmem>>, vector<16xf32>,
    %broadcast_in_dim3A_95 = arith.constant 0.000000e+00 : f32
    %broadcast_in_dim3A_96 = vector.broadcast %broadcast_in_dim3A_95 : f32 to vector<16xf32>
    %swap3A_97 = arith.constant 128 : index
    %swap3A_98 = tpu.vector_load %arg7[%swap3A_97] {strides = array<i32>} : memref<640xf32, #tpu.memory_space<vmem>>, vector<16xf32>,
    %swap3A_99 = vector.shape_cast %swap3A_98 : vector<16xf32> to vector<16xf32>
    %swap3A_100 = vector.shape_cast %broadcast_in_dim3A_96 : vector<16xf32> to vector<16xf32>
    tpu.vector_store %arg7[%swap3A_97], %swap3A_100 {strides = array<i32>} : memref<640xf32, #tpu.memory_space<vmem>>, vector<16xf32>,
    %broadcast_in_dim3A_101 = arith.constant 0.000000e+00 : f32
    %broadcast_in_dim3A_102 = vector.broadcast %broadcast_in_dim3A_101 : f32 to vector<16xf32>
    %swap3A_103 = arith.constant 144 : index
    %swap3A_104 = tpu.vector_load %arg7[%swap3A_103] {strides = array<i32>} : memref<640xf32, #tpu.memory_space<vmem>>, vector<16xf32>,
    %swap3A_105 = vector.shape_cast %swap3A_104 : vector<16xf32> to vector<16xf32>
    %swap3A_106 = vector.shape_cast %broadcast_in_dim3A_102 : vector<16xf32> to vector<16xf32>
    tpu.vector_store %arg7[%swap3A_103], %swap3A_106 {strides = array<i32>} : memref<640xf32, #tpu.memory_space<vmem>>, vector<16xf32>,
    %broadcast_in_dim3A_107 = arith.constant 0.000000e+00 : f32
    %broadcast_in_dim3A_108 = vector.broadcast %broadcast_in_dim3A_107 : f32 to vector<16xf32>
    %swap3A_109 = arith.constant 160 : index
    %swap3A_110 = tpu.vector_load %arg7[%swap3A_109] {strides = array<i32>} : memref<640xf32, #tpu.memory_space<vmem>>, vector<16xf32>,
    %swap3A_111 = vector.shape_cast %swap3A_110 : vector<16xf32> to vector<16xf32>
    %swap3A_112 = vector.shape_cast %broadcast_in_dim3A_108 : vector<16xf32> to vector<16xf32>
    tpu.vector_store %arg7[%swap3A_109], %swap3A_112 {strides = array<i32>} : memref<640xf32, #tpu.memory_space<vmem>>, vector<16xf32>,
    %broadcast_in_dim3A_113 = arith.constant 0.000000e+00 : f32
    %broadcast_in_dim3A_114 = vector.broadcast %broadcast_in_dim3A_113 : f32 to vector<16xf32>
    %swap3A_115 = arith.constant 176 : index
    %swap3A_116 = tpu.vector_load %arg7[%swap3A_115] {strides = array<i32>} : memref<640xf32, #tpu.memory_space<vmem>>, vector<16xf32>,
    %swap3A_117 = vector.shape_cast %swap3A_116 : vector<16xf32> to vector<16xf32>
    %swap3A_118 = vector.shape_cast %broadcast_in_dim3A_114 : vector<16xf32> to vector<16xf32>
    tpu.vector_store %arg7[%swap3A_115], %swap3A_118 {strides = array<i32>} : memref<640xf32, #tpu.memory_space<vmem>>, vector<16xf32>,
    %broadcast_in_dim3A_119 = arith.constant 0.000000e+00 : f32
    %broadcast_in_dim3A_120 = vector.broadcast %broadcast_in_dim3A_119 : f32 to vector<16xf32>
    %swap3A_121 = arith.constant 192 : index
    %swap3A_122 = tpu.vector_load %arg7[%swap3A_121] {strides = array<i32>} : memref<640xf32, #tpu.memory_space<vmem>>, vector<16xf32>,
    %swap3A_123 = vector.shape_cast %swap3A_122 : vector<16xf32> to vector<16xf32>
    %swap3A_124 = vector.shape_cast %broadcast_in_dim3A_120 : vector<16xf32> to vector<16xf32>
    tpu.vector_store %arg7[%swap3A_121], %swap3A_124 {strides = array<i32>} : memref<640xf32, #tpu.memory_space<vmem>>, vector<16xf32>,
    %broadcast_in_dim3A_125 = arith.constant 0.000000e+00 : f32
    %broadcast_in_dim3A_126 = vector.broadcast %broadcast_in_dim3A_125 : f32 to vector<16xf32>
    %swap3A_127 = arith.constant 208 : index
    %swap3A_128 = tpu.vector_load %arg7[%swap3A_127] {strides = array<i32>} : memref<640xf32, #tpu.memory_space<vmem>>, vector<16xf32>,
    %swap3A_129 = vector.shape_cast %swap3A_128 : vector<16xf32> to vector<16xf32>
    %swap3A_130 = vector.shape_cast %broadcast_in_dim3A_126 : vector<16xf32> to vector<16xf32>
    tpu.vector_store %arg7[%swap3A_127], %swap3A_130 {strides = array<i32>} : memref<640xf32, #tpu.memory_space<vmem>>, vector<16xf32>,
    %broadcast_in_dim3A_131 = arith.constant 0.000000e+00 : f32
    %broadcast_in_dim3A_132 = vector.broadcast %broadcast_in_dim3A_131 : f32 to vector<16xf32>
    %swap3A_133 = arith.constant 224 : index
    %swap3A_134 = tpu.vector_load %arg7[%swap3A_133] {strides = array<i32>} : memref<640xf32, #tpu.memory_space<vmem>>, vector<16xf32>,
    %swap3A_135 = vector.shape_cast %swap3A_134 : vector<16xf32> to vector<16xf32>
    %swap3A_136 = vector.shape_cast %broadcast_in_dim3A_132 : vector<16xf32> to vector<16xf32>
    tpu.vector_store %arg7[%swap3A_133], %swap3A_136 {strides = array<i32>} : memref<640xf32, #tpu.memory_space<vmem>>, vector<16xf32>,
    %broadcast_in_dim3A_137 = arith.constant 0.000000e+00 : f32
    %broadcast_in_dim3A_138 = vector.broadcast %broadcast_in_dim3A_137 : f32 to vector<16xf32>
    %swap3A_139 = arith.constant 240 : index
    %swap3A_140 = tpu.vector_load %arg7[%swap3A_139] {strides = array<i32>} : memref<640xf32, #tpu.memory_space<vmem>>, vector<16xf32>,
    %swap3A_141 = vector.shape_cast %swap3A_140 : vector<16xf32> to vector<16xf32>
    %swap3A_142 = vector.shape_cast %broadcast_in_dim3A_138 : vector<16xf32> to vector<16xf32>
    tpu.vector_store %arg7[%swap3A_139], %swap3A_142 {strides = array<i32>} : memref<640xf32, #tpu.memory_space<vmem>>, vector<16xf32>,
    %broadcast_in_dim3A_143 = arith.constant 0.000000e+00 : f32
    %broadcast_in_dim3A_144 = vector.broadcast %broadcast_in_dim3A_143 : f32 to vector<16xf32>
    %swap3A_145 = arith.constant 256 : index
    %swap3A_146 = tpu.vector_load %arg7[%swap3A_145] {strides = array<i32>} : memref<640xf32, #tpu.memory_space<vmem>>, vector<16xf32>,
    %swap3A_147 = vector.shape_cast %swap3A_146 : vector<16xf32> to vector<16xf32>
    %swap3A_148 = vector.shape_cast %broadcast_in_dim3A_144 : vector<16xf32> to vector<16xf32>
    tpu.vector_store %arg7[%swap3A_145], %swap3A_148 {strides = array<i32>} : memref<640xf32, #tpu.memory_space<vmem>>, vector<16xf32>,
    %broadcast_in_dim3A_149 = arith.constant 0.000000e+00 : f32
    %broadcast_in_dim3A_150 = vector.broadcast %broadcast_in_dim3A_149 : f32 to vector<16xf32>
    %swap3A_151 = arith.constant 272 : index
    %swap3A_152 = tpu.vector_load %arg7[%swap3A_151] {strides = array<i32>} : memref<640xf32, #tpu.memory_space<vmem>>, vector<16xf32>,
    %swap3A_153 = vector.shape_cast %swap3A_152 : vector<16xf32> to vector<16xf32>
    %swap3A_154 = vector.shape_cast %broadcast_in_dim3A_150 : vector<16xf32> to vector<16xf32>
    tpu.vector_store %arg7[%swap3A_151], %swap3A_154 {strides = array<i32>} : memref<640xf32, #tpu.memory_space<vmem>>, vector<16xf32>,
    %broadcast_in_dim3A_155 = arith.constant 0.000000e+00 : f32
    %broadcast_in_dim3A_156 = vector.broadcast %broadcast_in_dim3A_155 : f32 to vector<16xf32>
    %swap3A_157 = arith.constant 288 : index
    %swap3A_158 = tpu.vector_load %arg7[%swap3A_157] {strides = array<i32>} : memref<640xf32, #tpu.memory_space<vmem>>, vector<16xf32>,
    %swap3A_159 = vector.shape_cast %swap3A_158 : vector<16xf32> to vector<16xf32>
    %swap3A_160 = vector.shape_cast %broadcast_in_dim3A_156 : vector<16xf32> to vector<16xf32>
    tpu.vector_store %arg7[%swap3A_157], %swap3A_160 {strides = array<i32>} : memref<640xf32, #tpu.memory_space<vmem>>, vector<16xf32>,
    %broadcast_in_dim3A_161 = arith.constant 0.000000e+00 : f32
    %broadcast_in_dim3A_162 = vector.broadcast %broadcast_in_dim3A_161 : f32 to vector<16xf32>
    %swap3A_163 = arith.constant 304 : index
    %swap3A_164 = tpu.vector_load %arg7[%swap3A_163] {strides = array<i32>} : memref<640xf32, #tpu.memory_space<vmem>>, vector<16xf32>,
    %swap3A_165 = vector.shape_cast %swap3A_164 : vector<16xf32> to vector<16xf32>
    %swap3A_166 = vector.shape_cast %broadcast_in_dim3A_162 : vector<16xf32> to vector<16xf32>
    tpu.vector_store %arg7[%swap3A_163], %swap3A_166 {strides = array<i32>} : memref<640xf32, #tpu.memory_space<vmem>>, vector<16xf32>,
    %broadcast_in_dim3A_167 = arith.constant 0.000000e+00 : f32
    %broadcast_in_dim3A_168 = vector.broadcast %broadcast_in_dim3A_167 : f32 to vector<16xf32>
    %swap3A_169 = arith.constant 320 : index
    %swap3A_170 = tpu.vector_load %arg7[%swap3A_169] {strides = array<i32>} : memref<640xf32, #tpu.memory_space<vmem>>, vector<16xf32>,
    %swap3A_171 = vector.shape_cast %swap3A_170 : vector<16xf32> to vector<16xf32>
    %swap3A_172 = vector.shape_cast %broadcast_in_dim3A_168 : vector<16xf32> to vector<16xf32>
    tpu.vector_store %arg7[%swap3A_169], %swap3A_172 {strides = array<i32>} : memref<640xf32, #tpu.memory_space<vmem>>, vector<16xf32>,
    %broadcast_in_dim3A_173 = arith.constant 0.000000e+00 : f32
    %broadcast_in_dim3A_174 = vector.broadcast %broadcast_in_dim3A_173 : f32 to vector<16xf32>
    %swap3A_175 = arith.constant 336 : index
    %swap3A_176 = tpu.vector_load %arg7[%swap3A_175] {strides = array<i32>} : memref<640xf32, #tpu.memory_space<vmem>>, vector<16xf32>,
    %swap3A_177 = vector.shape_cast %swap3A_176 : vector<16xf32> to vector<16xf32>
    %swap3A_178 = vector.shape_cast %broadcast_in_dim3A_174 : vector<16xf32> to vector<16xf32>
    tpu.vector_store %arg7[%swap3A_175], %swap3A_178 {strides = array<i32>} : memref<640xf32, #tpu.memory_space<vmem>>, vector<16xf32>,
    %broadcast_in_dim3A_179 = arith.constant 0.000000e+00 : f32
    %broadcast_in_dim3A_180 = vector.broadcast %broadcast_in_dim3A_179 : f32 to vector<16xf32>
    %swap3A_181 = arith.constant 352 : index
    %swap3A_182 = tpu.vector_load %arg7[%swap3A_181] {strides = array<i32>} : memref<640xf32, #tpu.memory_space<vmem>>, vector<16xf32>,
    %swap3A_183 = vector.shape_cast %swap3A_182 : vector<16xf32> to vector<16xf32>
    %swap3A_184 = vector.shape_cast %broadcast_in_dim3A_180 : vector<16xf32> to vector<16xf32>
    tpu.vector_store %arg7[%swap3A_181], %swap3A_184 {strides = array<i32>} : memref<640xf32, #tpu.memory_space<vmem>>, vector<16xf32>,
    %broadcast_in_dim3A_185 = arith.constant 0.000000e+00 : f32
    %broadcast_in_dim3A_186 = vector.broadcast %broadcast_in_dim3A_185 : f32 to vector<16xf32>
    %swap3A_187 = arith.constant 368 : index
    %swap3A_188 = tpu.vector_load %arg7[%swap3A_187] {strides = array<i32>} : memref<640xf32, #tpu.memory_space<vmem>>, vector<16xf32>,
    %swap3A_189 = vector.shape_cast %swap3A_188 : vector<16xf32> to vector<16xf32>
    %swap3A_190 = vector.shape_cast %broadcast_in_dim3A_186 : vector<16xf32> to vector<16xf32>
    tpu.vector_store %arg7[%swap3A_187], %swap3A_190 {strides = array<i32>} : memref<640xf32, #tpu.memory_space<vmem>>, vector<16xf32>,
    %broadcast_in_dim3A_191 = arith.constant 0.000000e+00 : f32
    %broadcast_in_dim3A_192 = vector.broadcast %broadcast_in_dim3A_191 : f32 to vector<16xf32>
    %swap3A_193 = arith.constant 384 : index
    %swap3A_194 = tpu.vector_load %arg7[%swap3A_193] {strides = array<i32>} : memref<640xf32, #tpu.memory_space<vmem>>, vector<16xf32>,
    %swap3A_195 = vector.shape_cast %swap3A_194 : vector<16xf32> to vector<16xf32>
    %swap3A_196 = vector.shape_cast %broadcast_in_dim3A_192 : vector<16xf32> to vector<16xf32>
    tpu.vector_store %arg7[%swap3A_193], %swap3A_196 {strides = array<i32>} : memref<640xf32, #tpu.memory_space<vmem>>, vector<16xf32>,
    %broadcast_in_dim3A_197 = arith.constant 0.000000e+00 : f32
    %broadcast_in_dim3A_198 = vector.broadcast %broadcast_in_dim3A_197 : f32 to vector<16xf32>
    %swap3A_199 = arith.constant 400 : index
    %swap3A_200 = tpu.vector_load %arg7[%swap3A_199] {strides = array<i32>} : memref<640xf32, #tpu.memory_space<vmem>>, vector<16xf32>,
    %swap3A_201 = vector.shape_cast %swap3A_200 : vector<16xf32> to vector<16xf32>
    %swap3A_202 = vector.shape_cast %broadcast_in_dim3A_198 : vector<16xf32> to vector<16xf32>
    tpu.vector_store %arg7[%swap3A_199], %swap3A_202 {strides = array<i32>} : memref<640xf32, #tpu.memory_space<vmem>>, vector<16xf32>,
    %broadcast_in_dim3A_203 = arith.constant 0.000000e+00 : f32
    %broadcast_in_dim3A_204 = vector.broadcast %broadcast_in_dim3A_203 : f32 to vector<16xf32>
    %swap3A_205 = arith.constant 416 : index
    %swap3A_206 = tpu.vector_load %arg7[%swap3A_205] {strides = array<i32>} : memref<640xf32, #tpu.memory_space<vmem>>, vector<16xf32>,
    %swap3A_207 = vector.shape_cast %swap3A_206 : vector<16xf32> to vector<16xf32>
    %swap3A_208 = vector.shape_cast %broadcast_in_dim3A_204 : vector<16xf32> to vector<16xf32>
    tpu.vector_store %arg7[%swap3A_205], %swap3A_208 {strides = array<i32>} : memref<640xf32, #tpu.memory_space<vmem>>, vector<16xf32>,
    %broadcast_in_dim3A_209 = arith.constant 0.000000e+00 : f32
    %broadcast_in_dim3A_210 = vector.broadcast %broadcast_in_dim3A_209 : f32 to vector<16xf32>
    %swap3A_211 = arith.constant 432 : index
    %swap3A_212 = tpu.vector_load %arg7[%swap3A_211] {strides = array<i32>} : memref<640xf32, #tpu.memory_space<vmem>>, vector<16xf32>,
    %swap3A_213 = vector.shape_cast %swap3A_212 : vector<16xf32> to vector<16xf32>
    %swap3A_214 = vector.shape_cast %broadcast_in_dim3A_210 : vector<16xf32> to vector<16xf32>
    tpu.vector_store %arg7[%swap3A_211], %swap3A_214 {strides = array<i32>} : memref<640xf32, #tpu.memory_space<vmem>>, vector<16xf32>,
    %broadcast_in_dim3A_215 = arith.constant 0.000000e+00 : f32
    %broadcast_in_dim3A_216 = vector.broadcast %broadcast_in_dim3A_215 : f32 to vector<16xf32>
    %swap3A_217 = arith.constant 448 : index
    %swap3A_218 = tpu.vector_load %arg7[%swap3A_217] {strides = array<i32>} : memref<640xf32, #tpu.memory_space<vmem>>, vector<16xf32>,
    %swap3A_219 = vector.shape_cast %swap3A_218 : vector<16xf32> to vector<16xf32>
    %swap3A_220 = vector.shape_cast %broadcast_in_dim3A_216 : vector<16xf32> to vector<16xf32>
    tpu.vector_store %arg7[%swap3A_217], %swap3A_220 {strides = array<i32>} : memref<640xf32, #tpu.memory_space<vmem>>, vector<16xf32>,
    %broadcast_in_dim3A_221 = arith.constant 0.000000e+00 : f32
    %broadcast_in_dim3A_222 = vector.broadcast %broadcast_in_dim3A_221 : f32 to vector<16xf32>
    %swap3A_223 = arith.constant 464 : index
    %swap3A_224 = tpu.vector_load %arg7[%swap3A_223] {strides = array<i32>} : memref<640xf32, #tpu.memory_space<vmem>>, vector<16xf32>,
    %swap3A_225 = vector.shape_cast %swap3A_224 : vector<16xf32> to vector<16xf32>
    %swap3A_226 = vector.shape_cast %broadcast_in_dim3A_222 : vector<16xf32> to vector<16xf32>
    tpu.vector_store %arg7[%swap3A_223], %swap3A_226 {strides = array<i32>} : memref<640xf32, #tpu.memory_space<vmem>>, vector<16xf32>,
    %broadcast_in_dim3A_227 = arith.constant 0.000000e+00 : f32
    %broadcast_in_dim3A_228 = vector.broadcast %broadcast_in_dim3A_227 : f32 to vector<16xf32>
    %swap3A_229 = arith.constant 480 : index
    %swap3A_230 = tpu.vector_load %arg7[%swap3A_229] {strides = array<i32>} : memref<640xf32, #tpu.memory_space<vmem>>, vector<16xf32>,
    %swap3A_231 = vector.shape_cast %swap3A_230 : vector<16xf32> to vector<16xf32>
    %swap3A_232 = vector.shape_cast %broadcast_in_dim3A_228 : vector<16xf32> to vector<16xf32>
    tpu.vector_store %arg7[%swap3A_229], %swap3A_232 {strides = array<i32>} : memref<640xf32, #tpu.memory_space<vmem>>, vector<16xf32>,
    %broadcast_in_dim3A_233 = arith.constant 0.000000e+00 : f32
    %broadcast_in_dim3A_234 = vector.broadcast %broadcast_in_dim3A_233 : f32 to vector<16xf32>
    %swap3A_235 = arith.constant 496 : index
    %swap3A_236 = tpu.vector_load %arg7[%swap3A_235] {strides = array<i32>} : memref<640xf32, #tpu.memory_space<vmem>>, vector<16xf32>,
    %swap3A_237 = vector.shape_cast %swap3A_236 : vector<16xf32> to vector<16xf32>
    %swap3A_238 = vector.shape_cast %broadcast_in_dim3A_234 : vector<16xf32> to vector<16xf32>
    tpu.vector_store %arg7[%swap3A_235], %swap3A_238 {strides = array<i32>} : memref<640xf32, #tpu.memory_space<vmem>>, vector<16xf32>,
    %broadcast_in_dim3A_239 = arith.constant 0.000000e+00 : f32
    %broadcast_in_dim3A_240 = vector.broadcast %broadcast_in_dim3A_239 : f32 to vector<16xf32>
    %swap3A_241 = arith.constant 512 : index
    %swap3A_242 = tpu.vector_load %arg7[%swap3A_241] {strides = array<i32>} : memref<640xf32, #tpu.memory_space<vmem>>, vector<16xf32>,
    %swap3A_243 = vector.shape_cast %swap3A_242 : vector<16xf32> to vector<16xf32>
    %swap3A_244 = vector.shape_cast %broadcast_in_dim3A_240 : vector<16xf32> to vector<16xf32>
    tpu.vector_store %arg7[%swap3A_241], %swap3A_244 {strides = array<i32>} : memref<640xf32, #tpu.memory_space<vmem>>, vector<16xf32>,
    %broadcast_in_dim3A_245 = arith.constant 0.000000e+00 : f32
    %broadcast_in_dim3A_246 = vector.broadcast %broadcast_in_dim3A_245 : f32 to vector<16xf32>
    %swap3A_247 = arith.constant 528 : index
    %swap3A_248 = tpu.vector_load %arg7[%swap3A_247] {strides = array<i32>} : memref<640xf32, #tpu.memory_space<vmem>>, vector<16xf32>,
    %swap3A_249 = vector.shape_cast %swap3A_248 : vector<16xf32> to vector<16xf32>
    %swap3A_250 = vector.shape_cast %broadcast_in_dim3A_246 : vector<16xf32> to vector<16xf32>
    tpu.vector_store %arg7[%swap3A_247], %swap3A_250 {strides = array<i32>} : memref<640xf32, #tpu.memory_space<vmem>>, vector<16xf32>,
    %broadcast_in_dim3A_251 = arith.constant 0.000000e+00 : f32
    %broadcast_in_dim3A_252 = vector.broadcast %broadcast_in_dim3A_251 : f32 to vector<16xf32>
    %swap3A_253 = arith.constant 544 : index
    %swap3A_254 = tpu.vector_load %arg7[%swap3A_253] {strides = array<i32>} : memref<640xf32, #tpu.memory_space<vmem>>, vector<16xf32>,
    %swap3A_255 = vector.shape_cast %swap3A_254 : vector<16xf32> to vector<16xf32>
    %swap3A_256 = vector.shape_cast %broadcast_in_dim3A_252 : vector<16xf32> to vector<16xf32>
    tpu.vector_store %arg7[%swap3A_253], %swap3A_256 {strides = array<i32>} : memref<640xf32, #tpu.memory_space<vmem>>, vector<16xf32>,
    %broadcast_in_dim3A_257 = arith.constant 0.000000e+00 : f32
    %broadcast_in_dim3A_258 = vector.broadcast %broadcast_in_dim3A_257 : f32 to vector<16xf32>
    %swap3A_259 = arith.constant 560 : index
    %swap3A_260 = tpu.vector_load %arg7[%swap3A_259] {strides = array<i32>} : memref<640xf32, #tpu.memory_space<vmem>>, vector<16xf32>,
    %swap3A_261 = vector.shape_cast %swap3A_260 : vector<16xf32> to vector<16xf32>
    %swap3A_262 = vector.shape_cast %broadcast_in_dim3A_258 : vector<16xf32> to vector<16xf32>
    tpu.vector_store %arg7[%swap3A_259], %swap3A_262 {strides = array<i32>} : memref<640xf32, #tpu.memory_space<vmem>>, vector<16xf32>,
    %broadcast_in_dim3A_263 = arith.constant 0.000000e+00 : f32
    %broadcast_in_dim3A_264 = vector.broadcast %broadcast_in_dim3A_263 : f32 to vector<16xf32>
    %swap3A_265 = arith.constant 576 : index
    %swap3A_266 = tpu.vector_load %arg7[%swap3A_265] {strides = array<i32>} : memref<640xf32, #tpu.memory_space<vmem>>, vector<16xf32>,
    %swap3A_267 = vector.shape_cast %swap3A_266 : vector<16xf32> to vector<16xf32>
    %swap3A_268 = vector.shape_cast %broadcast_in_dim3A_264 : vector<16xf32> to vector<16xf32>
    tpu.vector_store %arg7[%swap3A_265], %swap3A_268 {strides = array<i32>} : memref<640xf32, #tpu.memory_space<vmem>>, vector<16xf32>,
    %broadcast_in_dim3A_269 = arith.constant 0.000000e+00 : f32
    %broadcast_in_dim3A_270 = vector.broadcast %broadcast_in_dim3A_269 : f32 to vector<16xf32>
    %swap3A_271 = arith.constant 592 : index
    %swap3A_272 = tpu.vector_load %arg7[%swap3A_271] {strides = array<i32>} : memref<640xf32, #tpu.memory_space<vmem>>, vector<16xf32>,
    %swap3A_273 = vector.shape_cast %swap3A_272 : vector<16xf32> to vector<16xf32>
    %swap3A_274 = vector.shape_cast %broadcast_in_dim3A_270 : vector<16xf32> to vector<16xf32>
    tpu.vector_store %arg7[%swap3A_271], %swap3A_274 {strides = array<i32>} : memref<640xf32, #tpu.memory_space<vmem>>, vector<16xf32>,
    %broadcast_in_dim3A_275 = arith.constant 0.000000e+00 : f32
    %broadcast_in_dim3A_276 = vector.broadcast %broadcast_in_dim3A_275 : f32 to vector<16xf32>
    %swap3A_277 = arith.constant 608 : index
    %swap3A_278 = tpu.vector_load %arg7[%swap3A_277] {strides = array<i32>} : memref<640xf32, #tpu.memory_space<vmem>>, vector<16xf32>,
    %swap3A_279 = vector.shape_cast %swap3A_278 : vector<16xf32> to vector<16xf32>
    %swap3A_280 = vector.shape_cast %broadcast_in_dim3A_276 : vector<16xf32> to vector<16xf32>
    tpu.vector_store %arg7[%swap3A_277], %swap3A_280 {strides = array<i32>} : memref<640xf32, #tpu.memory_space<vmem>>, vector<16xf32>,
    %broadcast_in_dim3A_281 = arith.constant 0.000000e+00 : f32
    %broadcast_in_dim3A_282 = vector.broadcast %broadcast_in_dim3A_281 : f32 to vector<16xf32>
    %swap3A_283 = arith.constant 624 : index
    %swap3A_284 = tpu.vector_load %arg7[%swap3A_283] {strides = array<i32>} : memref<640xf32, #tpu.memory_space<vmem>>, vector<16xf32>,
    %swap3A_285 = vector.shape_cast %swap3A_284 : vector<16xf32> to vector<16xf32>
    %swap3A_286 = vector.shape_cast %broadcast_in_dim3A_282 : vector<16xf32> to vector<16xf32>
    tpu.vector_store %arg7[%swap3A_283], %swap3A_286 {strides = array<i32>} : memref<640xf32, #tpu.memory_space<vmem>>, vector<16xf32>,
    %mul3A_287 = arith.constant 640 : i32
    %mul3A_288 = arith.muli %arg1, %mul3A_287 : i32
    "tpu.region"() ({
      %run_scoped3A = tpu.sem_alloc : memref<!tpu.dma_semaphore, #tpu.memory_space<semaphore_mem>>
      %dma_start3A = tpu.memref_slice %arg4[%mul3A_288] : memref<10240xf32, #tpu.memory_space<vmem_shared>> -> memref<640xf32, #tpu.memory_space<vmem_shared>>
      %dma_start3A_299 = tpu.memref_slice %arg4[%mul3A_288] : memref<10240xf32, #tpu.memory_space<vmem_shared>> -> memref<640xf32, #tpu.memory_space<vmem_shared>>
      tpu.enqueue_dma source(%arg7 : memref<640xf32, #tpu.memory_space<vmem>>) target(%dma_start3A_299 : memref<640xf32, #tpu.memory_space<vmem_shared>>) target_semaphore(%run_scoped3A : memref<!tpu.dma_semaphore, #tpu.memory_space<semaphore_mem>>)
      %dma_wait3A = tpu.memref_slice %arg4[%mul3A_288] : memref<10240xf32, #tpu.memory_space<vmem_shared>> -> memref<640xf32, #tpu.memory_space<vmem_shared>>
      %dma_wait3A_300 = tpu.memref_slice %arg4[%mul3A_288] : memref<10240xf32, #tpu.memory_space<vmem_shared>> -> memref<640xf32, #tpu.memory_space<vmem_shared>>
      tpu.wait_dma2 semaphore(%run_scoped3A : memref<!tpu.dma_semaphore, #tpu.memory_space<semaphore_mem>>) src(%arg7 : memref<640xf32, #tpu.memory_space<vmem>>) dst(%dma_wait3A_300 : memref<640xf32, #tpu.memory_space<vmem_shared>>)
      tpu.yield
    }) : () -> ()
    "tpu.region"() ({
      %run_scoped3A = tpu.sem_alloc : memref<!tpu.dma_semaphore, #tpu.memory_space<semaphore_mem>>
      %dma_start3A = arith.constant 0 : i32
      %dma_start3A_299 = arith.constant 0 : i32
      %dma_start3A_300 = tpu.memref_slice %arg2[%add3A, %dma_start3A, %dma_start3A_299] : memref<32x80x128xi32, #tpu.memory_space<hbm>> -> memref<1x80x128xi32, #tpu.memory_space<hbm>>
      %dma_start3A_301 = tpu.memref_squeeze %dma_start3A_300 : memref<1x80x128xi32, #tpu.memory_space<hbm>> -> memref<80x128xi32, #tpu.memory_space<hbm>>
      %dma_start3A_302 = arith.constant 0 : i32
      %dma_start3A_303 = arith.constant 0 : i32
      %dma_start3A_304 = tpu.memref_slice %arg2[%add3A, %dma_start3A_302, %dma_start3A_303] : memref<32x80x128xi32, #tpu.memory_space<hbm>> -> memref<1x80x128xi32, #tpu.memory_space<hbm>>
      %dma_start3A_305 = tpu.memref_squeeze %dma_start3A_304 : memref<1x80x128xi32, #tpu.memory_space<hbm>> -> memref<80x128xi32, #tpu.memory_space<hbm>>
      tpu.enqueue_dma source(%dma_start3A_305 : memref<80x128xi32, #tpu.memory_space<hbm>>) target(%arg5 : memref<80x128xi32, #tpu.memory_space<vmem>>) target_semaphore(%run_scoped3A : memref<!tpu.dma_semaphore, #tpu.memory_space<semaphore_mem>>)
      %dma_wait3A = arith.constant 0 : i32
      %dma_wait3A_306 = arith.constant 0 : i32
      %dma_wait3A_307 = tpu.memref_slice %arg2[%add3A, %dma_wait3A, %dma_wait3A_306] : memref<32x80x128xi32, #tpu.memory_space<hbm>> -> memref<1x80x128xi32, #tpu.memory_space<hbm>>
      %dma_wait3A_308 = tpu.memref_squeeze %dma_wait3A_307 : memref<1x80x128xi32, #tpu.memory_space<hbm>> -> memref<80x128xi32, #tpu.memory_space<hbm>>
      %dma_wait3A_309 = arith.constant 0 : i32
      %dma_wait3A_310 = arith.constant 0 : i32
      %dma_wait3A_311 = tpu.memref_slice %arg2[%add3A, %dma_wait3A_309, %dma_wait3A_310] : memref<32x80x128xi32, #tpu.memory_space<hbm>> -> memref<1x80x128xi32, #tpu.memory_space<hbm>>
      %dma_wait3A_312 = tpu.memref_squeeze %dma_wait3A_311 : memref<1x80x128xi32, #tpu.memory_space<hbm>> -> memref<80x128xi32, #tpu.memory_space<hbm>>
      tpu.wait_dma2 semaphore(%run_scoped3A : memref<!tpu.dma_semaphore, #tpu.memory_space<semaphore_mem>>) src(%dma_wait3A_312 : memref<80x128xi32, #tpu.memory_space<hbm>>) dst(%arg5 : memref<80x128xi32, #tpu.memory_space<vmem>>)
      tpu.yield
    }) : () -> ()
    %barrier3A = arith.constant 0 : index
    tpu.barrier barrier_id(%barrier3A)
    %scan3A = arith.constant 0 : i32
    %scan3A_289 = arith.constant 0 : i32
    %scan3A_290 = arith.constant 80 : i32
    %scan3A_291 = arith.addi %scan3A_289, %scan3A_290 : i32
    %scan3A_292 = arith.constant 1 : i32
    scf.for %scan3A_299 = %scan3A_289 to %scan3A_291 step %scan3A_292  : i32 {
      "tpu.region"() ({
        %run_scoped3A = tpu.sem_alloc : memref<!tpu.dma_semaphore, #tpu.memory_space<semaphore_mem>>
        %dma_start3A = arith.constant 0 : i32
        %dma_start3A_300 = tpu.memref_slice %arg5[%scan3A_299, %dma_start3A] : memref<80x128xi32, #tpu.memory_space<vmem>> -> memref<1x128xi32, #tpu.memory_space<vmem>>
        %dma_start3A_301 = tpu.memref_squeeze %dma_start3A_300 : memref<1x128xi32, #tpu.memory_space<vmem>> -> memref<128xi32, #tpu.memory_space<vmem>>
        %dma_start3A_302 = arith.constant 0 : i32
        %dma_start3A_303 = tpu.memref_slice %arg4[%dma_start3A_302] : memref<10240xf32, #tpu.memory_space<vmem_shared>> -> memref<10240xf32, #tpu.memory_space<vmem_shared>>
        tpu.enqueue_indirect_dma source(%arg6 : memref<128xf32, #tpu.memory_space<vmem>>) target(%dma_start3A_303 : memref<10240xf32, #tpu.memory_space<vmem_shared>>) offsets(%dma_start3A_301 : memref<128xi32, #tpu.memory_space<vmem>>) semaphore(%run_scoped3A : memref<!tpu.dma_semaphore, #tpu.memory_space<semaphore_mem>>) {add = true}
        %dma_wait3A = arith.constant 0 : i32
        %dma_wait3A_304 = tpu.memref_slice %arg5[%scan3A_299, %dma_wait3A] : memref<80x128xi32, #tpu.memory_space<vmem>> -> memref<1x128xi32, #tpu.memory_space<vmem>>
        %dma_wait3A_305 = tpu.memref_squeeze %dma_wait3A_304 : memref<1x128xi32, #tpu.memory_space<vmem>> -> memref<128xi32, #tpu.memory_space<vmem>>
        %dma_wait3A_306 = arith.constant 0 : i32
        %dma_wait3A_307 = tpu.memref_slice %arg4[%dma_wait3A_306] : memref<10240xf32, #tpu.memory_space<vmem_shared>> -> memref<10240xf32, #tpu.memory_space<vmem_shared>>
        tpu.wait_indirect_dma semaphore(%run_scoped3A : memref<!tpu.dma_semaphore, #tpu.memory_space<semaphore_mem>>) src(%arg6 : memref<128xf32, #tpu.memory_space<vmem>>) dst(%dma_wait3A_307 : memref<10240xf32, #tpu.memory_space<vmem_shared>>)
        tpu.yield
      }) : () -> ()
    }
    %scan3A_293 = arith.constant 80 : i32
    %barrier3A_294 = arith.constant 0 : index
    tpu.barrier barrier_id(%barrier3A_294)
    %mul3A_295 = arith.constant 640 : i32
    %mul3A_296 = arith.muli %arg1, %mul3A_295 : i32
    %mul3A_297 = arith.constant 640 : i32
    %mul3A_298 = arith.muli %arg1, %mul3A_297 : i32
    "tpu.region"() ({
      %run_scoped3A = tpu.sem_alloc : memref<!tpu.dma_semaphore, #tpu.memory_space<semaphore_mem>>
      %dma_start3A = tpu.memref_slice %arg3[%arg0, %mul3A_298] : memref<2x10240xf32, #tpu.memory_space<hbm>> -> memref<1x640xf32, #tpu.memory_space<hbm>>
      %dma_start3A_299 = tpu.memref_squeeze %dma_start3A : memref<1x640xf32, #tpu.memory_space<hbm>> -> memref<640xf32, #tpu.memory_space<hbm>>
      %dma_start3A_300 = tpu.memref_slice %arg4[%mul3A_296] : memref<10240xf32, #tpu.memory_space<vmem_shared>> -> memref<640xf32, #tpu.memory_space<vmem_shared>>
      tpu.enqueue_dma source(%dma_start3A_300 : memref<640xf32, #tpu.memory_space<vmem_shared>>) target(%dma_start3A_299 : memref<640xf32, #tpu.memory_space<hbm>>) target_semaphore(%run_scoped3A : memref<!tpu.dma_semaphore, #tpu.memory_space<semaphore_mem>>)
      %dma_wait3A = tpu.memref_slice %arg3[%arg0, %mul3A_298] : memref<2x10240xf32, #tpu.memory_space<hbm>> -> memref<1x640xf32, #tpu.memory_space<hbm>>
      %dma_wait3A_301 = tpu.memref_squeeze %dma_wait3A : memref<1x640xf32, #tpu.memory_space<hbm>> -> memref<640xf32, #tpu.memory_space<hbm>>
      %dma_wait3A_302 = tpu.memref_slice %arg4[%mul3A_296] : memref<10240xf32, #tpu.memory_space<vmem_shared>> -> memref<640xf32, #tpu.memory_space<vmem_shared>>
      tpu.wait_dma2 semaphore(%run_scoped3A : memref<!tpu.dma_semaphore, #tpu.memory_space<semaphore_mem>>) src(%dma_wait3A_302 : memref<640xf32, #tpu.memory_space<vmem_shared>>) dst(%dma_wait3A_301 : memref<640xf32, #tpu.memory_space<hbm>>)
      tpu.yield
    }) : () -> ()
    return
  }
}

#map = affine_map<(d0, d1) -> (0, 0)>
#map1 = affine_map<(d0, d1) -> (0, 0, 0)>
module attributes {stable_mosaic.version = 14 : i64} {
  func.func @scat_kernel(%arg0: i32, %arg1: i32, %arg2: memref<10240x128xf32, #tpu.memory_space<hbm>>, %arg3: memref<32x80x128xi32, #tpu.memory_space<hbm>>, %arg4: memref<32x80x128xi32, #tpu.memory_space<hbm>>, %arg5: memref<10240x128xf32, #tpu.memory_space<hbm>>, %arg6: memref<2x10240x128xf32, #tpu.memory_space<hbm>>, %arg7: memref<10240x128xf32, #tpu.memory_space<vmem_shared>>, %arg8: memref<80x128xi32, #tpu.memory_space<vmem>>, %arg9: memref<4x128xi32, #tpu.memory_space<vmem>>, %arg10: memref<2x128x128xf32, #tpu.memory_space<vmem>>, %arg11: memref<!tpu.dma_semaphore, #tpu.memory_space<semaphore_mem>>, %arg12: memref<!tpu.dma_semaphore, #tpu.memory_space<semaphore_mem>>, %arg13: memref<!tpu.dma_semaphore, #tpu.memory_space<semaphore_mem>>, %arg14: memref<!tpu.dma_semaphore, #tpu.memory_space<semaphore_mem>>, %arg15: memref<!tpu.dma_semaphore, #tpu.memory_space<semaphore_mem>>, %arg16: memref<!tpu.dma_semaphore, #tpu.memory_space<semaphore_mem>>, %arg17: memref<!tpu.dma_semaphore, #tpu.memory_space<semaphore_mem>>, %arg18: memref<!tpu.dma_semaphore, #tpu.memory_space<semaphore_mem>>, %arg19: memref<!tpu.dma_semaphore, #tpu.memory_space<semaphore_mem>>) attributes {dimension_semantics = [#tpu.dimension_semantics<core_parallel>, #tpu.dimension_semantics<subcore_parallel>], iteration_bounds = array<i64: 2, 16>, scalar_prefetch = 0 : i64, scratch_operands = 13 : i64, tpu.core_type = #tpu.core_type<sc_vector_subcore>, window_params = [{transform_indices = #map}, {transform_indices = #map1}, {transform_indices = #map1}, {transform_indices = #map}, {transform_indices = #map1}]} {
    %mul3A = arith.constant 16 : i32
    %mul3A_0 = arith.muli %arg0, %mul3A : i32
    %add3A = arith.addi %mul3A_0, %arg1 : i32
    %mul3A_1 = arith.constant 640 : i32
    %mul3A_2 = arith.muli %arg1, %mul3A_1 : i32
    %eq3A = arith.constant 0 : i32
    %eq3A_3 = arith.cmpi eq, %arg0, %eq3A : i32
    %convert_element_type3A = arith.extui %eq3A_3 : i1 to i32
    %cond3A = arith.constant 0 : i32
    %cond3A_4 = arith.cmpi ne, %convert_element_type3A, %cond3A : i32
    scf.if %cond3A_4 {
      %dma_start3A_82 = arith.constant 0 : i32
      %dma_start3A_83 = tpu.memref_slice %arg7[%mul3A_2, %dma_start3A_82] : memref<10240x128xf32, #tpu.memory_space<vmem_shared>> -> memref<640x128xf32, #tpu.memory_space<vmem_shared>>
      %dma_start3A_84 = arith.constant 0 : i32
      %dma_start3A_85 = tpu.memref_slice %arg2[%mul3A_2, %dma_start3A_84] : memref<10240x128xf32, #tpu.memory_space<hbm>> -> memref<640x128xf32, #tpu.memory_space<hbm>>
      tpu.enqueue_dma source(%dma_start3A_85 : memref<640x128xf32, #tpu.memory_space<hbm>>) target(%dma_start3A_83 : memref<640x128xf32, #tpu.memory_space<vmem_shared>>) target_semaphore(%arg15 : memref<!tpu.dma_semaphore, #tpu.memory_space<semaphore_mem>>)
    } else {
    }
    %ne3A = arith.constant 0 : i32
    %ne3A_5 = arith.cmpi ne, %arg0, %ne3A : i32
    %convert_element_type3A_6 = arith.extui %ne3A_5 : i1 to i32
    %cond3A_7 = arith.constant 0 : i32
    %cond3A_8 = arith.cmpi ne, %convert_element_type3A_6, %cond3A_7 : i32
    scf.if %cond3A_8 {
      %dma_start3A_82 = arith.constant 0 : i32
      %dma_start3A_83 = tpu.memref_slice %arg7[%mul3A_2, %dma_start3A_82] : memref<10240x128xf32, #tpu.memory_space<vmem_shared>> -> memref<640x128xf32, #tpu.memory_space<vmem_shared>>
      %dma_start3A_84 = arith.constant 0 : i32
      %dma_start3A_85 = tpu.memref_slice %arg5[%mul3A_2, %dma_start3A_84] : memref<10240x128xf32, #tpu.memory_space<hbm>> -> memref<640x128xf32, #tpu.memory_space<hbm>>
      tpu.enqueue_dma source(%dma_start3A_85 : memref<640x128xf32, #tpu.memory_space<hbm>>) target(%dma_start3A_83 : memref<640x128xf32, #tpu.memory_space<vmem_shared>>) target_semaphore(%arg15 : memref<!tpu.dma_semaphore, #tpu.memory_space<semaphore_mem>>)
    } else {
    }
    "tpu.region"() ({
      %run_scoped3A = tpu.sem_alloc : memref<!tpu.dma_semaphore, #tpu.memory_space<semaphore_mem>>
      %dma_start3A_82 = arith.constant 0 : i32
      %dma_start3A_83 = arith.constant 0 : i32
      %dma_start3A_84 = tpu.memref_slice %arg3[%add3A, %dma_start3A_82, %dma_start3A_83] : memref<32x80x128xi32, #tpu.memory_space<hbm>> -> memref<1x80x128xi32, #tpu.memory_space<hbm>>
      %dma_start3A_85 = tpu.memref_squeeze %dma_start3A_84 : memref<1x80x128xi32, #tpu.memory_space<hbm>> -> memref<80x128xi32, #tpu.memory_space<hbm>>
      %dma_start3A_86 = arith.constant 0 : i32
      %dma_start3A_87 = arith.constant 0 : i32
      %dma_start3A_88 = tpu.memref_slice %arg3[%add3A, %dma_start3A_86, %dma_start3A_87] : memref<32x80x128xi32, #tpu.memory_space<hbm>> -> memref<1x80x128xi32, #tpu.memory_space<hbm>>
      %dma_start3A_89 = tpu.memref_squeeze %dma_start3A_88 : memref<1x80x128xi32, #tpu.memory_space<hbm>> -> memref<80x128xi32, #tpu.memory_space<hbm>>
      tpu.enqueue_dma source(%dma_start3A_89 : memref<80x128xi32, #tpu.memory_space<hbm>>) target(%arg8 : memref<80x128xi32, #tpu.memory_space<vmem>>) target_semaphore(%run_scoped3A : memref<!tpu.dma_semaphore, #tpu.memory_space<semaphore_mem>>)
      %dma_wait3A_90 = arith.constant 0 : i32
      %dma_wait3A_91 = arith.constant 0 : i32
      %dma_wait3A_92 = tpu.memref_slice %arg3[%add3A, %dma_wait3A_90, %dma_wait3A_91] : memref<32x80x128xi32, #tpu.memory_space<hbm>> -> memref<1x80x128xi32, #tpu.memory_space<hbm>>
      %dma_wait3A_93 = tpu.memref_squeeze %dma_wait3A_92 : memref<1x80x128xi32, #tpu.memory_space<hbm>> -> memref<80x128xi32, #tpu.memory_space<hbm>>
      %dma_wait3A_94 = arith.constant 0 : i32
      %dma_wait3A_95 = arith.constant 0 : i32
      %dma_wait3A_96 = tpu.memref_slice %arg3[%add3A, %dma_wait3A_94, %dma_wait3A_95] : memref<32x80x128xi32, #tpu.memory_space<hbm>> -> memref<1x80x128xi32, #tpu.memory_space<hbm>>
      %dma_wait3A_97 = tpu.memref_squeeze %dma_wait3A_96 : memref<1x80x128xi32, #tpu.memory_space<hbm>> -> memref<80x128xi32, #tpu.memory_space<hbm>>
      tpu.wait_dma2 semaphore(%run_scoped3A : memref<!tpu.dma_semaphore, #tpu.memory_space<semaphore_mem>>) src(%dma_wait3A_97 : memref<80x128xi32, #tpu.memory_space<hbm>>) dst(%arg8 : memref<80x128xi32, #tpu.memory_space<vmem>>)
      tpu.yield
    }) : () -> ()
    %dma_start3A = arith.constant 0 : i32
    %dma_start3A_9 = arith.constant 0 : i32
    %dma_start3A_10 = arith.constant 0 : i32
    %dma_start3A_11 = tpu.memref_slice %arg9[%dma_start3A_9, %dma_start3A_10] : memref<4x128xi32, #tpu.memory_space<vmem>> -> memref<1x128xi32, #tpu.memory_space<vmem>>
    %dma_start3A_12 = tpu.memref_squeeze %dma_start3A_11 : memref<1x128xi32, #tpu.memory_space<vmem>> -> memref<128xi32, #tpu.memory_space<vmem>>
    %dma_start3A_13 = arith.constant 0 : i32
    %dma_start3A_14 = tpu.memref_slice %arg4[%add3A, %dma_start3A, %dma_start3A_13] : memref<32x80x128xi32, #tpu.memory_space<hbm>> -> memref<1x1x128xi32, #tpu.memory_space<hbm>>
    %dma_start3A_15 = tpu.memref_squeeze %dma_start3A_14 : memref<1x1x128xi32, #tpu.memory_space<hbm>> -> memref<128xi32, #tpu.memory_space<hbm>>
    %dma_start3A_16 = arith.constant 0 : i32
    %dma_start3A_17 = tpu.memref_slice %arg9[%dma_start3A_9, %dma_start3A_16] : memref<4x128xi32, #tpu.memory_space<vmem>> -> memref<1x128xi32, #tpu.memory_space<vmem>>
    %dma_start3A_18 = tpu.memref_squeeze %dma_start3A_17 : memref<1x128xi32, #tpu.memory_space<vmem>> -> memref<128xi32, #tpu.memory_space<vmem>>
    %dma_start3A_19 = arith.constant 0 : i32
    %dma_start3A_20 = tpu.memref_slice %arg4[%add3A, %dma_start3A, %dma_start3A_19] : memref<32x80x128xi32, #tpu.memory_space<hbm>> -> memref<1x1x128xi32, #tpu.memory_space<hbm>>
    %dma_start3A_21 = tpu.memref_squeeze %dma_start3A_20 : memref<1x1x128xi32, #tpu.memory_space<hbm>> -> memref<128xi32, #tpu.memory_space<hbm>>
    tpu.enqueue_dma source(%dma_start3A_21 : memref<128xi32, #tpu.memory_space<hbm>>) target(%dma_start3A_18 : memref<128xi32, #tpu.memory_space<vmem>>) target_semaphore(%arg16 : memref<!tpu.dma_semaphore, #tpu.memory_space<semaphore_mem>>)
    %dma_start3A_22 = arith.constant 1 : i32
    %dma_start3A_23 = arith.constant 1 : i32
    %dma_start3A_24 = arith.constant 0 : i32
    %dma_start3A_25 = tpu.memref_slice %arg9[%dma_start3A_23, %dma_start3A_24] : memref<4x128xi32, #tpu.memory_space<vmem>> -> memref<1x128xi32, #tpu.memory_space<vmem>>
    %dma_start3A_26 = tpu.memref_squeeze %dma_start3A_25 : memref<1x128xi32, #tpu.memory_space<vmem>> -> memref<128xi32, #tpu.memory_space<vmem>>
    %dma_start3A_27 = arith.constant 0 : i32
    %dma_start3A_28 = tpu.memref_slice %arg4[%add3A, %dma_start3A_22, %dma_start3A_27] : memref<32x80x128xi32, #tpu.memory_space<hbm>> -> memref<1x1x128xi32, #tpu.memory_space<hbm>>
    %dma_start3A_29 = tpu.memref_squeeze %dma_start3A_28 : memref<1x1x128xi32, #tpu.memory_space<hbm>> -> memref<128xi32, #tpu.memory_space<hbm>>
    %dma_start3A_30 = arith.constant 0 : i32
    %dma_start3A_31 = tpu.memref_slice %arg9[%dma_start3A_23, %dma_start3A_30] : memref<4x128xi32, #tpu.memory_space<vmem>> -> memref<1x128xi32, #tpu.memory_space<vmem>>
    %dma_start3A_32 = tpu.memref_squeeze %dma_start3A_31 : memref<1x128xi32, #tpu.memory_space<vmem>> -> memref<128xi32, #tpu.memory_space<vmem>>
    %dma_start3A_33 = arith.constant 0 : i32
    %dma_start3A_34 = tpu.memref_slice %arg4[%add3A, %dma_start3A_22, %dma_start3A_33] : memref<32x80x128xi32, #tpu.memory_space<hbm>> -> memref<1x1x128xi32, #tpu.memory_space<hbm>>
    %dma_start3A_35 = tpu.memref_squeeze %dma_start3A_34 : memref<1x1x128xi32, #tpu.memory_space<hbm>> -> memref<128xi32, #tpu.memory_space<hbm>>
    tpu.enqueue_dma source(%dma_start3A_35 : memref<128xi32, #tpu.memory_space<hbm>>) target(%dma_start3A_32 : memref<128xi32, #tpu.memory_space<vmem>>) target_semaphore(%arg17 : memref<!tpu.dma_semaphore, #tpu.memory_space<semaphore_mem>>)
    %dma_start3A_36 = arith.constant 2 : i32
    %dma_start3A_37 = arith.constant 2 : i32
    %dma_start3A_38 = arith.constant 0 : i32
    %dma_start3A_39 = tpu.memref_slice %arg9[%dma_start3A_37, %dma_start3A_38] : memref<4x128xi32, #tpu.memory_space<vmem>> -> memref<1x128xi32, #tpu.memory_space<vmem>>
    %dma_start3A_40 = tpu.memref_squeeze %dma_start3A_39 : memref<1x128xi32, #tpu.memory_space<vmem>> -> memref<128xi32, #tpu.memory_space<vmem>>
    %dma_start3A_41 = arith.constant 0 : i32
    %dma_start3A_42 = tpu.memref_slice %arg4[%add3A, %dma_start3A_36, %dma_start3A_41] : memref<32x80x128xi32, #tpu.memory_space<hbm>> -> memref<1x1x128xi32, #tpu.memory_space<hbm>>
    %dma_start3A_43 = tpu.memref_squeeze %dma_start3A_42 : memref<1x1x128xi32, #tpu.memory_space<hbm>> -> memref<128xi32, #tpu.memory_space<hbm>>
    %dma_start3A_44 = arith.constant 0 : i32
    %dma_start3A_45 = tpu.memref_slice %arg9[%dma_start3A_37, %dma_start3A_44] : memref<4x128xi32, #tpu.memory_space<vmem>> -> memref<1x128xi32, #tpu.memory_space<vmem>>
    %dma_start3A_46 = tpu.memref_squeeze %dma_start3A_45 : memref<1x128xi32, #tpu.memory_space<vmem>> -> memref<128xi32, #tpu.memory_space<vmem>>
    %dma_start3A_47 = arith.constant 0 : i32
    %dma_start3A_48 = tpu.memref_slice %arg4[%add3A, %dma_start3A_36, %dma_start3A_47] : memref<32x80x128xi32, #tpu.memory_space<hbm>> -> memref<1x1x128xi32, #tpu.memory_space<hbm>>
    %dma_start3A_49 = tpu.memref_squeeze %dma_start3A_48 : memref<1x1x128xi32, #tpu.memory_space<hbm>> -> memref<128xi32, #tpu.memory_space<hbm>>
    tpu.enqueue_dma source(%dma_start3A_49 : memref<128xi32, #tpu.memory_space<hbm>>) target(%dma_start3A_46 : memref<128xi32, #tpu.memory_space<vmem>>) target_semaphore(%arg18 : memref<!tpu.dma_semaphore, #tpu.memory_space<semaphore_mem>>)
    %dma_start3A_50 = arith.constant 0 : i32
    %dma_start3A_51 = arith.constant 0 : i32
    %dma_start3A_52 = arith.constant 0 : i32
    %dma_start3A_53 = arith.constant 0 : i32
    %dma_start3A_54 = tpu.memref_slice %arg10[%dma_start3A_51, %dma_start3A_52, %dma_start3A_53] : memref<2x128x128xf32, #tpu.memory_space<vmem>> -> memref<1x128x128xf32, #tpu.memory_space<vmem>>
    %dma_start3A_55 = tpu.memref_squeeze %dma_start3A_54 : memref<1x128x128xf32, #tpu.memory_space<vmem>> -> memref<128x128xf32, #tpu.memory_space<vmem>>
    %dma_start3A_56 = arith.constant 0 : i32
    %dma_start3A_57 = tpu.memref_slice %arg8[%dma_start3A_50, %dma_start3A_56] : memref<80x128xi32, #tpu.memory_space<vmem>> -> memref<1x128xi32, #tpu.memory_space<vmem>>
    %dma_start3A_58 = tpu.memref_squeeze %dma_start3A_57 : memref<1x128xi32, #tpu.memory_space<vmem>> -> memref<128xi32, #tpu.memory_space<vmem>>
    %dma_start3A_59 = arith.constant 0 : i32
    %dma_start3A_60 = arith.constant 0 : i32
    %dma_start3A_61 = tpu.memref_slice %arg2[%dma_start3A_59, %dma_start3A_60] : memref<10240x128xf32, #tpu.memory_space<hbm>> -> memref<10240x128xf32, #tpu.memory_space<hbm>>
    tpu.enqueue_indirect_dma source(%dma_start3A_61 : memref<10240x128xf32, #tpu.memory_space<hbm>>) target(%dma_start3A_55 : memref<128x128xf32, #tpu.memory_space<vmem>>) offsets(%dma_start3A_58 : memref<128xi32, #tpu.memory_space<vmem>>) semaphore(%arg11 : memref<!tpu.dma_semaphore, #tpu.memory_space<semaphore_mem>>)
    %dma_wait3A = arith.constant 0 : i32
    %dma_wait3A_62 = tpu.memref_slice %arg7[%mul3A_2, %dma_wait3A] : memref<10240x128xf32, #tpu.memory_space<vmem_shared>> -> memref<640x128xf32, #tpu.memory_space<vmem_shared>>
    %dma_wait3A_63 = arith.constant 0 : i32
    %dma_wait3A_64 = tpu.memref_slice %arg2[%mul3A_2, %dma_wait3A_63] : memref<10240x128xf32, #tpu.memory_space<hbm>> -> memref<640x128xf32, #tpu.memory_space<hbm>>
    tpu.wait_dma2 semaphore(%arg15 : memref<!tpu.dma_semaphore, #tpu.memory_space<semaphore_mem>>) src(%dma_wait3A_64 : memref<640x128xf32, #tpu.memory_space<hbm>>) dst(%dma_wait3A_62 : memref<640x128xf32, #tpu.memory_space<vmem_shared>>)
    %barrier3A = arith.constant 0 : index
    tpu.barrier barrier_id(%barrier3A)
    %scan3A = arith.constant 0 : i32
    %scan3A_65 = arith.constant 20 : i32
    %scan3A_66 = arith.addi %scan3A, %scan3A_65 : i32
    %scan3A_67 = arith.constant 1 : i32
    scf.for %scan3A_82 = %scan3A to %scan3A_66 step %scan3A_67  : i32 {
      %mul3A_83 = arith.constant 4 : i32
      %mul3A_84 = arith.muli %scan3A_82, %mul3A_83 : i32
      %add3A_85 = arith.constant 0 : i32
      %add3A_86 = arith.addi %add3A_85, %mul3A_84 : i32
      %add3A_87 = arith.constant 0 : i32
      %add3A_88 = arith.addi %add3A_86, %add3A_87 : i32
      %gt3A = arith.constant 0 : i32
      %gt3A_89 = arith.cmpi sgt, %add3A_86, %gt3A : i32
      %convert_element_type3A_90 = arith.extui %gt3A_89 : i1 to i32
      %cond3A_91 = arith.constant 0 : i32
      %cond3A_92 = arith.cmpi ne, %convert_element_type3A_90, %cond3A_91 : i32
      scf.if %cond3A_92 {
        %dma_wait3A_360 = arith.constant 0 : i32
        %dma_wait3A_361 = arith.constant 0 : i32
        %dma_wait3A_362 = arith.constant 0 : i32
        %dma_wait3A_363 = arith.constant 0 : i32
        %dma_wait3A_364 = tpu.memref_slice %arg10[%dma_wait3A_360, %dma_wait3A_362, %dma_wait3A_363] : memref<2x128x128xf32, #tpu.memory_space<vmem>> -> memref<1x128x128xf32, #tpu.memory_space<vmem>>
        %dma_wait3A_365 = tpu.memref_squeeze %dma_wait3A_364 : memref<1x128x128xf32, #tpu.memory_space<vmem>> -> memref<128x128xf32, #tpu.memory_space<vmem>>
        %dma_wait3A_366 = arith.constant 0 : i32
        %dma_wait3A_367 = tpu.memref_slice %arg9[%dma_wait3A_361, %dma_wait3A_366] : memref<4x128xi32, #tpu.memory_space<vmem>> -> memref<1x128xi32, #tpu.memory_space<vmem>>
        %dma_wait3A_368 = tpu.memref_squeeze %dma_wait3A_367 : memref<1x128xi32, #tpu.memory_space<vmem>> -> memref<128xi32, #tpu.memory_space<vmem>>
        %dma_wait3A_369 = arith.constant 0 : i32
        %dma_wait3A_370 = arith.constant 0 : i32
        %dma_wait3A_371 = tpu.memref_slice %arg7[%dma_wait3A_369, %dma_wait3A_370] : memref<10240x128xf32, #tpu.memory_space<vmem_shared>> -> memref<10240x128xf32, #tpu.memory_space<vmem_shared>>
        tpu.wait_indirect_dma semaphore(%arg14 : memref<!tpu.dma_semaphore, #tpu.memory_space<semaphore_mem>>) src(%dma_wait3A_365 : memref<128x128xf32, #tpu.memory_space<vmem>>) dst(%dma_wait3A_371 : memref<10240x128xf32, #tpu.memory_space<vmem_shared>>)
      } else {
      }
      %add3A_93 = arith.constant 1 : i32
      %add3A_94 = arith.addi %add3A_88, %add3A_93 : i32
      %dma_start3A_95 = arith.constant 1 : i32
      %dma_start3A_96 = arith.constant 0 : i32
      %dma_start3A_97 = arith.constant 0 : i32
      %dma_start3A_98 = tpu.memref_slice %arg10[%dma_start3A_95, %dma_start3A_96, %dma_start3A_97] : memref<2x128x128xf32, #tpu.memory_space<vmem>> -> memref<1x128x128xf32, #tpu.memory_space<vmem>>
      %dma_start3A_99 = tpu.memref_squeeze %dma_start3A_98 : memref<1x128x128xf32, #tpu.memory_space<vmem>> -> memref<128x128xf32, #tpu.memory_space<vmem>>
      %dma_start3A_100 = arith.constant 0 : i32
      %dma_start3A_101 = tpu.memref_slice %arg8[%add3A_94, %dma_start3A_100] : memref<80x128xi32, #tpu.memory_space<vmem>> -> memref<1x128xi32, #tpu.memory_space<vmem>>
      %dma_start3A_102 = tpu.memref_squeeze %dma_start3A_101 : memref<1x128xi32, #tpu.memory_space<vmem>> -> memref<128xi32, #tpu.memory_space<vmem>>
      %dma_start3A_103 = arith.constant 0 : i32
      %dma_start3A_104 = arith.constant 0 : i32
      %dma_start3A_105 = tpu.memref_slice %arg2[%dma_start3A_103, %dma_start3A_104] : memref<10240x128xf32, #tpu.memory_space<hbm>> -> memref<10240x128xf32, #tpu.memory_space<hbm>>
      tpu.enqueue_indirect_dma source(%dma_start3A_105 : memref<10240x128xf32, #tpu.memory_space<hbm>>) target(%dma_start3A_99 : memref<128x128xf32, #tpu.memory_space<vmem>>) offsets(%dma_start3A_102 : memref<128xi32, #tpu.memory_space<vmem>>) semaphore(%arg12 : memref<!tpu.dma_semaphore, #tpu.memory_space<semaphore_mem>>)
      %add3A_106 = arith.constant 3 : i32
      %add3A_107 = arith.addi %add3A_88, %add3A_106 : i32
      %lt3A = arith.constant 80 : i32
      %lt3A_108 = arith.cmpi slt, %add3A_107, %lt3A : i32
      %convert_element_type3A_109 = arith.extui %lt3A_108 : i1 to i32
      %cond3A_110 = arith.constant 0 : i32
      %cond3A_111 = arith.cmpi ne, %convert_element_type3A_109, %cond3A_110 : i32
      scf.if %cond3A_111 {
        %dma_start3A_360 = arith.constant 3 : i32
        %dma_start3A_361 = arith.constant 0 : i32
        %dma_start3A_362 = tpu.memref_slice %arg9[%dma_start3A_360, %dma_start3A_361] : memref<4x128xi32, #tpu.memory_space<vmem>> -> memref<1x128xi32, #tpu.memory_space<vmem>>
        %dma_start3A_363 = tpu.memref_squeeze %dma_start3A_362 : memref<1x128xi32, #tpu.memory_space<vmem>> -> memref<128xi32, #tpu.memory_space<vmem>>
        %dma_start3A_364 = arith.constant 0 : i32
        %dma_start3A_365 = tpu.memref_slice %arg4[%add3A, %add3A_107, %dma_start3A_364] : memref<32x80x128xi32, #tpu.memory_space<hbm>> -> memref<1x1x128xi32, #tpu.memory_space<hbm>>
        %dma_start3A_366 = tpu.memref_squeeze %dma_start3A_365 : memref<1x1x128xi32, #tpu.memory_space<hbm>> -> memref<128xi32, #tpu.memory_space<hbm>>
        %dma_start3A_367 = arith.constant 0 : i32
        %dma_start3A_368 = tpu.memref_slice %arg9[%dma_start3A_360, %dma_start3A_367] : memref<4x128xi32, #tpu.memory_space<vmem>> -> memref<1x128xi32, #tpu.memory_space<vmem>>
        %dma_start3A_369 = tpu.memref_squeeze %dma_start3A_368 : memref<1x128xi32, #tpu.memory_space<vmem>> -> memref<128xi32, #tpu.memory_space<vmem>>
        %dma_start3A_370 = arith.constant 0 : i32
        %dma_start3A_371 = tpu.memref_slice %arg4[%add3A, %add3A_107, %dma_start3A_370] : memref<32x80x128xi32, #tpu.memory_space<hbm>> -> memref<1x1x128xi32, #tpu.memory_space<hbm>>
        %dma_start3A_372 = tpu.memref_squeeze %dma_start3A_371 : memref<1x1x128xi32, #tpu.memory_space<hbm>> -> memref<128xi32, #tpu.memory_space<hbm>>
        tpu.enqueue_dma source(%dma_start3A_372 : memref<128xi32, #tpu.memory_space<hbm>>) target(%dma_start3A_369 : memref<128xi32, #tpu.memory_space<vmem>>) target_semaphore(%arg19 : memref<!tpu.dma_semaphore, #tpu.memory_space<semaphore_mem>>)
      } else {
      }
      %dma_wait3A_112 = arith.constant 0 : i32
      %dma_wait3A_113 = arith.constant 0 : i32
      %dma_wait3A_114 = arith.constant 0 : i32
      %dma_wait3A_115 = arith.constant 0 : i32
      %dma_wait3A_116 = tpu.memref_slice %arg10[%dma_wait3A_113, %dma_wait3A_114, %dma_wait3A_115] : memref<2x128x128xf32, #tpu.memory_space<vmem>> -> memref<1x128x128xf32, #tpu.memory_space<vmem>>
      %dma_wait3A_117 = tpu.memref_squeeze %dma_wait3A_116 : memref<1x128x128xf32, #tpu.memory_space<vmem>> -> memref<128x128xf32, #tpu.memory_space<vmem>>
      %dma_wait3A_118 = arith.constant 0 : i32
      %dma_wait3A_119 = tpu.memref_slice %arg8[%dma_wait3A_112, %dma_wait3A_118] : memref<80x128xi32, #tpu.memory_space<vmem>> -> memref<1x128xi32, #tpu.memory_space<vmem>>
      %dma_wait3A_120 = tpu.memref_squeeze %dma_wait3A_119 : memref<1x128xi32, #tpu.memory_space<vmem>> -> memref<128xi32, #tpu.memory_space<vmem>>
      %dma_wait3A_121 = arith.constant 0 : i32
      %dma_wait3A_122 = arith.constant 0 : i32
      %dma_wait3A_123 = tpu.memref_slice %arg2[%dma_wait3A_121, %dma_wait3A_122] : memref<10240x128xf32, #tpu.memory_space<hbm>> -> memref<10240x128xf32, #tpu.memory_space<hbm>>
      tpu.wait_indirect_dma semaphore(%arg11 : memref<!tpu.dma_semaphore, #tpu.memory_space<semaphore_mem>>) src(%dma_wait3A_123 : memref<10240x128xf32, #tpu.memory_space<hbm>>) dst(%dma_wait3A_117 : memref<128x128xf32, #tpu.memory_space<vmem>>)
      %dma_wait3A_124 = arith.constant 0 : i32
      %dma_wait3A_125 = arith.constant 0 : i32
      %dma_wait3A_126 = arith.constant 0 : i32
      %dma_wait3A_127 = tpu.memref_slice %arg9[%dma_wait3A_125, %dma_wait3A_126] : memref<4x128xi32, #tpu.memory_space<vmem>> -> memref<1x128xi32, #tpu.memory_space<vmem>>
      %dma_wait3A_128 = tpu.memref_squeeze %dma_wait3A_127 : memref<1x128xi32, #tpu.memory_space<vmem>> -> memref<128xi32, #tpu.memory_space<vmem>>
      %dma_wait3A_129 = arith.constant 0 : i32
      %dma_wait3A_130 = tpu.memref_slice %arg4[%add3A, %dma_wait3A_124, %dma_wait3A_129] : memref<32x80x128xi32, #tpu.memory_space<hbm>> -> memref<1x1x128xi32, #tpu.memory_space<hbm>>
      %dma_wait3A_131 = tpu.memref_squeeze %dma_wait3A_130 : memref<1x1x128xi32, #tpu.memory_space<hbm>> -> memref<128xi32, #tpu.memory_space<hbm>>
      %dma_wait3A_132 = arith.constant 0 : i32
      %dma_wait3A_133 = tpu.memref_slice %arg9[%dma_wait3A_125, %dma_wait3A_132] : memref<4x128xi32, #tpu.memory_space<vmem>> -> memref<1x128xi32, #tpu.memory_space<vmem>>
      %dma_wait3A_134 = tpu.memref_squeeze %dma_wait3A_133 : memref<1x128xi32, #tpu.memory_space<vmem>> -> memref<128xi32, #tpu.memory_space<vmem>>
      %dma_wait3A_135 = arith.constant 0 : i32
      %dma_wait3A_136 = tpu.memref_slice %arg4[%add3A, %dma_wait3A_124, %dma_wait3A_135] : memref<32x80x128xi32, #tpu.memory_space<hbm>> -> memref<1x1x128xi32, #tpu.memory_space<hbm>>
      %dma_wait3A_137 = tpu.memref_squeeze %dma_wait3A_136 : memref<1x1x128xi32, #tpu.memory_space<hbm>> -> memref<128xi32, #tpu.memory_space<hbm>>
      tpu.wait_dma2 semaphore(%arg16 : memref<!tpu.dma_semaphore, #tpu.memory_space<semaphore_mem>>) src(%dma_wait3A_137 : memref<128xi32, #tpu.memory_space<hbm>>) dst(%dma_wait3A_134 : memref<128xi32, #tpu.memory_space<vmem>>)
      %dma_start3A_138 = arith.constant 0 : i32
      %dma_start3A_139 = arith.constant 0 : i32
      %dma_start3A_140 = arith.constant 0 : i32
      %dma_start3A_141 = arith.constant 0 : i32
      %dma_start3A_142 = tpu.memref_slice %arg10[%dma_start3A_138, %dma_start3A_140, %dma_start3A_141] : memref<2x128x128xf32, #tpu.memory_space<vmem>> -> memref<1x128x128xf32, #tpu.memory_space<vmem>>
      %dma_start3A_143 = tpu.memref_squeeze %dma_start3A_142 : memref<1x128x128xf32, #tpu.memory_space<vmem>> -> memref<128x128xf32, #tpu.memory_space<vmem>>
      %dma_start3A_144 = arith.constant 0 : i32
      %dma_start3A_145 = tpu.memref_slice %arg9[%dma_start3A_139, %dma_start3A_144] : memref<4x128xi32, #tpu.memory_space<vmem>> -> memref<1x128xi32, #tpu.memory_space<vmem>>
      %dma_start3A_146 = tpu.memref_squeeze %dma_start3A_145 : memref<1x128xi32, #tpu.memory_space<vmem>> -> memref<128xi32, #tpu.memory_space<vmem>>
      %dma_start3A_147 = arith.constant 0 : i32
      %dma_start3A_148 = arith.constant 0 : i32
      %dma_start3A_149 = tpu.memref_slice %arg7[%dma_start3A_147, %dma_start3A_148] : memref<10240x128xf32, #tpu.memory_space<vmem_shared>> -> memref<10240x128xf32, #tpu.memory_space<vmem_shared>>
      tpu.enqueue_indirect_dma source(%dma_start3A_143 : memref<128x128xf32, #tpu.memory_space<vmem>>) target(%dma_start3A_149 : memref<10240x128xf32, #tpu.memory_space<vmem_shared>>) offsets(%dma_start3A_146 : memref<128xi32, #tpu.memory_space<vmem>>) semaphore(%arg13 : memref<!tpu.dma_semaphore, #tpu.memory_space<semaphore_mem>>) {add = true}
      %add3A_150 = arith.constant 1 : i32
      %add3A_151 = arith.addi %add3A_86, %add3A_150 : i32
      %dma_wait3A_152 = arith.constant 0 : i32
      %dma_wait3A_153 = arith.constant 0 : i32
      %dma_wait3A_154 = arith.constant 0 : i32
      %dma_wait3A_155 = arith.constant 0 : i32
      %dma_wait3A_156 = tpu.memref_slice %arg10[%dma_wait3A_152, %dma_wait3A_154, %dma_wait3A_155] : memref<2x128x128xf32, #tpu.memory_space<vmem>> -> memref<1x128x128xf32, #tpu.memory_space<vmem>>
      %dma_wait3A_157 = tpu.memref_squeeze %dma_wait3A_156 : memref<1x128x128xf32, #tpu.memory_space<vmem>> -> memref<128x128xf32, #tpu.memory_space<vmem>>
      %dma_wait3A_158 = arith.constant 0 : i32
      %dma_wait3A_159 = tpu.memref_slice %arg9[%dma_wait3A_153, %dma_wait3A_158] : memref<4x128xi32, #tpu.memory_space<vmem>> -> memref<1x128xi32, #tpu.memory_space<vmem>>
      %dma_wait3A_160 = tpu.memref_squeeze %dma_wait3A_159 : memref<1x128xi32, #tpu.memory_space<vmem>> -> memref<128xi32, #tpu.memory_space<vmem>>
      %dma_wait3A_161 = arith.constant 0 : i32
      %dma_wait3A_162 = arith.constant 0 : i32
      %dma_wait3A_163 = tpu.memref_slice %arg7[%dma_wait3A_161, %dma_wait3A_162] : memref<10240x128xf32, #tpu.memory_space<vmem_shared>> -> memref<10240x128xf32, #tpu.memory_space<vmem_shared>>
      tpu.wait_indirect_dma semaphore(%arg13 : memref<!tpu.dma_semaphore, #tpu.memory_space<semaphore_mem>>) src(%dma_wait3A_157 : memref<128x128xf32, #tpu.memory_space<vmem>>) dst(%dma_wait3A_163 : memref<10240x128xf32, #tpu.memory_space<vmem_shared>>)
      %add3A_164 = arith.constant 1 : i32
      %add3A_165 = arith.addi %add3A_151, %add3A_164 : i32
      %dma_start3A_166 = arith.constant 0 : i32
      %dma_start3A_167 = arith.constant 0 : i32
      %dma_start3A_168 = arith.constant 0 : i32
      %dma_start3A_169 = tpu.memref_slice %arg10[%dma_start3A_166, %dma_start3A_167, %dma_start3A_168] : memref<2x128x128xf32, #tpu.memory_space<vmem>> -> memref<1x128x128xf32, #tpu.memory_space<vmem>>
      %dma_start3A_170 = tpu.memref_squeeze %dma_start3A_169 : memref<1x128x128xf32, #tpu.memory_space<vmem>> -> memref<128x128xf32, #tpu.memory_space<vmem>>
      %dma_start3A_171 = arith.constant 0 : i32
      %dma_start3A_172 = tpu.memref_slice %arg8[%add3A_165, %dma_start3A_171] : memref<80x128xi32, #tpu.memory_space<vmem>> -> memref<1x128xi32, #tpu.memory_space<vmem>>
      %dma_start3A_173 = tpu.memref_squeeze %dma_start3A_172 : memref<1x128xi32, #tpu.memory_space<vmem>> -> memref<128xi32, #tpu.memory_space<vmem>>
      %dma_start3A_174 = arith.constant 0 : i32
      %dma_start3A_175 = arith.constant 0 : i32
      %dma_start3A_176 = tpu.memref_slice %arg2[%dma_start3A_174, %dma_start3A_175] : memref<10240x128xf32, #tpu.memory_space<hbm>> -> memref<10240x128xf32, #tpu.memory_space<hbm>>
      tpu.enqueue_indirect_dma source(%dma_start3A_176 : memref<10240x128xf32, #tpu.memory_space<hbm>>) target(%dma_start3A_170 : memref<128x128xf32, #tpu.memory_space<vmem>>) offsets(%dma_start3A_173 : memref<128xi32, #tpu.memory_space<vmem>>) semaphore(%arg11 : memref<!tpu.dma_semaphore, #tpu.memory_space<semaphore_mem>>)
      %add3A_177 = arith.constant 3 : i32
      %add3A_178 = arith.addi %add3A_151, %add3A_177 : i32
      %lt3A_179 = arith.constant 80 : i32
      %lt3A_180 = arith.cmpi slt, %add3A_178, %lt3A_179 : i32
      %convert_element_type3A_181 = arith.extui %lt3A_180 : i1 to i32
      %cond3A_182 = arith.constant 0 : i32
      %cond3A_183 = arith.cmpi ne, %convert_element_type3A_181, %cond3A_182 : i32
      scf.if %cond3A_183 {
        %dma_start3A_360 = arith.constant 0 : i32
        %dma_start3A_361 = arith.constant 0 : i32
        %dma_start3A_362 = tpu.memref_slice %arg9[%dma_start3A_360, %dma_start3A_361] : memref<4x128xi32, #tpu.memory_space<vmem>> -> memref<1x128xi32, #tpu.memory_space<vmem>>
        %dma_start3A_363 = tpu.memref_squeeze %dma_start3A_362 : memref<1x128xi32, #tpu.memory_space<vmem>> -> memref<128xi32, #tpu.memory_space<vmem>>
        %dma_start3A_364 = arith.constant 0 : i32
        %dma_start3A_365 = tpu.memref_slice %arg4[%add3A, %add3A_178, %dma_start3A_364] : memref<32x80x128xi32, #tpu.memory_space<hbm>> -> memref<1x1x128xi32, #tpu.memory_space<hbm>>
        %dma_start3A_366 = tpu.memref_squeeze %dma_start3A_365 : memref<1x1x128xi32, #tpu.memory_space<hbm>> -> memref<128xi32, #tpu.memory_space<hbm>>
        %dma_start3A_367 = arith.constant 0 : i32
        %dma_start3A_368 = tpu.memref_slice %arg9[%dma_start3A_360, %dma_start3A_367] : memref<4x128xi32, #tpu.memory_space<vmem>> -> memref<1x128xi32, #tpu.memory_space<vmem>>
        %dma_start3A_369 = tpu.memref_squeeze %dma_start3A_368 : memref<1x128xi32, #tpu.memory_space<vmem>> -> memref<128xi32, #tpu.memory_space<vmem>>
        %dma_start3A_370 = arith.constant 0 : i32
        %dma_start3A_371 = tpu.memref_slice %arg4[%add3A, %add3A_178, %dma_start3A_370] : memref<32x80x128xi32, #tpu.memory_space<hbm>> -> memref<1x1x128xi32, #tpu.memory_space<hbm>>
        %dma_start3A_372 = tpu.memref_squeeze %dma_start3A_371 : memref<1x1x128xi32, #tpu.memory_space<hbm>> -> memref<128xi32, #tpu.memory_space<hbm>>
        tpu.enqueue_dma source(%dma_start3A_372 : memref<128xi32, #tpu.memory_space<hbm>>) target(%dma_start3A_369 : memref<128xi32, #tpu.memory_space<vmem>>) target_semaphore(%arg16 : memref<!tpu.dma_semaphore, #tpu.memory_space<semaphore_mem>>)
      } else {
      }
      %dma_wait3A_184 = arith.constant 0 : i32
      %dma_wait3A_185 = arith.constant 1 : i32
      %dma_wait3A_186 = arith.constant 0 : i32
      %dma_wait3A_187 = arith.constant 0 : i32
      %dma_wait3A_188 = tpu.memref_slice %arg10[%dma_wait3A_185, %dma_wait3A_186, %dma_wait3A_187] : memref<2x128x128xf32, #tpu.memory_space<vmem>> -> memref<1x128x128xf32, #tpu.memory_space<vmem>>
      %dma_wait3A_189 = tpu.memref_squeeze %dma_wait3A_188 : memref<1x128x128xf32, #tpu.memory_space<vmem>> -> memref<128x128xf32, #tpu.memory_space<vmem>>
      %dma_wait3A_190 = arith.constant 0 : i32
      %dma_wait3A_191 = tpu.memref_slice %arg8[%dma_wait3A_184, %dma_wait3A_190] : memref<80x128xi32, #tpu.memory_space<vmem>> -> memref<1x128xi32, #tpu.memory_space<vmem>>
      %dma_wait3A_192 = tpu.memref_squeeze %dma_wait3A_191 : memref<1x128xi32, #tpu.memory_space<vmem>> -> memref<128xi32, #tpu.memory_space<vmem>>
      %dma_wait3A_193 = arith.constant 0 : i32
      %dma_wait3A_194 = arith.constant 0 : i32
      %dma_wait3A_195 = tpu.memref_slice %arg2[%dma_wait3A_193, %dma_wait3A_194] : memref<10240x128xf32, #tpu.memory_space<hbm>> -> memref<10240x128xf32, #tpu.memory_space<hbm>>
      tpu.wait_indirect_dma semaphore(%arg12 : memref<!tpu.dma_semaphore, #tpu.memory_space<semaphore_mem>>) src(%dma_wait3A_195 : memref<10240x128xf32, #tpu.memory_space<hbm>>) dst(%dma_wait3A_189 : memref<128x128xf32, #tpu.memory_space<vmem>>)
      %dma_wait3A_196 = arith.constant 0 : i32
      %dma_wait3A_197 = arith.constant 1 : i32
      %dma_wait3A_198 = arith.constant 0 : i32
      %dma_wait3A_199 = tpu.memref_slice %arg9[%dma_wait3A_197, %dma_wait3A_198] : memref<4x128xi32, #tpu.memory_space<vmem>> -> memref<1x128xi32, #tpu.memory_space<vmem>>
      %dma_wait3A_200 = tpu.memref_squeeze %dma_wait3A_199 : memref<1x128xi32, #tpu.memory_space<vmem>> -> memref<128xi32, #tpu.memory_space<vmem>>
      %dma_wait3A_201 = arith.constant 0 : i32
      %dma_wait3A_202 = tpu.memref_slice %arg4[%add3A, %dma_wait3A_196, %dma_wait3A_201] : memref<32x80x128xi32, #tpu.memory_space<hbm>> -> memref<1x1x128xi32, #tpu.memory_space<hbm>>
      %dma_wait3A_203 = tpu.memref_squeeze %dma_wait3A_202 : memref<1x1x128xi32, #tpu.memory_space<hbm>> -> memref<128xi32, #tpu.memory_space<hbm>>
      %dma_wait3A_204 = arith.constant 0 : i32
      %dma_wait3A_205 = tpu.memref_slice %arg9[%dma_wait3A_197, %dma_wait3A_204] : memref<4x128xi32, #tpu.memory_space<vmem>> -> memref<1x128xi32, #tpu.memory_space<vmem>>
      %dma_wait3A_206 = tpu.memref_squeeze %dma_wait3A_205 : memref<1x128xi32, #tpu.memory_space<vmem>> -> memref<128xi32, #tpu.memory_space<vmem>>
      %dma_wait3A_207 = arith.constant 0 : i32
      %dma_wait3A_208 = tpu.memref_slice %arg4[%add3A, %dma_wait3A_196, %dma_wait3A_207] : memref<32x80x128xi32, #tpu.memory_space<hbm>> -> memref<1x1x128xi32, #tpu.memory_space<hbm>>
      %dma_wait3A_209 = tpu.memref_squeeze %dma_wait3A_208 : memref<1x1x128xi32, #tpu.memory_space<hbm>> -> memref<128xi32, #tpu.memory_space<hbm>>
      tpu.wait_dma2 semaphore(%arg17 : memref<!tpu.dma_semaphore, #tpu.memory_space<semaphore_mem>>) src(%dma_wait3A_209 : memref<128xi32, #tpu.memory_space<hbm>>) dst(%dma_wait3A_206 : memref<128xi32, #tpu.memory_space<vmem>>)
      %dma_start3A_210 = arith.constant 1 : i32
      %dma_start3A_211 = arith.constant 1 : i32
      %dma_start3A_212 = arith.constant 0 : i32
      %dma_start3A_213 = arith.constant 0 : i32
      %dma_start3A_214 = tpu.memref_slice %arg10[%dma_start3A_210, %dma_start3A_212, %dma_start3A_213] : memref<2x128x128xf32, #tpu.memory_space<vmem>> -> memref<1x128x128xf32, #tpu.memory_space<vmem>>
      %dma_start3A_215 = tpu.memref_squeeze %dma_start3A_214 : memref<1x128x128xf32, #tpu.memory_space<vmem>> -> memref<128x128xf32, #tpu.memory_space<vmem>>
      %dma_start3A_216 = arith.constant 0 : i32
      %dma_start3A_217 = tpu.memref_slice %arg9[%dma_start3A_211, %dma_start3A_216] : memref<4x128xi32, #tpu.memory_space<vmem>> -> memref<1x128xi32, #tpu.memory_space<vmem>>
      %dma_start3A_218 = tpu.memref_squeeze %dma_start3A_217 : memref<1x128xi32, #tpu.memory_space<vmem>> -> memref<128xi32, #tpu.memory_space<vmem>>
      %dma_start3A_219 = arith.constant 0 : i32
      %dma_start3A_220 = arith.constant 0 : i32
      %dma_start3A_221 = tpu.memref_slice %arg7[%dma_start3A_219, %dma_start3A_220] : memref<10240x128xf32, #tpu.memory_space<vmem_shared>> -> memref<10240x128xf32, #tpu.memory_space<vmem_shared>>
      tpu.enqueue_indirect_dma source(%dma_start3A_215 : memref<128x128xf32, #tpu.memory_space<vmem>>) target(%dma_start3A_221 : memref<10240x128xf32, #tpu.memory_space<vmem_shared>>) offsets(%dma_start3A_218 : memref<128xi32, #tpu.memory_space<vmem>>) semaphore(%arg14 : memref<!tpu.dma_semaphore, #tpu.memory_space<semaphore_mem>>) {add = true}
      %add3A_222 = arith.constant 2 : i32
      %add3A_223 = arith.addi %add3A_86, %add3A_222 : i32
      %dma_wait3A_224 = arith.constant 0 : i32
      %dma_wait3A_225 = arith.constant 0 : i32
      %dma_wait3A_226 = arith.constant 0 : i32
      %dma_wait3A_227 = arith.constant 0 : i32
      %dma_wait3A_228 = tpu.memref_slice %arg10[%dma_wait3A_224, %dma_wait3A_226, %dma_wait3A_227] : memref<2x128x128xf32, #tpu.memory_space<vmem>> -> memref<1x128x128xf32, #tpu.memory_space<vmem>>
      %dma_wait3A_229 = tpu.memref_squeeze %dma_wait3A_228 : memref<1x128x128xf32, #tpu.memory_space<vmem>> -> memref<128x128xf32, #tpu.memory_space<vmem>>
      %dma_wait3A_230 = arith.constant 0 : i32
      %dma_wait3A_231 = tpu.memref_slice %arg9[%dma_wait3A_225, %dma_wait3A_230] : memref<4x128xi32, #tpu.memory_space<vmem>> -> memref<1x128xi32, #tpu.memory_space<vmem>>
      %dma_wait3A_232 = tpu.memref_squeeze %dma_wait3A_231 : memref<1x128xi32, #tpu.memory_space<vmem>> -> memref<128xi32, #tpu.memory_space<vmem>>
      %dma_wait3A_233 = arith.constant 0 : i32
      %dma_wait3A_234 = arith.constant 0 : i32
      %dma_wait3A_235 = tpu.memref_slice %arg7[%dma_wait3A_233, %dma_wait3A_234] : memref<10240x128xf32, #tpu.memory_space<vmem_shared>> -> memref<10240x128xf32, #tpu.memory_space<vmem_shared>>
      tpu.wait_indirect_dma semaphore(%arg14 : memref<!tpu.dma_semaphore, #tpu.memory_space<semaphore_mem>>) src(%dma_wait3A_229 : memref<128x128xf32, #tpu.memory_space<vmem>>) dst(%dma_wait3A_235 : memref<10240x128xf32, #tpu.memory_space<vmem_shared>>)
      %add3A_236 = arith.constant 1 : i32
      %add3A_237 = arith.addi %add3A_223, %add3A_236 : i32
      %dma_start3A_238 = arith.constant 1 : i32
      %dma_start3A_239 = arith.constant 0 : i32
      %dma_start3A_240 = arith.constant 0 : i32
      %dma_start3A_241 = tpu.memref_slice %arg10[%dma_start3A_238, %dma_start3A_239, %dma_start3A_240] : memref<2x128x128xf32, #tpu.memory_space<vmem>> -> memref<1x128x128xf32, #tpu.memory_space<vmem>>
      %dma_start3A_242 = tpu.memref_squeeze %dma_start3A_241 : memref<1x128x128xf32, #tpu.memory_space<vmem>> -> memref<128x128xf32, #tpu.memory_space<vmem>>
      %dma_start3A_243 = arith.constant 0 : i32
      %dma_start3A_244 = tpu.memref_slice %arg8[%add3A_237, %dma_start3A_243] : memref<80x128xi32, #tpu.memory_space<vmem>> -> memref<1x128xi32, #tpu.memory_space<vmem>>
      %dma_start3A_245 = tpu.memref_squeeze %dma_start3A_244 : memref<1x128xi32, #tpu.memory_space<vmem>> -> memref<128xi32, #tpu.memory_space<vmem>>
      %dma_start3A_246 = arith.constant 0 : i32
      %dma_start3A_247 = arith.constant 0 : i32
      %dma_start3A_248 = tpu.memref_slice %arg2[%dma_start3A_246, %dma_start3A_247] : memref<10240x128xf32, #tpu.memory_space<hbm>> -> memref<10240x128xf32, #tpu.memory_space<hbm>>
      tpu.enqueue_indirect_dma source(%dma_start3A_248 : memref<10240x128xf32, #tpu.memory_space<hbm>>) target(%dma_start3A_242 : memref<128x128xf32, #tpu.memory_space<vmem>>) offsets(%dma_start3A_245 : memref<128xi32, #tpu.memory_space<vmem>>) semaphore(%arg12 : memref<!tpu.dma_semaphore, #tpu.memory_space<semaphore_mem>>)
      %add3A_249 = arith.constant 3 : i32
      %add3A_250 = arith.addi %add3A_223, %add3A_249 : i32
      %lt3A_251 = arith.constant 80 : i32
      %lt3A_252 = arith.cmpi slt, %add3A_250, %lt3A_251 : i32
      %convert_element_type3A_253 = arith.extui %lt3A_252 : i1 to i32
      %cond3A_254 = arith.constant 0 : i32
      %cond3A_255 = arith.cmpi ne, %convert_element_type3A_253, %cond3A_254 : i32
      scf.if %cond3A_255 {
        %dma_start3A_360 = arith.constant 1 : i32
        %dma_start3A_361 = arith.constant 0 : i32
        %dma_start3A_362 = tpu.memref_slice %arg9[%dma_start3A_360, %dma_start3A_361] : memref<4x128xi32, #tpu.memory_space<vmem>> -> memref<1x128xi32, #tpu.memory_space<vmem>>
        %dma_start3A_363 = tpu.memref_squeeze %dma_start3A_362 : memref<1x128xi32, #tpu.memory_space<vmem>> -> memref<128xi32, #tpu.memory_space<vmem>>
        %dma_start3A_364 = arith.constant 0 : i32
        %dma_start3A_365 = tpu.memref_slice %arg4[%add3A, %add3A_250, %dma_start3A_364] : memref<32x80x128xi32, #tpu.memory_space<hbm>> -> memref<1x1x128xi32, #tpu.memory_space<hbm>>
        %dma_start3A_366 = tpu.memref_squeeze %dma_start3A_365 : memref<1x1x128xi32, #tpu.memory_space<hbm>> -> memref<128xi32, #tpu.memory_space<hbm>>
        %dma_start3A_367 = arith.constant 0 : i32
        %dma_start3A_368 = tpu.memref_slice %arg9[%dma_start3A_360, %dma_start3A_367] : memref<4x128xi32, #tpu.memory_space<vmem>> -> memref<1x128xi32, #tpu.memory_space<vmem>>
        %dma_start3A_369 = tpu.memref_squeeze %dma_start3A_368 : memref<1x128xi32, #tpu.memory_space<vmem>> -> memref<128xi32, #tpu.memory_space<vmem>>
        %dma_start3A_370 = arith.constant 0 : i32
        %dma_start3A_371 = tpu.memref_slice %arg4[%add3A, %add3A_250, %dma_start3A_370] : memref<32x80x128xi32, #tpu.memory_space<hbm>> -> memref<1x1x128xi32, #tpu.memory_space<hbm>>
        %dma_start3A_372 = tpu.memref_squeeze %dma_start3A_371 : memref<1x1x128xi32, #tpu.memory_space<hbm>> -> memref<128xi32, #tpu.memory_space<hbm>>
        tpu.enqueue_dma source(%dma_start3A_372 : memref<128xi32, #tpu.memory_space<hbm>>) target(%dma_start3A_369 : memref<128xi32, #tpu.memory_space<vmem>>) target_semaphore(%arg17 : memref<!tpu.dma_semaphore, #tpu.memory_space<semaphore_mem>>)
      } else {
      }
      %dma_wait3A_256 = arith.constant 0 : i32
      %dma_wait3A_257 = arith.constant 0 : i32
      %dma_wait3A_258 = arith.constant 0 : i32
      %dma_wait3A_259 = arith.constant 0 : i32
      %dma_wait3A_260 = tpu.memref_slice %arg10[%dma_wait3A_257, %dma_wait3A_258, %dma_wait3A_259] : memref<2x128x128xf32, #tpu.memory_space<vmem>> -> memref<1x128x128xf32, #tpu.memory_space<vmem>>
      %dma_wait3A_261 = tpu.memref_squeeze %dma_wait3A_260 : memref<1x128x128xf32, #tpu.memory_space<vmem>> -> memref<128x128xf32, #tpu.memory_space<vmem>>
      %dma_wait3A_262 = arith.constant 0 : i32
      %dma_wait3A_263 = tpu.memref_slice %arg8[%dma_wait3A_256, %dma_wait3A_262] : memref<80x128xi32, #tpu.memory_space<vmem>> -> memref<1x128xi32, #tpu.memory_space<vmem>>
      %dma_wait3A_264 = tpu.memref_squeeze %dma_wait3A_263 : memref<1x128xi32, #tpu.memory_space<vmem>> -> memref<128xi32, #tpu.memory_space<vmem>>
      %dma_wait3A_265 = arith.constant 0 : i32
      %dma_wait3A_266 = arith.constant 0 : i32
      %dma_wait3A_267 = tpu.memref_slice %arg2[%dma_wait3A_265, %dma_wait3A_266] : memref<10240x128xf32, #tpu.memory_space<hbm>> -> memref<10240x128xf32, #tpu.memory_space<hbm>>
      tpu.wait_indirect_dma semaphore(%arg11 : memref<!tpu.dma_semaphore, #tpu.memory_space<semaphore_mem>>) src(%dma_wait3A_267 : memref<10240x128xf32, #tpu.memory_space<hbm>>) dst(%dma_wait3A_261 : memref<128x128xf32, #tpu.memory_space<vmem>>)
      %dma_wait3A_268 = arith.constant 0 : i32
      %dma_wait3A_269 = arith.constant 2 : i32
      %dma_wait3A_270 = arith.constant 0 : i32
      %dma_wait3A_271 = tpu.memref_slice %arg9[%dma_wait3A_269, %dma_wait3A_270] : memref<4x128xi32, #tpu.memory_space<vmem>> -> memref<1x128xi32, #tpu.memory_space<vmem>>
      %dma_wait3A_272 = tpu.memref_squeeze %dma_wait3A_271 : memref<1x128xi32, #tpu.memory_space<vmem>> -> memref<128xi32, #tpu.memory_space<vmem>>
      %dma_wait3A_273 = arith.constant 0 : i32
      %dma_wait3A_274 = tpu.memref_slice %arg4[%add3A, %dma_wait3A_268, %dma_wait3A_273] : memref<32x80x128xi32, #tpu.memory_space<hbm>> -> memref<1x1x128xi32, #tpu.memory_space<hbm>>
      %dma_wait3A_275 = tpu.memref_squeeze %dma_wait3A_274 : memref<1x1x128xi32, #tpu.memory_space<hbm>> -> memref<128xi32, #tpu.memory_space<hbm>>
      %dma_wait3A_276 = arith.constant 0 : i32
      %dma_wait3A_277 = tpu.memref_slice %arg9[%dma_wait3A_269, %dma_wait3A_276] : memref<4x128xi32, #tpu.memory_space<vmem>> -> memref<1x128xi32, #tpu.memory_space<vmem>>
      %dma_wait3A_278 = tpu.memref_squeeze %dma_wait3A_277 : memref<1x128xi32, #tpu.memory_space<vmem>> -> memref<128xi32, #tpu.memory_space<vmem>>
      %dma_wait3A_279 = arith.constant 0 : i32
      %dma_wait3A_280 = tpu.memref_slice %arg4[%add3A, %dma_wait3A_268, %dma_wait3A_279] : memref<32x80x128xi32, #tpu.memory_space<hbm>> -> memref<1x1x128xi32, #tpu.memory_space<hbm>>
      %dma_wait3A_281 = tpu.memref_squeeze %dma_wait3A_280 : memref<1x1x128xi32, #tpu.memory_space<hbm>> -> memref<128xi32, #tpu.memory_space<hbm>>
      tpu.wait_dma2 semaphore(%arg18 : memref<!tpu.dma_semaphore, #tpu.memory_space<semaphore_mem>>) src(%dma_wait3A_281 : memref<128xi32, #tpu.memory_space<hbm>>) dst(%dma_wait3A_278 : memref<128xi32, #tpu.memory_space<vmem>>)
      %dma_start3A_282 = arith.constant 0 : i32
      %dma_start3A_283 = arith.constant 2 : i32
      %dma_start3A_284 = arith.constant 0 : i32
      %dma_start3A_285 = arith.constant 0 : i32
      %dma_start3A_286 = tpu.memref_slice %arg10[%dma_start3A_282, %dma_start3A_284, %dma_start3A_285] : memref<2x128x128xf32, #tpu.memory_space<vmem>> -> memref<1x128x128xf32, #tpu.memory_space<vmem>>
      %dma_start3A_287 = tpu.memref_squeeze %dma_start3A_286 : memref<1x128x128xf32, #tpu.memory_space<vmem>> -> memref<128x128xf32, #tpu.memory_space<vmem>>
      %dma_start3A_288 = arith.constant 0 : i32
      %dma_start3A_289 = tpu.memref_slice %arg9[%dma_start3A_283, %dma_start3A_288] : memref<4x128xi32, #tpu.memory_space<vmem>> -> memref<1x128xi32, #tpu.memory_space<vmem>>
      %dma_start3A_290 = tpu.memref_squeeze %dma_start3A_289 : memref<1x128xi32, #tpu.memory_space<vmem>> -> memref<128xi32, #tpu.memory_space<vmem>>
      %dma_start3A_291 = arith.constant 0 : i32
      %dma_start3A_292 = arith.constant 0 : i32
      %dma_start3A_293 = tpu.memref_slice %arg7[%dma_start3A_291, %dma_start3A_292] : memref<10240x128xf32, #tpu.memory_space<vmem_shared>> -> memref<10240x128xf32, #tpu.memory_space<vmem_shared>>
      tpu.enqueue_indirect_dma source(%dma_start3A_287 : memref<128x128xf32, #tpu.memory_space<vmem>>) target(%dma_start3A_293 : memref<10240x128xf32, #tpu.memory_space<vmem_shared>>) offsets(%dma_start3A_290 : memref<128xi32, #tpu.memory_space<vmem>>) semaphore(%arg13 : memref<!tpu.dma_semaphore, #tpu.memory_space<semaphore_mem>>) {add = true}
      %add3A_294 = arith.constant 3 : i32
      %add3A_295 = arith.addi %add3A_86, %add3A_294 : i32
      %dma_wait3A_296 = arith.constant 0 : i32
      %dma_wait3A_297 = arith.constant 0 : i32
      %dma_wait3A_298 = arith.constant 0 : i32
      %dma_wait3A_299 = arith.constant 0 : i32
      %dma_wait3A_300 = tpu.memref_slice %arg10[%dma_wait3A_296, %dma_wait3A_298, %dma_wait3A_299] : memref<2x128x128xf32, #tpu.memory_space<vmem>> -> memref<1x128x128xf32, #tpu.memory_space<vmem>>
      %dma_wait3A_301 = tpu.memref_squeeze %dma_wait3A_300 : memref<1x128x128xf32, #tpu.memory_space<vmem>> -> memref<128x128xf32, #tpu.memory_space<vmem>>
      %dma_wait3A_302 = arith.constant 0 : i32
      %dma_wait3A_303 = tpu.memref_slice %arg9[%dma_wait3A_297, %dma_wait3A_302] : memref<4x128xi32, #tpu.memory_space<vmem>> -> memref<1x128xi32, #tpu.memory_space<vmem>>
      %dma_wait3A_304 = tpu.memref_squeeze %dma_wait3A_303 : memref<1x128xi32, #tpu.memory_space<vmem>> -> memref<128xi32, #tpu.memory_space<vmem>>
      %dma_wait3A_305 = arith.constant 0 : i32
      %dma_wait3A_306 = arith.constant 0 : i32
      %dma_wait3A_307 = tpu.memref_slice %arg7[%dma_wait3A_305, %dma_wait3A_306] : memref<10240x128xf32, #tpu.memory_space<vmem_shared>> -> memref<10240x128xf32, #tpu.memory_space<vmem_shared>>
      tpu.wait_indirect_dma semaphore(%arg13 : memref<!tpu.dma_semaphore, #tpu.memory_space<semaphore_mem>>) src(%dma_wait3A_301 : memref<128x128xf32, #tpu.memory_space<vmem>>) dst(%dma_wait3A_307 : memref<10240x128xf32, #tpu.memory_space<vmem_shared>>)
      %add3A_308 = arith.constant 1 : i32
      %add3A_309 = arith.addi %add3A_295, %add3A_308 : i32
      %lt3A_310 = arith.constant 80 : i32
      %lt3A_311 = arith.cmpi slt, %add3A_309, %lt3A_310 : i32
      %convert_element_type3A_312 = arith.extui %lt3A_311 : i1 to i32
      %cond3A_313 = arith.constant 0 : i32
      %cond3A_314 = arith.cmpi ne, %convert_element_type3A_312, %cond3A_313 : i32
      scf.if %cond3A_314 {
        %dma_start3A_360 = arith.constant 0 : i32
        %dma_start3A_361 = arith.constant 0 : i32
        %dma_start3A_362 = arith.constant 0 : i32
        %dma_start3A_363 = tpu.memref_slice %arg10[%dma_start3A_360, %dma_start3A_361, %dma_start3A_362] : memref<2x128x128xf32, #tpu.memory_space<vmem>> -> memref<1x128x128xf32, #tpu.memory_space<vmem>>
        %dma_start3A_364 = tpu.memref_squeeze %dma_start3A_363 : memref<1x128x128xf32, #tpu.memory_space<vmem>> -> memref<128x128xf32, #tpu.memory_space<vmem>>
        %dma_start3A_365 = arith.constant 0 : i32
        %dma_start3A_366 = tpu.memref_slice %arg8[%add3A_309, %dma_start3A_365] : memref<80x128xi32, #tpu.memory_space<vmem>> -> memref<1x128xi32, #tpu.memory_space<vmem>>
        %dma_start3A_367 = tpu.memref_squeeze %dma_start3A_366 : memref<1x128xi32, #tpu.memory_space<vmem>> -> memref<128xi32, #tpu.memory_space<vmem>>
        %dma_start3A_368 = arith.constant 0 : i32
        %dma_start3A_369 = arith.constant 0 : i32
        %dma_start3A_370 = tpu.memref_slice %arg2[%dma_start3A_368, %dma_start3A_369] : memref<10240x128xf32, #tpu.memory_space<hbm>> -> memref<10240x128xf32, #tpu.memory_space<hbm>>
        tpu.enqueue_indirect_dma source(%dma_start3A_370 : memref<10240x128xf32, #tpu.memory_space<hbm>>) target(%dma_start3A_364 : memref<128x128xf32, #tpu.memory_space<vmem>>) offsets(%dma_start3A_367 : memref<128xi32, #tpu.memory_space<vmem>>) semaphore(%arg11 : memref<!tpu.dma_semaphore, #tpu.memory_space<semaphore_mem>>)
      } else {
      }
      %add3A_315 = arith.constant 3 : i32
      %add3A_316 = arith.addi %add3A_295, %add3A_315 : i32
      %lt3A_317 = arith.constant 80 : i32
      %lt3A_318 = arith.cmpi slt, %add3A_316, %lt3A_317 : i32
      %convert_element_type3A_319 = arith.extui %lt3A_318 : i1 to i32
      %cond3A_320 = arith.constant 0 : i32
      %cond3A_321 = arith.cmpi ne, %convert_element_type3A_319, %cond3A_320 : i32
      scf.if %cond3A_321 {
        %dma_start3A_360 = arith.constant 2 : i32
        %dma_start3A_361 = arith.constant 0 : i32
        %dma_start3A_362 = tpu.memref_slice %arg9[%dma_start3A_360, %dma_start3A_361] : memref<4x128xi32, #tpu.memory_space<vmem>> -> memref<1x128xi32, #tpu.memory_space<vmem>>
        %dma_start3A_363 = tpu.memref_squeeze %dma_start3A_362 : memref<1x128xi32, #tpu.memory_space<vmem>> -> memref<128xi32, #tpu.memory_space<vmem>>
        %dma_start3A_364 = arith.constant 0 : i32
        %dma_start3A_365 = tpu.memref_slice %arg4[%add3A, %add3A_316, %dma_start3A_364] : memref<32x80x128xi32, #tpu.memory_space<hbm>> -> memref<1x1x128xi32, #tpu.memory_space<hbm>>
        %dma_start3A_366 = tpu.memref_squeeze %dma_start3A_365 : memref<1x1x128xi32, #tpu.memory_space<hbm>> -> memref<128xi32, #tpu.memory_space<hbm>>
        %dma_start3A_367 = arith.constant 0 : i32
        %dma_start3A_368 = tpu.memref_slice %arg9[%dma_start3A_360, %dma_start3A_367] : memref<4x128xi32, #tpu.memory_space<vmem>> -> memref<1x128xi32, #tpu.memory_space<vmem>>
        %dma_start3A_369 = tpu.memref_squeeze %dma_start3A_368 : memref<1x128xi32, #tpu.memory_space<vmem>> -> memref<128xi32, #tpu.memory_space<vmem>>
        %dma_start3A_370 = arith.constant 0 : i32
        %dma_start3A_371 = tpu.memref_slice %arg4[%add3A, %add3A_316, %dma_start3A_370] : memref<32x80x128xi32, #tpu.memory_space<hbm>> -> memref<1x1x128xi32, #tpu.memory_space<hbm>>
        %dma_start3A_372 = tpu.memref_squeeze %dma_start3A_371 : memref<1x1x128xi32, #tpu.memory_space<hbm>> -> memref<128xi32, #tpu.memory_space<hbm>>
        tpu.enqueue_dma source(%dma_start3A_372 : memref<128xi32, #tpu.memory_space<hbm>>) target(%dma_start3A_369 : memref<128xi32, #tpu.memory_space<vmem>>) target_semaphore(%arg18 : memref<!tpu.dma_semaphore, #tpu.memory_space<semaphore_mem>>)
      } else {
      }
      %dma_wait3A_322 = arith.constant 0 : i32
      %dma_wait3A_323 = arith.constant 1 : i32
      %dma_wait3A_324 = arith.constant 0 : i32
      %dma_wait3A_325 = arith.constant 0 : i32
      %dma_wait3A_326 = tpu.memref_slice %arg10[%dma_wait3A_323, %dma_wait3A_324, %dma_wait3A_325] : memref<2x128x128xf32, #tpu.memory_space<vmem>> -> memref<1x128x128xf32, #tpu.memory_space<vmem>>
      %dma_wait3A_327 = tpu.memref_squeeze %dma_wait3A_326 : memref<1x128x128xf32, #tpu.memory_space<vmem>> -> memref<128x128xf32, #tpu.memory_space<vmem>>
      %dma_wait3A_328 = arith.constant 0 : i32
      %dma_wait3A_329 = tpu.memref_slice %arg8[%dma_wait3A_322, %dma_wait3A_328] : memref<80x128xi32, #tpu.memory_space<vmem>> -> memref<1x128xi32, #tpu.memory_space<vmem>>
      %dma_wait3A_330 = tpu.memref_squeeze %dma_wait3A_329 : memref<1x128xi32, #tpu.memory_space<vmem>> -> memref<128xi32, #tpu.memory_space<vmem>>
      %dma_wait3A_331 = arith.constant 0 : i32
      %dma_wait3A_332 = arith.constant 0 : i32
      %dma_wait3A_333 = tpu.memref_slice %arg2[%dma_wait3A_331, %dma_wait3A_332] : memref<10240x128xf32, #tpu.memory_space<hbm>> -> memref<10240x128xf32, #tpu.memory_space<hbm>>
      tpu.wait_indirect_dma semaphore(%arg12 : memref<!tpu.dma_semaphore, #tpu.memory_space<semaphore_mem>>) src(%dma_wait3A_333 : memref<10240x128xf32, #tpu.memory_space<hbm>>) dst(%dma_wait3A_327 : memref<128x128xf32, #tpu.memory_space<vmem>>)
      %dma_wait3A_334 = arith.constant 0 : i32
      %dma_wait3A_335 = arith.constant 3 : i32
      %dma_wait3A_336 = arith.constant 0 : i32
      %dma_wait3A_337 = tpu.memref_slice %arg9[%dma_wait3A_335, %dma_wait3A_336] : memref<4x128xi32, #tpu.memory_space<vmem>> -> memref<1x128xi32, #tpu.memory_space<vmem>>
      %dma_wait3A_338 = tpu.memref_squeeze %dma_wait3A_337 : memref<1x128xi32, #tpu.memory_space<vmem>> -> memref<128xi32, #tpu.memory_space<vmem>>
      %dma_wait3A_339 = arith.constant 0 : i32
      %dma_wait3A_340 = tpu.memref_slice %arg4[%add3A, %dma_wait3A_334, %dma_wait3A_339] : memref<32x80x128xi32, #tpu.memory_space<hbm>> -> memref<1x1x128xi32, #tpu.memory_space<hbm>>
      %dma_wait3A_341 = tpu.memref_squeeze %dma_wait3A_340 : memref<1x1x128xi32, #tpu.memory_space<hbm>> -> memref<128xi32, #tpu.memory_space<hbm>>
      %dma_wait3A_342 = arith.constant 0 : i32
      %dma_wait3A_343 = tpu.memref_slice %arg9[%dma_wait3A_335, %dma_wait3A_342] : memref<4x128xi32, #tpu.memory_space<vmem>> -> memref<1x128xi32, #tpu.memory_space<vmem>>
      %dma_wait3A_344 = tpu.memref_squeeze %dma_wait3A_343 : memref<1x128xi32, #tpu.memory_space<vmem>> -> memref<128xi32, #tpu.memory_space<vmem>>
      %dma_wait3A_345 = arith.constant 0 : i32
      %dma_wait3A_346 = tpu.memref_slice %arg4[%add3A, %dma_wait3A_334, %dma_wait3A_345] : memref<32x80x128xi32, #tpu.memory_space<hbm>> -> memref<1x1x128xi32, #tpu.memory_space<hbm>>
      %dma_wait3A_347 = tpu.memref_squeeze %dma_wait3A_346 : memref<1x1x128xi32, #tpu.memory_space<hbm>> -> memref<128xi32, #tpu.memory_space<hbm>>
      tpu.wait_dma2 semaphore(%arg19 : memref<!tpu.dma_semaphore, #tpu.memory_space<semaphore_mem>>) src(%dma_wait3A_347 : memref<128xi32, #tpu.memory_space<hbm>>) dst(%dma_wait3A_344 : memref<128xi32, #tpu.memory_space<vmem>>)
      %dma_start3A_348 = arith.constant 1 : i32
      %dma_start3A_349 = arith.constant 3 : i32
      %dma_start3A_350 = arith.constant 0 : i32
      %dma_start3A_351 = arith.constant 0 : i32
      %dma_start3A_352 = tpu.memref_slice %arg10[%dma_start3A_348, %dma_start3A_350, %dma_start3A_351] : memref<2x128x128xf32, #tpu.memory_space<vmem>> -> memref<1x128x128xf32, #tpu.memory_space<vmem>>
      %dma_start3A_353 = tpu.memref_squeeze %dma_start3A_352 : memref<1x128x128xf32, #tpu.memory_space<vmem>> -> memref<128x128xf32, #tpu.memory_space<vmem>>
      %dma_start3A_354 = arith.constant 0 : i32
      %dma_start3A_355 = tpu.memref_slice %arg9[%dma_start3A_349, %dma_start3A_354] : memref<4x128xi32, #tpu.memory_space<vmem>> -> memref<1x128xi32, #tpu.memory_space<vmem>>
      %dma_start3A_356 = tpu.memref_squeeze %dma_start3A_355 : memref<1x128xi32, #tpu.memory_space<vmem>> -> memref<128xi32, #tpu.memory_space<vmem>>
      %dma_start3A_357 = arith.constant 0 : i32
      %dma_start3A_358 = arith.constant 0 : i32
      %dma_start3A_359 = tpu.memref_slice %arg7[%dma_start3A_357, %dma_start3A_358] : memref<10240x128xf32, #tpu.memory_space<vmem_shared>> -> memref<10240x128xf32, #tpu.memory_space<vmem_shared>>
      tpu.enqueue_indirect_dma source(%dma_start3A_353 : memref<128x128xf32, #tpu.memory_space<vmem>>) target(%dma_start3A_359 : memref<10240x128xf32, #tpu.memory_space<vmem_shared>>) offsets(%dma_start3A_356 : memref<128xi32, #tpu.memory_space<vmem>>) semaphore(%arg14 : memref<!tpu.dma_semaphore, #tpu.memory_space<semaphore_mem>>) {add = true}
    }
    %scan3A_68 = arith.constant 20 : i32
    %dma_wait3A_69 = arith.constant 0 : i32
    %dma_wait3A_70 = arith.constant 0 : i32
    %dma_wait3A_71 = arith.constant 0 : i32
    %dma_wait3A_72 = arith.constant 0 : i32
    %dma_wait3A_73 = tpu.memref_slice %arg10[%dma_wait3A_69, %dma_wait3A_71, %dma_wait3A_72] : memref<2x128x128xf32, #tpu.memory_space<vmem>> -> memref<1x128x128xf32, #tpu.memory_space<vmem>>
    %dma_wait3A_74 = tpu.memref_squeeze %dma_wait3A_73 : memref<1x128x128xf32, #tpu.memory_space<vmem>> -> memref<128x128xf32, #tpu.memory_space<vmem>>
    %dma_wait3A_75 = arith.constant 0 : i32
    %dma_wait3A_76 = tpu.memref_slice %arg9[%dma_wait3A_70, %dma_wait3A_75] : memref<4x128xi32, #tpu.memory_space<vmem>> -> memref<1x128xi32, #tpu.memory_space<vmem>>
    %dma_wait3A_77 = tpu.memref_squeeze %dma_wait3A_76 : memref<1x128xi32, #tpu.memory_space<vmem>> -> memref<128xi32, #tpu.memory_space<vmem>>
    %dma_wait3A_78 = arith.constant 0 : i32
    %dma_wait3A_79 = arith.constant 0 : i32
    %dma_wait3A_80 = tpu.memref_slice %arg7[%dma_wait3A_78, %dma_wait3A_79] : memref<10240x128xf32, #tpu.memory_space<vmem_shared>> -> memref<10240x128xf32, #tpu.memory_space<vmem_shared>>
    tpu.wait_indirect_dma semaphore(%arg14 : memref<!tpu.dma_semaphore, #tpu.memory_space<semaphore_mem>>) src(%dma_wait3A_74 : memref<128x128xf32, #tpu.memory_space<vmem>>) dst(%dma_wait3A_80 : memref<10240x128xf32, #tpu.memory_space<vmem_shared>>)
    %barrier3A_81 = arith.constant 0 : index
    tpu.barrier barrier_id(%barrier3A_81)
    "tpu.region"() ({
      %run_scoped3A = tpu.sem_alloc : memref<!tpu.dma_semaphore, #tpu.memory_space<semaphore_mem>>
      %dma_start3A_82 = arith.constant 0 : i32
      %dma_start3A_83 = tpu.memref_slice %arg6[%arg0, %mul3A_2, %dma_start3A_82] : memref<2x10240x128xf32, #tpu.memory_space<hbm>> -> memref<1x640x128xf32, #tpu.memory_space<hbm>>
      %dma_start3A_84 = tpu.memref_squeeze %dma_start3A_83 : memref<1x640x128xf32, #tpu.memory_space<hbm>> -> memref<640x128xf32, #tpu.memory_space<hbm>>
      %dma_start3A_85 = arith.constant 0 : i32
      %dma_start3A_86 = tpu.memref_slice %arg7[%mul3A_2, %dma_start3A_85] : memref<10240x128xf32, #tpu.memory_space<vmem_shared>> -> memref<640x128xf32, #tpu.memory_space<vmem_shared>>
      tpu.enqueue_dma source(%dma_start3A_86 : memref<640x128xf32, #tpu.memory_space<vmem_shared>>) target(%dma_start3A_84 : memref<640x128xf32, #tpu.memory_space<hbm>>) target_semaphore(%run_scoped3A : memref<!tpu.dma_semaphore, #tpu.memory_space<semaphore_mem>>)
      %dma_wait3A_87 = arith.constant 0 : i32
      %dma_wait3A_88 = tpu.memref_slice %arg6[%arg0, %mul3A_2, %dma_wait3A_87] : memref<2x10240x128xf32, #tpu.memory_space<hbm>> -> memref<1x640x128xf32, #tpu.memory_space<hbm>>
      %dma_wait3A_89 = tpu.memref_squeeze %dma_wait3A_88 : memref<1x640x128xf32, #tpu.memory_space<hbm>> -> memref<640x128xf32, #tpu.memory_space<hbm>>
      %dma_wait3A_90 = arith.constant 0 : i32
      %dma_wait3A_91 = tpu.memref_slice %arg7[%mul3A_2, %dma_wait3A_90] : memref<10240x128xf32, #tpu.memory_space<vmem_shared>> -> memref<640x128xf32, #tpu.memory_space<vmem_shared>>
      tpu.wait_dma2 semaphore(%run_scoped3A : memref<!tpu.dma_semaphore, #tpu.memory_space<semaphore_mem>>) src(%dma_wait3A_91 : memref<640x128xf32, #tpu.memory_space<vmem_shared>>) dst(%dma_wait3A_89 : memref<640x128xf32, #tpu.memory_space<hbm>>)
      tpu.yield
    }) : () -> ()
    return
  }
}

module attributes {stable_mosaic.version = 14 : i64} {
  func.func @body(%arg0: i32, %arg1: memref<128x128xf32, #tpu.memory_space<vmem>>, %arg2: memref<128x128xf32, #tpu.memory_space<vmem>>, %arg3: memref<2x128x1xf32, #tpu.memory_space<vmem>>, %arg4: memref<128x128xf32, #tpu.memory_space<vmem>>) attributes {dimension_semantics = [#tpu.dimension_semantics<arbitrary>], iteration_bounds = array<i64: 80>, scalar_prefetch = 0 : i64, scratch_operands = 0 : i64, tpu.core_type = #tpu.core_type<tc>, window_params = [{transform_indices = @transform_0, window_bounds = array<i64: 128, 128>}, {pipeline_mode = #tpu.pipeline_mode<synchronous>, transform_indices = @transform_1, window_bounds = array<i64: 128, 128>}, {transform_indices = @transform_2, window_bounds = array<i64: 2, 128, 1>}, {transform_indices = @transform_3, window_bounds = array<i64: 128, 128>}]} {
    %get3A = arith.constant 0 : index
    %get3A_0 = arith.constant 0 : index
    %get3A_1 = vector.load %arg1[%get3A, %get3A_0] : memref<128x128xf32, #tpu.memory_space<vmem>>, vector<128x128xf32>
    %get3A_2 = arith.constant 0 : index
    %get3A_3 = arith.constant 0 : index
    %get3A_4 = vector.load %arg2[%get3A_2, %get3A_3] : memref<128x128xf32, #tpu.memory_space<vmem>>, vector<128x128xf32>
    %dot_general3A = arith.constant dense<0.000000e+00> : vector<128x128xf32>
    %dot_general3A_5 = tpu.matmul %get3A_1, %get3A_4, %dot_general3A {dimension_numbers = #tpu.dot_dimension_numbers<[1], [0], [0], [1], [0, 0, 1, 1], [], []>, transpose_lhs_hint = false} : vector<128x128xf32>, vector<128x128xf32>, vector<128x128xf32> -> vector<128x128xf32>
    %get3A_6 = arith.constant 0 : index
    %get3A_7 = arith.constant 0 : index
    %get3A_8 = arith.constant 0 : index
    %get3A_9 = vector.load %arg3[%get3A_6, %get3A_7, %get3A_8] : memref<2x128x1xf32, #tpu.memory_space<vmem>>, vector<1x128x1xf32>
    %get3A_10 = vector.shape_cast %get3A_9 : vector<1x128x1xf32> to vector<128x1xf32>
    %get3A_11 = arith.constant 1 : index
    %get3A_12 = arith.constant 0 : index
    %get3A_13 = arith.constant 0 : index
    %get3A_14 = vector.load %arg3[%get3A_11, %get3A_12, %get3A_13] : memref<2x128x1xf32, #tpu.memory_space<vmem>>, vector<1x128x1xf32>
    %get3A_15 = vector.shape_cast %get3A_14 : vector<1x128x1xf32> to vector<128x1xf32>
    %add3A = arith.addf %get3A_10, %get3A_15 : vector<128x1xf32>
    %add3A_16 = arith.constant 1.000000e+00 : f32
    %add3A_17 = vector.broadcast %add3A_16 : f32 to vector<128x1xf32>
    %add3A_18 = arith.addf %add3A, %add3A_17 : vector<128x1xf32>
    %mul3A = arith.constant 128 : i32
    %mul3A_19 = arith.muli %arg0, %mul3A : i32
    %iota3A = tpu.iota {dimensions = array<i32: 0>} : vector<128x1xi32>
    %add3A_20 = vector.broadcast %mul3A_19 : i32 to vector<128x1xi32>
    %add3A_21 = arith.addi %add3A_20, %iota3A : vector<128x1xi32>
    %lt3A = arith.constant 10000 : i32
    %lt3A_22 = vector.broadcast %lt3A : i32 to vector<128x1xi32>
    %lt3A_23 = arith.cmpi slt, %add3A_21, %lt3A_22 : vector<128x1xi32>
    %rsqrt3A = math.rsqrt %add3A_18 : vector<128x1xf32>
    %jit3A = arith.constant 0.000000e+00 : f32
    %broadcast_in_dim3A = vector.broadcast %jit3A : f32 to vector<128x1xf32>
    %select_n3A = arith.select %lt3A_23, %rsqrt3A, %broadcast_in_dim3A : vector<128x1xi1>, vector<128x1xf32>
    %mul3A_24 = vector.broadcast %select_n3A : vector<128x1xf32> to vector<128x128xf32>
    %mul3A_25 = arith.mulf %dot_general3A_5, %mul3A_24 : vector<128x128xf32>
    %swap3A = arith.constant 0 : index
    %swap3A_26 = arith.constant 0 : index
    %swap3A_27 = vector.load %arg4[%swap3A, %swap3A_26] : memref<128x128xf32, #tpu.memory_space<vmem>>, vector<128x128xf32>
    tpu.vector_store %arg4[%swap3A, %swap3A_26], %mul3A_25 {strides = array<i32>} : memref<128x128xf32, #tpu.memory_space<vmem>>, vector<128x128xf32>,
    return
  }
  func.func @transform_0(%arg0: i32) -> (i32, i32) {
    %c0_i32 = arith.constant 0 : i32
    %c0_i32_0 = arith.constant 0 : i32
    return %arg0, %c0_i32 : i32, i32
  }
  func.func @transform_1(%arg0: i32) -> (i32, i32) {
    %c0_i32 = arith.constant 0 : i32
    %c0_i32_0 = arith.constant 0 : i32
    %c0_i32_1 = arith.constant 0 : i32
    return %c0_i32, %c0_i32_0 : i32, i32
  }
  func.func @transform_2(%arg0: i32) -> (i32, i32, i32) {
    %c0_i32 = arith.constant 0 : i32
    %c0_i32_0 = arith.constant 0 : i32
    %c0_i32_1 = arith.constant 0 : i32
    return %c0_i32, %arg0, %c0_i32_0 : i32, i32, i32
  }
  func.func @transform_3(%arg0: i32) -> (i32, i32) {
    %c0_i32 = arith.constant 0 : i32
    %c0_i32_0 = arith.constant 0 : i32
    return %arg0, %c0_i32 : i32, i32
  }
}

module attributes {stable_mosaic.version = 14 : i64} {
  func.func @body(%arg0: i32, %arg1: memref<2x128x128xf32, #tpu.memory_space<vmem>>, %arg2: memref<2x128x1xf32, #tpu.memory_space<vmem>>, %arg3: memref<1x128xf32, #tpu.memory_space<vmem>>, %arg4: memref<128x128xf32, #tpu.memory_space<vmem>>, %arg5: memref<128x128xf32, #tpu.memory_space<vmem>>) attributes {dimension_semantics = [#tpu.dimension_semantics<arbitrary>], iteration_bounds = array<i64: 80>, scalar_prefetch = 0 : i64, scratch_operands = 0 : i64, tpu.core_type = #tpu.core_type<tc>, window_params = [{transform_indices = @transform_0, window_bounds = array<i64: 2, 128, 128>}, {transform_indices = @transform_1, window_bounds = array<i64: 2, 128, 1>}, {pipeline_mode = #tpu.pipeline_mode<synchronous>, transform_indices = @transform_2, window_bounds = array<i64: 1, 128>}, {pipeline_mode = #tpu.pipeline_mode<synchronous>, transform_indices = @transform_3, window_bounds = array<i64: 128, 128>}, {transform_indices = @transform_4, window_bounds = array<i64: 128, 128>}]} {
    %get3A = arith.constant 0 : index
    %get3A_0 = arith.constant 0 : index
    %get3A_1 = arith.constant 0 : index
    %get3A_2 = vector.load %arg2[%get3A, %get3A_0, %get3A_1] : memref<2x128x1xf32, #tpu.memory_space<vmem>>, vector<1x128x1xf32>
    %get3A_3 = vector.shape_cast %get3A_2 : vector<1x128x1xf32> to vector<128x1xf32>
    %get3A_4 = arith.constant 1 : index
    %get3A_5 = arith.constant 0 : index
    %get3A_6 = arith.constant 0 : index
    %get3A_7 = vector.load %arg2[%get3A_4, %get3A_5, %get3A_6] : memref<2x128x1xf32, #tpu.memory_space<vmem>>, vector<1x128x1xf32>
    %get3A_8 = vector.shape_cast %get3A_7 : vector<1x128x1xf32> to vector<128x1xf32>
    %add3A = arith.addf %get3A_3, %get3A_8 : vector<128x1xf32>
    %add3A_9 = arith.constant 1.000000e+00 : f32
    %add3A_10 = vector.broadcast %add3A_9 : f32 to vector<128x1xf32>
    %add3A_11 = arith.addf %add3A, %add3A_10 : vector<128x1xf32>
    %mul3A = arith.constant 128 : i32
    %mul3A_12 = arith.muli %arg0, %mul3A : i32
    %iota3A = tpu.iota {dimensions = array<i32: 0>} : vector<128x1xi32>
    %add3A_13 = vector.broadcast %mul3A_12 : i32 to vector<128x1xi32>
    %add3A_14 = arith.addi %add3A_13, %iota3A : vector<128x1xi32>
    %lt3A = arith.constant 10000 : i32
    %lt3A_15 = vector.broadcast %lt3A : i32 to vector<128x1xi32>
    %lt3A_16 = arith.cmpi slt, %add3A_14, %lt3A_15 : vector<128x1xi32>
    %rsqrt3A = math.rsqrt %add3A_11 : vector<128x1xf32>
    %jit3A = arith.constant 0.000000e+00 : f32
    %broadcast_in_dim3A = vector.broadcast %jit3A : f32 to vector<128x1xf32>
    %select_n3A = arith.select %lt3A_16, %rsqrt3A, %broadcast_in_dim3A : vector<128x1xi1>, vector<128x1xf32>
    %get3A_17 = arith.constant 0 : index
    %get3A_18 = arith.constant 0 : index
    %get3A_19 = arith.constant 0 : index
    %get3A_20 = vector.load %arg1[%get3A_17, %get3A_18, %get3A_19] : memref<2x128x128xf32, #tpu.memory_space<vmem>>, vector<1x128x128xf32>
    %get3A_21 = vector.shape_cast %get3A_20 : vector<1x128x128xf32> to vector<128x128xf32>
    %get3A_22 = arith.constant 1 : index
    %get3A_23 = arith.constant 0 : index
    %get3A_24 = arith.constant 0 : index
    %get3A_25 = vector.load %arg1[%get3A_22, %get3A_23, %get3A_24] : memref<2x128x128xf32, #tpu.memory_space<vmem>>, vector<1x128x128xf32>
    %get3A_26 = vector.shape_cast %get3A_25 : vector<1x128x128xf32> to vector<128x128xf32>
    %add3A_27 = arith.addf %get3A_21, %get3A_26 : vector<128x128xf32>
    %mul3A_28 = vector.broadcast %select_n3A : vector<128x1xf32> to vector<128x128xf32>
    %mul3A_29 = arith.mulf %mul3A_28, %add3A_27 : vector<128x128xf32>
    %get3A_30 = arith.constant 0 : index
    %get3A_31 = arith.constant 0 : index
    %get3A_32 = vector.load %arg3[%get3A_30, %get3A_31] : memref<1x128xf32, #tpu.memory_space<vmem>>, vector<1x128xf32>
    %add3A_33 = vector.broadcast %get3A_32 : vector<1x128xf32> to vector<128x128xf32>
    %add3A_34 = arith.addf %mul3A_29, %add3A_33 : vector<128x128xf32>
    %max3A = arith.constant 0.000000e+00 : f32
    %max3A_35 = vector.broadcast %max3A : f32 to vector<128x128xf32>
    %max3A_36 = arith.maximumf %add3A_34, %max3A_35 : vector<128x128xf32>
    %get3A_37 = arith.constant 0 : index
    %get3A_38 = arith.constant 0 : index
    %get3A_39 = vector.load %arg4[%get3A_37, %get3A_38] : memref<128x128xf32, #tpu.memory_space<vmem>>, vector<128x128xf32>
    %dot_general3A = arith.constant dense<0.000000e+00> : vector<128x128xf32>
    %dot_general3A_40 = tpu.matmul %max3A_36, %get3A_39, %dot_general3A {dimension_numbers = #tpu.dot_dimension_numbers<[1], [0], [0], [1], [0, 0, 1, 1], [], []>, transpose_lhs_hint = false} : vector<128x128xf32>, vector<128x128xf32>, vector<128x128xf32> -> vector<128x128xf32>
    %mul3A_41 = vector.broadcast %select_n3A : vector<128x1xf32> to vector<128x128xf32>
    %mul3A_42 = arith.mulf %dot_general3A_40, %mul3A_41 : vector<128x128xf32>
    %swap3A = arith.constant 0 : index
    %swap3A_43 = arith.constant 0 : index
    %swap3A_44 = vector.load %arg5[%swap3A, %swap3A_43] : memref<128x128xf32, #tpu.memory_space<vmem>>, vector<128x128xf32>
    tpu.vector_store %arg5[%swap3A, %swap3A_43], %mul3A_42 {strides = array<i32>} : memref<128x128xf32, #tpu.memory_space<vmem>>, vector<128x128xf32>,
    return
  }
  func.func @transform_0(%arg0: i32) -> (i32, i32, i32) {
    %c0_i32 = arith.constant 0 : i32
    %c0_i32_0 = arith.constant 0 : i32
    %c0_i32_1 = arith.constant 0 : i32
    return %c0_i32, %arg0, %c0_i32_0 : i32, i32, i32
  }
  func.func @transform_1(%arg0: i32) -> (i32, i32, i32) {
    %c0_i32 = arith.constant 0 : i32
    %c0_i32_0 = arith.constant 0 : i32
    %c0_i32_1 = arith.constant 0 : i32
    return %c0_i32, %arg0, %c0_i32_0 : i32, i32, i32
  }
  func.func @transform_2(%arg0: i32) -> (i32, i32) {
    %c0_i32 = arith.constant 0 : i32
    %c0_i32_0 = arith.constant 0 : i32
    %c0_i32_1 = arith.constant 0 : i32
    return %c0_i32, %c0_i32_0 : i32, i32
  }
  func.func @transform_3(%arg0: i32) -> (i32, i32) {
    %c0_i32 = arith.constant 0 : i32
    %c0_i32_0 = arith.constant 0 : i32
    %c0_i32_1 = arith.constant 0 : i32
    return %c0_i32, %c0_i32_0 : i32, i32
  }
  func.func @transform_4(%arg0: i32) -> (i32, i32) {
    %c0_i32 = arith.constant 0 : i32
    %c0_i32_0 = arith.constant 0 : i32
    return %arg0, %c0_i32 : i32, i32
  }
}

module attributes {stable_mosaic.version = 14 : i64} {
  func.func @body(%arg0: i32, %arg1: memref<2x128x128xf32, #tpu.memory_space<vmem>>, %arg2: memref<2x128x1xf32, #tpu.memory_space<vmem>>, %arg3: memref<1x128xf32, #tpu.memory_space<vmem>>, %arg4: memref<128x128xf32, #tpu.memory_space<vmem>>) attributes {dimension_semantics = [#tpu.dimension_semantics<arbitrary>], iteration_bounds = array<i64: 79>, scalar_prefetch = 0 : i64, scratch_operands = 0 : i64, tpu.core_type = #tpu.core_type<tc>, window_params = [{transform_indices = @transform_0, window_bounds = array<i64: 2, 128, 128>}, {transform_indices = @transform_1, window_bounds = array<i64: 2, 128, 1>}, {pipeline_mode = #tpu.pipeline_mode<synchronous>, transform_indices = @transform_2, window_bounds = array<i64: 1, 128>}, {transform_indices = @transform_3, window_bounds = array<i64: 128, 128>}]} {
    %get3A = arith.constant 0 : index
    %get3A_0 = arith.constant 0 : index
    %get3A_1 = arith.constant 0 : index
    %get3A_2 = vector.load %arg2[%get3A, %get3A_0, %get3A_1] : memref<2x128x1xf32, #tpu.memory_space<vmem>>, vector<1x128x1xf32>
    %get3A_3 = vector.shape_cast %get3A_2 : vector<1x128x1xf32> to vector<128x1xf32>
    %get3A_4 = arith.constant 1 : index
    %get3A_5 = arith.constant 0 : index
    %get3A_6 = arith.constant 0 : index
    %get3A_7 = vector.load %arg2[%get3A_4, %get3A_5, %get3A_6] : memref<2x128x1xf32, #tpu.memory_space<vmem>>, vector<1x128x1xf32>
    %get3A_8 = vector.shape_cast %get3A_7 : vector<1x128x1xf32> to vector<128x1xf32>
    %add3A = arith.addf %get3A_3, %get3A_8 : vector<128x1xf32>
    %add3A_9 = arith.constant 1.000000e+00 : f32
    %add3A_10 = vector.broadcast %add3A_9 : f32 to vector<128x1xf32>
    %add3A_11 = arith.addf %add3A, %add3A_10 : vector<128x1xf32>
    %mul3A = arith.constant 128 : i32
    %mul3A_12 = arith.muli %arg0, %mul3A : i32
    %iota3A = tpu.iota {dimensions = array<i32: 0>} : vector<128x1xi32>
    %add3A_13 = vector.broadcast %mul3A_12 : i32 to vector<128x1xi32>
    %add3A_14 = arith.addi %add3A_13, %iota3A : vector<128x1xi32>
    %lt3A = arith.constant 10000 : i32
    %lt3A_15 = vector.broadcast %lt3A : i32 to vector<128x1xi32>
    %lt3A_16 = arith.cmpi slt, %add3A_14, %lt3A_15 : vector<128x1xi32>
    %rsqrt3A = math.rsqrt %add3A_11 : vector<128x1xf32>
    %jit3A = arith.constant 0.000000e+00 : f32
    %broadcast_in_dim3A = vector.broadcast %jit3A : f32 to vector<128x1xf32>
    %select_n3A = arith.select %lt3A_16, %rsqrt3A, %broadcast_in_dim3A : vector<128x1xi1>, vector<128x1xf32>
    %get3A_17 = arith.constant 0 : index
    %get3A_18 = arith.constant 0 : index
    %get3A_19 = arith.constant 0 : index
    %get3A_20 = vector.load %arg1[%get3A_17, %get3A_18, %get3A_19] : memref<2x128x128xf32, #tpu.memory_space<vmem>>, vector<1x128x128xf32>
    %get3A_21 = vector.shape_cast %get3A_20 : vector<1x128x128xf32> to vector<128x128xf32>
    %get3A_22 = arith.constant 1 : index
    %get3A_23 = arith.constant 0 : index
    %get3A_24 = arith.constant 0 : index
    %get3A_25 = vector.load %arg1[%get3A_22, %get3A_23, %get3A_24] : memref<2x128x128xf32, #tpu.memory_space<vmem>>, vector<1x128x128xf32>
    %get3A_26 = vector.shape_cast %get3A_25 : vector<1x128x128xf32> to vector<128x128xf32>
    %add3A_27 = arith.addf %get3A_21, %get3A_26 : vector<128x128xf32>
    %mul3A_28 = vector.broadcast %select_n3A : vector<128x1xf32> to vector<128x128xf32>
    %mul3A_29 = arith.mulf %mul3A_28, %add3A_27 : vector<128x128xf32>
    %get3A_30 = arith.constant 0 : index
    %get3A_31 = arith.constant 0 : index
    %get3A_32 = vector.load %arg3[%get3A_30, %get3A_31] : memref<1x128xf32, #tpu.memory_space<vmem>>, vector<1x128xf32>
    %add3A_33 = vector.broadcast %get3A_32 : vector<1x128xf32> to vector<128x128xf32>
    %add3A_34 = arith.addf %mul3A_29, %add3A_33 : vector<128x128xf32>
    %mul3A_35 = arith.mulf %add3A_34, %add3A_34 : vector<128x128xf32>
    %reduce_sum3A = arith.constant dense<0.000000e+00> : vector<128xf32>
    %reduce_sum3A_36 = vector.multi_reduction <add>, %mul3A_35, %reduce_sum3A [1] : vector<128x128xf32> to vector<128xf32>
    %broadcast_in_dim3A_37 = vector.shape_cast %reduce_sum3A_36 : vector<128xf32> to vector<128x1xf32>
    %max3A = arith.constant 1.000000e-24 : f32
    %max3A_38 = vector.broadcast %max3A : f32 to vector<128x1xf32>
    %max3A_39 = arith.maximumf %broadcast_in_dim3A_37, %max3A_38 : vector<128x1xf32>
    %rsqrt3A_40 = math.rsqrt %max3A_39 : vector<128x1xf32>
    %mul3A_41 = vector.broadcast %rsqrt3A_40 : vector<128x1xf32> to vector<128x128xf32>
    %mul3A_42 = arith.mulf %add3A_34, %mul3A_41 : vector<128x128xf32>
    %swap3A = arith.constant 0 : index
    %swap3A_43 = arith.constant 0 : index
    %swap3A_44 = vector.load %arg4[%swap3A, %swap3A_43] : memref<128x128xf32, #tpu.memory_space<vmem>>, vector<128x128xf32>
    tpu.vector_store %arg4[%swap3A, %swap3A_43], %mul3A_42 {strides = array<i32>} : memref<128x128xf32, #tpu.memory_space<vmem>>, vector<128x128xf32>,
    return
  }
  func.func @transform_0(%arg0: i32) -> (i32, i32, i32) {
    %c0_i32 = arith.constant 0 : i32
    %c0_i32_0 = arith.constant 0 : i32
    %c0_i32_1 = arith.constant 0 : i32
    return %c0_i32, %arg0, %c0_i32_0 : i32, i32, i32
  }
  func.func @transform_1(%arg0: i32) -> (i32, i32, i32) {
    %c0_i32 = arith.constant 0 : i32
    %c0_i32_0 = arith.constant 0 : i32
    %c0_i32_1 = arith.constant 0 : i32
    return %c0_i32, %arg0, %c0_i32_0 : i32, i32, i32
  }
  func.func @transform_2(%arg0: i32) -> (i32, i32) {
    %c0_i32 = arith.constant 0 : i32
    %c0_i32_0 = arith.constant 0 : i32
    %c0_i32_1 = arith.constant 0 : i32
    return %c0_i32, %c0_i32_0 : i32, i32
  }
  func.func @transform_3(%arg0: i32) -> (i32, i32) {
    %c0_i32 = arith.constant 0 : i32
    %c0_i32_0 = arith.constant 0 : i32
    return %arg0, %c0_i32 : i32, i32
  }
}

</mosaic_0001>

<sc_bundles>
// kernel: kernel.10.cloned.1.call-start
scs
__scs_entry_jumppad:
0x0: {  	(pc) =	sbr.rel $0x88, $3  }
0x1: {  	(tag) =	ssettag $0x0;
	lr =	simm.s32 $0x1  }
0x2: {  	[smem:$0x3F99] =	sst lr;
	_ =	strace $0xD0000000  }
0x3: {  	_ = 	snop  }
0x4: {  	_ = 	snop  }
0x5: {  	_ = 	snop  }
0x6: {  	_ = 	snop  }
0x7: {  	_ = 	snop  }
__scs_overlays_trampoline_lowered:
0x8: {  	[smem:$0x3FA8] =	sst s0  }
0x9: {  	[smem:$0x3FA9] =	sst s1  }
0xa: {  	[smem:$0x3FAA] =	sst s2  }
0xb: {  	[smem:$0x3FAB] =	sst s3  }
0xc: {  	[smem:$0x3FAC] =	sst s4  }
0xd: {  	[smem:$0x3FAD] =	sst s5  }
0xe: {  	[smem:$0x3FAE] =	sst s6  }
0xf: {  	[smem:$0x3FAF] =	sst s7  }
0x10: {  	[smem:$0x3FB0] =	sst s8  }
0x11: {  	[smem:$0x3FB1] =	sst s9;
	s0 =	simm.s32 @!p0 $0x0  }
0x12: {  	s1 =	sld [smem:$0x3F97];
	s0 =	simm.s32 @p0 $0x1  }
0x13: {  	[smem:$0x3FB2] =	sst s0;
	s0 =	simm.s32 @!p1 $0x0  }
0x14: {  	s2 =	sld [smem:$0x3F96];
	s0 =	simm.s32 @p1 $0x1  }
0x15: {  	[smem:$0x3FB3] =	sst s0;
	s0 =	simm.s32 @!p2 $0x0  }
0x16: {  	s3 =	sld [smem:$0x3FDB];
	s0 =	simm.s32 @p2 $0x1  }
0x17: {  	s4 =	simm.s32 $0x1BF5;
	[smem:$0x3FB5] =	sst s0  }
0x18: {  	s0 =	sld [smem:$0x3F98];
	_ =	swait.ge [sflag:s4], $0x0  }
0x19: {  	s7 =	sld [smem:$0x3F99]  }
0x1a: {  	s8 =	sadd.s32 $0xFFFFE003, lr  }
0x1b: {  	s9 =	sadd.s32 $0xFFFFFEF7, lr;
	s5 =	simm.s32 $0xFFFFFFFF;
	p2 =	slt.u32 s8, $0xFFFFF086  }
0x1c: {  	p1 =	slt.u32 s9, $0xF7A;
	s5 =	simm.s32 @!p2 $0x0  }
0x1d: {  	s5 =	simm.s32 @p1 $0x1;
	p0 =	seq.s32 s7, s2  }
0x1e: {  	s7 =	smul.u32 @!p0 $0xF7A, s2;
	p2 =	seq.s32 @!p0 s5, $0x0  }
0x1f: {  	s9 =	smul.u32 $0xF7A, s1;
	s8 =	simm.s32 @!p0 $0x1BF5;
	p2 =	por !p2, p0  }
0x20: {  	[sflag:s8] =	ssyncset.s32 @!p0 $0xFFFFF086;
	s6 =	sadd.s32 @!p0 s3, s7;
	s7 =	simm.s32 @!p0 $0x108  }
0x21: {  	s3 =	sadd.s32 s3, s9;
	s6 =	sadd.s32 @!p0 $0x88, s6;
	s7 =	simm.s32 @p2 $0x1082  }
0x22: {  	[simem:s7], [sflag:s8] =	dma.local @!p0 [hbm:s6], $0xF7A  }
0x23: {  	s9 =	sor.u32 $0xD0000000, s2;
	s6 =	simm.s32 $0x108;
	_ =	swait.ge @!p0 [sflag:s8], $0x0  }
0x24: {  	s3 =	sadd.s32 $0x88, s3;
	s6 =	simm.s32 @!p1 $0x1082;
	[sflag:s4] =	ssyncset.s32 $0xFFFFF086  }
0x25: {  	[simem:s6], [sflag:s4] =	dma.local [hbm:s3], $0xF7A  }
0x26: {  	[smem:$0x3F99] =	sst s1;
	(tag) =	ssettag s2;
	_ =	strace s9  }
0x27: {  	s1 =	sld [smem:$0x3FA9]  }
0x28: {  	s2 =	sld [smem:$0x3FAA]  }
0x29: {  	s4 =	sld [smem:$0x3FAC]  }
0x2a: {  	p0 =	seq.s32 s5, $0x0;
	s5 =	sld [smem:$0x3FAD]  }
0x2b: {  	s6 =	sld [smem:$0x3FAE]  }
0x2c: {  	s7 =	sld [smem:$0x3FAF]  }
0x2d: {  	s3 =	simm.s32 $0x108;
	s8 =	sld [smem:$0x3FB0]  }
0x2e: {  	s3 =	simm.s32 @!p0 $0x1082;
	s9 =	sld [smem:$0x3FB1]  }
0x2f: {  	lr =	sadd.s32 s0, s3;
	s0 =	sld [smem:$0x3FA8]  }
0x30: {  	s3 =	sld [smem:$0x3FAB]  }
0x31: {  	[smem:$0x3FB4] =	sst s10  }
0x32: {  	s10 =	sld [smem:$0x3FB2];
	_ =	sdelay $0x3  }
0x33: {  	p0 =	seq.s32 s10, $0x1;
	s10 =	sld [smem:$0x3FB4];
	_ =	sdelay $0x3  }
0x34: {  	[smem:$0x3FB4] =	sst s10  }
0x35: {  	s10 =	sld [smem:$0x3FB3];
	_ =	sdelay $0x3  }
0x36: {  	p1 =	seq.s32 s10, $0x1;
	s10 =	sld [smem:$0x3FB4];
	_ =	sdelay $0x3  }
0x37: {  	[smem:$0x3FB4] =	sst s10  }
0x38: {  	s10 =	sld [smem:$0x3FB5]  }
0x39: {  	_ = 	snop;
	(pc) =	sbr.ind lr, $3  }
0x3a: {  	_ = 	snop  }
0x3b: {  	_ = 	snop  }
0x3c: {  	p2 =	seq.s32 s10, $0x1;
	s10 =	sld [smem:$0x3FB4]  }
0x3d: {  	_ =	shalt  }
0x3e: {  	_ =	shalt  }
0x3f: {  	_ =	shalt  }
0x40: {  	_ =	shalt  }
0x41: {  	_ =	shalt  }
0x42: {  	_ =	shalt  }
0x43: {  	_ =	shalt  }
0x44: {  	_ =	shalt  }
0x45: {  	_ =	shalt  }
0x46: {  	_ =	shalt  }
0x47: {  	_ =	shalt  }
0x48: {  	_ =	shalt  }
0x49: {  	_ =	shalt  }
0x4a: {  	_ =	shalt  }
0x4b: {  	_ =	shalt  }
0x4c: {  	_ =	shalt  }
0x4d: {  	_ =	shalt  }
0x4e: {  	_ =	shalt  }
0x4f: {  	_ =	shalt  }
0x50: {  	_ =	shalt  }
0x51: {  	_ =	shalt  }
0x52: {  	_ =	shalt  }
0x53: {  	_ =	shalt  }
0x54: {  	_ =	shalt  }
0x55: {  	_ =	shalt  }
0x56: {  	_ =	shalt  }
0x57: {  	_ =	shalt  }
0x58: {  	_ =	shalt  }
0x59: {  	_ =	shalt  }
0x5a: {  	_ =	shalt  }
0x5b: {  	_ =	shalt  }
0x5c: {  	_ =	shalt  }
0x5d: {  	_ =	shalt  }
0x5e: {  	_ =	shalt  }
0x5f: {  	_ =	shalt  }
0x60: {  	_ =	shalt  }
0x61: {  	_ =	shalt  }
0x62: {  	_ =	shalt  }
0x63: {  	_ =	shalt  }
0x64: {  	_ =	shalt  }
0x65: {  	_ =	shalt  }
0x66: {  	_ =	shalt  }
0x67: {  	_ =	shalt  }
0x68: {  	_ =	shalt  }
0x69: {  	_ =	shalt  }
0x6a: {  	_ =	shalt  }
0x6b: {  	_ =	shalt  }
0x6c: {  	_ =	shalt  }
0x6d: {  	_ =	shalt  }
0x6e: {  	_ =	shalt  }
0x6f: {  	_ =	shalt  }
0x70: {  	_ =	shalt  }
0x71: {  	_ =	shalt  }
0x72: {  	_ =	shalt  }
0x73: {  	_ =	shalt  }
0x74: {  	_ =	shalt  }
0x75: {  	_ =	shalt  }
0x76: {  	_ =	shalt  }
0x77: {  	_ =	shalt  }
0x78: {  	_ =	shalt  }
0x79: {  	_ =	shalt  }
0x7a: {  	_ =	shalt  }
0x7b: {  	_ =	shalt  }
0x7c: {  	_ =	shalt  }
0x7d: {  	_ =	shalt  }
0x7e: {  	_ =	shalt  }
0x7f: {  	_ =	shalt  }
0x80: {  	_ =	shalt  }
0x81: {  	_ =	shalt  }
0x82: {  	_ =	shalt  }
0x83: {  	_ =	shalt  }
0x84: {  	_ =	shalt  }
0x85: {  	_ =	shalt  }
0x86: {  	_ =	shalt  }
0x87: {  	_ =	shalt  }
.Lfunc_end0:
.L_simem_size_0:
called_computation_lowered:
.L_overlay_start_0:
0x88: {  	s2 =	sld [smem:$0x3FD9]  }
0x89: {  	s3 =	sld [smem:$0x3FFE];
	_ =	sdelay $0x1  }
0x8a: {  	s1 =	srdreg.scid  }
0x8b: {  	s0 =	sand.u32 $0x1, s1  }
0x8c: {  	s16 =	sshll.u32 s0, $0xA;
	s2 =	sadd.s32 s3, s2  }
0x8d: {  	s2 =	sadd.s32 s2, s16  }
0x8e: {  	[smem:$0x3FC0] =	sst s2  }
0x8f: {  	_ = 	snop  }
0x90: {  	(tm) =	ssettm $0x1  }
0x91: {  	s17 =	sld [smem:$0x3FFB];
	_ =	sdelay $0x3  }
0x92: {  	_ =	strace s17  }
0x93: {  	s2 =	sld [smem:$0x3FFC];
	_ =	sdelay $0x3  }
0x94: {  	_ =	strace s2  }
0x95: {  	s2 =	sld [smem:$0x3FFD];
	_ =	sdelay $0x3  }
0x96: {  	_ =	strace s2  }
0x97: {  	_ =	strace $0x8FFFFFFF  }
0x98: {  	s18 =	sld [smem:$0x3FDB];
	_ =	sdelay $0x1  }
0x99: {  	s19 =	simm.s32 $_scs_section_size  }
0x9a: {  	s4 =	simm.s32 $_size__tile_overlayer_lowered;
	s5 =	simm.s32 $_tile_overlayer_lowered  }
0x9b: {  	s22 =	simm.s32 $0x1BFF;
	s21 =	sshll.u32 s5, $0x1;
	s2 =	sadd.s32 s19, s18  }
0x9c: {  	s6 =	simm.s32 $0x0;
	s20 =	sshll.u32 s4, $0x1;
	s4 =	sadd.s32 s21, s2  }
0x9d: {  	[timem:s6], [sflag:s22] =	dma.local [hbm:s4], s20  }
0x9e: {  	_ =	swait.ge [sflag:s22], s20  }
0x9f: {  	s3 =	ssub.s32 $0x0, s20;
	[sflag:s22] =	ssyncset.done $0x0  }
0xa0: {  	[sflag:s22] =	ssyncadd.s32 s3;
	_ =	sdelay $0x1  }
0xa1: {  	s23 =	simm.s32 $0x1B8B  }
0xa2: {  	_ =	swait.ge [sflag:s23], $0x1  }
0xa3: {  	[sflag:s23] =	ssyncset.done $0x0  }
0xa4: {  	s25 =	simm.s32 $0x1B8E;
	s24 =	sld [smem:$0x3FFE];
	[sflag:s23] =	ssyncadd.s32 $0xFFFFFFFF  }
0xa5: {  	s26 =	simm.s32 $execute0_lowered;
	[smem:$0x3FD2] =	sst s25  }
0xa6: {  	s4 =	sshll.u32 s26, $0x1;
	_ =	strace $0x80000046;
	[dreg:$0x1] =	wrdreg $0xFFFFFFFF  }
0xa7: {  	s28 =	simm.s32 $_size_execute0_lowered;
	s2 =	sadd.s32 s2, s4;
	[dreg:$0x0] =	wrdreg $0x0  }
0xa8: {  	s4 =	sshll.u32 s28, $0x1;
	[dreg:$0x2] =	wrdreg s2  }
0xa9: {  	[dreg:$0x3] =	wrdreg s4  }
0xaa: {  	[dreg:$0x4] =	wrdreg $0xC0  }
0xab: {  	_ =	task [dreg:s6], $0x5FFFF  }
0xac: {  	[dreg:$0x1] =	wrdreg $0xFFFFFFFF  }
0xad: {  	[dreg:$0x0] =	wrdreg $0x60  }
0xae: {  	[dreg:$0x2] =	wrdreg s24  }
0xaf: {  	[dreg:$0x3] =	wrdreg $0x0  }
0xb0: {  	[dreg:$0x4] =	wrdreg $0x9  }
0xb1: {  	_ =	task.clear_ibuf [dreg:s6], $0x5FFFF;
	_ =	strace $0x90000046  }
0xb2: {  	s29 =	simm.s32 $0x9;
	_ =	strace $0x80000048  }
0xb3: {  	_ =	swait.ge [sflag:s29], $0x1  }
0xb4: {  	[sflag:s29] =	ssyncadd.s32 $0xFFFFFFFF  }
0xb5: {  	_ =	strace $0x90000048  }
0xb6: {  	_ =	sfence  }
0xb7: {  	s30 =	sld [smem:$0x0];
	_ =	sdelay $0x2  }
0xb8: {  	s31 =	sshll.u32 s1, $0xD;
	s1 =	sshrl.u32 s1, $0x2  }
0xb9: {  	s3 =	sand.u32 $0x4000, s31;
	s1 =	sadd.s32 s1, s30  }
0xba: {  	s0 =	sor.u32 s3, s0;
	s1 =	sshll.u32 s1, $0x11  }
0xbb: {  	s0 =	sor.u32 s1, s0  }
0xbc: {  	s0 =	sadd.s32 $0x8F2B, s0  }
0xbd: {  	[sflag:s0] =	ssyncadd.remote.s32 $0x1  }
0xbe: {  	_ =	sfence.sel $0xFFFF  }
0xbf: {  	[dreg:$0x0] =	wrdreg $0xFFFFFFFF;
	(pc) =	sbr.abs _section_cstart, $3  }
0xc0: {  	[dreg:$0x1] =	wrdreg $0xFFFFFFFF  }
0xc1: {  	_ =	task.clear_ibuf [dreg:s6], $0x2FFFF;
	_ =	strace $0x9FFFFFFF  }
0xc2: {  	(tm) =	ssettm $0x7FFFFFFF  }
0xc3: {  	_ =	shalt  }
tec
execute0_lowered:
.L_overlay_start_1:
0x0: {  	(tag) =	ssettag $0x1  }
0x1: {  	s4 =	rddreg [dreg:$0x0]  }
0x2: {  	s1 =	rddreg [dreg:$0x1]  }
0x3: {  	s2 =	srdreg.scid;
	s0 =	rddreg [dreg:$0x2];
	s3 =	simm.s32 $0x0  }
0x4: {  	s10 =	simm.s32 $0x280;
	s11 =	simm.s32 $0x80;
	s12 =	simm.s32 $0x2A80  }
0x5: {  	s15 =	simm.s32 $0x20;
	s16 =	simm.s32 $0x10;
	s17 =	simm.s32 $0x0  }
0x6: {  	s5 =	sand.u32 $0x1, s2;
	s2 =	stileid.u32;
	[smem:$0x7FF] =	sst s3  }
0x7: {  	s6 =	sshll.u32 s5, $0x4;
	s7 =	smul.u32 $0x500, s2;
	_ =	strace $0x80000047  }
0x8: {  	s8 =	sshll.u32 s5, $0x7;
	s5 =	ssub.s32 $0x2, s5;
	s30 =	smul.u32 $0xA00, s2  }
0x9: {  	s13 =	sshll.u32 s2, $0x6;
	s6 =	sor.u32 s2, s6;
	s9 =	sshrl.u32 s5, $0x1  }
0xa: {  	s13 =	sor.u32 $0x1C01, s13;
	s6 =	smul.u32 $0x500, s6;
	s7 =	sor.u32 s8, s7  }
0xb: {  	s9 =	ssub.s32 s5, s9;
	s31 =	sshrl.u32 s30, $0x2;
	s7 =	sshrl.u32 s7, $0x3  }
0xc: {  	s8 =	simm.s32 $0x2B00;
	s6 =	sadd.s32 s6, s4;
	s7 =	sadd.s32 s7, s4  }
0xd: {  	s4 =	sadd.s32 s31, s1;
	s5 =	sadd.s32 $0x3800, s6;
	s6 =	sadd.s32 $0xD800, s7  }
0xe: {  	v0 =	vimm.f32 $1.000000000e+00;
	v1 =	vimm.f32 $0.0e+00;
	s7 =	smax.u32 s9, $0x1;
	s9 =	simm.s32 $0x1;
	s14 =	sshrl.u32 s4, $0x3  }
.LBB2_1:
0xf: {  	[tilespmem:$0x2A80] =	vst v0  }
0x10: {  	[tilespmem:$0x2A90] =	vst v0  }
0x11: {  	[tilespmem:$0x2AA0] =	vst v0  }
0x12: {  	[tilespmem:$0x2AB0] =	vst v0  }
0x13: {  	[tilespmem:$0x2AC0] =	vst v0  }
0x14: {  	[tilespmem:$0x2AD0] =	vst v0  }
0x15: {  	[tilespmem:$0x2AE0] =	vst v0  }
0x16: {  	[tilespmem:$0x2AF0] =	vst v0  }
0x17: {  	[tilespmem:$0x2B00] =	vst v1  }
0x18: {  	[tilespmem:$0x2B10] =	vst v1  }
0x19: {  	[tilespmem:$0x2B20] =	vst v1  }
0x1a: {  	[tilespmem:$0x2B30] =	vst v1  }
0x1b: {  	[tilespmem:$0x2B40] =	vst v1  }
0x1c: {  	[tilespmem:$0x2B50] =	vst v1  }
0x1d: {  	[tilespmem:$0x2B60] =	vst v1  }
0x1e: {  	[tilespmem:$0x2B70] =	vst v1  }
0x1f: {  	[tilespmem:$0x2B80] =	vst v1  }
0x20: {  	[tilespmem:$0x2B90] =	vst v1  }
0x21: {  	[tilespmem:$0x2BA0] =	vst v1  }
0x22: {  	[tilespmem:$0x2BB0] =	vst v1  }
0x23: {  	[tilespmem:$0x2BC0] =	vst v1  }
0x24: {  	[tilespmem:$0x2BD0] =	vst v1  }
0x25: {  	[tilespmem:$0x2BE0] =	vst v1  }
0x26: {  	[tilespmem:$0x2BF0] =	vst v1  }
0x27: {  	[tilespmem:$0x2C00] =	vst v1  }
0x28: {  	[tilespmem:$0x2C10] =	vst v1  }
0x29: {  	[tilespmem:$0x2C20] =	vst v1  }
0x2a: {  	[tilespmem:$0x2C30] =	vst v1  }
0x2b: {  	[tilespmem:$0x2C40] =	vst v1  }
0x2c: {  	[tilespmem:$0x2C50] =	vst v1  }
0x2d: {  	[tilespmem:$0x2C60] =	vst v1  }
0x2e: {  	[tilespmem:$0x2C70] =	vst v1  }
0x2f: {  	[tilespmem:$0x2C80] =	vst v1  }
0x30: {  	[tilespmem:$0x2C90] =	vst v1  }
0x31: {  	[tilespmem:$0x2CA0] =	vst v1  }
0x32: {  	[tilespmem:$0x2CB0] =	vst v1  }
0x33: {  	[tilespmem:$0x2CC0] =	vst v1  }
0x34: {  	[tilespmem:$0x2CD0] =	vst v1  }
0x35: {  	[tilespmem:$0x2CE0] =	vst v1  }
0x36: {  	[tilespmem:$0x2CF0] =	vst v1  }
0x37: {  	[tilespmem:$0x2D00] =	vst v1  }
0x38: {  	[tilespmem:$0x2D10] =	vst v1  }
0x39: {  	[tilespmem:$0x2D20] =	vst v1  }
0x3a: {  	[tilespmem:$0x2D30] =	vst v1  }
0x3b: {  	[tilespmem:$0x2D40] =	vst v1  }
0x3c: {  	[tilespmem:$0x2D50] =	vst v1  }
0x3d: {  	[tilespmem:$0x2D60] =	vst v1  }
0x3e: {  	[tilespmem:$0x2D70] =	vst v1  }
0x3f: {  	[spmem:s4] =	stream.linear.scatter [tilespmem:s8], [sflag:$0x1], $0x280, $0x38;
	[tilespmem:$0x2D80] =	vst v63  }
0x40: {  	_ =	swait.ge [sflag:s9], $0x280  }
0x41: {  	[sflag:s9] =	ssyncset.done $0x0  }
0x42: {  	[sflag:s9] =	ssyncadd.s32 $0xFFFFFD80  }
0x43: {  	[tilespmem:s10], [sflag:$0x1] =	stream.linear.gather [hbm4b:s5+s3], $0x2800, $0x38;
	[tilespmem:$0x2D80] =	vst v63  }
0x44: {  	_ =	swait.ge [sflag:s9], $0x2800  }
0x45: {  	[sflag:s9] =	ssyncset.done $0x0  }
0x46: {  	[sflag:s9] =	ssyncadd.s32 $0xFFFFD800  }
0x47: {  	s18 =	simm.s32 $0x280;
	[bflag:$0x0] =	sbarrier.arrive $0xFFFF  }
0x48: {  	[spmem:s1] =	stream.indirect.scatter.add.f32 [tilespmem:s12], [sflag:$0x1], $0x1, s18, s11, $0xb8;
	[tilespmem:$0x2D80] =	vst v63  }
0x49: {  	s18 =	simm.s32 $0x200;
	_ =	swait.ge [sflag:s9], $0x80  }
.LBB2_2:
0x4a: {  	s19 =	sshra.s32 s18, $0x2;
	[sflag:s9] =	ssyncset.done $0x0;
	p0 =	sne.s32 s18, $0x9E00  }
.Ltmp0:
0x4b: {  	s19 =	sadd.s32 $0x280, s19;
	[sflag:s9] =	ssyncadd.s32 $0xFFFFFF80;
	(pc) =	sbr.rel @p0 .LBB2_2-.Ltmp0, $3  }
0x4c: {  	[spmem:s1] =	stream.indirect.scatter.add.f32 [tilespmem:s12], [sflag:$0x1], $0x1, s19, s11, $0xb8;
	[tilespmem:$0x2D80] =	vst v63  }
0x4d: {  	s18 =	sadd.s32 $0x200, s18;
	_ =	sdelay $0x1  }
0x4e: {  	_ =	swait.ge [sflag:s9], $0x80  }
0x4f: {  	[sflag:s9] =	ssyncset.done $0x0;
	s17 =	sadd.s32 $0x1, s17  }
0x50: {  	[sflag:s9] =	ssyncadd.s32 $0xFFFFFF80;
	p0 =	sne.s32 s17, s7  }
.Ltmp1:
0x51: {  	[bflag:$0x0] =	sbarrier.arrive $0xFFFF;
	(pc) =	sbr.rel @p0 .LBB2_1-.Ltmp1, $4  }
0x52: {  	[hbm:s6@s15], [sflag:s13] =	dma.strided [spmem:s14@s16], $0x50, s9, $0x10   }
0x53: {  	_ =	swait.ge [sflag:s9], $0x50  }
0x54: {  	[sflag:s9] =	ssyncset.done $0x0  }
0x55: {  	[sflag:s9] =	ssyncadd.s32 $0xFFFFFFB0  }
0x56: {  	_ =	sfence.sel $0x180000  }
0x57: {  	[bflag:$0x0] =	sbarrier.arrive $0xFFFF  }
0x58: {  	p0 =	sne.s32 s2, $0x0;
	_ =	strace $0x90000047  }
0x59: {  	s0 =	sadd.s32 @!p0 $0x100000, s0;
	[bflag:$0x2] =	sbarrier.arrive $0xFFFF  }
0x5a: {  	[sflag:s0] =	ssyncadd.tile.s32 @!p0 $0x1;
	_ =	shalt  }
.Lfunc_end2:
_tile_overlayer_lowered:
.L_overlay_start_2:
0x5b: {  	(tag) =	ssettag $0x2  }
0x5c: {  	s0 =	rddreg [dreg:$0x0];
	s2 =	stileid.u32  }
0x5d: {  	s1 =	rddreg [dreg:$0x1];
	p0 =	sne.s32 s2, $0x0  }
0x5e: {  	s3 =	rddreg [dreg:$0x2];
	[bflag:$0x3] =	sbarrier.arrive $0xFFFF;
	s2 =	simm.s32 @!p0 $0x1C01  }
0x5f: {  	[timem:s3], [sflag:s2] =	dma.local @!p0 [hbm:s0], s1  }
0x60: {  	s0 =	simm.s32 @!p0 $0x1  }
0x61: {  	_ =	swait.ge @!p0 [sflag:s0], s1  }
0x62: {  	s1 =	ssub.s32 @!p0 $0x0, s1;
	[sflag:s0] =	ssyncset.done @!p0 $0x0  }
0x63: {  	[sflag:s0] =	ssyncadd.s32 @!p0 s1  }
0x64: {  	[bflag:$0x3] =	sbarrier.arrive $0xFFFF  }
0x65: {  	_ =	shalt  }

// kernel: kernel.13.cloned.1.call-start
scs
__scs_entry_jumppad:
0x0: {  	(pc) =	sbr.rel $0x88, $3  }
0x1: {  	(tag) =	ssettag $0x0;
	lr =	simm.s32 $0x1  }
0x2: {  	[smem:$0x3F99] =	sst lr;
	_ =	strace $0xD0000000  }
0x3: {  	_ = 	snop  }
0x4: {  	_ = 	snop  }
0x5: {  	_ = 	snop  }
0x6: {  	_ = 	snop  }
0x7: {  	_ = 	snop  }
__scs_overlays_trampoline_lowered:
0x8: {  	[smem:$0x3FA8] =	sst s0  }
0x9: {  	[smem:$0x3FA9] =	sst s1  }
0xa: {  	[smem:$0x3FAA] =	sst s2  }
0xb: {  	[smem:$0x3FAB] =	sst s3  }
0xc: {  	[smem:$0x3FAC] =	sst s4  }
0xd: {  	[smem:$0x3FAD] =	sst s5  }
0xe: {  	[smem:$0x3FAE] =	sst s6  }
0xf: {  	[smem:$0x3FAF] =	sst s7  }
0x10: {  	[smem:$0x3FB0] =	sst s8  }
0x11: {  	[smem:$0x3FB1] =	sst s9;
	s0 =	simm.s32 @!p0 $0x0  }
0x12: {  	s1 =	sld [smem:$0x3F97];
	s0 =	simm.s32 @p0 $0x1  }
0x13: {  	[smem:$0x3FB2] =	sst s0;
	s0 =	simm.s32 @!p1 $0x0  }
0x14: {  	s2 =	sld [smem:$0x3F96];
	s0 =	simm.s32 @p1 $0x1  }
0x15: {  	[smem:$0x3FB3] =	sst s0;
	s0 =	simm.s32 @!p2 $0x0  }
0x16: {  	s3 =	sld [smem:$0x3FDB];
	s0 =	simm.s32 @p2 $0x1  }
0x17: {  	s4 =	simm.s32 $0x1BF5;
	[smem:$0x3FB5] =	sst s0  }
0x18: {  	s0 =	sld [smem:$0x3F98];
	_ =	swait.ge [sflag:s4], $0x0  }
0x19: {  	s7 =	sld [smem:$0x3F99]  }
0x1a: {  	s8 =	sadd.s32 $0xFFFFE003, lr  }
0x1b: {  	s9 =	sadd.s32 $0xFFFFFEF7, lr;
	s5 =	simm.s32 $0xFFFFFFFF;
	p2 =	slt.u32 s8, $0xFFFFF086  }
0x1c: {  	p1 =	slt.u32 s9, $0xF7A;
	s5 =	simm.s32 @!p2 $0x0  }
0x1d: {  	s5 =	simm.s32 @p1 $0x1;
	p0 =	seq.s32 s7, s2  }
0x1e: {  	s7 =	smul.u32 @!p0 $0xF7A, s2;
	p2 =	seq.s32 @!p0 s5, $0x0  }
0x1f: {  	s9 =	smul.u32 $0xF7A, s1;
	s8 =	simm.s32 @!p0 $0x1BF5;
	p2 =	por !p2, p0  }
0x20: {  	[sflag:s8] =	ssyncset.s32 @!p0 $0xFFFFF086;
	s6 =	sadd.s32 @!p0 s3, s7;
	s7 =	simm.s32 @!p0 $0x108  }
0x21: {  	s3 =	sadd.s32 s3, s9;
	s6 =	sadd.s32 @!p0 $0x88, s6;
	s7 =	simm.s32 @p2 $0x1082  }
0x22: {  	[simem:s7], [sflag:s8] =	dma.local @!p0 [hbm:s6], $0xF7A  }
0x23: {  	s9 =	sor.u32 $0xD0000000, s2;
	s6 =	simm.s32 $0x108;
	_ =	swait.ge @!p0 [sflag:s8], $0x0  }
0x24: {  	s3 =	sadd.s32 $0x88, s3;
	s6 =	simm.s32 @!p1 $0x1082;
	[sflag:s4] =	ssyncset.s32 $0xFFFFF086  }
0x25: {  	[simem:s6], [sflag:s4] =	dma.local [hbm:s3], $0xF7A  }
0x26: {  	[smem:$0x3F99] =	sst s1;
	(tag) =	ssettag s2;
	_ =	strace s9  }
0x27: {  	s1 =	sld [smem:$0x3FA9]  }
0x28: {  	s2 =	sld [smem:$0x3FAA]  }
0x29: {  	s4 =	sld [smem:$0x3FAC]  }
0x2a: {  	p0 =	seq.s32 s5, $0x0;
	s5 =	sld [smem:$0x3FAD]  }
0x2b: {  	s6 =	sld [smem:$0x3FAE]  }
0x2c: {  	s7 =	sld [smem:$0x3FAF]  }
0x2d: {  	s3 =	simm.s32 $0x108;
	s8 =	sld [smem:$0x3FB0]  }
0x2e: {  	s3 =	simm.s32 @!p0 $0x1082;
	s9 =	sld [smem:$0x3FB1]  }
0x2f: {  	lr =	sadd.s32 s0, s3;
	s0 =	sld [smem:$0x3FA8]  }
0x30: {  	s3 =	sld [smem:$0x3FAB]  }
0x31: {  	[smem:$0x3FB4] =	sst s10  }
0x32: {  	s10 =	sld [smem:$0x3FB2];
	_ =	sdelay $0x3  }
0x33: {  	p0 =	seq.s32 s10, $0x1;
	s10 =	sld [smem:$0x3FB4];
	_ =	sdelay $0x3  }
0x34: {  	[smem:$0x3FB4] =	sst s10  }
0x35: {  	s10 =	sld [smem:$0x3FB3];
	_ =	sdelay $0x3  }
0x36: {  	p1 =	seq.s32 s10, $0x1;
	s10 =	sld [smem:$0x3FB4];
	_ =	sdelay $0x3  }
0x37: {  	[smem:$0x3FB4] =	sst s10  }
0x38: {  	s10 =	sld [smem:$0x3FB5]  }
0x39: {  	_ = 	snop;
	(pc) =	sbr.ind lr, $3  }
0x3a: {  	_ = 	snop  }
0x3b: {  	_ = 	snop  }
0x3c: {  	p2 =	seq.s32 s10, $0x1;
	s10 =	sld [smem:$0x3FB4]  }
0x3d: {  	_ =	shalt  }
0x3e: {  	_ =	shalt  }
0x3f: {  	_ =	shalt  }
0x40: {  	_ =	shalt  }
0x41: {  	_ =	shalt  }
0x42: {  	_ =	shalt  }
0x43: {  	_ =	shalt  }
0x44: {  	_ =	shalt  }
0x45: {  	_ =	shalt  }
0x46: {  	_ =	shalt  }
0x47: {  	_ =	shalt  }
0x48: {  	_ =	shalt  }
0x49: {  	_ =	shalt  }
0x4a: {  	_ =	shalt  }
0x4b: {  	_ =	shalt  }
0x4c: {  	_ =	shalt  }
0x4d: {  	_ =	shalt  }
0x4e: {  	_ =	shalt  }
0x4f: {  	_ =	shalt  }
0x50: {  	_ =	shalt  }
0x51: {  	_ =	shalt  }
0x52: {  	_ =	shalt  }
0x53: {  	_ =	shalt  }
0x54: {  	_ =	shalt  }
0x55: {  	_ =	shalt  }
0x56: {  	_ =	shalt  }
0x57: {  	_ =	shalt  }
0x58: {  	_ =	shalt  }
0x59: {  	_ =	shalt  }
0x5a: {  	_ =	shalt  }
0x5b: {  	_ =	shalt  }
0x5c: {  	_ =	shalt  }
0x5d: {  	_ =	shalt  }
0x5e: {  	_ =	shalt  }
0x5f: {  	_ =	shalt  }
0x60: {  	_ =	shalt  }
0x61: {  	_ =	shalt  }
0x62: {  	_ =	shalt  }
0x63: {  	_ =	shalt  }
0x64: {  	_ =	shalt  }
0x65: {  	_ =	shalt  }
0x66: {  	_ =	shalt  }
0x67: {  	_ =	shalt  }
0x68: {  	_ =	shalt  }
0x69: {  	_ =	shalt  }
0x6a: {  	_ =	shalt  }
0x6b: {  	_ =	shalt  }
0x6c: {  	_ =	shalt  }
0x6d: {  	_ =	shalt  }
0x6e: {  	_ =	shalt  }
0x6f: {  	_ =	shalt  }
0x70: {  	_ =	shalt  }
0x71: {  	_ =	shalt  }
0x72: {  	_ =	shalt  }
0x73: {  	_ =	shalt  }
0x74: {  	_ =	shalt  }
0x75: {  	_ =	shalt  }
0x76: {  	_ =	shalt  }
0x77: {  	_ =	shalt  }
0x78: {  	_ =	shalt  }
0x79: {  	_ =	shalt  }
0x7a: {  	_ =	shalt  }
0x7b: {  	_ =	shalt  }
0x7c: {  	_ =	shalt  }
0x7d: {  	_ =	shalt  }
0x7e: {  	_ =	shalt  }
0x7f: {  	_ =	shalt  }
0x80: {  	_ =	shalt  }
0x81: {  	_ =	shalt  }
0x82: {  	_ =	shalt  }
0x83: {  	_ =	shalt  }
0x84: {  	_ =	shalt  }
0x85: {  	_ =	shalt  }
0x86: {  	_ =	shalt  }
0x87: {  	_ =	shalt  }
.Lfunc_end0:
.L_simem_size_0:
called_computation.1_lowered:
.L_overlay_start_0:
0x88: {  	s2 =	sld [smem:$0x3FD9]  }
0x89: {  	s3 =	sld [smem:$0x3FFE];
	_ =	sdelay $0x1  }
0x8a: {  	s1 =	srdreg.scid  }
0x8b: {  	s0 =	sand.u32 $0x1, s1  }
0x8c: {  	s17 =	sshll.u32 s0, $0xA;
	s2 =	sadd.s32 s3, s2  }
0x8d: {  	s2 =	sadd.s32 s2, s17  }
0x8e: {  	[smem:$0x3FC0] =	sst s2  }
0x8f: {  	_ = 	snop  }
0x90: {  	s2 =	sld [smem:$0x3FD0];
	(tm) =	ssettm $0x1  }
0x91: {  	s18 =	sld [smem:$0x3FFB];
	_ =	sdelay $0x3  }
0x92: {  	_ =	strace s18  }
0x93: {  	s3 =	sld [smem:$0x3FFC];
	_ =	sdelay $0x3  }
0x94: {  	_ =	strace s3  }
0x95: {  	s3 =	sld [smem:$0x3FFD];
	_ =	sdelay $0x3  }
0x96: {  	_ =	strace s3  }
0x97: {  	_ =	strace $0x8FFFFFFF  }
0x98: {  	s19 =	sld [smem:$0x3FDB];
	_ =	sdelay $0x1  }
0x99: {  	s4 =	simm.s32 $_scs_section_size  }
0x9a: {  	s5 =	simm.s32 $_size__tile_overlayer_lowered;
	s6 =	simm.s32 $_tile_overlayer_lowered  }
0x9b: {  	s22 =	simm.s32 $0x1BFF;
	s21 =	sshll.u32 s6, $0x1;
	s3 =	sadd.s32 s4, s19  }
0x9c: {  	s7 =	simm.s32 $0x0;
	s20 =	sshll.u32 s5, $0x1;
	s5 =	sadd.s32 s21, s3  }
0x9d: {  	[timem:s7], [sflag:s22] =	dma.local [hbm:s5], s20  }
0x9e: {  	_ =	swait.ge [sflag:s22], s20  }
0x9f: {  	s4 =	ssub.s32 $0x0, s20;
	[sflag:s22] =	ssyncset.done $0x0  }
0xa0: {  	[sflag:s22] =	ssyncadd.s32 s4;
	_ =	sdelay $0x1  }
0xa1: {  	s23 =	simm.s32 $0x1B8B  }
0xa2: {  	_ =	swait.ge [sflag:s23], $0x1  }
0xa3: {  	[sflag:s23] =	ssyncset.done $0x0  }
0xa4: {  	s25 =	simm.s32 $0x1B8E;
	s24 =	sld [smem:$0x3FFE];
	[sflag:s23] =	ssyncadd.s32 $0xFFFFFFFF  }
0xa5: {  	s26 =	simm.s32 $execute0_lowered;
	[smem:$0x3FD2] =	sst s25  }
0xa6: {  	s5 =	sshll.u32 s26, $0x1;
	_ =	strace $0x80000049;
	[dreg:$0x1] =	wrdreg $0xFFFFFFFF  }
0xa7: {  	s28 =	simm.s32 $_size_execute0_lowered;
	s3 =	sadd.s32 s3, s5;
	[dreg:$0x0] =	wrdreg $0x0  }
0xa8: {  	s5 =	sshll.u32 s28, $0x1;
	[dreg:$0x2] =	wrdreg s3  }
0xa9: {  	[dreg:$0x3] =	wrdreg s5  }
0xaa: {  	[dreg:$0x4] =	wrdreg $0xC0  }
0xab: {  	_ =	task [dreg:s7], $0x5FFFF  }
0xac: {  	[dreg:$0x1] =	wrdreg $0xFFFFFFFF  }
0xad: {  	[dreg:$0x0] =	wrdreg $0x60  }
0xae: {  	[dreg:$0x2] =	wrdreg s24  }
0xaf: {  	[dreg:$0x3] =	wrdreg s2  }
0xb0: {  	[dreg:$0x4] =	wrdreg $0x0  }
0xb1: {  	[dreg:$0x5] =	wrdreg $0x9  }
0xb2: {  	_ =	task.clear_ibuf [dreg:s7], $0x6FFFF;
	_ =	strace $0x90000049  }
0xb3: {  	s29 =	simm.s32 $0x9;
	_ =	strace $0x8000004B  }
0xb4: {  	_ =	swait.ge [sflag:s29], $0x1  }
0xb5: {  	[sflag:s29] =	ssyncadd.s32 $0xFFFFFFFF  }
0xb6: {  	_ =	strace $0x9000004B  }
0xb7: {  	_ =	sfence  }
0xb8: {  	s30 =	sld [smem:$0x0];
	_ =	sdelay $0x2  }
0xb9: {  	s31 =	sshll.u32 s1, $0xD;
	s1 =	sshrl.u32 s1, $0x2  }
0xba: {  	s3 =	sand.u32 $0x4000, s31;
	s1 =	sadd.s32 s1, s30  }
0xbb: {  	s0 =	sor.u32 s3, s0;
	s1 =	sshll.u32 s1, $0x11  }
0xbc: {  	s0 =	sor.u32 s1, s0  }
0xbd: {  	s0 =	sadd.s32 $0x8F2B, s0  }
0xbe: {  	[sflag:s0] =	ssyncadd.remote.s32 $0x1  }
0xbf: {  	_ =	sfence.sel $0xFFFF  }
0xc0: {  	[dreg:$0x0] =	wrdreg $0xFFFFFFFF;
	(pc) =	sbr.abs _section_cstart, $3  }
0xc1: {  	[dreg:$0x1] =	wrdreg $0xFFFFFFFF  }
0xc2: {  	_ =	task.clear_ibuf [dreg:s7], $0x2FFFF;
	_ =	strace $0x9FFFFFFF  }
0xc3: {  	(tm) =	ssettm $0x7FFFFFFF  }
tec
execute0_lowered:
.L_overlay_start_1:
0x0: {  	(tag) =	ssettag $0x1  }
0x1: {  	s0 =	rddreg [dreg:$0x0]  }
0x2: {  	s2 =	rddreg [dreg:$0x1]  }
0x3: {  	s1 =	rddreg [dreg:$0x2]  }
0x4: {  	s3 =	srdreg.scid;
	s14 =	stileid.u32  }
0x5: {  	s28 =	simm.s32 $0x1;
	s29 =	simm.s32 $0x6;
	s30 =	simm.s32 $0x3  }
0x6: {  	s31 =	simm.s32 $0x2;
	s7 =	sand.u32 $0x1, s3;
	s8 =	smul.u32 $0x14000, s14  }
0x7: {  	s3 =	simm.s32 $0x0;
	s4 =	sadd.s32 $0x5D800, s0;
	s11 =	smul.u32 $0x50000, s14  }
0x8: {  	s5 =	sadd.s32 $0x3800, s0;
	s9 =	sadd.s32 $0x85800, s0;
	s22 =	smul.u32 $0x2800, s14  }
0x9: {  	s25 =	sshll.u32 s14, $0x6;
	s6 =	smul.u32 $0x140000, s7;
	[smem:$0x7FF] =	sst s3  }
0xa: {  	s17 =	sshll.u32 s7, $0x4;
	s10 =	ssub.s32 $0x2, s7;
	p0 =	seq.s32 s7, $0x0  }
0xb: {  	s7 =	simm.s32 $0x0;
	_ =	strace $0x8000004A;
	s13 =	sshrl.u32 s10, $0x1  }
0xc: {  	s19 =	sshrl.u32 s11, $0x2;
	s9 =	smov.u32 @p0 s4;
	[dreg:$0xa] =	wrdreg s25  }
0xd: {  	s6 =	sadd.s32 s8, s6;
	s8 =	sor.u32 s14, s17;
	s18 =	ssub.s32 s10, s13  }
0xe: {  	s20 =	sadd.s32 s19, s1;
	s26 =	sadd.s32 s9, s22;
	s19 =	simm.s32 $0x16800  }
0xf: {  	s22 =	simm.s32 $0x80;
	s12 =	sshrl.u32 s6, $0x3;
	s6 =	smul.u32 $0x2800, s8  }
0x10: {  	s24 =	smax.u32 s18, $0x1;
	[dreg:$0xb] =	wrdreg s26;
	s0 =	sadd.s32 s12, s0  }
0x11: {  	[dreg:$0x9] =	wrdreg s24;
	s21 =	sshrl.u32 s6, $0x3;
	s0 =	sadd.s32 $0xAD800, s0  }
0x12: {  	s18 =	simm.s32 $0xA;
	s2 =	sadd.s32 s2, s21;
	[dreg:$0x8] =	wrdreg s0  }
0x13: {  	s26 =	simm.s32 $0x16980;
	s23 =	sadd.s32 s5, s21;
	[dreg:$0x4] =	wrdreg s2  }
0x14: {  	s0 =	sor.u32 $0x1C05, s25;
	s25 =	simm.s32 $0x1AA00;
	[dreg:$0x5] =	wrdreg s23  }
0x15: {  	s21 =	simm.s32 $0x9;
	s10 =	sadd.s32 $0x10, s23;
	[dreg:$0xc] =	wrdreg s0  }
0x16: {  	s2 =	sadd.s32 $0x20, s23;
	s23 =	simm.s32 $0x16A00;
	[dreg:$0x6] =	wrdreg s10  }
0x17: {  	s0 =	simm.s32 $0x7;
	[dreg:$0x7] =	wrdreg s2;
	s10 =	sshrl.u32 s20, $0x3  }
0x18: {  	s20 =	simm.s32 $0x16880;
	s2 =	simm.s32 $0x4;
	[dreg:$0xd] =	wrdreg s10  }
.LBB2_1:
0x19: {  	s8 =	rddreg [dreg:$0xb]  }
0x1a: {  	s9 =	rddreg [dreg:$0xc]  }
0x1b: {  	[spmem:s10], [sflag:s9] =	dma.local [hbm:s8], $0x2800  }
0x1c: {  	s17 =	simm.s32 $0x14000;
	s8 =	rddreg [dreg:$0x4]  }
0x1d: {  	[tilespmem:s17], [sflag:$0xA] =	stream.linear.gather [hbm4b:s8+s3], $0x2800, $0x38;
	[tilespmem:$0x1EA00] =	vst v63  }
0x1e: {  	_ =	swait.ge [sflag:s18], $0x2800  }
0x1f: {  	[sflag:s18] =	ssyncset.done $0x0  }
0x20: {  	s24 =	rddreg [dreg:$0x5];
	[sflag:s18] =	ssyncadd.s32 $0xFFFFD800  }
0x21: {  	[tilespmem:s19], [sflag:$0x6] =	stream.linear.gather [hbm4b:s24+s3], $0x80, $0x38;
	[tilespmem:$0x1EA00] =	vst v63  }
0x22: {  	s10 =	rddreg [dreg:$0x6]  }
0x23: {  	[tilespmem:s20], [sflag:$0x7] =	stream.linear.gather [hbm4b:s10+s3], $0x80, $0x38;
	[tilespmem:$0x1EA00] =	vst v63  }
0x24: {  	s12 =	simm.s32 $0x16900;
	s11 =	rddreg [dreg:$0x7]  }
0x25: {  	[tilespmem:s12], [sflag:$0x8] =	stream.linear.gather [hbm4b:s11+s3], $0x80, $0x38;
	[tilespmem:$0x1EA00] =	vst v63  }
0x26: {  	s13 =	simm.s32 $0x5  }
0x27: {  	[tilespmem:s23], [sflag:$0x1] =	stream.indirect.gather [hbm4b:s4+s22], $0x80, s17, s22, $0xb8;
	[tilespmem:$0x1EA00] =	vst v63  }
0x28: {  	_ =	swait.ge [sflag:s13], $0x2800  }
0x29: {  	s14 =	simm.s32 $0x0;
	[sflag:s13] =	ssyncset.done $0x0  }
0x2a: {  	p0 =	por $0x1, $0x1;
	s15 =	simm.s32 $0x180;
	[sflag:s13] =	ssyncadd.s32 $0xFFFFD800  }
0x2b: {  	s8 =	sand.u32 $0x3C00, s14;
	s10 =	simm.s32 @!p0 $0x4;
	[bflag:$0x0] =	sbarrier.arrive $0xFFFF  }
0x2c: {  	s9 =	sand.u32 $0x380, s15;
	s8 =	sadd.s32 s6, s8;
	_ =	swait.ge @!p0 [sflag:s10], $0x4000  }
0x2d: {  	s8 =	sor.u32 s8, s9;
	[sflag:s10] =	ssyncset.done @!p0 $0x0  }
0x2e: {  	s16 =	simm.s32 $0x14080;
	s8 =	sshrl.u32 s8, $0x3;
	[sflag:s10] =	ssyncadd.s32 @!p0 $0xFFFFC000  }
0x2f: {  	[tilespmem:s25], [sflag:$0x2] =	stream.indirect.gather [hbm4b:s4+s22], $0x80, s16, s22, $0xb8;
	[tilespmem:$0x1EA00] =	vst v63  }
0x30: {  	s8 =	sadd.s32 s5, s8  }
0x31: {  	[tilespmem:s26], [sflag:$0x9] =	stream.linear.gather [hbm4b:s8+s3], $0x80, $0x38;
	[tilespmem:$0x1EA00] =	vst v63  }
0x32: {  	_ =	swait.ge [sflag:s28], $0x4000  }
0x33: {  	[sflag:s28] =	ssyncset.done $0x0  }
0x34: {  	[sflag:s28] =	ssyncadd.s32 $0xFFFFC000  }
0x35: {  	p0 =	por $0x0, $0x0;
	_ =	swait.ge [sflag:s29], $0x80  }
0x36: {  	s8 =	simm.s32 @!p0 $0x200;
	[sflag:s29] =	ssyncset.done $0x0  }
0x37: {  	s9 =	sand.u32 @!p0 $0x7C00, s8;
	[sflag:s29] =	ssyncadd.s32 $0xFFFFFF80  }
0x38: {  	[spmem:s1] =	stream.indirect.scatter.add.f32 [tilespmem:s23], [sflag:$0x3], $0x80, s19, s22, $0xb8;
	[tilespmem:$0x1EA00] =	vst v63  }
0x39: {  	s8 =	sand.u32 @!p0 $0x200, s8;
	s9 =	sadd.s32 @!p0 s6, s9;
	_ =	swait.ge [sflag:s30], $0x4000  }
0x3a: {  	s8 =	sor.u32 @!p0 s8, s9;
	[sflag:s30] =	ssyncset.done $0x0  }
0x3b: {  	s17 =	simm.s32 $0x14100;
	s8 =	sshrl.u32 @!p0 s8, $0x3;
	[sflag:s30] =	ssyncadd.s32 $0xFFFFC000  }
0x3c: {  	[tilespmem:s23], [sflag:$0x1] =	stream.indirect.gather [hbm4b:s4+s22], $0x80, s17, s22, $0xb8;
	[tilespmem:$0x1EA00] =	vst v63  }
0x3d: {  	s11 =	simm.s32 @!p0 $0x0;
	s9 =	simm.s32 @!p0 $0x16800;
	s8 =	sadd.s32 @!p0 s5, s8  }
0x3e: {  	[tilespmem:s9], [sflag:$0x6] =	stream.linear.gather @!p0 [hbm4b:s8+s11], $0x80, $0x38;
	[tilespmem:$0x1EA00] =	vst v63  }
0x3f: {  	_ =	swait.ge [sflag:s31], $0x4000  }
0x40: {  	[sflag:s31] =	ssyncset.done $0x0  }
0x41: {  	[sflag:s31] =	ssyncadd.s32 $0xFFFFC000  }
0x42: {  	_ =	swait.ge [sflag:s0], $0x80  }
0x43: {  	[sflag:s0] =	ssyncset.done $0x0  }
0x44: {  	[sflag:s0] =	ssyncadd.s32 $0xFFFFFF80  }
0x45: {  	[spmem:s1] =	stream.indirect.scatter.add.f32 [tilespmem:s25], [sflag:$0x4], $0x80, s20, s22, $0xb8;
	[tilespmem:$0x1EA00] =	vst v63  }
0x46: {  	_ =	swait.ge [sflag:s2], $0x4000  }
0x47: {  	[sflag:s2] =	ssyncset.done $0x0  }
0x48: {  	s24 =	simm.s32 $0x14180;
	s9 =	simm.s32 @p0 $0x1;
	[sflag:s2] =	ssyncadd.s32 $0xFFFFC000  }
0x49: {  	[tilespmem:s25], [sflag:$0x2] =	stream.indirect.gather [hbm4b:s4+s22], $0x80, s24, s22, $0xb8;
	[tilespmem:$0x1EA00] =	vst v63  }
0x4a: {  	_ =	swait.ge @p0 [sflag:s9], $0x4000  }
0x4b: {  	s12 =	simm.s32 @p0 $0x8;
	s8 =	simm.s32 @!p0 $0x280;
	[sflag:s9] =	ssyncset.done @p0 $0x0  }
0x4c: {  	s10 =	sand.u32 @!p0 $0x280, s8;
	s8 =	sand.u32 @!p0 $0x7C00, s8;
	[sflag:s9] =	ssyncadd.s32 @p0 $0xFFFFC000  }
0x4d: {  	s13 =	simm.s32 @p0 $0x16900;
	s8 =	sadd.s32 @!p0 s6, s8;
	_ =	swait.ge @p0 [sflag:s12], $0x80  }
0x4e: {  	s14 =	simm.s32 @p0 $0x16A00;
	s8 =	sor.u32 @!p0 s10, s8;
	[sflag:s12] =	ssyncset.done @p0 $0x0  }
0x4f: {  	s10 =	simm.s32 @p0 $0x3;
	s9 =	simm.s32 @p0 $0x80;
	[sflag:s12] =	ssyncadd.s32 @p0 $0xFFFFFF80  }
0x50: {  	[spmem:s1] =	stream.indirect.scatter.add.f32 @p0 [tilespmem:s14], [sflag:$0x3], $0x80, s13, s9, $0xb8;
	[tilespmem:$0x1EA00] =	vst v63  }
0x51: {  	s8 =	sshrl.u32 @!p0 s8, $0x3;
	_ =	swait.ge @p0 [sflag:s10], $0x4000  }
0x52: {  	s8 =	sadd.s32 @!p0 s5, s8;
	[sflag:s10] =	ssyncset.done @p0 $0x0  }
0x53: {  	s9 =	simm.s32 @!p0 $0x16880;
	[sflag:s10] =	ssyncadd.s32 @p0 $0xFFFFC000;
	s10 =	simm.s32 @!p0 $0x1  }
0x54: {  	[tilespmem:s9], [sflag:$0x7] =	stream.linear.gather @!p0 [hbm4b:s8+s11], $0x80, $0x38;
	[tilespmem:$0x1EA00] =	vst v63  }
0x55: {  	_ =	swait.ge @!p0 [sflag:s10], $0x4000  }
0x56: {  	s15 =	simm.s32 @!p0 $0x16900;
	s12 =	simm.s32 @!p0 $0x8;
	[sflag:s10] =	ssyncset.done @!p0 $0x0  }
0x57: {  	s14 =	simm.s32 @!p0 $0x16A00;
	s8 =	simm.s32 $0x300;
	[sflag:s10] =	ssyncadd.s32 @!p0 $0xFFFFC000  }
0x58: {  	s9 =	sand.u32 @!p0 $0x300, s8;
	s8 =	sand.u32 @!p0 $0x7C00, s8;
	_ =	swait.ge @!p0 [sflag:s12], $0x80  }
0x59: {  	s13 =	simm.s32 @!p0 $0x80;
	s8 =	sadd.s32 @!p0 s6, s8;
	[sflag:s12] =	ssyncset.done @!p0 $0x0  }
0x5a: {  	s8 =	sor.u32 @!p0 s9, s8;
	s9 =	simm.s32 @!p0 $0x3;
	[sflag:s12] =	ssyncadd.s32 @!p0 $0xFFFFFF80  }
0x5b: {  	[spmem:s1] =	stream.indirect.scatter.add.f32 @!p0 [tilespmem:s14], [sflag:$0x3], $0x80, s15, s13, $0xb8;
	[tilespmem:$0x1EA00] =	vst v63  }
0x5c: {  	s17 =	simm.s32 $0x700;
	s8 =	sshrl.u32 @!p0 s8, $0x3;
	_ =	swait.ge @!p0 [sflag:s9], $0x4000  }
0x5d: {  	s10 =	simm.s32 $0x500;
	s12 =	sadd.s32 @!p0 s5, s8;
	[sflag:s9] =	ssyncset.done @!p0 $0x0  }
0x5e: {  	s8 =	simm.s32 @!p0 $0x14200;
	[sflag:s9] =	ssyncadd.s32 @!p0 $0xFFFFC000;
	s9 =	simm.s32 $0x14300  }
.LBB2_2:
0x5f: {  	[tilespmem:s14], [sflag:$0x1] =	stream.indirect.gather @!p0 [hbm4b:s4+s13], $0x80, s8, s13, $0xb8;
	[tilespmem:$0x1EA00] =	vst v63  }
0x60: {  	s14 =	smov.u32 s17  }
0x61: {  	s17 =	sadd.s32 $0x200, s17;
	s8 =	sadd.s32 $0xFFFFFD00, s10;
	s13 =	sadd.s32 $0xFFFFFE80, s10  }
0x62: {  	[tilespmem:s15], [sflag:$0x8] =	stream.linear.gather @!p0 [hbm4b:s12+s11], $0x80, $0x38;
	[tilespmem:$0x1EA00] =	vst v63  }
0x63: {  	s8 =	sand.u32 $0x3C00, s8;
	s11 =	sand.u32 $0x380, s13;
	_ =	swait.ge [sflag:s31], $0x4000  }
0x64: {  	p1 =	sne.s32 s17, $0x2B00;
	s8 =	sadd.s32 s6, s8;
	[sflag:s31] =	ssyncset.done $0x0  }
0x65: {  	s8 =	sor.u32 s8, s11;
	[sflag:s31] =	ssyncadd.s32 $0xFFFFC000  }
0x66: {  	s8 =	sshrl.u32 s8, $0x3;
	_ =	swait.ge [sflag:s21], $0x80  }
0x67: {  	p0 =	seq.s32 s10, $0x300;
	[sflag:s21] =	ssyncset.done $0x0  }
0x68: {  	s11 =	simm.s32 @!p0 $0x4;
	[sflag:s21] =	ssyncadd.s32 $0xFFFFFF80  }
0x69: {  	[spmem:s1] =	stream.indirect.scatter.add.f32 [tilespmem:s25], [sflag:$0x4], $0x80, s26, s22, $0xb8;
	[tilespmem:$0x1EA00] =	vst v63  }
0x6a: {  	_ =	swait.ge @!p0 [sflag:s11], $0x4000  }
0x6b: {  	[sflag:s11] =	ssyncset.done @!p0 $0x0  }
0x6c: {  	[sflag:s11] =	ssyncadd.s32 @!p0 $0xFFFFC000;
	s11 =	sadd.s32 $0xFFFFFF80, s9  }
0x6d: {  	[tilespmem:s25], [sflag:$0x2] =	stream.indirect.gather [hbm4b:s4+s22], $0x80, s11, s22, $0xb8;
	[tilespmem:$0x1EA00] =	vst v63  }
0x6e: {  	s8 =	sadd.s32 s5, s8  }
0x6f: {  	[tilespmem:s26], [sflag:$0x9] =	stream.linear.gather [hbm4b:s8+s3], $0x80, $0x38;
	[tilespmem:$0x1EA00] =	vst v63  }
0x70: {  	_ =	swait.ge [sflag:s28], $0x4000  }
0x71: {  	p0 =	seq.s32 s10, $0x2900;
	[sflag:s28] =	ssyncset.done $0x0  }
0x72: {  	s11 =	sadd.s32 @!p0 $0xFFFFFF80, s10;
	s8 =	sadd.s32 @!p0 $0xFFFFFF00, s10;
	[sflag:s28] =	ssyncadd.s32 $0xFFFFC000  }
0x73: {  	s13 =	sand.u32 @!p0 $0x280, s11;
	s12 =	sand.u32 @!p0 $0x7C00, s8;
	_ =	swait.ge [sflag:s29], $0x80  }
0x74: {  	s15 =	sand.u32 @!p0 $0x300, s10;
	s12 =	sadd.s32 @!p0 s6, s12;
	[sflag:s29] =	ssyncset.done $0x0  }
0x75: {  	s11 =	sand.u32 @!p0 $0x7C00, s11;
	s10 =	sand.u32 @!p0 $0x7C00, s10;
	s8 =	sand.u32 @!p0 $0x200, s8  }
0x76: {  	s8 =	sor.u32 @!p0 s8, s12;
	s12 =	sadd.s32 @!p0 s6, s11;
	[sflag:s29] =	ssyncadd.s32 $0xFFFFFF80  }
0x77: {  	[spmem:s1] =	stream.indirect.scatter.add.f32 [tilespmem:s23], [sflag:$0x3], $0x80, s19, s22, $0xb8;
	[tilespmem:$0x1EA00] =	vst v63  }
0x78: {  	s10 =	sadd.s32 @!p0 s6, s10;
	s8 =	sshrl.u32 @!p0 s8, $0x3;
	_ =	swait.ge [sflag:s30], $0x4000  }
0x79: {  	s11 =	simm.s32 @!p0 $0x0;
	s8 =	sadd.s32 @!p0 s5, s8;
	[sflag:s30] =	ssyncset.done $0x0  }
0x7a: {  	s12 =	sor.u32 @!p0 s13, s12;
	s13 =	sor.u32 @!p0 s15, s10;
	[sflag:s30] =	ssyncadd.s32 $0xFFFFC000  }
0x7b: {  	[tilespmem:s23], [sflag:$0x1] =	stream.indirect.gather [hbm4b:s4+s22], $0x80, s9, s22, $0xb8;
	[tilespmem:$0x1EA00] =	vst v63  }
0x7c: {  	s15 =	simm.s32 @!p0 $0x16800;
	s10 =	smov.u32 s14  }
0x7d: {  	[tilespmem:s15], [sflag:$0x6] =	stream.linear.gather @!p0 [hbm4b:s8+s11], $0x80, $0x38;
	[tilespmem:$0x1EA00] =	vst v63  }
0x7e: {  	s8 =	sshrl.u32 @!p0 s12, $0x3;
	s12 =	sshrl.u32 @!p0 s13, $0x3;
	_ =	swait.ge [sflag:s31], $0x4000  }
0x7f: {  	s8 =	sadd.s32 @!p0 s5, s8;
	s12 =	sadd.s32 @!p0 s5, s12;
	[sflag:s31] =	ssyncset.done $0x0  }
0x80: {  	[sflag:s31] =	ssyncadd.s32 $0xFFFFC000  }
0x81: {  	_ =	swait.ge [sflag:s0], $0x80  }
0x82: {  	[sflag:s0] =	ssyncset.done $0x0  }
0x83: {  	[sflag:s0] =	ssyncadd.s32 $0xFFFFFF80  }
0x84: {  	[spmem:s1] =	stream.indirect.scatter.add.f32 [tilespmem:s25], [sflag:$0x4], $0x80, s20, s22, $0xb8;
	[tilespmem:$0x1EA00] =	vst v63  }
0x85: {  	_ =	swait.ge [sflag:s2], $0x4000  }
0x86: {  	[sflag:s2] =	ssyncset.done $0x0  }
0x87: {  	s14 =	simm.s32 @p0 $0x1;
	s13 =	sadd.s32 $0x80, s9;
	[sflag:s2] =	ssyncadd.s32 $0xFFFFC000  }
0x88: {  	[tilespmem:s25], [sflag:$0x2] =	stream.indirect.gather [hbm4b:s4+s22], $0x80, s13, s22, $0xb8;
	[tilespmem:$0x1EA00] =	vst v63  }
0x89: {  	s13 =	simm.s32 @p0 $0x8;
	_ =	swait.ge @p0 [sflag:s14], $0x4000  }
0x8a: {  	s24 =	simm.s32 @p0 $0x3;
	s15 =	simm.s32 @p0 $0x80;
	[sflag:s14] =	ssyncset.done @p0 $0x0  }
0x8b: {  	s16 =	simm.s32 @p0 $0x16A00;
	[sflag:s14] =	ssyncadd.s32 @p0 $0xFFFFC000;
	s14 =	simm.s32 @p0 $0x16900  }
0x8c: {  	_ =	swait.ge @p0 [sflag:s13], $0x80  }
0x8d: {  	[sflag:s13] =	ssyncset.done @p0 $0x0  }
0x8e: {  	[sflag:s13] =	ssyncadd.s32 @p0 $0xFFFFFF80  }
0x8f: {  	[spmem:s1] =	stream.indirect.scatter.add.f32 @p0 [tilespmem:s16], [sflag:$0x3], $0x80, s14, s15, $0xb8;
	[tilespmem:$0x1EA00] =	vst v63  }
0x90: {  	_ =	swait.ge @p0 [sflag:s24], $0x4000  }
0x91: {  	[sflag:s24] =	ssyncset.done @p0 $0x0  }
0x92: {  	s13 =	simm.s32 @!p0 $0x16880;
	s15 =	simm.s32 @!p0 $0x1;
	[sflag:s24] =	ssyncadd.s32 @p0 $0xFFFFC000  }
0x93: {  	[tilespmem:s13], [sflag:$0x7] =	stream.linear.gather @!p0 [hbm4b:s8+s11], $0x80, $0x38;
	[tilespmem:$0x1EA00] =	vst v63  }
0x94: {  	s8 =	simm.s32 @!p0 $0x8;
	_ =	swait.ge @!p0 [sflag:s15], $0x4000  }
0x95: {  	s14 =	simm.s32 @!p0 $0x16A00;
	s16 =	simm.s32 @!p0 $0x3;
	[sflag:s15] =	ssyncset.done @!p0 $0x0  }
0x96: {  	s13 =	simm.s32 @!p0 $0x80;
	[sflag:s15] =	ssyncadd.s32 @!p0 $0xFFFFC000;
	s15 =	simm.s32 @!p0 $0x16900  }
0x97: {  	_ =	swait.ge @!p0 [sflag:s8], $0x80  }
0x98: {  	[sflag:s8] =	ssyncset.done @!p0 $0x0  }
.Ltmp0:
0x99: {  	[sflag:s8] =	ssyncadd.s32 @!p0 $0xFFFFFF80;
	(pc) =	sbr.rel @p1 .LBB2_2-.Ltmp0, $4  }
0x9a: {  	[spmem:s1] =	stream.indirect.scatter.add.f32 @!p0 [tilespmem:s14], [sflag:$0x3], $0x80, s15, s13, $0xb8;
	[tilespmem:$0x1EA00] =	vst v63  }
0x9b: {  	s8 =	sadd.s32 @!p0 $0x100, s9;
	_ =	swait.ge @!p0 [sflag:s16], $0x4000  }
0x9c: {  	[sflag:s16] =	ssyncset.done @!p0 $0x0  }
0x9d: {  	s9 =	sadd.s32 $0x200, s9;
	[sflag:s16] =	ssyncadd.s32 @!p0 $0xFFFFC000  }
0x9e: {  	[tilespmem:s14], [sflag:$0x1] =	stream.indirect.gather @!p0 [hbm4b:s4+s13], $0x80, s8, s13, $0xb8;
	[tilespmem:$0x1EA00] =	vst v63  }
0x9f: {  	_ = 	snop  }
0xa0: {  	[tilespmem:s15], [sflag:$0x8] =	stream.linear.gather @!p0 [hbm4b:s12+s11], $0x80, $0x38;
	[tilespmem:$0x1EA00] =	vst v63  }
0xa1: {  	_ =	swait.ge [sflag:s31], $0x4000  }
0xa2: {  	[sflag:s31] =	ssyncset.done $0x0  }
0xa3: {  	[sflag:s31] =	ssyncadd.s32 $0xFFFFC000  }
0xa4: {  	s13 =	sadd.s32 $0xFFFFFE80, s10;
	_ =	swait.ge [sflag:s21], $0x80  }
0xa5: {  	s12 =	sadd.s32 $0xFFFFFD00, s10;
	p0 =	seq.s32 s10, $0x300;
	[sflag:s21] =	ssyncset.done $0x0  }
0xa6: {  	s8 =	sand.u32 $0x3C00, s12;
	s12 =	simm.s32 @!p0 $0x4;
	[sflag:s21] =	ssyncadd.s32 $0xFFFFFF80  }
0xa7: {  	[spmem:s1] =	stream.indirect.scatter.add.f32 [tilespmem:s25], [sflag:$0x4], $0x80, s26, s22, $0xb8;
	[tilespmem:$0x1EA00] =	vst v63  }
0xa8: {  	s11 =	sand.u32 $0x380, s13;
	s8 =	sadd.s32 s6, s8;
	_ =	swait.ge @!p0 [sflag:s12], $0x4000  }
0xa9: {  	s8 =	sor.u32 s8, s11;
	[sflag:s12] =	ssyncset.done @!p0 $0x0  }
0xaa: {  	s14 =	sadd.s32 $0xFFFFFF80, s9;
	s8 =	sshrl.u32 s8, $0x3;
	[sflag:s12] =	ssyncadd.s32 @!p0 $0xFFFFC000  }
0xab: {  	[tilespmem:s25], [sflag:$0x2] =	stream.indirect.gather [hbm4b:s4+s22], $0x80, s14, s22, $0xb8;
	[tilespmem:$0x1EA00] =	vst v63  }
0xac: {  	s8 =	sadd.s32 s5, s8  }
0xad: {  	[tilespmem:s26], [sflag:$0x9] =	stream.linear.gather [hbm4b:s8+s3], $0x80, $0x38;
	[tilespmem:$0x1EA00] =	vst v63  }
0xae: {  	_ =	swait.ge [sflag:s28], $0x4000  }
0xaf: {  	[sflag:s28] =	ssyncset.done $0x0  }
0xb0: {  	[sflag:s28] =	ssyncadd.s32 $0xFFFFC000  }
0xb1: {  	p0 =	seq.s32 s10, $0x2900;
	_ =	swait.ge [sflag:s29], $0x80  }
0xb2: {  	s8 =	sadd.s32 @!p0 $0xFFFFFF00, s10;
	[sflag:s29] =	ssyncset.done $0x0  }
0xb3: {  	s11 =	sand.u32 @!p0 $0x7C00, s8;
	[sflag:s29] =	ssyncadd.s32 $0xFFFFFF80  }
0xb4: {  	[spmem:s1] =	stream.indirect.scatter.add.f32 [tilespmem:s23], [sflag:$0x3], $0x80, s19, s22, $0xb8;
	[tilespmem:$0x1EA00] =	vst v63  }
0xb5: {  	s8 =	sand.u32 @!p0 $0x200, s8;
	s11 =	sadd.s32 @!p0 s6, s11;
	_ =	swait.ge [sflag:s30], $0x4000  }
0xb6: {  	s8 =	sor.u32 @!p0 s8, s11;
	[sflag:s30] =	ssyncset.done $0x0  }
0xb7: {  	s8 =	sshrl.u32 @!p0 s8, $0x3;
	[sflag:s30] =	ssyncadd.s32 $0xFFFFC000  }
0xb8: {  	[tilespmem:s23], [sflag:$0x1] =	stream.indirect.gather [hbm4b:s4+s22], $0x80, s9, s22, $0xb8;
	[tilespmem:$0x1EA00] =	vst v63  }
0xb9: {  	s12 =	simm.s32 @!p0 $0x16800;
	s11 =	simm.s32 @!p0 $0x0;
	s8 =	sadd.s32 @!p0 s5, s8  }
0xba: {  	[tilespmem:s12], [sflag:$0x6] =	stream.linear.gather @!p0 [hbm4b:s8+s11], $0x80, $0x38;
	[tilespmem:$0x1EA00] =	vst v63  }
0xbb: {  	_ =	swait.ge [sflag:s31], $0x4000  }
0xbc: {  	[sflag:s31] =	ssyncset.done $0x0  }
0xbd: {  	[sflag:s31] =	ssyncadd.s32 $0xFFFFC000  }
0xbe: {  	_ =	swait.ge [sflag:s0], $0x80  }
0xbf: {  	[sflag:s0] =	ssyncset.done $0x0  }
0xc0: {  	[sflag:s0] =	ssyncadd.s32 $0xFFFFFF80  }
0xc1: {  	[spmem:s1] =	stream.indirect.scatter.add.f32 [tilespmem:s25], [sflag:$0x4], $0x80, s20, s22, $0xb8;
	[tilespmem:$0x1EA00] =	vst v63  }
0xc2: {  	_ =	swait.ge [sflag:s2], $0x4000  }
0xc3: {  	[sflag:s2] =	ssyncset.done $0x0  }
0xc4: {  	s15 =	sadd.s32 $0x80, s9;
	s12 =	simm.s32 @p0 $0x1;
	[sflag:s2] =	ssyncadd.s32 $0xFFFFC000  }
0xc5: {  	[tilespmem:s25], [sflag:$0x2] =	stream.indirect.gather [hbm4b:s4+s22], $0x80, s15, s22, $0xb8;
	[tilespmem:$0x1EA00] =	vst v63  }
0xc6: {  	_ =	swait.ge @p0 [sflag:s12], $0x4000  }
0xc7: {  	[sflag:s12] =	ssyncset.done @p0 $0x0  }
0xc8: {  	s8 =	simm.s32 @p0 $0x8;
	[sflag:s12] =	ssyncadd.s32 @p0 $0xFFFFC000  }
0xc9: {  	_ =	swait.ge @p0 [sflag:s8], $0x80  }
0xca: {  	s13 =	simm.s32 @p0 $0x80;
	s14 =	simm.s32 @p0 $0x16900;
	[sflag:s8] =	ssyncset.done @p0 $0x0  }
0xcb: {  	s12 =	sadd.s32 @!p0 $0xFFFFFF80, s10;
	[sflag:s8] =	ssyncadd.s32 @p0 $0xFFFFFF80;
	s8 =	simm.s32 @p0 $0x16A00  }
0xcc: {  	[spmem:s1] =	stream.indirect.scatter.add.f32 @p0 [tilespmem:s8], [sflag:$0x3], $0x80, s14, s13, $0xb8;
	[tilespmem:$0x1EA00] =	vst v63  }
0xcd: {  	s8 =	sand.u32 @!p0 $0x7C00, s12  }
0xce: {  	s12 =	sand.u32 @!p0 $0x280, s12;
	s8 =	sadd.s32 @!p0 s6, s8  }
0xcf: {  	s8 =	sor.u32 @!p0 s12, s8;
	s12 =	simm.s32 @p0 $0x3  }
0xd0: {  	_ =	swait.ge @p0 [sflag:s12], $0x4000  }
0xd1: {  	s13 =	simm.s32 @!p0 $0x1;
	s8 =	sshrl.u32 @!p0 s8, $0x3;
	[sflag:s12] =	ssyncset.done @p0 $0x0  }
0xd2: {  	s8 =	sadd.s32 @!p0 s5, s8;
	[sflag:s12] =	ssyncadd.s32 @p0 $0xFFFFC000;
	s12 =	simm.s32 @!p0 $0x16880  }
0xd3: {  	[tilespmem:s12], [sflag:$0x7] =	stream.linear.gather @!p0 [hbm4b:s8+s11], $0x80, $0x38;
	[tilespmem:$0x1EA00] =	vst v63  }
0xd4: {  	_ =	swait.ge @!p0 [sflag:s13], $0x4000  }
0xd5: {  	[sflag:s13] =	ssyncset.done @!p0 $0x0  }
0xd6: {  	s8 =	simm.s32 @!p0 $0x8;
	[sflag:s13] =	ssyncadd.s32 @!p0 $0xFFFFC000  }
0xd7: {  	_ =	swait.ge @!p0 [sflag:s8], $0x80  }
0xd8: {  	s14 =	simm.s32 @!p0 $0x80;
	s12 =	simm.s32 @!p0 $0x16A00;
	[sflag:s8] =	ssyncset.done @!p0 $0x0  }
0xd9: {  	s13 =	simm.s32 @!p0 $0x3;
	[sflag:s8] =	ssyncadd.s32 @!p0 $0xFFFFFF80;
	s8 =	simm.s32 @!p0 $0x16900  }
0xda: {  	[spmem:s1] =	stream.indirect.scatter.add.f32 @!p0 [tilespmem:s12], [sflag:$0x3], $0x80, s8, s14, $0xb8;
	[tilespmem:$0x1EA00] =	vst v63  }
0xdb: {  	_ =	swait.ge @!p0 [sflag:s13], $0x4000  }
0xdc: {  	[sflag:s13] =	ssyncset.done @!p0 $0x0  }
0xdd: {  	s9 =	sadd.s32 @!p0 $0x100, s9;
	[sflag:s13] =	ssyncadd.s32 @!p0 $0xFFFFC000  }
0xde: {  	[tilespmem:s12], [sflag:$0x1] =	stream.indirect.gather @!p0 [hbm4b:s4+s14], $0x80, s9, s14, $0xb8;
	[tilespmem:$0x1EA00] =	vst v63  }
0xdf: {  	s9 =	sand.u32 @!p0 $0x7C00, s10  }
0xe0: {  	s10 =	sand.u32 @!p0 $0x300, s10;
	s9 =	sadd.s32 @!p0 s6, s9  }
0xe1: {  	s9 =	sor.u32 @!p0 s10, s9  }
0xe2: {  	s9 =	sshrl.u32 @!p0 s9, $0x3  }
0xe3: {  	s9 =	sadd.s32 @!p0 s5, s9  }
0xe4: {  	[tilespmem:s8], [sflag:$0x8] =	stream.linear.gather @!p0 [hbm4b:s9+s11], $0x80, $0x38;
	[tilespmem:$0x1EA00] =	vst v63  }
0xe5: {  	_ =	swait.ge [sflag:s31], $0x4000  }
0xe6: {  	[sflag:s31] =	ssyncset.done $0x0  }
0xe7: {  	[sflag:s31] =	ssyncadd.s32 $0xFFFFC000  }
0xe8: {  	_ =	swait.ge [sflag:s21], $0x80  }
0xe9: {  	[sflag:s21] =	ssyncset.done $0x0  }
0xea: {  	[sflag:s21] =	ssyncadd.s32 $0xFFFFFF80  }
0xeb: {  	[spmem:s1] =	stream.indirect.scatter.add.f32 [tilespmem:s25], [sflag:$0x4], $0x80, s26, s22, $0xb8;
	[tilespmem:$0x1EA00] =	vst v63  }
0xec: {  	_ =	swait.ge [sflag:s2], $0x4000  }
0xed: {  	[sflag:s2] =	ssyncset.done $0x0  }
0xee: {  	[sflag:s2] =	ssyncadd.s32 $0xFFFFC000  }
0xef: {  	[bflag:$0x0] =	sbarrier.arrive $0xFFFF  }
0xf0: {  	s16 =	rddreg [dreg:$0xa]  }
0xf1: {  	s17 =	rddreg [dreg:$0x8]  }
0xf2: {  	s10 =	rddreg [dreg:$0xd];
	s8 =	sor.u32 $0x1C0A, s16  }
0xf3: {  	[hbm:s17], [sflag:s8] =	dma.local [spmem:s10], $0x2800  }
0xf4: {  	_ =	swait.ge [sflag:s18], $0x2800  }
0xf5: {  	s7 =	sadd.s32 $0x1, s7;
	s24 =	rddreg [dreg:$0x9]  }
0xf6: {  	p0 =	sne.s32 s7, s24  }
.Ltmp1:
0xf7: {  	_ = 	snop;
	(pc) =	sbr.rel @p0 .LBB2_1-.Ltmp1, $3  }
0xf8: {  	_ =	sdelay $0x1  }
0xf9: {  	[sflag:s18] =	ssyncset.done $0x0  }
0xfa: {  	[sflag:s18] =	ssyncadd.s32 $0xFFFFD800  }
0xfb: {  	_ =	sfence.sel $0x180000  }
0xfc: {  	[bflag:$0x0] =	sbarrier.arrive $0xFFFF  }
0xfd: {  	_ =	strace $0x9000004A  }
0xfe: {  	s0 =	stileid.u32;
	[bflag:$0x2] =	sbarrier.arrive $0xFFFF  }
0xff: {  	p0 =	sne.s32 s0, $0x0;
	s0 =	rddreg [dreg:$0x3]  }
0x100: {  	s0 =	sadd.s32 @!p0 $0x100000, s0  }
0x101: {  	[sflag:s0] =	ssyncadd.tile.s32 @!p0 $0x1;
	_ =	shalt  }
.Lfunc_end2:
_tile_overlayer_lowered:
.L_overlay_start_2:
0x102: {  	(tag) =	ssettag $0x2  }
0x103: {  	s0 =	rddreg [dreg:$0x0];
	s2 =	stileid.u32  }
0x104: {  	s1 =	rddreg [dreg:$0x1];
	p0 =	sne.s32 s2, $0x0  }
0x105: {  	s3 =	rddreg [dreg:$0x2];
	[bflag:$0x3] =	sbarrier.arrive $0xFFFF;
	s2 =	simm.s32 @!p0 $0x1C0A  }
0x106: {  	[timem:s3], [sflag:s2] =	dma.local @!p0 [hbm:s0], s1  }
0x107: {  	s0 =	simm.s32 @!p0 $0xA  }
0x108: {  	_ =	swait.ge @!p0 [sflag:s0], s1  }
0x109: {  	s1 =	ssub.s32 @!p0 $0x0, s1;
	[sflag:s0] =	ssyncset.done @!p0 $0x0  }
0x10a: {  	[sflag:s0] =	ssyncadd.s32 @!p0 s1  }
0x10b: {  	[bflag:$0x3] =	sbarrier.arrive $0xFFFF  }
0x10c: {  	_ =	shalt  }

// kernel: kernel.16.cloned.1.call-start
scs
__scs_entry_jumppad:
0x0: {  	(pc) =	sbr.rel $0x88, $3  }
0x1: {  	(tag) =	ssettag $0x0;
	lr =	simm.s32 $0x1  }
0x2: {  	[smem:$0x3F99] =	sst lr;
	_ =	strace $0xD0000000  }
0x3: {  	_ = 	snop  }
0x4: {  	_ = 	snop  }
0x5: {  	_ = 	snop  }
0x6: {  	_ = 	snop  }
0x7: {  	_ = 	snop  }
__scs_overlays_trampoline_lowered:
0x8: {  	[smem:$0x3FA8] =	sst s0  }
0x9: {  	[smem:$0x3FA9] =	sst s1  }
0xa: {  	[smem:$0x3FAA] =	sst s2  }
0xb: {  	[smem:$0x3FAB] =	sst s3  }
0xc: {  	[smem:$0x3FAC] =	sst s4  }
0xd: {  	[smem:$0x3FAD] =	sst s5  }
0xe: {  	[smem:$0x3FAE] =	sst s6  }
0xf: {  	[smem:$0x3FAF] =	sst s7  }
0x10: {  	[smem:$0x3FB0] =	sst s8  }
0x11: {  	[smem:$0x3FB1] =	sst s9;
	s0 =	simm.s32 @!p0 $0x0  }
0x12: {  	s1 =	sld [smem:$0x3F97];
	s0 =	simm.s32 @p0 $0x1  }
0x13: {  	[smem:$0x3FB2] =	sst s0;
	s0 =	simm.s32 @!p1 $0x0  }
0x14: {  	s2 =	sld [smem:$0x3F96];
	s0 =	simm.s32 @p1 $0x1  }
0x15: {  	[smem:$0x3FB3] =	sst s0;
	s0 =	simm.s32 @!p2 $0x0  }
0x16: {  	s3 =	sld [smem:$0x3FDB];
	s0 =	simm.s32 @p2 $0x1  }
0x17: {  	s4 =	simm.s32 $0x1BF5;
	[smem:$0x3FB5] =	sst s0  }
0x18: {  	s0 =	sld [smem:$0x3F98];
	_ =	swait.ge [sflag:s4], $0x0  }
0x19: {  	s7 =	sld [smem:$0x3F99]  }
0x1a: {  	s8 =	sadd.s32 $0xFFFFE003, lr  }
0x1b: {  	s9 =	sadd.s32 $0xFFFFFEF7, lr;
	s5 =	simm.s32 $0xFFFFFFFF;
	p2 =	slt.u32 s8, $0xFFFFF086  }
0x1c: {  	p1 =	slt.u32 s9, $0xF7A;
	s5 =	simm.s32 @!p2 $0x0  }
0x1d: {  	s5 =	simm.s32 @p1 $0x1;
	p0 =	seq.s32 s7, s2  }
0x1e: {  	s7 =	smul.u32 @!p0 $0xF7A, s2;
	p2 =	seq.s32 @!p0 s5, $0x0  }
0x1f: {  	s9 =	smul.u32 $0xF7A, s1;
	s8 =	simm.s32 @!p0 $0x1BF5;
	p2 =	por !p2, p0  }
0x20: {  	[sflag:s8] =	ssyncset.s32 @!p0 $0xFFFFF086;
	s6 =	sadd.s32 @!p0 s3, s7;
	s7 =	simm.s32 @!p0 $0x108  }
0x21: {  	s3 =	sadd.s32 s3, s9;
	s6 =	sadd.s32 @!p0 $0x88, s6;
	s7 =	simm.s32 @p2 $0x1082  }
0x22: {  	[simem:s7], [sflag:s8] =	dma.local @!p0 [hbm:s6], $0xF7A  }
0x23: {  	s9 =	sor.u32 $0xD0000000, s2;
	s6 =	simm.s32 $0x108;
	_ =	swait.ge @!p0 [sflag:s8], $0x0  }
0x24: {  	s3 =	sadd.s32 $0x88, s3;
	s6 =	simm.s32 @!p1 $0x1082;
	[sflag:s4] =	ssyncset.s32 $0xFFFFF086  }
0x25: {  	[simem:s6], [sflag:s4] =	dma.local [hbm:s3], $0xF7A  }
0x26: {  	[smem:$0x3F99] =	sst s1;
	(tag) =	ssettag s2;
	_ =	strace s9  }
0x27: {  	s1 =	sld [smem:$0x3FA9]  }
0x28: {  	s2 =	sld [smem:$0x3FAA]  }
0x29: {  	s4 =	sld [smem:$0x3FAC]  }
0x2a: {  	p0 =	seq.s32 s5, $0x0;
	s5 =	sld [smem:$0x3FAD]  }
0x2b: {  	s6 =	sld [smem:$0x3FAE]  }
0x2c: {  	s7 =	sld [smem:$0x3FAF]  }
0x2d: {  	s3 =	simm.s32 $0x108;
	s8 =	sld [smem:$0x3FB0]  }
0x2e: {  	s3 =	simm.s32 @!p0 $0x1082;
	s9 =	sld [smem:$0x3FB1]  }
0x2f: {  	lr =	sadd.s32 s0, s3;
	s0 =	sld [smem:$0x3FA8]  }
0x30: {  	s3 =	sld [smem:$0x3FAB]  }
0x31: {  	[smem:$0x3FB4] =	sst s10  }
0x32: {  	s10 =	sld [smem:$0x3FB2];
	_ =	sdelay $0x3  }
0x33: {  	p0 =	seq.s32 s10, $0x1;
	s10 =	sld [smem:$0x3FB4];
	_ =	sdelay $0x3  }
0x34: {  	[smem:$0x3FB4] =	sst s10  }
0x35: {  	s10 =	sld [smem:$0x3FB3];
	_ =	sdelay $0x3  }
0x36: {  	p1 =	seq.s32 s10, $0x1;
	s10 =	sld [smem:$0x3FB4];
	_ =	sdelay $0x3  }
0x37: {  	[smem:$0x3FB4] =	sst s10  }
0x38: {  	s10 =	sld [smem:$0x3FB5]  }
0x39: {  	_ = 	snop;
	(pc) =	sbr.ind lr, $3  }
0x3a: {  	_ = 	snop  }
0x3b: {  	_ = 	snop  }
0x3c: {  	p2 =	seq.s32 s10, $0x1;
	s10 =	sld [smem:$0x3FB4]  }
0x3d: {  	_ =	shalt  }
0x3e: {  	_ =	shalt  }
0x3f: {  	_ =	shalt  }
0x40: {  	_ =	shalt  }
0x41: {  	_ =	shalt  }
0x42: {  	_ =	shalt  }
0x43: {  	_ =	shalt  }
0x44: {  	_ =	shalt  }
0x45: {  	_ =	shalt  }
0x46: {  	_ =	shalt  }
0x47: {  	_ =	shalt  }
0x48: {  	_ =	shalt  }
0x49: {  	_ =	shalt  }
0x4a: {  	_ =	shalt  }
0x4b: {  	_ =	shalt  }
0x4c: {  	_ =	shalt  }
0x4d: {  	_ =	shalt  }
0x4e: {  	_ =	shalt  }
0x4f: {  	_ =	shalt  }
0x50: {  	_ =	shalt  }
0x51: {  	_ =	shalt  }
0x52: {  	_ =	shalt  }
0x53: {  	_ =	shalt  }
0x54: {  	_ =	shalt  }
0x55: {  	_ =	shalt  }
0x56: {  	_ =	shalt  }
0x57: {  	_ =	shalt  }
0x58: {  	_ =	shalt  }
0x59: {  	_ =	shalt  }
0x5a: {  	_ =	shalt  }
0x5b: {  	_ =	shalt  }
0x5c: {  	_ =	shalt  }
0x5d: {  	_ =	shalt  }
0x5e: {  	_ =	shalt  }
0x5f: {  	_ =	shalt  }
0x60: {  	_ =	shalt  }
0x61: {  	_ =	shalt  }
0x62: {  	_ =	shalt  }
0x63: {  	_ =	shalt  }
0x64: {  	_ =	shalt  }
0x65: {  	_ =	shalt  }
0x66: {  	_ =	shalt  }
0x67: {  	_ =	shalt  }
0x68: {  	_ =	shalt  }
0x69: {  	_ =	shalt  }
0x6a: {  	_ =	shalt  }
0x6b: {  	_ =	shalt  }
0x6c: {  	_ =	shalt  }
0x6d: {  	_ =	shalt  }
0x6e: {  	_ =	shalt  }
0x6f: {  	_ =	shalt  }
0x70: {  	_ =	shalt  }
0x71: {  	_ =	shalt  }
0x72: {  	_ =	shalt  }
0x73: {  	_ =	shalt  }
0x74: {  	_ =	shalt  }
0x75: {  	_ =	shalt  }
0x76: {  	_ =	shalt  }
0x77: {  	_ =	shalt  }
0x78: {  	_ =	shalt  }
0x79: {  	_ =	shalt  }
0x7a: {  	_ =	shalt  }
0x7b: {  	_ =	shalt  }
0x7c: {  	_ =	shalt  }
0x7d: {  	_ =	shalt  }
0x7e: {  	_ =	shalt  }
0x7f: {  	_ =	shalt  }
0x80: {  	_ =	shalt  }
0x81: {  	_ =	shalt  }
0x82: {  	_ =	shalt  }
0x83: {  	_ =	shalt  }
0x84: {  	_ =	shalt  }
0x85: {  	_ =	shalt  }
0x86: {  	_ =	shalt  }
0x87: {  	_ =	shalt  }
.Lfunc_end0:
.L_simem_size_0:
called_computation.2_lowered:
.L_overlay_start_0:
0x88: {  	s2 =	sld [smem:$0x3FD9]  }
0x89: {  	s3 =	sld [smem:$0x3FFE];
	_ =	sdelay $0x1  }
0x8a: {  	s1 =	srdreg.scid  }
0x8b: {  	s0 =	sand.u32 $0x1, s1  }
0x8c: {  	s17 =	sshll.u32 s0, $0xA;
	s2 =	sadd.s32 s3, s2  }
0x8d: {  	s2 =	sadd.s32 s2, s17  }
0x8e: {  	[smem:$0x3FC0] =	sst s2  }
0x8f: {  	_ = 	snop  }
0x90: {  	s2 =	sld [smem:$0x3FD0];
	(tm) =	ssettm $0x1  }
0x91: {  	s18 =	sld [smem:$0x3FFB];
	_ =	sdelay $0x3  }
0x92: {  	_ =	strace s18  }
0x93: {  	s3 =	sld [smem:$0x3FFC];
	_ =	sdelay $0x3  }
0x94: {  	_ =	strace s3  }
0x95: {  	s3 =	sld [smem:$0x3FFD];
	_ =	sdelay $0x3  }
0x96: {  	_ =	strace s3  }
0x97: {  	_ =	strace $0x8FFFFFFF  }
0x98: {  	s19 =	sld [smem:$0x3FDB];
	_ =	sdelay $0x1  }
0x99: {  	s4 =	simm.s32 $_scs_section_size  }
0x9a: {  	s5 =	simm.s32 $_size__tile_overlayer_lowered;
	s6 =	simm.s32 $_tile_overlayer_lowered  }
0x9b: {  	s22 =	simm.s32 $0x1BFF;
	s21 =	sshll.u32 s6, $0x1;
	s3 =	sadd.s32 s4, s19  }
0x9c: {  	s7 =	simm.s32 $0x0;
	s20 =	sshll.u32 s5, $0x1;
	s5 =	sadd.s32 s21, s3  }
0x9d: {  	[timem:s7], [sflag:s22] =	dma.local [hbm:s5], s20  }
0x9e: {  	_ =	swait.ge [sflag:s22], s20  }
0x9f: {  	s4 =	ssub.s32 $0x0, s20;
	[sflag:s22] =	ssyncset.done $0x0  }
0xa0: {  	[sflag:s22] =	ssyncadd.s32 s4;
	_ =	sdelay $0x1  }
0xa1: {  	s23 =	simm.s32 $0x1B8B  }
0xa2: {  	_ =	swait.ge [sflag:s23], $0x1  }
0xa3: {  	[sflag:s23] =	ssyncset.done $0x0  }
0xa4: {  	s25 =	simm.s32 $0x1B8E;
	s24 =	sld [smem:$0x3FFE];
	[sflag:s23] =	ssyncadd.s32 $0xFFFFFFFF  }
0xa5: {  	s26 =	simm.s32 $execute0_lowered;
	[smem:$0x3FD2] =	sst s25  }
0xa6: {  	s5 =	sshll.u32 s26, $0x1;
	_ =	strace $0x8000004C;
	[dreg:$0x1] =	wrdreg $0xFFFFFFFF  }
0xa7: {  	s28 =	simm.s32 $_size_execute0_lowered;
	s3 =	sadd.s32 s3, s5;
	[dreg:$0x0] =	wrdreg $0x0  }
0xa8: {  	s5 =	sshll.u32 s28, $0x1;
	[dreg:$0x2] =	wrdreg s3  }
0xa9: {  	[dreg:$0x3] =	wrdreg s5  }
0xaa: {  	[dreg:$0x4] =	wrdreg $0xC0  }
0xab: {  	_ =	task [dreg:s7], $0x5FFFF  }
0xac: {  	[dreg:$0x1] =	wrdreg $0xFFFFFFFF  }
0xad: {  	[dreg:$0x0] =	wrdreg $0x60  }
0xae: {  	[dreg:$0x2] =	wrdreg s24  }
0xaf: {  	[dreg:$0x3] =	wrdreg s2  }
0xb0: {  	[dreg:$0x4] =	wrdreg $0x0  }
0xb1: {  	[dreg:$0x5] =	wrdreg $0x9  }
0xb2: {  	_ =	task.clear_ibuf [dreg:s7], $0x6FFFF;
	_ =	strace $0x9000004C  }
0xb3: {  	s29 =	simm.s32 $0x9;
	_ =	strace $0x8000004E  }
0xb4: {  	_ =	swait.ge [sflag:s29], $0x1  }
0xb5: {  	[sflag:s29] =	ssyncadd.s32 $0xFFFFFFFF  }
0xb6: {  	_ =	strace $0x9000004E  }
0xb7: {  	_ =	sfence  }
0xb8: {  	s30 =	sld [smem:$0x0];
	_ =	sdelay $0x2  }
0xb9: {  	s31 =	sshll.u32 s1, $0xD;
	s1 =	sshrl.u32 s1, $0x2  }
0xba: {  	s3 =	sand.u32 $0x4000, s31;
	s1 =	sadd.s32 s1, s30  }
0xbb: {  	s0 =	sor.u32 s3, s0;
	s1 =	sshll.u32 s1, $0x11  }
0xbc: {  	s0 =	sor.u32 s1, s0  }
0xbd: {  	s0 =	sadd.s32 $0x8F2B, s0  }
0xbe: {  	[sflag:s0] =	ssyncadd.remote.s32 $0x1  }
0xbf: {  	_ =	sfence.sel $0xFFFF  }
0xc0: {  	[dreg:$0x0] =	wrdreg $0xFFFFFFFF;
	(pc) =	sbr.abs _section_cstart, $3  }
0xc1: {  	[dreg:$0x1] =	wrdreg $0xFFFFFFFF  }
0xc2: {  	_ =	task.clear_ibuf [dreg:s7], $0x2FFFF;
	_ =	strace $0x9FFFFFFF  }
0xc3: {  	(tm) =	ssettm $0x7FFFFFFF  }
tec
execute0_lowered:
.L_overlay_start_1:
0x0: {  	(tag) =	ssettag $0x1  }
0x1: {  	s0 =	rddreg [dreg:$0x0]  }
0x2: {  	s2 =	rddreg [dreg:$0x1]  }
0x3: {  	s1 =	rddreg [dreg:$0x2]  }
0x4: {  	s3 =	srdreg.scid;
	s14 =	stileid.u32  }
0x5: {  	s28 =	simm.s32 $0x1;
	s29 =	simm.s32 $0x6;
	s30 =	simm.s32 $0x3  }
0x6: {  	s31 =	simm.s32 $0x2;
	s7 =	sand.u32 $0x1, s3;
	s8 =	smul.u32 $0x14000, s14  }
0x7: {  	s3 =	simm.s32 $0x0;
	s4 =	sadd.s32 $0x5D800, s0;
	s11 =	smul.u32 $0x50000, s14  }
0x8: {  	s5 =	sadd.s32 $0x3800, s0;
	s9 =	sadd.s32 $0x85800, s0;
	s22 =	smul.u32 $0x2800, s14  }
0x9: {  	s25 =	sshll.u32 s14, $0x6;
	s6 =	smul.u32 $0x140000, s7;
	[smem:$0x7FF] =	sst s3  }
0xa: {  	s17 =	sshll.u32 s7, $0x4;
	s10 =	ssub.s32 $0x2, s7;
	p0 =	seq.s32 s7, $0x0  }
0xb: {  	s7 =	simm.s32 $0x0;
	_ =	strace $0x8000004D;
	s13 =	sshrl.u32 s10, $0x1  }
0xc: {  	s19 =	sshrl.u32 s11, $0x2;
	s9 =	smov.u32 @p0 s4;
	[dreg:$0xa] =	wrdreg s25  }
0xd: {  	s6 =	sadd.s32 s8, s6;
	s8 =	sor.u32 s14, s17;
	s18 =	ssub.s32 s10, s13  }
0xe: {  	s20 =	sadd.s32 s19, s1;
	s26 =	sadd.s32 s9, s22;
	s19 =	simm.s32 $0x16800  }
0xf: {  	s22 =	simm.s32 $0x80;
	s12 =	sshrl.u32 s6, $0x3;
	s6 =	smul.u32 $0x2800, s8  }
0x10: {  	s24 =	smax.u32 s18, $0x1;
	[dreg:$0xb] =	wrdreg s26;
	s0 =	sadd.s32 s12, s0  }
0x11: {  	[dreg:$0x9] =	wrdreg s24;
	s21 =	sshrl.u32 s6, $0x3;
	s0 =	sadd.s32 $0xAD800, s0  }
0x12: {  	s18 =	simm.s32 $0xA;
	s2 =	sadd.s32 s2, s21;
	[dreg:$0x8] =	wrdreg s0  }
0x13: {  	s26 =	simm.s32 $0x16980;
	s23 =	sadd.s32 s5, s21;
	[dreg:$0x4] =	wrdreg s2  }
0x14: {  	s0 =	sor.u32 $0x1C05, s25;
	s25 =	simm.s32 $0x1AA00;
	[dreg:$0x5] =	wrdreg s23  }
0x15: {  	s21 =	simm.s32 $0x9;
	s10 =	sadd.s32 $0x10, s23;
	[dreg:$0xc] =	wrdreg s0  }
0x16: {  	s2 =	sadd.s32 $0x20, s23;
	s23 =	simm.s32 $0x16A00;
	[dreg:$0x6] =	wrdreg s10  }
0x17: {  	s0 =	simm.s32 $0x7;
	[dreg:$0x7] =	wrdreg s2;
	s10 =	sshrl.u32 s20, $0x3  }
0x18: {  	s20 =	simm.s32 $0x16880;
	s2 =	simm.s32 $0x4;
	[dreg:$0xd] =	wrdreg s10  }
.LBB2_1:
0x19: {  	s8 =	rddreg [dreg:$0xb]  }
0x1a: {  	s9 =	rddreg [dreg:$0xc]  }
0x1b: {  	[spmem:s10], [sflag:s9] =	dma.local [hbm:s8], $0x2800  }
0x1c: {  	s17 =	simm.s32 $0x14000;
	s8 =	rddreg [dreg:$0x4]  }
0x1d: {  	[tilespmem:s17], [sflag:$0xA] =	stream.linear.gather [hbm4b:s8+s3], $0x2800, $0x38;
	[tilespmem:$0x1EA00] =	vst v63  }
0x1e: {  	_ =	swait.ge [sflag:s18], $0x2800  }
0x1f: {  	[sflag:s18] =	ssyncset.done $0x0  }
0x20: {  	s24 =	rddreg [dreg:$0x5];
	[sflag:s18] =	ssyncadd.s32 $0xFFFFD800  }
0x21: {  	[tilespmem:s19], [sflag:$0x6] =	stream.linear.gather [hbm4b:s24+s3], $0x80, $0x38;
	[tilespmem:$0x1EA00] =	vst v63  }
0x22: {  	s10 =	rddreg [dreg:$0x6]  }
0x23: {  	[tilespmem:s20], [sflag:$0x7] =	stream.linear.gather [hbm4b:s10+s3], $0x80, $0x38;
	[tilespmem:$0x1EA00] =	vst v63  }
0x24: {  	s12 =	simm.s32 $0x16900;
	s11 =	rddreg [dreg:$0x7]  }
0x25: {  	[tilespmem:s12], [sflag:$0x8] =	stream.linear.gather [hbm4b:s11+s3], $0x80, $0x38;
	[tilespmem:$0x1EA00] =	vst v63  }
0x26: {  	s13 =	simm.s32 $0x5  }
0x27: {  	[tilespmem:s23], [sflag:$0x1] =	stream.indirect.gather [hbm4b:s4+s22], $0x80, s17, s22, $0xb8;
	[tilespmem:$0x1EA00] =	vst v63  }
0x28: {  	_ =	swait.ge [sflag:s13], $0x2800  }
0x29: {  	s14 =	simm.s32 $0x0;
	[sflag:s13] =	ssyncset.done $0x0  }
0x2a: {  	p0 =	por $0x1, $0x1;
	s15 =	simm.s32 $0x180;
	[sflag:s13] =	ssyncadd.s32 $0xFFFFD800  }
0x2b: {  	s8 =	sand.u32 $0x3C00, s14;
	s10 =	simm.s32 @!p0 $0x4;
	[bflag:$0x0] =	sbarrier.arrive $0xFFFF  }
0x2c: {  	s9 =	sand.u32 $0x380, s15;
	s8 =	sadd.s32 s6, s8;
	_ =	swait.ge @!p0 [sflag:s10], $0x4000  }
0x2d: {  	s8 =	sor.u32 s8, s9;
	[sflag:s10] =	ssyncset.done @!p0 $0x0  }
0x2e: {  	s16 =	simm.s32 $0x14080;
	s8 =	sshrl.u32 s8, $0x3;
	[sflag:s10] =	ssyncadd.s32 @!p0 $0xFFFFC000  }
0x2f: {  	[tilespmem:s25], [sflag:$0x2] =	stream.indirect.gather [hbm4b:s4+s22], $0x80, s16, s22, $0xb8;
	[tilespmem:$0x1EA00] =	vst v63  }
0x30: {  	s8 =	sadd.s32 s5, s8  }
0x31: {  	[tilespmem:s26], [sflag:$0x9] =	stream.linear.gather [hbm4b:s8+s3], $0x80, $0x38;
	[tilespmem:$0x1EA00] =	vst v63  }
0x32: {  	_ =	swait.ge [sflag:s28], $0x4000  }
0x33: {  	[sflag:s28] =	ssyncset.done $0x0  }
0x34: {  	[sflag:s28] =	ssyncadd.s32 $0xFFFFC000  }
0x35: {  	p0 =	por $0x0, $0x0;
	_ =	swait.ge [sflag:s29], $0x80  }
0x36: {  	s8 =	simm.s32 @!p0 $0x200;
	[sflag:s29] =	ssyncset.done $0x0  }
0x37: {  	s9 =	sand.u32 @!p0 $0x7C00, s8;
	[sflag:s29] =	ssyncadd.s32 $0xFFFFFF80  }
0x38: {  	[spmem:s1] =	stream.indirect.scatter.add.f32 [tilespmem:s23], [sflag:$0x3], $0x80, s19, s22, $0xb8;
	[tilespmem:$0x1EA00] =	vst v63  }
0x39: {  	s8 =	sand.u32 @!p0 $0x200, s8;
	s9 =	sadd.s32 @!p0 s6, s9;
	_ =	swait.ge [sflag:s30], $0x4000  }
0x3a: {  	s8 =	sor.u32 @!p0 s8, s9;
	[sflag:s30] =	ssyncset.done $0x0  }
0x3b: {  	s17 =	simm.s32 $0x14100;
	s8 =	sshrl.u32 @!p0 s8, $0x3;
	[sflag:s30] =	ssyncadd.s32 $0xFFFFC000  }
0x3c: {  	[tilespmem:s23], [sflag:$0x1] =	stream.indirect.gather [hbm4b:s4+s22], $0x80, s17, s22, $0xb8;
	[tilespmem:$0x1EA00] =	vst v63  }
0x3d: {  	s11 =	simm.s32 @!p0 $0x0;
	s9 =	simm.s32 @!p0 $0x16800;
	s8 =	sadd.s32 @!p0 s5, s8  }
0x3e: {  	[tilespmem:s9], [sflag:$0x6] =	stream.linear.gather @!p0 [hbm4b:s8+s11], $0x80, $0x38;
	[tilespmem:$0x1EA00] =	vst v63  }
0x3f: {  	_ =	swait.ge [sflag:s31], $0x4000  }
0x40: {  	[sflag:s31] =	ssyncset.done $0x0  }
0x41: {  	[sflag:s31] =	ssyncadd.s32 $0xFFFFC000  }
0x42: {  	_ =	swait.ge [sflag:s0], $0x80  }
0x43: {  	[sflag:s0] =	ssyncset.done $0x0  }
0x44: {  	[sflag:s0] =	ssyncadd.s32 $0xFFFFFF80  }
0x45: {  	[spmem:s1] =	stream.indirect.scatter.add.f32 [tilespmem:s25], [sflag:$0x4], $0x80, s20, s22, $0xb8;
	[tilespmem:$0x1EA00] =	vst v63  }
0x46: {  	_ =	swait.ge [sflag:s2], $0x4000  }
0x47: {  	[sflag:s2] =	ssyncset.done $0x0  }
0x48: {  	s24 =	simm.s32 $0x14180;
	s9 =	simm.s32 @p0 $0x1;
	[sflag:s2] =	ssyncadd.s32 $0xFFFFC000  }
0x49: {  	[tilespmem:s25], [sflag:$0x2] =	stream.indirect.gather [hbm4b:s4+s22], $0x80, s24, s22, $0xb8;
	[tilespmem:$0x1EA00] =	vst v63  }
0x4a: {  	_ =	swait.ge @p0 [sflag:s9], $0x4000  }
0x4b: {  	s12 =	simm.s32 @p0 $0x8;
	s8 =	simm.s32 @!p0 $0x280;
	[sflag:s9] =	ssyncset.done @p0 $0x0  }
0x4c: {  	s10 =	sand.u32 @!p0 $0x280, s8;
	s8 =	sand.u32 @!p0 $0x7C00, s8;
	[sflag:s9] =	ssyncadd.s32 @p0 $0xFFFFC000  }
0x4d: {  	s13 =	simm.s32 @p0 $0x16900;
	s8 =	sadd.s32 @!p0 s6, s8;
	_ =	swait.ge @p0 [sflag:s12], $0x80  }
0x4e: {  	s14 =	simm.s32 @p0 $0x16A00;
	s8 =	sor.u32 @!p0 s10, s8;
	[sflag:s12] =	ssyncset.done @p0 $0x0  }
0x4f: {  	s10 =	simm.s32 @p0 $0x3;
	s9 =	simm.s32 @p0 $0x80;
	[sflag:s12] =	ssyncadd.s32 @p0 $0xFFFFFF80  }
0x50: {  	[spmem:s1] =	stream.indirect.scatter.add.f32 @p0 [tilespmem:s14], [sflag:$0x3], $0x80, s13, s9, $0xb8;
	[tilespmem:$0x1EA00] =	vst v63  }
0x51: {  	s8 =	sshrl.u32 @!p0 s8, $0x3;
	_ =	swait.ge @p0 [sflag:s10], $0x4000  }
0x52: {  	s8 =	sadd.s32 @!p0 s5, s8;
	[sflag:s10] =	ssyncset.done @p0 $0x0  }
0x53: {  	s9 =	simm.s32 @!p0 $0x16880;
	[sflag:s10] =	ssyncadd.s32 @p0 $0xFFFFC000;
	s10 =	simm.s32 @!p0 $0x1  }
0x54: {  	[tilespmem:s9], [sflag:$0x7] =	stream.linear.gather @!p0 [hbm4b:s8+s11], $0x80, $0x38;
	[tilespmem:$0x1EA00] =	vst v63  }
0x55: {  	_ =	swait.ge @!p0 [sflag:s10], $0x4000  }
0x56: {  	s15 =	simm.s32 @!p0 $0x16900;
	s12 =	simm.s32 @!p0 $0x8;
	[sflag:s10] =	ssyncset.done @!p0 $0x0  }
0x57: {  	s14 =	simm.s32 @!p0 $0x16A00;
	s8 =	simm.s32 $0x300;
	[sflag:s10] =	ssyncadd.s32 @!p0 $0xFFFFC000  }
0x58: {  	s9 =	sand.u32 @!p0 $0x300, s8;
	s8 =	sand.u32 @!p0 $0x7C00, s8;
	_ =	swait.ge @!p0 [sflag:s12], $0x80  }
0x59: {  	s13 =	simm.s32 @!p0 $0x80;
	s8 =	sadd.s32 @!p0 s6, s8;
	[sflag:s12] =	ssyncset.done @!p0 $0x0  }
0x5a: {  	s8 =	sor.u32 @!p0 s9, s8;
	s9 =	simm.s32 @!p0 $0x3;
	[sflag:s12] =	ssyncadd.s32 @!p0 $0xFFFFFF80  }
0x5b: {  	[spmem:s1] =	stream.indirect.scatter.add.f32 @!p0 [tilespmem:s14], [sflag:$0x3], $0x80, s15, s13, $0xb8;
	[tilespmem:$0x1EA00] =	vst v63  }
0x5c: {  	s17 =	simm.s32 $0x700;
	s8 =	sshrl.u32 @!p0 s8, $0x3;
	_ =	swait.ge @!p0 [sflag:s9], $0x4000  }
0x5d: {  	s10 =	simm.s32 $0x500;
	s12 =	sadd.s32 @!p0 s5, s8;
	[sflag:s9] =	ssyncset.done @!p0 $0x0  }
0x5e: {  	s8 =	simm.s32 @!p0 $0x14200;
	[sflag:s9] =	ssyncadd.s32 @!p0 $0xFFFFC000;
	s9 =	simm.s32 $0x14300  }
.LBB2_2:
0x5f: {  	[tilespmem:s14], [sflag:$0x1] =	stream.indirect.gather @!p0 [hbm4b:s4+s13], $0x80, s8, s13, $0xb8;
	[tilespmem:$0x1EA00] =	vst v63  }
0x60: {  	s14 =	smov.u32 s17  }
0x61: {  	s17 =	sadd.s32 $0x200, s17;
	s8 =	sadd.s32 $0xFFFFFD00, s10;
	s13 =	sadd.s32 $0xFFFFFE80, s10  }
0x62: {  	[tilespmem:s15], [sflag:$0x8] =	stream.linear.gather @!p0 [hbm4b:s12+s11], $0x80, $0x38;
	[tilespmem:$0x1EA00] =	vst v63  }
0x63: {  	s8 =	sand.u32 $0x3C00, s8;
	s11 =	sand.u32 $0x380, s13;
	_ =	swait.ge [sflag:s31], $0x4000  }
0x64: {  	p1 =	sne.s32 s17, $0x2B00;
	s8 =	sadd.s32 s6, s8;
	[sflag:s31] =	ssyncset.done $0x0  }
0x65: {  	s8 =	sor.u32 s8, s11;
	[sflag:s31] =	ssyncadd.s32 $0xFFFFC000  }
0x66: {  	s8 =	sshrl.u32 s8, $0x3;
	_ =	swait.ge [sflag:s21], $0x80  }
0x67: {  	p0 =	seq.s32 s10, $0x300;
	[sflag:s21] =	ssyncset.done $0x0  }
0x68: {  	s11 =	simm.s32 @!p0 $0x4;
	[sflag:s21] =	ssyncadd.s32 $0xFFFFFF80  }
0x69: {  	[spmem:s1] =	stream.indirect.scatter.add.f32 [tilespmem:s25], [sflag:$0x4], $0x80, s26, s22, $0xb8;
	[tilespmem:$0x1EA00] =	vst v63  }
0x6a: {  	_ =	swait.ge @!p0 [sflag:s11], $0x4000  }
0x6b: {  	[sflag:s11] =	ssyncset.done @!p0 $0x0  }
0x6c: {  	[sflag:s11] =	ssyncadd.s32 @!p0 $0xFFFFC000;
	s11 =	sadd.s32 $0xFFFFFF80, s9  }
0x6d: {  	[tilespmem:s25], [sflag:$0x2] =	stream.indirect.gather [hbm4b:s4+s22], $0x80, s11, s22, $0xb8;
	[tilespmem:$0x1EA00] =	vst v63  }
0x6e: {  	s8 =	sadd.s32 s5, s8  }
0x6f: {  	[tilespmem:s26], [sflag:$0x9] =	stream.linear.gather [hbm4b:s8+s3], $0x80, $0x38;
	[tilespmem:$0x1EA00] =	vst v63  }
0x70: {  	_ =	swait.ge [sflag:s28], $0x4000  }
0x71: {  	p0 =	seq.s32 s10, $0x2900;
	[sflag:s28] =	ssyncset.done $0x0  }
0x72: {  	s11 =	sadd.s32 @!p0 $0xFFFFFF80, s10;
	s8 =	sadd.s32 @!p0 $0xFFFFFF00, s10;
	[sflag:s28] =	ssyncadd.s32 $0xFFFFC000  }
0x73: {  	s13 =	sand.u32 @!p0 $0x280, s11;
	s12 =	sand.u32 @!p0 $0x7C00, s8;
	_ =	swait.ge [sflag:s29], $0x80  }
0x74: {  	s15 =	sand.u32 @!p0 $0x300, s10;
	s12 =	sadd.s32 @!p0 s6, s12;
	[sflag:s29] =	ssyncset.done $0x0  }
0x75: {  	s11 =	sand.u32 @!p0 $0x7C00, s11;
	s10 =	sand.u32 @!p0 $0x7C00, s10;
	s8 =	sand.u32 @!p0 $0x200, s8  }
0x76: {  	s8 =	sor.u32 @!p0 s8, s12;
	s12 =	sadd.s32 @!p0 s6, s11;
	[sflag:s29] =	ssyncadd.s32 $0xFFFFFF80  }
0x77: {  	[spmem:s1] =	stream.indirect.scatter.add.f32 [tilespmem:s23], [sflag:$0x3], $0x80, s19, s22, $0xb8;
	[tilespmem:$0x1EA00] =	vst v63  }
0x78: {  	s10 =	sadd.s32 @!p0 s6, s10;
	s8 =	sshrl.u32 @!p0 s8, $0x3;
	_ =	swait.ge [sflag:s30], $0x4000  }
0x79: {  	s11 =	simm.s32 @!p0 $0x0;
	s8 =	sadd.s32 @!p0 s5, s8;
	[sflag:s30] =	ssyncset.done $0x0  }
0x7a: {  	s12 =	sor.u32 @!p0 s13, s12;
	s13 =	sor.u32 @!p0 s15, s10;
	[sflag:s30] =	ssyncadd.s32 $0xFFFFC000  }
0x7b: {  	[tilespmem:s23], [sflag:$0x1] =	stream.indirect.gather [hbm4b:s4+s22], $0x80, s9, s22, $0xb8;
	[tilespmem:$0x1EA00] =	vst v63  }
0x7c: {  	s15 =	simm.s32 @!p0 $0x16800;
	s10 =	smov.u32 s14  }
0x7d: {  	[tilespmem:s15], [sflag:$0x6] =	stream.linear.gather @!p0 [hbm4b:s8+s11], $0x80, $0x38;
	[tilespmem:$0x1EA00] =	vst v63  }
0x7e: {  	s8 =	sshrl.u32 @!p0 s12, $0x3;
	s12 =	sshrl.u32 @!p0 s13, $0x3;
	_ =	swait.ge [sflag:s31], $0x4000  }
0x7f: {  	s8 =	sadd.s32 @!p0 s5, s8;
	s12 =	sadd.s32 @!p0 s5, s12;
	[sflag:s31] =	ssyncset.done $0x0  }
0x80: {  	[sflag:s31] =	ssyncadd.s32 $0xFFFFC000  }
0x81: {  	_ =	swait.ge [sflag:s0], $0x80  }
0x82: {  	[sflag:s0] =	ssyncset.done $0x0  }
0x83: {  	[sflag:s0] =	ssyncadd.s32 $0xFFFFFF80  }
0x84: {  	[spmem:s1] =	stream.indirect.scatter.add.f32 [tilespmem:s25], [sflag:$0x4], $0x80, s20, s22, $0xb8;
	[tilespmem:$0x1EA00] =	vst v63  }
0x85: {  	_ =	swait.ge [sflag:s2], $0x4000  }
0x86: {  	[sflag:s2] =	ssyncset.done $0x0  }
0x87: {  	s14 =	simm.s32 @p0 $0x1;
	s13 =	sadd.s32 $0x80, s9;
	[sflag:s2] =	ssyncadd.s32 $0xFFFFC000  }
0x88: {  	[tilespmem:s25], [sflag:$0x2] =	stream.indirect.gather [hbm4b:s4+s22], $0x80, s13, s22, $0xb8;
	[tilespmem:$0x1EA00] =	vst v63  }
0x89: {  	s13 =	simm.s32 @p0 $0x8;
	_ =	swait.ge @p0 [sflag:s14], $0x4000  }
0x8a: {  	s24 =	simm.s32 @p0 $0x3;
	s15 =	simm.s32 @p0 $0x80;
	[sflag:s14] =	ssyncset.done @p0 $0x0  }
0x8b: {  	s16 =	simm.s32 @p0 $0x16A00;
	[sflag:s14] =	ssyncadd.s32 @p0 $0xFFFFC000;
	s14 =	simm.s32 @p0 $0x16900  }
0x8c: {  	_ =	swait.ge @p0 [sflag:s13], $0x80  }
0x8d: {  	[sflag:s13] =	ssyncset.done @p0 $0x0  }
0x8e: {  	[sflag:s13] =	ssyncadd.s32 @p0 $0xFFFFFF80  }
0x8f: {  	[spmem:s1] =	stream.indirect.scatter.add.f32 @p0 [tilespmem:s16], [sflag:$0x3], $0x80, s14, s15, $0xb8;
	[tilespmem:$0x1EA00] =	vst v63  }
0x90: {  	_ =	swait.ge @p0 [sflag:s24], $0x4000  }
0x91: {  	[sflag:s24] =	ssyncset.done @p0 $0x0  }
0x92: {  	s13 =	simm.s32 @!p0 $0x16880;
	s15 =	simm.s32 @!p0 $0x1;
	[sflag:s24] =	ssyncadd.s32 @p0 $0xFFFFC000  }
0x93: {  	[tilespmem:s13], [sflag:$0x7] =	stream.linear.gather @!p0 [hbm4b:s8+s11], $0x80, $0x38;
	[tilespmem:$0x1EA00] =	vst v63  }
0x94: {  	s8 =	simm.s32 @!p0 $0x8;
	_ =	swait.ge @!p0 [sflag:s15], $0x4000  }
0x95: {  	s14 =	simm.s32 @!p0 $0x16A00;
	s16 =	simm.s32 @!p0 $0x3;
	[sflag:s15] =	ssyncset.done @!p0 $0x0  }
0x96: {  	s13 =	simm.s32 @!p0 $0x80;
	[sflag:s15] =	ssyncadd.s32 @!p0 $0xFFFFC000;
	s15 =	simm.s32 @!p0 $0x16900  }
0x97: {  	_ =	swait.ge @!p0 [sflag:s8], $0x80  }
0x98: {  	[sflag:s8] =	ssyncset.done @!p0 $0x0  }
.Ltmp0:
0x99: {  	[sflag:s8] =	ssyncadd.s32 @!p0 $0xFFFFFF80;
	(pc) =	sbr.rel @p1 .LBB2_2-.Ltmp0, $4  }
0x9a: {  	[spmem:s1] =	stream.indirect.scatter.add.f32 @!p0 [tilespmem:s14], [sflag:$0x3], $0x80, s15, s13, $0xb8;
	[tilespmem:$0x1EA00] =	vst v63  }
0x9b: {  	s8 =	sadd.s32 @!p0 $0x100, s9;
	_ =	swait.ge @!p0 [sflag:s16], $0x4000  }
0x9c: {  	[sflag:s16] =	ssyncset.done @!p0 $0x0  }
0x9d: {  	s9 =	sadd.s32 $0x200, s9;
	[sflag:s16] =	ssyncadd.s32 @!p0 $0xFFFFC000  }
0x9e: {  	[tilespmem:s14], [sflag:$0x1] =	stream.indirect.gather @!p0 [hbm4b:s4+s13], $0x80, s8, s13, $0xb8;
	[tilespmem:$0x1EA00] =	vst v63  }
0x9f: {  	_ = 	snop  }
0xa0: {  	[tilespmem:s15], [sflag:$0x8] =	stream.linear.gather @!p0 [hbm4b:s12+s11], $0x80, $0x38;
	[tilespmem:$0x1EA00] =	vst v63  }
0xa1: {  	_ =	swait.ge [sflag:s31], $0x4000  }
0xa2: {  	[sflag:s31] =	ssyncset.done $0x0  }
0xa3: {  	[sflag:s31] =	ssyncadd.s32 $0xFFFFC000  }
0xa4: {  	s13 =	sadd.s32 $0xFFFFFE80, s10;
	_ =	swait.ge [sflag:s21], $0x80  }
0xa5: {  	s12 =	sadd.s32 $0xFFFFFD00, s10;
	p0 =	seq.s32 s10, $0x300;
	[sflag:s21] =	ssyncset.done $0x0  }
0xa6: {  	s8 =	sand.u32 $0x3C00, s12;
	s12 =	simm.s32 @!p0 $0x4;
	[sflag:s21] =	ssyncadd.s32 $0xFFFFFF80  }
0xa7: {  	[spmem:s1] =	stream.indirect.scatter.add.f32 [tilespmem:s25], [sflag:$0x4], $0x80, s26, s22, $0xb8;
	[tilespmem:$0x1EA00] =	vst v63  }
0xa8: {  	s11 =	sand.u32 $0x380, s13;
	s8 =	sadd.s32 s6, s8;
	_ =	swait.ge @!p0 [sflag:s12], $0x4000  }
0xa9: {  	s8 =	sor.u32 s8, s11;
	[sflag:s12] =	ssyncset.done @!p0 $0x0  }
0xaa: {  	s14 =	sadd.s32 $0xFFFFFF80, s9;
	s8 =	sshrl.u32 s8, $0x3;
	[sflag:s12] =	ssyncadd.s32 @!p0 $0xFFFFC000  }
0xab: {  	[tilespmem:s25], [sflag:$0x2] =	stream.indirect.gather [hbm4b:s4+s22], $0x80, s14, s22, $0xb8;
	[tilespmem:$0x1EA00] =	vst v63  }
0xac: {  	s8 =	sadd.s32 s5, s8  }
0xad: {  	[tilespmem:s26], [sflag:$0x9] =	stream.linear.gather [hbm4b:s8+s3], $0x80, $0x38;
	[tilespmem:$0x1EA00] =	vst v63  }
0xae: {  	_ =	swait.ge [sflag:s28], $0x4000  }
0xaf: {  	[sflag:s28] =	ssyncset.done $0x0  }
0xb0: {  	[sflag:s28] =	ssyncadd.s32 $0xFFFFC000  }
0xb1: {  	p0 =	seq.s32 s10, $0x2900;
	_ =	swait.ge [sflag:s29], $0x80  }
0xb2: {  	s8 =	sadd.s32 @!p0 $0xFFFFFF00, s10;
	[sflag:s29] =	ssyncset.done $0x0  }
0xb3: {  	s11 =	sand.u32 @!p0 $0x7C00, s8;
	[sflag:s29] =	ssyncadd.s32 $0xFFFFFF80  }
0xb4: {  	[spmem:s1] =	stream.indirect.scatter.add.f32 [tilespmem:s23], [sflag:$0x3], $0x80, s19, s22, $0xb8;
	[tilespmem:$0x1EA00] =	vst v63  }
0xb5: {  	s8 =	sand.u32 @!p0 $0x200, s8;
	s11 =	sadd.s32 @!p0 s6, s11;
	_ =	swait.ge [sflag:s30], $0x4000  }
0xb6: {  	s8 =	sor.u32 @!p0 s8, s11;
	[sflag:s30] =	ssyncset.done $0x0  }
0xb7: {  	s8 =	sshrl.u32 @!p0 s8, $0x3;
	[sflag:s30] =	ssyncadd.s32 $0xFFFFC000  }
0xb8: {  	[tilespmem:s23], [sflag:$0x1] =	stream.indirect.gather [hbm4b:s4+s22], $0x80, s9, s22, $0xb8;
	[tilespmem:$0x1EA00] =	vst v63  }
0xb9: {  	s12 =	simm.s32 @!p0 $0x16800;
	s11 =	simm.s32 @!p0 $0x0;
	s8 =	sadd.s32 @!p0 s5, s8  }
0xba: {  	[tilespmem:s12], [sflag:$0x6] =	stream.linear.gather @!p0 [hbm4b:s8+s11], $0x80, $0x38;
	[tilespmem:$0x1EA00] =	vst v63  }
0xbb: {  	_ =	swait.ge [sflag:s31], $0x4000  }
0xbc: {  	[sflag:s31] =	ssyncset.done $0x0  }
0xbd: {  	[sflag:s31] =	ssyncadd.s32 $0xFFFFC000  }
0xbe: {  	_ =	swait.ge [sflag:s0], $0x80  }
0xbf: {  	[sflag:s0] =	ssyncset.done $0x0  }
0xc0: {  	[sflag:s0] =	ssyncadd.s32 $0xFFFFFF80  }
0xc1: {  	[spmem:s1] =	stream.indirect.scatter.add.f32 [tilespmem:s25], [sflag:$0x4], $0x80, s20, s22, $0xb8;
	[tilespmem:$0x1EA00] =	vst v63  }
0xc2: {  	_ =	swait.ge [sflag:s2], $0x4000  }
0xc3: {  	[sflag:s2] =	ssyncset.done $0x0  }
0xc4: {  	s15 =	sadd.s32 $0x80, s9;
	s12 =	simm.s32 @p0 $0x1;
	[sflag:s2] =	ssyncadd.s32 $0xFFFFC000  }
0xc5: {  	[tilespmem:s25], [sflag:$0x2] =	stream.indirect.gather [hbm4b:s4+s22], $0x80, s15, s22, $0xb8;
	[tilespmem:$0x1EA00] =	vst v63  }
0xc6: {  	_ =	swait.ge @p0 [sflag:s12], $0x4000  }
0xc7: {  	[sflag:s12] =	ssyncset.done @p0 $0x0  }
0xc8: {  	s8 =	simm.s32 @p0 $0x8;
	[sflag:s12] =	ssyncadd.s32 @p0 $0xFFFFC000  }
0xc9: {  	_ =	swait.ge @p0 [sflag:s8], $0x80  }
0xca: {  	s13 =	simm.s32 @p0 $0x80;
	s14 =	simm.s32 @p0 $0x16900;
	[sflag:s8] =	ssyncset.done @p0 $0x0  }
0xcb: {  	s12 =	sadd.s32 @!p0 $0xFFFFFF80, s10;
	[sflag:s8] =	ssyncadd.s32 @p0 $0xFFFFFF80;
	s8 =	simm.s32 @p0 $0x16A00  }
0xcc: {  	[spmem:s1] =	stream.indirect.scatter.add.f32 @p0 [tilespmem:s8], [sflag:$0x3], $0x80, s14, s13, $0xb8;
	[tilespmem:$0x1EA00] =	vst v63  }
0xcd: {  	s8 =	sand.u32 @!p0 $0x7C00, s12  }
0xce: {  	s12 =	sand.u32 @!p0 $0x280, s12;
	s8 =	sadd.s32 @!p0 s6, s8  }
0xcf: {  	s8 =	sor.u32 @!p0 s12, s8;
	s12 =	simm.s32 @p0 $0x3  }
0xd0: {  	_ =	swait.ge @p0 [sflag:s12], $0x4000  }
0xd1: {  	s13 =	simm.s32 @!p0 $0x1;
	s8 =	sshrl.u32 @!p0 s8, $0x3;
	[sflag:s12] =	ssyncset.done @p0 $0x0  }
0xd2: {  	s8 =	sadd.s32 @!p0 s5, s8;
	[sflag:s12] =	ssyncadd.s32 @p0 $0xFFFFC000;
	s12 =	simm.s32 @!p0 $0x16880  }
0xd3: {  	[tilespmem:s12], [sflag:$0x7] =	stream.linear.gather @!p0 [hbm4b:s8+s11], $0x80, $0x38;
	[tilespmem:$0x1EA00] =	vst v63  }
0xd4: {  	_ =	swait.ge @!p0 [sflag:s13], $0x4000  }
0xd5: {  	[sflag:s13] =	ssyncset.done @!p0 $0x0  }
0xd6: {  	s8 =	simm.s32 @!p0 $0x8;
	[sflag:s13] =	ssyncadd.s32 @!p0 $0xFFFFC000  }
0xd7: {  	_ =	swait.ge @!p0 [sflag:s8], $0x80  }
0xd8: {  	s14 =	simm.s32 @!p0 $0x80;
	s12 =	simm.s32 @!p0 $0x16A00;
	[sflag:s8] =	ssyncset.done @!p0 $0x0  }
0xd9: {  	s13 =	simm.s32 @!p0 $0x3;
	[sflag:s8] =	ssyncadd.s32 @!p0 $0xFFFFFF80;
	s8 =	simm.s32 @!p0 $0x16900  }
0xda: {  	[spmem:s1] =	stream.indirect.scatter.add.f32 @!p0 [tilespmem:s12], [sflag:$0x3], $0x80, s8, s14, $0xb8;
	[tilespmem:$0x1EA00] =	vst v63  }
0xdb: {  	_ =	swait.ge @!p0 [sflag:s13], $0x4000  }
0xdc: {  	[sflag:s13] =	ssyncset.done @!p0 $0x0  }
0xdd: {  	s9 =	sadd.s32 @!p0 $0x100, s9;
	[sflag:s13] =	ssyncadd.s32 @!p0 $0xFFFFC000  }
0xde: {  	[tilespmem:s12], [sflag:$0x1] =	stream.indirect.gather @!p0 [hbm4b:s4+s14], $0x80, s9, s14, $0xb8;
	[tilespmem:$0x1EA00] =	vst v63  }
0xdf: {  	s9 =	sand.u32 @!p0 $0x7C00, s10  }
0xe0: {  	s10 =	sand.u32 @!p0 $0x300, s10;
	s9 =	sadd.s32 @!p0 s6, s9  }
0xe1: {  	s9 =	sor.u32 @!p0 s10, s9  }
0xe2: {  	s9 =	sshrl.u32 @!p0 s9, $0x3  }
0xe3: {  	s9 =	sadd.s32 @!p0 s5, s9  }
0xe4: {  	[tilespmem:s8], [sflag:$0x8] =	stream.linear.gather @!p0 [hbm4b:s9+s11], $0x80, $0x38;
	[tilespmem:$0x1EA00] =	vst v63  }
0xe5: {  	_ =	swait.ge [sflag:s31], $0x4000  }
0xe6: {  	[sflag:s31] =	ssyncset.done $0x0  }
0xe7: {  	[sflag:s31] =	ssyncadd.s32 $0xFFFFC000  }
0xe8: {  	_ =	swait.ge [sflag:s21], $0x80  }
0xe9: {  	[sflag:s21] =	ssyncset.done $0x0  }
0xea: {  	[sflag:s21] =	ssyncadd.s32 $0xFFFFFF80  }
0xeb: {  	[spmem:s1] =	stream.indirect.scatter.add.f32 [tilespmem:s25], [sflag:$0x4], $0x80, s26, s22, $0xb8;
	[tilespmem:$0x1EA00] =	vst v63  }
0xec: {  	_ =	swait.ge [sflag:s2], $0x4000  }
0xed: {  	[sflag:s2] =	ssyncset.done $0x0  }
0xee: {  	[sflag:s2] =	ssyncadd.s32 $0xFFFFC000  }
0xef: {  	[bflag:$0x0] =	sbarrier.arrive $0xFFFF  }
0xf0: {  	s16 =	rddreg [dreg:$0xa]  }
0xf1: {  	s17 =	rddreg [dreg:$0x8]  }
0xf2: {  	s10 =	rddreg [dreg:$0xd];
	s8 =	sor.u32 $0x1C0A, s16  }
0xf3: {  	[hbm:s17], [sflag:s8] =	dma.local [spmem:s10], $0x2800  }
0xf4: {  	_ =	swait.ge [sflag:s18], $0x2800  }
0xf5: {  	s7 =	sadd.s32 $0x1, s7;
	s24 =	rddreg [dreg:$0x9]  }
0xf6: {  	p0 =	sne.s32 s7, s24  }
.Ltmp1:
0xf7: {  	_ = 	snop;
	(pc) =	sbr.rel @p0 .LBB2_1-.Ltmp1, $3  }
0xf8: {  	_ =	sdelay $0x1  }
0xf9: {  	[sflag:s18] =	ssyncset.done $0x0  }
0xfa: {  	[sflag:s18] =	ssyncadd.s32 $0xFFFFD800  }
0xfb: {  	_ =	sfence.sel $0x180000  }
0xfc: {  	[bflag:$0x0] =	sbarrier.arrive $0xFFFF  }
0xfd: {  	_ =	strace $0x9000004D  }
0xfe: {  	s0 =	stileid.u32;
	[bflag:$0x2] =	sbarrier.arrive $0xFFFF  }
0xff: {  	p0 =	sne.s32 s0, $0x0;
	s0 =	rddreg [dreg:$0x3]  }
0x100: {  	s0 =	sadd.s32 @!p0 $0x100000, s0  }
0x101: {  	[sflag:s0] =	ssyncadd.tile.s32 @!p0 $0x1;
	_ =	shalt  }
.Lfunc_end2:
_tile_overlayer_lowered:
.L_overlay_start_2:
0x102: {  	(tag) =	ssettag $0x2  }
0x103: {  	s0 =	rddreg [dreg:$0x0];
	s2 =	stileid.u32  }
0x104: {  	s1 =	rddreg [dreg:$0x1];
	p0 =	sne.s32 s2, $0x0  }
0x105: {  	s3 =	rddreg [dreg:$0x2];
	[bflag:$0x3] =	sbarrier.arrive $0xFFFF;
	s2 =	simm.s32 @!p0 $0x1C0A  }
0x106: {  	[timem:s3], [sflag:s2] =	dma.local @!p0 [hbm:s0], s1  }
0x107: {  	s0 =	simm.s32 @!p0 $0xA  }
0x108: {  	_ =	swait.ge @!p0 [sflag:s0], s1  }
0x109: {  	s1 =	ssub.s32 @!p0 $0x0, s1;
	[sflag:s0] =	ssyncset.done @!p0 $0x0  }
0x10a: {  	[sflag:s0] =	ssyncadd.s32 @!p0 s1  }
0x10b: {  	[bflag:$0x3] =	sbarrier.arrive $0xFFFF  }
0x10c: {  	_ =	shalt  }

// kernel: kernel.19.cloned.1.call-start
scs
__scs_entry_jumppad:
0x0: {  	(pc) =	sbr.rel $0x88, $3  }
0x1: {  	(tag) =	ssettag $0x0;
	lr =	simm.s32 $0x1  }
0x2: {  	[smem:$0x3F99] =	sst lr;
	_ =	strace $0xD0000000  }
0x3: {  	_ = 	snop  }
0x4: {  	_ = 	snop  }
0x5: {  	_ = 	snop  }
0x6: {  	_ = 	snop  }
0x7: {  	_ = 	snop  }
__scs_overlays_trampoline_lowered:
0x8: {  	[smem:$0x3FA8] =	sst s0  }
0x9: {  	[smem:$0x3FA9] =	sst s1  }
0xa: {  	[smem:$0x3FAA] =	sst s2  }
0xb: {  	[smem:$0x3FAB] =	sst s3  }
0xc: {  	[smem:$0x3FAC] =	sst s4  }
0xd: {  	[smem:$0x3FAD] =	sst s5  }
0xe: {  	[smem:$0x3FAE] =	sst s6  }
0xf: {  	[smem:$0x3FAF] =	sst s7  }
0x10: {  	[smem:$0x3FB0] =	sst s8  }
0x11: {  	[smem:$0x3FB1] =	sst s9;
	s0 =	simm.s32 @!p0 $0x0  }
0x12: {  	s1 =	sld [smem:$0x3F97];
	s0 =	simm.s32 @p0 $0x1  }
0x13: {  	[smem:$0x3FB2] =	sst s0;
	s0 =	simm.s32 @!p1 $0x0  }
0x14: {  	s2 =	sld [smem:$0x3F96];
	s0 =	simm.s32 @p1 $0x1  }
0x15: {  	[smem:$0x3FB3] =	sst s0;
	s0 =	simm.s32 @!p2 $0x0  }
0x16: {  	s3 =	sld [smem:$0x3FDB];
	s0 =	simm.s32 @p2 $0x1  }
0x17: {  	s4 =	simm.s32 $0x1BF5;
	[smem:$0x3FB5] =	sst s0  }
0x18: {  	s0 =	sld [smem:$0x3F98];
	_ =	swait.ge [sflag:s4], $0x0  }
0x19: {  	s7 =	sld [smem:$0x3F99]  }
0x1a: {  	s8 =	sadd.s32 $0xFFFFE003, lr  }
0x1b: {  	s9 =	sadd.s32 $0xFFFFFEF7, lr;
	s5 =	simm.s32 $0xFFFFFFFF;
	p2 =	slt.u32 s8, $0xFFFFF086  }
0x1c: {  	p1 =	slt.u32 s9, $0xF7A;
	s5 =	simm.s32 @!p2 $0x0  }
0x1d: {  	s5 =	simm.s32 @p1 $0x1;
	p0 =	seq.s32 s7, s2  }
0x1e: {  	s7 =	smul.u32 @!p0 $0xF7A, s2;
	p2 =	seq.s32 @!p0 s5, $0x0  }
0x1f: {  	s9 =	smul.u32 $0xF7A, s1;
	s8 =	simm.s32 @!p0 $0x1BF5;
	p2 =	por !p2, p0  }
0x20: {  	[sflag:s8] =	ssyncset.s32 @!p0 $0xFFFFF086;
	s6 =	sadd.s32 @!p0 s3, s7;
	s7 =	simm.s32 @!p0 $0x108  }
0x21: {  	s3 =	sadd.s32 s3, s9;
	s6 =	sadd.s32 @!p0 $0x88, s6;
	s7 =	simm.s32 @p2 $0x1082  }
0x22: {  	[simem:s7], [sflag:s8] =	dma.local @!p0 [hbm:s6], $0xF7A  }
0x23: {  	s9 =	sor.u32 $0xD0000000, s2;
	s6 =	simm.s32 $0x108;
	_ =	swait.ge @!p0 [sflag:s8], $0x0  }
0x24: {  	s3 =	sadd.s32 $0x88, s3;
	s6 =	simm.s32 @!p1 $0x1082;
	[sflag:s4] =	ssyncset.s32 $0xFFFFF086  }
0x25: {  	[simem:s6], [sflag:s4] =	dma.local [hbm:s3], $0xF7A  }
0x26: {  	[smem:$0x3F99] =	sst s1;
	(tag) =	ssettag s2;
	_ =	strace s9  }
0x27: {  	s1 =	sld [smem:$0x3FA9]  }
0x28: {  	s2 =	sld [smem:$0x3FAA]  }
0x29: {  	s4 =	sld [smem:$0x3FAC]  }
0x2a: {  	p0 =	seq.s32 s5, $0x0;
	s5 =	sld [smem:$0x3FAD]  }
0x2b: {  	s6 =	sld [smem:$0x3FAE]  }
0x2c: {  	s7 =	sld [smem:$0x3FAF]  }
0x2d: {  	s3 =	simm.s32 $0x108;
	s8 =	sld [smem:$0x3FB0]  }
0x2e: {  	s3 =	simm.s32 @!p0 $0x1082;
	s9 =	sld [smem:$0x3FB1]  }
0x2f: {  	lr =	sadd.s32 s0, s3;
	s0 =	sld [smem:$0x3FA8]  }
0x30: {  	s3 =	sld [smem:$0x3FAB]  }
0x31: {  	[smem:$0x3FB4] =	sst s10  }
0x32: {  	s10 =	sld [smem:$0x3FB2];
	_ =	sdelay $0x3  }
0x33: {  	p0 =	seq.s32 s10, $0x1;
	s10 =	sld [smem:$0x3FB4];
	_ =	sdelay $0x3  }
0x34: {  	[smem:$0x3FB4] =	sst s10  }
0x35: {  	s10 =	sld [smem:$0x3FB3];
	_ =	sdelay $0x3  }
0x36: {  	p1 =	seq.s32 s10, $0x1;
	s10 =	sld [smem:$0x3FB4];
	_ =	sdelay $0x3  }
0x37: {  	[smem:$0x3FB4] =	sst s10  }
0x38: {  	s10 =	sld [smem:$0x3FB5]  }
0x39: {  	_ = 	snop;
	(pc) =	sbr.ind lr, $3  }
0x3a: {  	_ = 	snop  }
0x3b: {  	_ = 	snop  }
0x3c: {  	p2 =	seq.s32 s10, $0x1;
	s10 =	sld [smem:$0x3FB4]  }
0x3d: {  	_ =	shalt  }
0x3e: {  	_ =	shalt  }
0x3f: {  	_ =	shalt  }
0x40: {  	_ =	shalt  }
0x41: {  	_ =	shalt  }
0x42: {  	_ =	shalt  }
0x43: {  	_ =	shalt  }
0x44: {  	_ =	shalt  }
0x45: {  	_ =	shalt  }
0x46: {  	_ =	shalt  }
0x47: {  	_ =	shalt  }
0x48: {  	_ =	shalt  }
0x49: {  	_ =	shalt  }
0x4a: {  	_ =	shalt  }
0x4b: {  	_ =	shalt  }
0x4c: {  	_ =	shalt  }
0x4d: {  	_ =	shalt  }
0x4e: {  	_ =	shalt  }
0x4f: {  	_ =	shalt  }
0x50: {  	_ =	shalt  }
0x51: {  	_ =	shalt  }
0x52: {  	_ =	shalt  }
0x53: {  	_ =	shalt  }
0x54: {  	_ =	shalt  }
0x55: {  	_ =	shalt  }
0x56: {  	_ =	shalt  }
0x57: {  	_ =	shalt  }
0x58: {  	_ =	shalt  }
0x59: {  	_ =	shalt  }
0x5a: {  	_ =	shalt  }
0x5b: {  	_ =	shalt  }
0x5c: {  	_ =	shalt  }
0x5d: {  	_ =	shalt  }
0x5e: {  	_ =	shalt  }
0x5f: {  	_ =	shalt  }
0x60: {  	_ =	shalt  }
0x61: {  	_ =	shalt  }
0x62: {  	_ =	shalt  }
0x63: {  	_ =	shalt  }
0x64: {  	_ =	shalt  }
0x65: {  	_ =	shalt  }
0x66: {  	_ =	shalt  }
0x67: {  	_ =	shalt  }
0x68: {  	_ =	shalt  }
0x69: {  	_ =	shalt  }
0x6a: {  	_ =	shalt  }
0x6b: {  	_ =	shalt  }
0x6c: {  	_ =	shalt  }
0x6d: {  	_ =	shalt  }
0x6e: {  	_ =	shalt  }
0x6f: {  	_ =	shalt  }
0x70: {  	_ =	shalt  }
0x71: {  	_ =	shalt  }
0x72: {  	_ =	shalt  }
0x73: {  	_ =	shalt  }
0x74: {  	_ =	shalt  }
0x75: {  	_ =	shalt  }
0x76: {  	_ =	shalt  }
0x77: {  	_ =	shalt  }
0x78: {  	_ =	shalt  }
0x79: {  	_ =	shalt  }
0x7a: {  	_ =	shalt  }
0x7b: {  	_ =	shalt  }
0x7c: {  	_ =	shalt  }
0x7d: {  	_ =	shalt  }
0x7e: {  	_ =	shalt  }
0x7f: {  	_ =	shalt  }
0x80: {  	_ =	shalt  }
0x81: {  	_ =	shalt  }
0x82: {  	_ =	shalt  }
0x83: {  	_ =	shalt  }
0x84: {  	_ =	shalt  }
0x85: {  	_ =	shalt  }
0x86: {  	_ =	shalt  }
0x87: {  	_ =	shalt  }
.Lfunc_end0:
.L_simem_size_0:
called_computation.3_lowered:
.L_overlay_start_0:
0x88: {  	s2 =	sld [smem:$0x3FD9]  }
0x89: {  	s3 =	sld [smem:$0x3FFE];
	_ =	sdelay $0x1  }
0x8a: {  	s1 =	srdreg.scid  }
0x8b: {  	s0 =	sand.u32 $0x1, s1  }
0x8c: {  	s17 =	sshll.u32 s0, $0xA;
	s2 =	sadd.s32 s3, s2  }
0x8d: {  	s2 =	sadd.s32 s2, s17  }
0x8e: {  	[smem:$0x3FC0] =	sst s2  }
0x8f: {  	_ = 	snop  }
0x90: {  	s2 =	sld [smem:$0x3FD0];
	(tm) =	ssettm $0x1  }
0x91: {  	s18 =	sld [smem:$0x3FFB];
	_ =	sdelay $0x3  }
0x92: {  	_ =	strace s18  }
0x93: {  	s3 =	sld [smem:$0x3FFC];
	_ =	sdelay $0x3  }
0x94: {  	_ =	strace s3  }
0x95: {  	s3 =	sld [smem:$0x3FFD];
	_ =	sdelay $0x3  }
0x96: {  	_ =	strace s3  }
0x97: {  	_ =	strace $0x8FFFFFFF  }
0x98: {  	s19 =	sld [smem:$0x3FDB];
	_ =	sdelay $0x1  }
0x99: {  	s4 =	simm.s32 $_scs_section_size  }
0x9a: {  	s5 =	simm.s32 $_size__tile_overlayer_lowered;
	s6 =	simm.s32 $_tile_overlayer_lowered  }
0x9b: {  	s22 =	simm.s32 $0x1BFF;
	s21 =	sshll.u32 s6, $0x1;
	s3 =	sadd.s32 s4, s19  }
0x9c: {  	s7 =	simm.s32 $0x0;
	s20 =	sshll.u32 s5, $0x1;
	s5 =	sadd.s32 s21, s3  }
0x9d: {  	[timem:s7], [sflag:s22] =	dma.local [hbm:s5], s20  }
0x9e: {  	_ =	swait.ge [sflag:s22], s20  }
0x9f: {  	s4 =	ssub.s32 $0x0, s20;
	[sflag:s22] =	ssyncset.done $0x0  }
0xa0: {  	[sflag:s22] =	ssyncadd.s32 s4;
	_ =	sdelay $0x1  }
0xa1: {  	s23 =	simm.s32 $0x1B8B  }
0xa2: {  	_ =	swait.ge [sflag:s23], $0x1  }
0xa3: {  	[sflag:s23] =	ssyncset.done $0x0  }
0xa4: {  	s25 =	simm.s32 $0x1B8E;
	s24 =	sld [smem:$0x3FFE];
	[sflag:s23] =	ssyncadd.s32 $0xFFFFFFFF  }
0xa5: {  	s26 =	simm.s32 $execute0_lowered;
	[smem:$0x3FD2] =	sst s25  }
0xa6: {  	s5 =	sshll.u32 s26, $0x1;
	_ =	strace $0x8000004F;
	[dreg:$0x1] =	wrdreg $0xFFFFFFFF  }
0xa7: {  	s28 =	simm.s32 $_size_execute0_lowered;
	s3 =	sadd.s32 s3, s5;
	[dreg:$0x0] =	wrdreg $0x0  }
0xa8: {  	s5 =	sshll.u32 s28, $0x1;
	[dreg:$0x2] =	wrdreg s3  }
0xa9: {  	[dreg:$0x3] =	wrdreg s5  }
0xaa: {  	[dreg:$0x4] =	wrdreg $0xC0  }
0xab: {  	_ =	task [dreg:s7], $0x5FFFF  }
0xac: {  	[dreg:$0x1] =	wrdreg $0xFFFFFFFF  }
0xad: {  	[dreg:$0x0] =	wrdreg $0x60  }
0xae: {  	[dreg:$0x2] =	wrdreg s24  }
0xaf: {  	[dreg:$0x3] =	wrdreg s2  }
0xb0: {  	[dreg:$0x4] =	wrdreg $0x0  }
0xb1: {  	[dreg:$0x5] =	wrdreg $0x9  }
0xb2: {  	_ =	task.clear_ibuf [dreg:s7], $0x6FFFF;
	_ =	strace $0x9000004F  }
0xb3: {  	s29 =	simm.s32 $0x9;
	_ =	strace $0x80000051  }
0xb4: {  	_ =	swait.ge [sflag:s29], $0x1  }
0xb5: {  	[sflag:s29] =	ssyncadd.s32 $0xFFFFFFFF  }
0xb6: {  	_ =	strace $0x90000051  }
0xb7: {  	_ =	sfence  }
0xb8: {  	s30 =	sld [smem:$0x0];
	_ =	sdelay $0x2  }
0xb9: {  	s31 =	sshll.u32 s1, $0xD;
	s1 =	sshrl.u32 s1, $0x2  }
0xba: {  	s3 =	sand.u32 $0x4000, s31;
	s1 =	sadd.s32 s1, s30  }
0xbb: {  	s0 =	sor.u32 s3, s0;
	s1 =	sshll.u32 s1, $0x11  }
0xbc: {  	s0 =	sor.u32 s1, s0  }
0xbd: {  	s0 =	sadd.s32 $0x8F2B, s0  }
0xbe: {  	[sflag:s0] =	ssyncadd.remote.s32 $0x1  }
0xbf: {  	_ =	sfence.sel $0xFFFF  }
0xc0: {  	[dreg:$0x0] =	wrdreg $0xFFFFFFFF;
	(pc) =	sbr.abs _section_cstart, $3  }
0xc1: {  	[dreg:$0x1] =	wrdreg $0xFFFFFFFF  }
0xc2: {  	_ =	task.clear_ibuf [dreg:s7], $0x2FFFF;
	_ =	strace $0x9FFFFFFF  }
0xc3: {  	(tm) =	ssettm $0x7FFFFFFF  }
tec
execute0_lowered:
.L_overlay_start_1:
0x0: {  	(tag) =	ssettag $0x1  }
0x1: {  	s0 =	rddreg [dreg:$0x0]  }
0x2: {  	s2 =	rddreg [dreg:$0x1]  }
0x3: {  	s1 =	rddreg [dreg:$0x2]  }
0x4: {  	s3 =	srdreg.scid;
	s14 =	stileid.u32  }
0x5: {  	s28 =	simm.s32 $0x1;
	s29 =	simm.s32 $0x6;
	s30 =	simm.s32 $0x3  }
0x6: {  	s31 =	simm.s32 $0x2;
	s7 =	sand.u32 $0x1, s3;
	s8 =	smul.u32 $0x14000, s14  }
0x7: {  	s3 =	simm.s32 $0x0;
	s4 =	sadd.s32 $0x5D800, s0;
	s11 =	smul.u32 $0x50000, s14  }
0x8: {  	s5 =	sadd.s32 $0x3800, s0;
	s9 =	sadd.s32 $0x85800, s0;
	s22 =	smul.u32 $0x2800, s14  }
0x9: {  	s25 =	sshll.u32 s14, $0x6;
	s6 =	smul.u32 $0x140000, s7;
	[smem:$0x7FF] =	sst s3  }
0xa: {  	s17 =	sshll.u32 s7, $0x4;
	s10 =	ssub.s32 $0x2, s7;
	p0 =	seq.s32 s7, $0x0  }
0xb: {  	s7 =	simm.s32 $0x0;
	_ =	strace $0x80000050;
	s13 =	sshrl.u32 s10, $0x1  }
0xc: {  	s19 =	sshrl.u32 s11, $0x2;
	s9 =	smov.u32 @p0 s4;
	[dreg:$0xa] =	wrdreg s25  }
0xd: {  	s6 =	sadd.s32 s8, s6;
	s8 =	sor.u32 s14, s17;
	s18 =	ssub.s32 s10, s13  }
0xe: {  	s20 =	sadd.s32 s19, s1;
	s26 =	sadd.s32 s9, s22;
	s19 =	simm.s32 $0x16800  }
0xf: {  	s22 =	simm.s32 $0x80;
	s12 =	sshrl.u32 s6, $0x3;
	s6 =	smul.u32 $0x2800, s8  }
0x10: {  	s24 =	smax.u32 s18, $0x1;
	[dreg:$0xb] =	wrdreg s26;
	s0 =	sadd.s32 s12, s0  }
0x11: {  	[dreg:$0x9] =	wrdreg s24;
	s21 =	sshrl.u32 s6, $0x3;
	s0 =	sadd.s32 $0xAD800, s0  }
0x12: {  	s18 =	simm.s32 $0xA;
	s2 =	sadd.s32 s2, s21;
	[dreg:$0x8] =	wrdreg s0  }
0x13: {  	s26 =	simm.s32 $0x16980;
	s23 =	sadd.s32 s5, s21;
	[dreg:$0x4] =	wrdreg s2  }
0x14: {  	s0 =	sor.u32 $0x1C05, s25;
	s25 =	simm.s32 $0x1AA00;
	[dreg:$0x5] =	wrdreg s23  }
0x15: {  	s21 =	simm.s32 $0x9;
	s10 =	sadd.s32 $0x10, s23;
	[dreg:$0xc] =	wrdreg s0  }
0x16: {  	s2 =	sadd.s32 $0x20, s23;
	s23 =	simm.s32 $0x16A00;
	[dreg:$0x6] =	wrdreg s10  }
0x17: {  	s0 =	simm.s32 $0x7;
	[dreg:$0x7] =	wrdreg s2;
	s10 =	sshrl.u32 s20, $0x3  }
0x18: {  	s20 =	simm.s32 $0x16880;
	s2 =	simm.s32 $0x4;
	[dreg:$0xd] =	wrdreg s10  }
.LBB2_1:
0x19: {  	s8 =	rddreg [dreg:$0xb]  }
0x1a: {  	s9 =	rddreg [dreg:$0xc]  }
0x1b: {  	[spmem:s10], [sflag:s9] =	dma.local [hbm:s8], $0x2800  }
0x1c: {  	s17 =	simm.s32 $0x14000;
	s8 =	rddreg [dreg:$0x4]  }
0x1d: {  	[tilespmem:s17], [sflag:$0xA] =	stream.linear.gather [hbm4b:s8+s3], $0x2800, $0x38;
	[tilespmem:$0x1EA00] =	vst v63  }
0x1e: {  	_ =	swait.ge [sflag:s18], $0x2800  }
0x1f: {  	[sflag:s18] =	ssyncset.done $0x0  }
0x20: {  	s24 =	rddreg [dreg:$0x5];
	[sflag:s18] =	ssyncadd.s32 $0xFFFFD800  }
0x21: {  	[tilespmem:s19], [sflag:$0x6] =	stream.linear.gather [hbm4b:s24+s3], $0x80, $0x38;
	[tilespmem:$0x1EA00] =	vst v63  }
0x22: {  	s10 =	rddreg [dreg:$0x6]  }
0x23: {  	[tilespmem:s20], [sflag:$0x7] =	stream.linear.gather [hbm4b:s10+s3], $0x80, $0x38;
	[tilespmem:$0x1EA00] =	vst v63  }
0x24: {  	s12 =	simm.s32 $0x16900;
	s11 =	rddreg [dreg:$0x7]  }
0x25: {  	[tilespmem:s12], [sflag:$0x8] =	stream.linear.gather [hbm4b:s11+s3], $0x80, $0x38;
	[tilespmem:$0x1EA00] =	vst v63  }
0x26: {  	s13 =	simm.s32 $0x5  }
0x27: {  	[tilespmem:s23], [sflag:$0x1] =	stream.indirect.gather [hbm4b:s4+s22], $0x80, s17, s22, $0xb8;
	[tilespmem:$0x1EA00] =	vst v63  }
0x28: {  	_ =	swait.ge [sflag:s13], $0x2800  }
0x29: {  	s14 =	simm.s32 $0x0;
	[sflag:s13] =	ssyncset.done $0x0  }
0x2a: {  	p0 =	por $0x1, $0x1;
	s15 =	simm.s32 $0x180;
	[sflag:s13] =	ssyncadd.s32 $0xFFFFD800  }
0x2b: {  	s8 =	sand.u32 $0x3C00, s14;
	s10 =	simm.s32 @!p0 $0x4;
	[bflag:$0x0] =	sbarrier.arrive $0xFFFF  }
0x2c: {  	s9 =	sand.u32 $0x380, s15;
	s8 =	sadd.s32 s6, s8;
	_ =	swait.ge @!p0 [sflag:s10], $0x4000  }
0x2d: {  	s8 =	sor.u32 s8, s9;
	[sflag:s10] =	ssyncset.done @!p0 $0x0  }
0x2e: {  	s16 =	simm.s32 $0x14080;
	s8 =	sshrl.u32 s8, $0x3;
	[sflag:s10] =	ssyncadd.s32 @!p0 $0xFFFFC000  }
0x2f: {  	[tilespmem:s25], [sflag:$0x2] =	stream.indirect.gather [hbm4b:s4+s22], $0x80, s16, s22, $0xb8;
	[tilespmem:$0x1EA00] =	vst v63  }
0x30: {  	s8 =	sadd.s32 s5, s8  }
0x31: {  	[tilespmem:s26], [sflag:$0x9] =	stream.linear.gather [hbm4b:s8+s3], $0x80, $0x38;
	[tilespmem:$0x1EA00] =	vst v63  }
0x32: {  	_ =	swait.ge [sflag:s28], $0x4000  }
0x33: {  	[sflag:s28] =	ssyncset.done $0x0  }
0x34: {  	[sflag:s28] =	ssyncadd.s32 $0xFFFFC000  }
0x35: {  	p0 =	por $0x0, $0x0;
	_ =	swait.ge [sflag:s29], $0x80  }
0x36: {  	s8 =	simm.s32 @!p0 $0x200;
	[sflag:s29] =	ssyncset.done $0x0  }
0x37: {  	s9 =	sand.u32 @!p0 $0x7C00, s8;
	[sflag:s29] =	ssyncadd.s32 $0xFFFFFF80  }
0x38: {  	[spmem:s1] =	stream.indirect.scatter.add.f32 [tilespmem:s23], [sflag:$0x3], $0x80, s19, s22, $0xb8;
	[tilespmem:$0x1EA00] =	vst v63  }
0x39: {  	s8 =	sand.u32 @!p0 $0x200, s8;
	s9 =	sadd.s32 @!p0 s6, s9;
	_ =	swait.ge [sflag:s30], $0x4000  }
0x3a: {  	s8 =	sor.u32 @!p0 s8, s9;
	[sflag:s30] =	ssyncset.done $0x0  }
0x3b: {  	s17 =	simm.s32 $0x14100;
	s8 =	sshrl.u32 @!p0 s8, $0x3;
	[sflag:s30] =	ssyncadd.s32 $0xFFFFC000  }
0x3c: {  	[tilespmem:s23], [sflag:$0x1] =	stream.indirect.gather [hbm4b:s4+s22], $0x80, s17, s22, $0xb8;
	[tilespmem:$0x1EA00] =	vst v63  }
0x3d: {  	s11 =	simm.s32 @!p0 $0x0;
	s9 =	simm.s32 @!p0 $0x16800;
	s8 =	sadd.s32 @!p0 s5, s8  }
0x3e: {  	[tilespmem:s9], [sflag:$0x6] =	stream.linear.gather @!p0 [hbm4b:s8+s11], $0x80, $0x38;
	[tilespmem:$0x1EA00] =	vst v63  }
0x3f: {  	_ =	swait.ge [sflag:s31], $0x4000  }
0x40: {  	[sflag:s31] =	ssyncset.done $0x0  }
0x41: {  	[sflag:s31] =	ssyncadd.s32 $0xFFFFC000  }
0x42: {  	_ =	swait.ge [sflag:s0], $0x80  }
0x43: {  	[sflag:s0] =	ssyncset.done $0x0  }
0x44: {  	[sflag:s0] =	ssyncadd.s32 $0xFFFFFF80  }
0x45: {  	[spmem:s1] =	stream.indirect.scatter.add.f32 [tilespmem:s25], [sflag:$0x4], $0x80, s20, s22, $0xb8;
	[tilespmem:$0x1EA00] =	vst v63  }
0x46: {  	_ =	swait.ge [sflag:s2], $0x4000  }
0x47: {  	[sflag:s2] =	ssyncset.done $0x0  }
0x48: {  	s24 =	simm.s32 $0x14180;
	s9 =	simm.s32 @p0 $0x1;
	[sflag:s2] =	ssyncadd.s32 $0xFFFFC000  }
0x49: {  	[tilespmem:s25], [sflag:$0x2] =	stream.indirect.gather [hbm4b:s4+s22], $0x80, s24, s22, $0xb8;
	[tilespmem:$0x1EA00] =	vst v63  }
0x4a: {  	_ =	swait.ge @p0 [sflag:s9], $0x4000  }
0x4b: {  	s12 =	simm.s32 @p0 $0x8;
	s8 =	simm.s32 @!p0 $0x280;
	[sflag:s9] =	ssyncset.done @p0 $0x0  }
0x4c: {  	s10 =	sand.u32 @!p0 $0x280, s8;
	s8 =	sand.u32 @!p0 $0x7C00, s8;
	[sflag:s9] =	ssyncadd.s32 @p0 $0xFFFFC000  }
0x4d: {  	s13 =	simm.s32 @p0 $0x16900;
	s8 =	sadd.s32 @!p0 s6, s8;
	_ =	swait.ge @p0 [sflag:s12], $0x80  }
0x4e: {  	s14 =	simm.s32 @p0 $0x16A00;
	s8 =	sor.u32 @!p0 s10, s8;
	[sflag:s12] =	ssyncset.done @p0 $0x0  }
0x4f: {  	s10 =	simm.s32 @p0 $0x3;
	s9 =	simm.s32 @p0 $0x80;
	[sflag:s12] =	ssyncadd.s32 @p0 $0xFFFFFF80  }
0x50: {  	[spmem:s1] =	stream.indirect.scatter.add.f32 @p0 [tilespmem:s14], [sflag:$0x3], $0x80, s13, s9, $0xb8;
	[tilespmem:$0x1EA00] =	vst v63  }
0x51: {  	s8 =	sshrl.u32 @!p0 s8, $0x3;
	_ =	swait.ge @p0 [sflag:s10], $0x4000  }
0x52: {  	s8 =	sadd.s32 @!p0 s5, s8;
	[sflag:s10] =	ssyncset.done @p0 $0x0  }
0x53: {  	s9 =	simm.s32 @!p0 $0x16880;
	[sflag:s10] =	ssyncadd.s32 @p0 $0xFFFFC000;
	s10 =	simm.s32 @!p0 $0x1  }
0x54: {  	[tilespmem:s9], [sflag:$0x7] =	stream.linear.gather @!p0 [hbm4b:s8+s11], $0x80, $0x38;
	[tilespmem:$0x1EA00] =	vst v63  }
0x55: {  	_ =	swait.ge @!p0 [sflag:s10], $0x4000  }
0x56: {  	s15 =	simm.s32 @!p0 $0x16900;
	s12 =	simm.s32 @!p0 $0x8;
	[sflag:s10] =	ssyncset.done @!p0 $0x0  }
0x57: {  	s14 =	simm.s32 @!p0 $0x16A00;
	s8 =	simm.s32 $0x300;
	[sflag:s10] =	ssyncadd.s32 @!p0 $0xFFFFC000  }
0x58: {  	s9 =	sand.u32 @!p0 $0x300, s8;
	s8 =	sand.u32 @!p0 $0x7C00, s8;
	_ =	swait.ge @!p0 [sflag:s12], $0x80  }
0x59: {  	s13 =	simm.s32 @!p0 $0x80;
	s8 =	sadd.s32 @!p0 s6, s8;
	[sflag:s12] =	ssyncset.done @!p0 $0x0  }
0x5a: {  	s8 =	sor.u32 @!p0 s9, s8;
	s9 =	simm.s32 @!p0 $0x3;
	[sflag:s12] =	ssyncadd.s32 @!p0 $0xFFFFFF80  }
0x5b: {  	[spmem:s1] =	stream.indirect.scatter.add.f32 @!p0 [tilespmem:s14], [sflag:$0x3], $0x80, s15, s13, $0xb8;
	[tilespmem:$0x1EA00] =	vst v63  }
0x5c: {  	s17 =	simm.s32 $0x700;
	s8 =	sshrl.u32 @!p0 s8, $0x3;
	_ =	swait.ge @!p0 [sflag:s9], $0x4000  }
0x5d: {  	s10 =	simm.s32 $0x500;
	s12 =	sadd.s32 @!p0 s5, s8;
	[sflag:s9] =	ssyncset.done @!p0 $0x0  }
0x5e: {  	s8 =	simm.s32 @!p0 $0x14200;
	[sflag:s9] =	ssyncadd.s32 @!p0 $0xFFFFC000;
	s9 =	simm.s32 $0x14300  }
.LBB2_2:
0x5f: {  	[tilespmem:s14], [sflag:$0x1] =	stream.indirect.gather @!p0 [hbm4b:s4+s13], $0x80, s8, s13, $0xb8;
	[tilespmem:$0x1EA00] =	vst v63  }
0x60: {  	s14 =	smov.u32 s17  }
0x61: {  	s17 =	sadd.s32 $0x200, s17;
	s8 =	sadd.s32 $0xFFFFFD00, s10;
	s13 =	sadd.s32 $0xFFFFFE80, s10  }
0x62: {  	[tilespmem:s15], [sflag:$0x8] =	stream.linear.gather @!p0 [hbm4b:s12+s11], $0x80, $0x38;
	[tilespmem:$0x1EA00] =	vst v63  }
0x63: {  	s8 =	sand.u32 $0x3C00, s8;
	s11 =	sand.u32 $0x380, s13;
	_ =	swait.ge [sflag:s31], $0x4000  }
0x64: {  	p1 =	sne.s32 s17, $0x2B00;
	s8 =	sadd.s32 s6, s8;
	[sflag:s31] =	ssyncset.done $0x0  }
0x65: {  	s8 =	sor.u32 s8, s11;
	[sflag:s31] =	ssyncadd.s32 $0xFFFFC000  }
0x66: {  	s8 =	sshrl.u32 s8, $0x3;
	_ =	swait.ge [sflag:s21], $0x80  }
0x67: {  	p0 =	seq.s32 s10, $0x300;
	[sflag:s21] =	ssyncset.done $0x0  }
0x68: {  	s11 =	simm.s32 @!p0 $0x4;
	[sflag:s21] =	ssyncadd.s32 $0xFFFFFF80  }
0x69: {  	[spmem:s1] =	stream.indirect.scatter.add.f32 [tilespmem:s25], [sflag:$0x4], $0x80, s26, s22, $0xb8;
	[tilespmem:$0x1EA00] =	vst v63  }
0x6a: {  	_ =	swait.ge @!p0 [sflag:s11], $0x4000  }
0x6b: {  	[sflag:s11] =	ssyncset.done @!p0 $0x0  }
0x6c: {  	[sflag:s11] =	ssyncadd.s32 @!p0 $0xFFFFC000;
	s11 =	sadd.s32 $0xFFFFFF80, s9  }
0x6d: {  	[tilespmem:s25], [sflag:$0x2] =	stream.indirect.gather [hbm4b:s4+s22], $0x80, s11, s22, $0xb8;
	[tilespmem:$0x1EA00] =	vst v63  }
0x6e: {  	s8 =	sadd.s32 s5, s8  }
0x6f: {  	[tilespmem:s26], [sflag:$0x9] =	stream.linear.gather [hbm4b:s8+s3], $0x80, $0x38;
	[tilespmem:$0x1EA00] =	vst v63  }
0x70: {  	_ =	swait.ge [sflag:s28], $0x4000  }
0x71: {  	p0 =	seq.s32 s10, $0x2900;
	[sflag:s28] =	ssyncset.done $0x0  }
0x72: {  	s11 =	sadd.s32 @!p0 $0xFFFFFF80, s10;
	s8 =	sadd.s32 @!p0 $0xFFFFFF00, s10;
	[sflag:s28] =	ssyncadd.s32 $0xFFFFC000  }
0x73: {  	s13 =	sand.u32 @!p0 $0x280, s11;
	s12 =	sand.u32 @!p0 $0x7C00, s8;
	_ =	swait.ge [sflag:s29], $0x80  }
0x74: {  	s15 =	sand.u32 @!p0 $0x300, s10;
	s12 =	sadd.s32 @!p0 s6, s12;
	[sflag:s29] =	ssyncset.done $0x0  }
0x75: {  	s11 =	sand.u32 @!p0 $0x7C00, s11;
	s10 =	sand.u32 @!p0 $0x7C00, s10;
	s8 =	sand.u32 @!p0 $0x200, s8  }
0x76: {  	s8 =	sor.u32 @!p0 s8, s12;
	s12 =	sadd.s32 @!p0 s6, s11;
	[sflag:s29] =	ssyncadd.s32 $0xFFFFFF80  }
0x77: {  	[spmem:s1] =	stream.indirect.scatter.add.f32 [tilespmem:s23], [sflag:$0x3], $0x80, s19, s22, $0xb8;
	[tilespmem:$0x1EA00] =	vst v63  }
0x78: {  	s10 =	sadd.s32 @!p0 s6, s10;
	s8 =	sshrl.u32 @!p0 s8, $0x3;
	_ =	swait.ge [sflag:s30], $0x4000  }
0x79: {  	s11 =	simm.s32 @!p0 $0x0;
	s8 =	sadd.s32 @!p0 s5, s8;
	[sflag:s30] =	ssyncset.done $0x0  }
0x7a: {  	s12 =	sor.u32 @!p0 s13, s12;
	s13 =	sor.u32 @!p0 s15, s10;
	[sflag:s30] =	ssyncadd.s32 $0xFFFFC000  }
0x7b: {  	[tilespmem:s23], [sflag:$0x1] =	stream.indirect.gather [hbm4b:s4+s22], $0x80, s9, s22, $0xb8;
	[tilespmem:$0x1EA00] =	vst v63  }
0x7c: {  	s15 =	simm.s32 @!p0 $0x16800;
	s10 =	smov.u32 s14  }
0x7d: {  	[tilespmem:s15], [sflag:$0x6] =	stream.linear.gather @!p0 [hbm4b:s8+s11], $0x80, $0x38;
	[tilespmem:$0x1EA00] =	vst v63  }
0x7e: {  	s8 =	sshrl.u32 @!p0 s12, $0x3;
	s12 =	sshrl.u32 @!p0 s13, $0x3;
	_ =	swait.ge [sflag:s31], $0x4000  }
0x7f: {  	s8 =	sadd.s32 @!p0 s5, s8;
	s12 =	sadd.s32 @!p0 s5, s12;
	[sflag:s31] =	ssyncset.done $0x0  }
0x80: {  	[sflag:s31] =	ssyncadd.s32 $0xFFFFC000  }
0x81: {  	_ =	swait.ge [sflag:s0], $0x80  }
0x82: {  	[sflag:s0] =	ssyncset.done $0x0  }
0x83: {  	[sflag:s0] =	ssyncadd.s32 $0xFFFFFF80  }
0x84: {  	[spmem:s1] =	stream.indirect.scatter.add.f32 [tilespmem:s25], [sflag:$0x4], $0x80, s20, s22, $0xb8;
	[tilespmem:$0x1EA00] =	vst v63  }
0x85: {  	_ =	swait.ge [sflag:s2], $0x4000  }
0x86: {  	[sflag:s2] =	ssyncset.done $0x0  }
0x87: {  	s14 =	simm.s32 @p0 $0x1;
	s13 =	sadd.s32 $0x80, s9;
	[sflag:s2] =	ssyncadd.s32 $0xFFFFC000  }
0x88: {  	[tilespmem:s25], [sflag:$0x2] =	stream.indirect.gather [hbm4b:s4+s22], $0x80, s13, s22, $0xb8;
	[tilespmem:$0x1EA00] =	vst v63  }
0x89: {  	s13 =	simm.s32 @p0 $0x8;
	_ =	swait.ge @p0 [sflag:s14], $0x4000  }
0x8a: {  	s24 =	simm.s32 @p0 $0x3;
	s15 =	simm.s32 @p0 $0x80;
	[sflag:s14] =	ssyncset.done @p0 $0x0  }
0x8b: {  	s16 =	simm.s32 @p0 $0x16A00;
	[sflag:s14] =	ssyncadd.s32 @p0 $0xFFFFC000;
	s14 =	simm.s32 @p0 $0x16900  }
0x8c: {  	_ =	swait.ge @p0 [sflag:s13], $0x80  }
0x8d: {  	[sflag:s13] =	ssyncset.done @p0 $0x0  }
0x8e: {  	[sflag:s13] =	ssyncadd.s32 @p0 $0xFFFFFF80  }
0x8f: {  	[spmem:s1] =	stream.indirect.scatter.add.f32 @p0 [tilespmem:s16], [sflag:$0x3], $0x80, s14, s15, $0xb8;
	[tilespmem:$0x1EA00] =	vst v63  }
0x90: {  	_ =	swait.ge @p0 [sflag:s24], $0x4000  }
0x91: {  	[sflag:s24] =	ssyncset.done @p0 $0x0  }
0x92: {  	s13 =	simm.s32 @!p0 $0x16880;
	s15 =	simm.s32 @!p0 $0x1;
	[sflag:s24] =	ssyncadd.s32 @p0 $0xFFFFC000  }
0x93: {  	[tilespmem:s13], [sflag:$0x7] =	stream.linear.gather @!p0 [hbm4b:s8+s11], $0x80, $0x38;
	[tilespmem:$0x1EA00] =	vst v63  }
0x94: {  	s8 =	simm.s32 @!p0 $0x8;
	_ =	swait.ge @!p0 [sflag:s15], $0x4000  }
0x95: {  	s14 =	simm.s32 @!p0 $0x16A00;
	s16 =	simm.s32 @!p0 $0x3;
	[sflag:s15] =	ssyncset.done @!p0 $0x0  }
0x96: {  	s13 =	simm.s32 @!p0 $0x80;
	[sflag:s15] =	ssyncadd.s32 @!p0 $0xFFFFC000;
	s15 =	simm.s32 @!p0 $0x16900  }
0x97: {  	_ =	swait.ge @!p0 [sflag:s8], $0x80  }
0x98: {  	[sflag:s8] =	ssyncset.done @!p0 $0x0  }
.Ltmp0:
0x99: {  	[sflag:s8] =	ssyncadd.s32 @!p0 $0xFFFFFF80;
	(pc) =	sbr.rel @p1 .LBB2_2-.Ltmp0, $4  }
0x9a: {  	[spmem:s1] =	stream.indirect.scatter.add.f32 @!p0 [tilespmem:s14], [sflag:$0x3], $0x80, s15, s13, $0xb8;
	[tilespmem:$0x1EA00] =	vst v63  }
0x9b: {  	s8 =	sadd.s32 @!p0 $0x100, s9;
	_ =	swait.ge @!p0 [sflag:s16], $0x4000  }
0x9c: {  	[sflag:s16] =	ssyncset.done @!p0 $0x0  }
0x9d: {  	s9 =	sadd.s32 $0x200, s9;
	[sflag:s16] =	ssyncadd.s32 @!p0 $0xFFFFC000  }
0x9e: {  	[tilespmem:s14], [sflag:$0x1] =	stream.indirect.gather @!p0 [hbm4b:s4+s13], $0x80, s8, s13, $0xb8;
	[tilespmem:$0x1EA00] =	vst v63  }
0x9f: {  	_ = 	snop  }
0xa0: {  	[tilespmem:s15], [sflag:$0x8] =	stream.linear.gather @!p0 [hbm4b:s12+s11], $0x80, $0x38;
	[tilespmem:$0x1EA00] =	vst v63  }
0xa1: {  	_ =	swait.ge [sflag:s31], $0x4000  }
0xa2: {  	[sflag:s31] =	ssyncset.done $0x0  }
0xa3: {  	[sflag:s31] =	ssyncadd.s32 $0xFFFFC000  }
0xa4: {  	s13 =	sadd.s32 $0xFFFFFE80, s10;
	_ =	swait.ge [sflag:s21], $0x80  }
0xa5: {  	s12 =	sadd.s32 $0xFFFFFD00, s10;
	p0 =	seq.s32 s10, $0x300;
	[sflag:s21] =	ssyncset.done $0x0  }
0xa6: {  	s8 =	sand.u32 $0x3C00, s12;
	s12 =	simm.s32 @!p0 $0x4;
	[sflag:s21] =	ssyncadd.s32 $0xFFFFFF80  }
0xa7: {  	[spmem:s1] =	stream.indirect.scatter.add.f32 [tilespmem:s25], [sflag:$0x4], $0x80, s26, s22, $0xb8;
	[tilespmem:$0x1EA00] =	vst v63  }
0xa8: {  	s11 =	sand.u32 $0x380, s13;
	s8 =	sadd.s32 s6, s8;
	_ =	swait.ge @!p0 [sflag:s12], $0x4000  }
0xa9: {  	s8 =	sor.u32 s8, s11;
	[sflag:s12] =	ssyncset.done @!p0 $0x0  }
0xaa: {  	s14 =	sadd.s32 $0xFFFFFF80, s9;
	s8 =	sshrl.u32 s8, $0x3;
	[sflag:s12] =	ssyncadd.s32 @!p0 $0xFFFFC000  }
0xab: {  	[tilespmem:s25], [sflag:$0x2] =	stream.indirect.gather [hbm4b:s4+s22], $0x80, s14, s22, $0xb8;
	[tilespmem:$0x1EA00] =	vst v63  }
0xac: {  	s8 =	sadd.s32 s5, s8  }
0xad: {  	[tilespmem:s26], [sflag:$0x9] =	stream.linear.gather [hbm4b:s8+s3], $0x80, $0x38;
	[tilespmem:$0x1EA00] =	vst v63  }
0xae: {  	_ =	swait.ge [sflag:s28], $0x4000  }
0xaf: {  	[sflag:s28] =	ssyncset.done $0x0  }
0xb0: {  	[sflag:s28] =	ssyncadd.s32 $0xFFFFC000  }
0xb1: {  	p0 =	seq.s32 s10, $0x2900;
	_ =	swait.ge [sflag:s29], $0x80  }
0xb2: {  	s8 =	sadd.s32 @!p0 $0xFFFFFF00, s10;
	[sflag:s29] =	ssyncset.done $0x0  }
0xb3: {  	s11 =	sand.u32 @!p0 $0x7C00, s8;
	[sflag:s29] =	ssyncadd.s32 $0xFFFFFF80  }
0xb4: {  	[spmem:s1] =	stream.indirect.scatter.add.f32 [tilespmem:s23], [sflag:$0x3], $0x80, s19, s22, $0xb8;
	[tilespmem:$0x1EA00] =	vst v63  }
0xb5: {  	s8 =	sand.u32 @!p0 $0x200, s8;
	s11 =	sadd.s32 @!p0 s6, s11;
	_ =	swait.ge [sflag:s30], $0x4000  }
0xb6: {  	s8 =	sor.u32 @!p0 s8, s11;
	[sflag:s30] =	ssyncset.done $0x0  }
0xb7: {  	s8 =	sshrl.u32 @!p0 s8, $0x3;
	[sflag:s30] =	ssyncadd.s32 $0xFFFFC000  }
0xb8: {  	[tilespmem:s23], [sflag:$0x1] =	stream.indirect.gather [hbm4b:s4+s22], $0x80, s9, s22, $0xb8;
	[tilespmem:$0x1EA00] =	vst v63  }
0xb9: {  	s12 =	simm.s32 @!p0 $0x16800;
	s11 =	simm.s32 @!p0 $0x0;
	s8 =	sadd.s32 @!p0 s5, s8  }
0xba: {  	[tilespmem:s12], [sflag:$0x6] =	stream.linear.gather @!p0 [hbm4b:s8+s11], $0x80, $0x38;
	[tilespmem:$0x1EA00] =	vst v63  }
0xbb: {  	_ =	swait.ge [sflag:s31], $0x4000  }
0xbc: {  	[sflag:s31] =	ssyncset.done $0x0  }
0xbd: {  	[sflag:s31] =	ssyncadd.s32 $0xFFFFC000  }
0xbe: {  	_ =	swait.ge [sflag:s0], $0x80  }
0xbf: {  	[sflag:s0] =	ssyncset.done $0x0  }
0xc0: {  	[sflag:s0] =	ssyncadd.s32 $0xFFFFFF80  }
0xc1: {  	[spmem:s1] =	stream.indirect.scatter.add.f32 [tilespmem:s25], [sflag:$0x4], $0x80, s20, s22, $0xb8;
	[tilespmem:$0x1EA00] =	vst v63  }
0xc2: {  	_ =	swait.ge [sflag:s2], $0x4000  }
0xc3: {  	[sflag:s2] =	ssyncset.done $0x0  }
0xc4: {  	s15 =	sadd.s32 $0x80, s9;
	s12 =	simm.s32 @p0 $0x1;
	[sflag:s2] =	ssyncadd.s32 $0xFFFFC000  }
0xc5: {  	[tilespmem:s25], [sflag:$0x2] =	stream.indirect.gather [hbm4b:s4+s22], $0x80, s15, s22, $0xb8;
	[tilespmem:$0x1EA00] =	vst v63  }
0xc6: {  	_ =	swait.ge @p0 [sflag:s12], $0x4000  }
0xc7: {  	[sflag:s12] =	ssyncset.done @p0 $0x0  }
0xc8: {  	s8 =	simm.s32 @p0 $0x8;
	[sflag:s12] =	ssyncadd.s32 @p0 $0xFFFFC000  }
0xc9: {  	_ =	swait.ge @p0 [sflag:s8], $0x80  }
0xca: {  	s13 =	simm.s32 @p0 $0x80;
	s14 =	simm.s32 @p0 $0x16900;
	[sflag:s8] =	ssyncset.done @p0 $0x0  }
0xcb: {  	s12 =	sadd.s32 @!p0 $0xFFFFFF80, s10;
	[sflag:s8] =	ssyncadd.s32 @p0 $0xFFFFFF80;
	s8 =	simm.s32 @p0 $0x16A00  }
0xcc: {  	[spmem:s1] =	stream.indirect.scatter.add.f32 @p0 [tilespmem:s8], [sflag:$0x3], $0x80, s14, s13, $0xb8;
	[tilespmem:$0x1EA00] =	vst v63  }
0xcd: {  	s8 =	sand.u32 @!p0 $0x7C00, s12  }
0xce: {  	s12 =	sand.u32 @!p0 $0x280, s12;
	s8 =	sadd.s32 @!p0 s6, s8  }
0xcf: {  	s8 =	sor.u32 @!p0 s12, s8;
	s12 =	simm.s32 @p0 $0x3  }
0xd0: {  	_ =	swait.ge @p0 [sflag:s12], $0x4000  }
0xd1: {  	s13 =	simm.s32 @!p0 $0x1;
	s8 =	sshrl.u32 @!p0 s8, $0x3;
	[sflag:s12] =	ssyncset.done @p0 $0x0  }
0xd2: {  	s8 =	sadd.s32 @!p0 s5, s8;
	[sflag:s12] =	ssyncadd.s32 @p0 $0xFFFFC000;
	s12 =	simm.s32 @!p0 $0x16880  }
0xd3: {  	[tilespmem:s12], [sflag:$0x7] =	stream.linear.gather @!p0 [hbm4b:s8+s11], $0x80, $0x38;
	[tilespmem:$0x1EA00] =	vst v63  }
0xd4: {  	_ =	swait.ge @!p0 [sflag:s13], $0x4000  }
0xd5: {  	[sflag:s13] =	ssyncset.done @!p0 $0x0  }
0xd6: {  	s8 =	simm.s32 @!p0 $0x8;
	[sflag:s13] =	ssyncadd.s32 @!p0 $0xFFFFC000  }
0xd7: {  	_ =	swait.ge @!p0 [sflag:s8], $0x80  }
0xd8: {  	s14 =	simm.s32 @!p0 $0x80;
	s12 =	simm.s32 @!p0 $0x16A00;
	[sflag:s8] =	ssyncset.done @!p0 $0x0  }
0xd9: {  	s13 =	simm.s32 @!p0 $0x3;
	[sflag:s8] =	ssyncadd.s32 @!p0 $0xFFFFFF80;
	s8 =	simm.s32 @!p0 $0x16900  }
0xda: {  	[spmem:s1] =	stream.indirect.scatter.add.f32 @!p0 [tilespmem:s12], [sflag:$0x3], $0x80, s8, s14, $0xb8;
	[tilespmem:$0x1EA00] =	vst v63  }
0xdb: {  	_ =	swait.ge @!p0 [sflag:s13], $0x4000  }
0xdc: {  	[sflag:s13] =	ssyncset.done @!p0 $0x0  }
0xdd: {  	s9 =	sadd.s32 @!p0 $0x100, s9;
	[sflag:s13] =	ssyncadd.s32 @!p0 $0xFFFFC000  }
0xde: {  	[tilespmem:s12], [sflag:$0x1] =	stream.indirect.gather @!p0 [hbm4b:s4+s14], $0x80, s9, s14, $0xb8;
	[tilespmem:$0x1EA00] =	vst v63  }
0xdf: {  	s9 =	sand.u32 @!p0 $0x7C00, s10  }
0xe0: {  	s10 =	sand.u32 @!p0 $0x300, s10;
	s9 =	sadd.s32 @!p0 s6, s9  }
0xe1: {  	s9 =	sor.u32 @!p0 s10, s9  }
0xe2: {  	s9 =	sshrl.u32 @!p0 s9, $0x3  }
0xe3: {  	s9 =	sadd.s32 @!p0 s5, s9  }
0xe4: {  	[tilespmem:s8], [sflag:$0x8] =	stream.linear.gather @!p0 [hbm4b:s9+s11], $0x80, $0x38;
	[tilespmem:$0x1EA00] =	vst v63  }
0xe5: {  	_ =	swait.ge [sflag:s31], $0x4000  }
0xe6: {  	[sflag:s31] =	ssyncset.done $0x0  }
0xe7: {  	[sflag:s31] =	ssyncadd.s32 $0xFFFFC000  }
0xe8: {  	_ =	swait.ge [sflag:s21], $0x80  }
0xe9: {  	[sflag:s21] =	ssyncset.done $0x0  }
0xea: {  	[sflag:s21] =	ssyncadd.s32 $0xFFFFFF80  }
0xeb: {  	[spmem:s1] =	stream.indirect.scatter.add.f32 [tilespmem:s25], [sflag:$0x4], $0x80, s26, s22, $0xb8;
	[tilespmem:$0x1EA00] =	vst v63  }
0xec: {  	_ =	swait.ge [sflag:s2], $0x4000  }
0xed: {  	[sflag:s2] =	ssyncset.done $0x0  }
0xee: {  	[sflag:s2] =	ssyncadd.s32 $0xFFFFC000  }
0xef: {  	[bflag:$0x0] =	sbarrier.arrive $0xFFFF  }
0xf0: {  	s16 =	rddreg [dreg:$0xa]  }
0xf1: {  	s17 =	rddreg [dreg:$0x8]  }
0xf2: {  	s10 =	rddreg [dreg:$0xd];
	s8 =	sor.u32 $0x1C0A, s16  }
0xf3: {  	[hbm:s17], [sflag:s8] =	dma.local [spmem:s10], $0x2800  }
0xf4: {  	_ =	swait.ge [sflag:s18], $0x2800  }
0xf5: {  	s7 =	sadd.s32 $0x1, s7;
	s24 =	rddreg [dreg:$0x9]  }
0xf6: {  	p0 =	sne.s32 s7, s24  }
.Ltmp1:
0xf7: {  	_ = 	snop;
	(pc) =	sbr.rel @p0 .LBB2_1-.Ltmp1, $3  }
0xf8: {  	_ =	sdelay $0x1  }
0xf9: {  	[sflag:s18] =	ssyncset.done $0x0  }
0xfa: {  	[sflag:s18] =	ssyncadd.s32 $0xFFFFD800  }
0xfb: {  	_ =	sfence.sel $0x180000  }
0xfc: {  	[bflag:$0x0] =	sbarrier.arrive $0xFFFF  }
0xfd: {  	_ =	strace $0x90000050  }
0xfe: {  	s0 =	stileid.u32;
	[bflag:$0x2] =	sbarrier.arrive $0xFFFF  }
0xff: {  	p0 =	sne.s32 s0, $0x0;
	s0 =	rddreg [dreg:$0x3]  }
0x100: {  	s0 =	sadd.s32 @!p0 $0x100000, s0  }
0x101: {  	[sflag:s0] =	ssyncadd.tile.s32 @!p0 $0x1;
	_ =	shalt  }
.Lfunc_end2:
_tile_overlayer_lowered:
.L_overlay_start_2:
0x102: {  	(tag) =	ssettag $0x2  }
0x103: {  	s0 =	rddreg [dreg:$0x0];
	s2 =	stileid.u32  }
0x104: {  	s1 =	rddreg [dreg:$0x1];
	p0 =	sne.s32 s2, $0x0  }
0x105: {  	s3 =	rddreg [dreg:$0x2];
	[bflag:$0x3] =	sbarrier.arrive $0xFFFF;
	s2 =	simm.s32 @!p0 $0x1C0A  }
0x106: {  	[timem:s3], [sflag:s2] =	dma.local @!p0 [hbm:s0], s1  }
0x107: {  	s0 =	simm.s32 @!p0 $0xA  }
0x108: {  	_ =	swait.ge @!p0 [sflag:s0], s1  }
0x109: {  	s1 =	ssub.s32 @!p0 $0x0, s1;
	[sflag:s0] =	ssyncset.done @!p0 $0x0  }
0x10a: {  	[sflag:s0] =	ssyncadd.s32 @!p0 s1  }
0x10b: {  	[bflag:$0x3] =	sbarrier.arrive $0xFFFF  }
0x10c: {  	_ =	shalt  }

</sc_bundles>
